<compile_context>
chip_gen: v7x
topology: tpu7x:2x2x1
jax: 0.10.2.dev20260603
libtpu: 0.0.44.dev20260713+nightly
codegen_flags: <defaults>
</compile_context>

<pallas_src>
import functools

import jax
import jax.numpy as jnp
from jax import lax
from jax.experimental import pallas as pl
from jax.experimental.pallas import tpu as pltpu
from jax.experimental.pallas import tpu_sc as plsc

NC = 2
NS = 16
NW = NC * NS
L = 16
CHUNK = 128

_PARAMS = pltpu.CompilerParams(needs_layout_passes=False,
                               use_tc_tiling_on_sc=True)
_MESH = dict(core_axis_name="c", subcore_axis_name="s")


@functools.lru_cache(maxsize=None)
def _make_movie(batch, dm, gd, du):
    bpw = batch // NW
    ngroups = bpw // L
    nchunks = bpw // CHUNK
    nw = du + dm + gd

    @functools.partial(
        pl.kernel,
        mesh=plsc.VectorSubcoreMesh(**_MESH),
        compiler_params=_PARAMS,
        out_type=jax.ShapeDtypeStruct((batch,), jnp.float32),
        scratch_types=[
            pltpu.VMEM((bpw,), jnp.int32),
            pltpu.VMEM((CHUNK, 32), jnp.float32),
            pltpu.VMEM((bpw * dm,), jnp.float32),
            pltpu.VMEM((bpw * gd,), jnp.float32),
            pltpu.VMEM(((nw + 1) * L,), jnp.float32),
            pltpu.VMEM((bpw,), jnp.float32),
            pltpu.SemaphoreType.DMA,
            pltpu.SemaphoreType.DMA,
        ],
    )
    def movie_k(mid_hbm, gflat_hbm, wq_hbm, mtab_hbm, out_hbm,
                midx_v, mstage_v, flat_v, g_v, wq_v, out_v, msem, gsem):
        wid = lax.axis_index("s") * NC + lax.axis_index("c")
        base = wid * bpw
        pltpu.sync_copy(mid_hbm.at[pl.ds(base, bpw)], midx_v)
        gcp = pltpu.async_copy(gflat_hbm.at[pl.ds(base * gd, bpw * gd)],
                               g_v, gsem)
        pltpu.sync_copy(wq_hbm, wq_v)

        for c in range(nchunks):
            def mfire(g, carry):
                o = c * CHUNK + g * L
                mvec = midx_v[pl.ds(o, L)]
                for t in range(L):
                    pltpu.async_copy(
                        mtab_hbm.at[pl.ds(mvec[t], 1)],
                        mstage_v.at[pl.ds(g * L + t, 1)], msem)
                return carry

            lax.fori_loop(0, CHUNK // L, mfire, 0)
            pltpu.make_async_copy(mtab_hbm.at[pl.ds(0, CHUNK)], mstage_v,
                                  msem).wait()

            def mcompact(i, carry):
                fo = (c * CHUNK + i) * dm
                for h in range(dm // L):
                    flat_v[pl.ds(fo + h * L, L)] = \
                        mstage_v[i, pl.ds(h * L, L)]
                return carry

            lax.fori_loop(0, CHUNK, mcompact, 0)

        gcp.wait()
        lane = lax.iota(jnp.int32, L)
        bias = wq_v[pl.ds(nw * L, L)]

        def group1(g, carry):
            row = lane + g * L
            acc = bias
            mb = row * dm
            for j in range(dm):
                v = plsc.load_gather(flat_v, [mb + j])
                acc = acc + v * wq_v[pl.ds((du + j) * L, L)]
            gb = row * gd
            for j in range(gd):
                v = plsc.load_gather(g_v, [gb + j])
                acc = acc + v * wq_v[pl.ds((du + dm + j) * L, L)]
            out_v[pl.ds(g * L, L)] = acc
            return carry

        lax.fori_loop(0, ngroups, group1, 0)
        pltpu.sync_copy(out_v, out_hbm.at[pl.ds(base, bpw)])

    return movie_k


@functools.lru_cache(maxsize=None)
def _make_user(batch, du):
    bpw = batch // NW
    ngroups = bpw // L

    @functools.partial(
        pl.kernel,
        mesh=plsc.VectorSubcoreMesh(**_MESH),
        compiler_params=_PARAMS,
        out_type=jax.ShapeDtypeStruct((batch,), jnp.float32),
        scratch_types=[
            pltpu.VMEM((bpw,), jnp.int32),
            pltpu.VMEM((bpw, du), jnp.float32),
            pltpu.VMEM((bpw * du,), jnp.float32),
            pltpu.VMEM((du * L,), jnp.float32),
            pltpu.VMEM((bpw,), jnp.float32),
            pltpu.SemaphoreType.DMA,
            pltpu.SemaphoreType.DMA,
        ],
    )
    def user_k(uid_hbm, wqu_hbm, part_hbm, utab_hbm, out_hbm,
               uidx_v, ustage_v, flat_v, wq_v, out_v, usem, psem):
        wid = lax.axis_index("s") * NC + lax.axis_index("c")
        base = wid * bpw
        pltpu.sync_copy(uid_hbm.at[pl.ds(base, bpw)], uidx_v)

        def fire(g, carry):
            o = g * L
            uvec = uidx_v[pl.ds(o, L)]
            for t in range(L):
                pltpu.async_copy(
                    utab_hbm.at[pl.ds(uvec[t], 1)],
                    ustage_v.at[pl.ds(o + t, 1)], usem)
            return carry

        lax.fori_loop(0, ngroups, fire, 0)
        pcp = pltpu.async_copy(part_hbm.at[pl.ds(base, bpw)], out_v, psem)
        pltpu.sync_copy(wqu_hbm, wq_v)
        pltpu.make_async_copy(utab_hbm.at[pl.ds(0, bpw)], ustage_v,
                              usem).wait()

        def ucompact(i, carry):
            fo = i * du
            for h in range(du // L):
                flat_v[pl.ds(fo + h * L, L)] = ustage_v[i, pl.ds(h * L, L)]
            return carry

        lax.fori_loop(0, bpw, ucompact, 0)
        pcp.wait()
        lane = lax.iota(jnp.int32, L)

        def group2(g, carry):
            row = lane + g * L
            acc = out_v[pl.ds(g * L, L)]
            ub = row * du
            for j in range(du):
                v = plsc.load_gather(flat_v, [ub + j])
                acc = acc + v * wq_v[pl.ds(j * L, L)]
            out_v[pl.ds(g * L, L)] = acc
            return carry

        lax.fori_loop(0, ngroups, group2, 0)
        pltpu.sync_copy(out_v, out_hbm.at[pl.ds(base, bpw)])

    return user_k


def kernel(user_id, movie_id, genre_features, user_table, movie_table,
           genre_W, genre_b, fc_W, fc_b):
    batch = user_id.shape[0]
    du = user_table.shape[1]
    dm = movie_table.shape[1]
    gd = genre_features.shape[1]

    uid = user_id.astype(jnp.int32)
    mid = movie_id.astype(jnp.int32)
    gflat = genre_features.reshape(-1)

    w = fc_W[0]
    wg = w[du + dm:]
    wg_eff = genre_W.T @ wg
    bias = fc_b[0] + genre_b @ wg
    wq = jnp.concatenate([
        jnp.repeat(w[:du + dm], L),
        jnp.repeat(wg_eff, L),
        jnp.full((L,), bias, jnp.float32),
    ])
    wqu = jnp.repeat(w[:du], L)

    part = _make_movie(batch, dm, gd, du)(mid, gflat, wq, movie_table)
    out = _make_user(batch, du)(uid, wqu, part, user_table)
    return out.reshape(batch, 1)

# --- scband reference (transcript-rebuilt; emitter-appended) ---
"""Pipeline reference for scband-rating-predictor-21663815041305 (READ-ONLY COPY).

The authoritative reference and input builder live on the scoring server;
editing this copy changes nothing except your own understanding.
"""

import jax, jax.numpy as jnp
import numpy as np

NUM_USERS = 1000000
NUM_MOVIES = 100000
EMBED_DIM = 32
GENRE_DIM = 16
BATCH = 16384


def setup_inputs(seed: int = 0) -> dict:
    key = jax.random.key(seed)
    k1, k2, k3, k4, k5, k6, k7, k8, k9 = jax.random.split(key, 9)
    user_id = jax.random.randint(k1, (BATCH,), 0, NUM_USERS, dtype=jnp.int64) if jax.config.jax_enable_x64 else jax.random.randint(k1, (BATCH,), 0, NUM_USERS, dtype=jnp.int32)
    movie_id = jax.random.randint(k2, (BATCH,), 0, NUM_MOVIES, dtype=jnp.int32)
    genre_features = jax.random.normal(k3, (BATCH, GENRE_DIM), dtype=jnp.float32)
    user_table = jax.random.normal(k4, (NUM_USERS, EMBED_DIM), dtype=jnp.float32) * 0.05
    movie_table = jax.random.normal(k5, (NUM_MOVIES, EMBED_DIM), dtype=jnp.float32) * 0.05
    genre_W = jax.random.normal(k6, (EMBED_DIM, GENRE_DIM), dtype=jnp.float32) * (1.0 / np.sqrt(GENRE_DIM))
    genre_b = jax.random.normal(k7, (EMBED_DIM,), dtype=jnp.float32) * 0.01
    fc_W = jax.random.normal(k8, (1, EMBED_DIM * 3), dtype=jnp.float32) * (1.0 / np.sqrt(EMBED_DIM * 3))
    fc_b = jax.random.normal(k9, (1,), dtype=jnp.float32) * 0.01
    return {
        'user_id': user_id,
        'movie_id': movie_id,
        'genre_features': genre_features,
        'user_table': user_table,
        'movie_table': movie_table,
        'genre_W': genre_W,
        'genre_b': genre_b,
        'fc_W': fc_W,
        'fc_b': fc_b,
    }


def reference(user_id, movie_id, genre_features, user_table, movie_table, genre_W, genre_b, fc_W, fc_b):
    user_emb = jnp.take(user_table, user_id, axis=0)
    movie_emb = jnp.take(movie_table, movie_id, axis=0)
    genre_emb = genre_features @ genre_W.T + genre_b
    x = jnp.concatenate([user_emb, movie_emb, genre_emb], axis=1)
    return x @ fc_W.T + fc_b

if __name__ == "__main__":
    import jax
    _d = setup_inputs()
    print(jax.jit(kernel)(*tuple(_d.values())))

</pallas_src>

<mosaic_0001>
#map = affine_map<(d0, d1) -> (0)>
#map1 = affine_map<(d0, d1) -> (0, 0)>
module attributes {stable_mosaic.version = 14 : i64} {
  func.func @user_k(%arg0: i32, %arg1: i32, %arg2: memref<16384xi32, #tpu.memory_space<hbm>>, %arg3: memref<512xf32, #tpu.memory_space<hbm>>, %arg4: memref<16384xf32, #tpu.memory_space<hbm>>, %arg5: memref<1000000x32xf32, #tpu.memory_space<hbm>>, %arg6: memref<16384xf32, #tpu.memory_space<hbm>>, %arg7: memref<512xi32, #tpu.memory_space<vmem>>, %arg8: memref<512x32xf32, #tpu.memory_space<vmem>>, %arg9: memref<16384xf32, #tpu.memory_space<vmem>>, %arg10: memref<512xf32, #tpu.memory_space<vmem>>, %arg11: memref<512xf32, #tpu.memory_space<vmem>>, %arg12: memref<!tpu.dma_semaphore, #tpu.memory_space<semaphore_mem>>, %arg13: memref<!tpu.dma_semaphore, #tpu.memory_space<semaphore_mem>>) attributes {dimension_semantics = [#tpu.dimension_semantics<core_parallel>, #tpu.dimension_semantics<subcore_parallel>], iteration_bounds = array<i64: 2, 16>, scalar_prefetch = 0 : i64, scratch_operands = 7 : i64, tpu.core_type = #tpu.core_type<sc_vector_subcore>, window_params = [{transform_indices = #map}, {transform_indices = #map}, {transform_indices = #map}, {transform_indices = #map1}, {transform_indices = #map}]} {
    %mul3A = arith.constant 2 : i32
    %mul3A_0 = arith.muli %arg1, %mul3A : i32
    %add3A = arith.addi %mul3A_0, %arg0 : i32
    %mul3A_1 = arith.constant 512 : i32
    %mul3A_2 = arith.muli %add3A, %mul3A_1 : i32
    "tpu.region"() ({
      %run_scoped3A = tpu.sem_alloc : memref<!tpu.dma_semaphore, #tpu.memory_space<semaphore_mem>>
      %dma_start3A_28 = tpu.memref_slice %arg2[%mul3A_2] : memref<16384xi32, #tpu.memory_space<hbm>> -> memref<512xi32, #tpu.memory_space<hbm>>
      %dma_start3A_29 = tpu.memref_slice %arg2[%mul3A_2] : memref<16384xi32, #tpu.memory_space<hbm>> -> memref<512xi32, #tpu.memory_space<hbm>>
      tpu.enqueue_dma source(%dma_start3A_29 : memref<512xi32, #tpu.memory_space<hbm>>) target(%arg7 : memref<512xi32, #tpu.memory_space<vmem>>) target_semaphore(%run_scoped3A : memref<!tpu.dma_semaphore, #tpu.memory_space<semaphore_mem>>)
      %dma_wait3A_30 = tpu.memref_slice %arg2[%mul3A_2] : memref<16384xi32, #tpu.memory_space<hbm>> -> memref<512xi32, #tpu.memory_space<hbm>>
      %dma_wait3A_31 = tpu.memref_slice %arg2[%mul3A_2] : memref<16384xi32, #tpu.memory_space<hbm>> -> memref<512xi32, #tpu.memory_space<hbm>>
      tpu.wait_dma2 semaphore(%run_scoped3A : memref<!tpu.dma_semaphore, #tpu.memory_space<semaphore_mem>>) src(%dma_wait3A_31 : memref<512xi32, #tpu.memory_space<hbm>>) dst(%arg7 : memref<512xi32, #tpu.memory_space<vmem>>)
      tpu.yield
    }) : () -> ()
    %scan3A = arith.constant 0 : i32
    %scan3A_3 = arith.constant 0 : i32
    %scan3A_4 = arith.constant 32 : i32
    %scan3A_5 = arith.addi %scan3A_3, %scan3A_4 : i32
    %scan3A_6 = arith.constant 1 : i32
    scf.for %scan3A_28 = %scan3A_3 to %scan3A_5 step %scan3A_6  : i32 {
      %mul3A_29 = arith.constant 16 : i32
      %mul3A_30 = arith.muli %scan3A_28, %mul3A_29 : i32
      %get3A = arith.index_cast %mul3A_30 : i32 to index
      %get3A_31 = tpu.vector_load %arg7[%get3A] {strides = array<i32>} : memref<512xi32, #tpu.memory_space<vmem>>, vector<16xi32>,
      %slice3A = vector.extract_strided_slice %get3A_31 {offsets = [0], sizes = [1], strides = [1]} : vector<16xi32> to vector<1xi32>
      %squeeze3A = vector.extract %slice3A[0] : i32 from vector<1xi32>
      %add3A_32 = arith.constant 0 : i32
      %add3A_33 = arith.addi %mul3A_30, %add3A_32 : i32
      %dma_start3A_34 = arith.constant 0 : i32
      %dma_start3A_35 = tpu.memref_slice %arg8[%add3A_33, %dma_start3A_34] : memref<512x32xf32, #tpu.memory_space<vmem>> -> memref<1x32xf32, #tpu.memory_space<vmem>>
      %dma_start3A_36 = arith.constant 0 : i32
      %dma_start3A_37 = tpu.memref_slice %arg5[%squeeze3A, %dma_start3A_36] : memref<1000000x32xf32, #tpu.memory_space<hbm>> -> memref<1x32xf32, #tpu.memory_space<hbm>>
      %dma_start3A_38 = arith.constant 0 : i32
      %dma_start3A_39 = tpu.memref_slice %arg8[%add3A_33, %dma_start3A_38] : memref<512x32xf32, #tpu.memory_space<vmem>> -> memref<1x32xf32, #tpu.memory_space<vmem>>
      %dma_start3A_40 = arith.constant 0 : i32
      %dma_start3A_41 = tpu.memref_slice %arg5[%squeeze3A, %dma_start3A_40] : memref<1000000x32xf32, #tpu.memory_space<hbm>> -> memref<1x32xf32, #tpu.memory_space<hbm>>
      tpu.enqueue_dma source(%dma_start3A_41 : memref<1x32xf32, #tpu.memory_space<hbm>>) target(%dma_start3A_39 : memref<1x32xf32, #tpu.memory_space<vmem>>) target_semaphore(%arg12 : memref<!tpu.dma_semaphore, #tpu.memory_space<semaphore_mem>>)
      %slice3A_42 = vector.extract_strided_slice %get3A_31 {offsets = [1], sizes = [1], strides = [1]} : vector<16xi32> to vector<1xi32>
      %squeeze3A_43 = vector.extract %slice3A_42[0] : i32 from vector<1xi32>
      %add3A_44 = arith.constant 1 : i32
      %add3A_45 = arith.addi %mul3A_30, %add3A_44 : i32
      %dma_start3A_46 = arith.constant 0 : i32
      %dma_start3A_47 = tpu.memref_slice %arg8[%add3A_45, %dma_start3A_46] : memref<512x32xf32, #tpu.memory_space<vmem>> -> memref<1x32xf32, #tpu.memory_space<vmem>>
      %dma_start3A_48 = arith.constant 0 : i32
      %dma_start3A_49 = tpu.memref_slice %arg5[%squeeze3A_43, %dma_start3A_48] : memref<1000000x32xf32, #tpu.memory_space<hbm>> -> memref<1x32xf32, #tpu.memory_space<hbm>>
      %dma_start3A_50 = arith.constant 0 : i32
      %dma_start3A_51 = tpu.memref_slice %arg8[%add3A_45, %dma_start3A_50] : memref<512x32xf32, #tpu.memory_space<vmem>> -> memref<1x32xf32, #tpu.memory_space<vmem>>
      %dma_start3A_52 = arith.constant 0 : i32
      %dma_start3A_53 = tpu.memref_slice %arg5[%squeeze3A_43, %dma_start3A_52] : memref<1000000x32xf32, #tpu.memory_space<hbm>> -> memref<1x32xf32, #tpu.memory_space<hbm>>
      tpu.enqueue_dma source(%dma_start3A_53 : memref<1x32xf32, #tpu.memory_space<hbm>>) target(%dma_start3A_51 : memref<1x32xf32, #tpu.memory_space<vmem>>) target_semaphore(%arg12 : memref<!tpu.dma_semaphore, #tpu.memory_space<semaphore_mem>>)
      %slice3A_54 = vector.extract_strided_slice %get3A_31 {offsets = [2], sizes = [1], strides = [1]} : vector<16xi32> to vector<1xi32>
      %squeeze3A_55 = vector.extract %slice3A_54[0] : i32 from vector<1xi32>
      %add3A_56 = arith.constant 2 : i32
      %add3A_57 = arith.addi %mul3A_30, %add3A_56 : i32
      %dma_start3A_58 = arith.constant 0 : i32
      %dma_start3A_59 = tpu.memref_slice %arg8[%add3A_57, %dma_start3A_58] : memref<512x32xf32, #tpu.memory_space<vmem>> -> memref<1x32xf32, #tpu.memory_space<vmem>>
      %dma_start3A_60 = arith.constant 0 : i32
      %dma_start3A_61 = tpu.memref_slice %arg5[%squeeze3A_55, %dma_start3A_60] : memref<1000000x32xf32, #tpu.memory_space<hbm>> -> memref<1x32xf32, #tpu.memory_space<hbm>>
      %dma_start3A_62 = arith.constant 0 : i32
      %dma_start3A_63 = tpu.memref_slice %arg8[%add3A_57, %dma_start3A_62] : memref<512x32xf32, #tpu.memory_space<vmem>> -> memref<1x32xf32, #tpu.memory_space<vmem>>
      %dma_start3A_64 = arith.constant 0 : i32
      %dma_start3A_65 = tpu.memref_slice %arg5[%squeeze3A_55, %dma_start3A_64] : memref<1000000x32xf32, #tpu.memory_space<hbm>> -> memref<1x32xf32, #tpu.memory_space<hbm>>
      tpu.enqueue_dma source(%dma_start3A_65 : memref<1x32xf32, #tpu.memory_space<hbm>>) target(%dma_start3A_63 : memref<1x32xf32, #tpu.memory_space<vmem>>) target_semaphore(%arg12 : memref<!tpu.dma_semaphore, #tpu.memory_space<semaphore_mem>>)
      %slice3A_66 = vector.extract_strided_slice %get3A_31 {offsets = [3], sizes = [1], strides = [1]} : vector<16xi32> to vector<1xi32>
      %squeeze3A_67 = vector.extract %slice3A_66[0] : i32 from vector<1xi32>
      %add3A_68 = arith.constant 3 : i32
      %add3A_69 = arith.addi %mul3A_30, %add3A_68 : i32
      %dma_start3A_70 = arith.constant 0 : i32
      %dma_start3A_71 = tpu.memref_slice %arg8[%add3A_69, %dma_start3A_70] : memref<512x32xf32, #tpu.memory_space<vmem>> -> memref<1x32xf32, #tpu.memory_space<vmem>>
      %dma_start3A_72 = arith.constant 0 : i32
      %dma_start3A_73 = tpu.memref_slice %arg5[%squeeze3A_67, %dma_start3A_72] : memref<1000000x32xf32, #tpu.memory_space<hbm>> -> memref<1x32xf32, #tpu.memory_space<hbm>>
      %dma_start3A_74 = arith.constant 0 : i32
      %dma_start3A_75 = tpu.memref_slice %arg8[%add3A_69, %dma_start3A_74] : memref<512x32xf32, #tpu.memory_space<vmem>> -> memref<1x32xf32, #tpu.memory_space<vmem>>
      %dma_start3A_76 = arith.constant 0 : i32
      %dma_start3A_77 = tpu.memref_slice %arg5[%squeeze3A_67, %dma_start3A_76] : memref<1000000x32xf32, #tpu.memory_space<hbm>> -> memref<1x32xf32, #tpu.memory_space<hbm>>
      tpu.enqueue_dma source(%dma_start3A_77 : memref<1x32xf32, #tpu.memory_space<hbm>>) target(%dma_start3A_75 : memref<1x32xf32, #tpu.memory_space<vmem>>) target_semaphore(%arg12 : memref<!tpu.dma_semaphore, #tpu.memory_space<semaphore_mem>>)
      %slice3A_78 = vector.extract_strided_slice %get3A_31 {offsets = [4], sizes = [1], strides = [1]} : vector<16xi32> to vector<1xi32>
      %squeeze3A_79 = vector.extract %slice3A_78[0] : i32 from vector<1xi32>
      %add3A_80 = arith.constant 4 : i32
      %add3A_81 = arith.addi %mul3A_30, %add3A_80 : i32
      %dma_start3A_82 = arith.constant 0 : i32
      %dma_start3A_83 = tpu.memref_slice %arg8[%add3A_81, %dma_start3A_82] : memref<512x32xf32, #tpu.memory_space<vmem>> -> memref<1x32xf32, #tpu.memory_space<vmem>>
      %dma_start3A_84 = arith.constant 0 : i32
      %dma_start3A_85 = tpu.memref_slice %arg5[%squeeze3A_79, %dma_start3A_84] : memref<1000000x32xf32, #tpu.memory_space<hbm>> -> memref<1x32xf32, #tpu.memory_space<hbm>>
      %dma_start3A_86 = arith.constant 0 : i32
      %dma_start3A_87 = tpu.memref_slice %arg8[%add3A_81, %dma_start3A_86] : memref<512x32xf32, #tpu.memory_space<vmem>> -> memref<1x32xf32, #tpu.memory_space<vmem>>
      %dma_start3A_88 = arith.constant 0 : i32
      %dma_start3A_89 = tpu.memref_slice %arg5[%squeeze3A_79, %dma_start3A_88] : memref<1000000x32xf32, #tpu.memory_space<hbm>> -> memref<1x32xf32, #tpu.memory_space<hbm>>
      tpu.enqueue_dma source(%dma_start3A_89 : memref<1x32xf32, #tpu.memory_space<hbm>>) target(%dma_start3A_87 : memref<1x32xf32, #tpu.memory_space<vmem>>) target_semaphore(%arg12 : memref<!tpu.dma_semaphore, #tpu.memory_space<semaphore_mem>>)
      %slice3A_90 = vector.extract_strided_slice %get3A_31 {offsets = [5], sizes = [1], strides = [1]} : vector<16xi32> to vector<1xi32>
      %squeeze3A_91 = vector.extract %slice3A_90[0] : i32 from vector<1xi32>
      %add3A_92 = arith.constant 5 : i32
      %add3A_93 = arith.addi %mul3A_30, %add3A_92 : i32
      %dma_start3A_94 = arith.constant 0 : i32
      %dma_start3A_95 = tpu.memref_slice %arg8[%add3A_93, %dma_start3A_94] : memref<512x32xf32, #tpu.memory_space<vmem>> -> memref<1x32xf32, #tpu.memory_space<vmem>>
      %dma_start3A_96 = arith.constant 0 : i32
      %dma_start3A_97 = tpu.memref_slice %arg5[%squeeze3A_91, %dma_start3A_96] : memref<1000000x32xf32, #tpu.memory_space<hbm>> -> memref<1x32xf32, #tpu.memory_space<hbm>>
      %dma_start3A_98 = arith.constant 0 : i32
      %dma_start3A_99 = tpu.memref_slice %arg8[%add3A_93, %dma_start3A_98] : memref<512x32xf32, #tpu.memory_space<vmem>> -> memref<1x32xf32, #tpu.memory_space<vmem>>
      %dma_start3A_100 = arith.constant 0 : i32
      %dma_start3A_101 = tpu.memref_slice %arg5[%squeeze3A_91, %dma_start3A_100] : memref<1000000x32xf32, #tpu.memory_space<hbm>> -> memref<1x32xf32, #tpu.memory_space<hbm>>
      tpu.enqueue_dma source(%dma_start3A_101 : memref<1x32xf32, #tpu.memory_space<hbm>>) target(%dma_start3A_99 : memref<1x32xf32, #tpu.memory_space<vmem>>) target_semaphore(%arg12 : memref<!tpu.dma_semaphore, #tpu.memory_space<semaphore_mem>>)
      %slice3A_102 = vector.extract_strided_slice %get3A_31 {offsets = [6], sizes = [1], strides = [1]} : vector<16xi32> to vector<1xi32>
      %squeeze3A_103 = vector.extract %slice3A_102[0] : i32 from vector<1xi32>
      %add3A_104 = arith.constant 6 : i32
      %add3A_105 = arith.addi %mul3A_30, %add3A_104 : i32
      %dma_start3A_106 = arith.constant 0 : i32
      %dma_start3A_107 = tpu.memref_slice %arg8[%add3A_105, %dma_start3A_106] : memref<512x32xf32, #tpu.memory_space<vmem>> -> memref<1x32xf32, #tpu.memory_space<vmem>>
      %dma_start3A_108 = arith.constant 0 : i32
      %dma_start3A_109 = tpu.memref_slice %arg5[%squeeze3A_103, %dma_start3A_108] : memref<1000000x32xf32, #tpu.memory_space<hbm>> -> memref<1x32xf32, #tpu.memory_space<hbm>>
      %dma_start3A_110 = arith.constant 0 : i32
      %dma_start3A_111 = tpu.memref_slice %arg8[%add3A_105, %dma_start3A_110] : memref<512x32xf32, #tpu.memory_space<vmem>> -> memref<1x32xf32, #tpu.memory_space<vmem>>
      %dma_start3A_112 = arith.constant 0 : i32
      %dma_start3A_113 = tpu.memref_slice %arg5[%squeeze3A_103, %dma_start3A_112] : memref<1000000x32xf32, #tpu.memory_space<hbm>> -> memref<1x32xf32, #tpu.memory_space<hbm>>
      tpu.enqueue_dma source(%dma_start3A_113 : memref<1x32xf32, #tpu.memory_space<hbm>>) target(%dma_start3A_111 : memref<1x32xf32, #tpu.memory_space<vmem>>) target_semaphore(%arg12 : memref<!tpu.dma_semaphore, #tpu.memory_space<semaphore_mem>>)
      %slice3A_114 = vector.extract_strided_slice %get3A_31 {offsets = [7], sizes = [1], strides = [1]} : vector<16xi32> to vector<1xi32>
      %squeeze3A_115 = vector.extract %slice3A_114[0] : i32 from vector<1xi32>
      %add3A_116 = arith.constant 7 : i32
      %add3A_117 = arith.addi %mul3A_30, %add3A_116 : i32
      %dma_start3A_118 = arith.constant 0 : i32
      %dma_start3A_119 = tpu.memref_slice %arg8[%add3A_117, %dma_start3A_118] : memref<512x32xf32, #tpu.memory_space<vmem>> -> memref<1x32xf32, #tpu.memory_space<vmem>>
      %dma_start3A_120 = arith.constant 0 : i32
      %dma_start3A_121 = tpu.memref_slice %arg5[%squeeze3A_115, %dma_start3A_120] : memref<1000000x32xf32, #tpu.memory_space<hbm>> -> memref<1x32xf32, #tpu.memory_space<hbm>>
      %dma_start3A_122 = arith.constant 0 : i32
      %dma_start3A_123 = tpu.memref_slice %arg8[%add3A_117, %dma_start3A_122] : memref<512x32xf32, #tpu.memory_space<vmem>> -> memref<1x32xf32, #tpu.memory_space<vmem>>
      %dma_start3A_124 = arith.constant 0 : i32
      %dma_start3A_125 = tpu.memref_slice %arg5[%squeeze3A_115, %dma_start3A_124] : memref<1000000x32xf32, #tpu.memory_space<hbm>> -> memref<1x32xf32, #tpu.memory_space<hbm>>
      tpu.enqueue_dma source(%dma_start3A_125 : memref<1x32xf32, #tpu.memory_space<hbm>>) target(%dma_start3A_123 : memref<1x32xf32, #tpu.memory_space<vmem>>) target_semaphore(%arg12 : memref<!tpu.dma_semaphore, #tpu.memory_space<semaphore_mem>>)
      %slice3A_126 = vector.extract_strided_slice %get3A_31 {offsets = [8], sizes = [1], strides = [1]} : vector<16xi32> to vector<1xi32>
      %squeeze3A_127 = vector.extract %slice3A_126[0] : i32 from vector<1xi32>
      %add3A_128 = arith.constant 8 : i32
      %add3A_129 = arith.addi %mul3A_30, %add3A_128 : i32
      %dma_start3A_130 = arith.constant 0 : i32
      %dma_start3A_131 = tpu.memref_slice %arg8[%add3A_129, %dma_start3A_130] : memref<512x32xf32, #tpu.memory_space<vmem>> -> memref<1x32xf32, #tpu.memory_space<vmem>>
      %dma_start3A_132 = arith.constant 0 : i32
      %dma_start3A_133 = tpu.memref_slice %arg5[%squeeze3A_127, %dma_start3A_132] : memref<1000000x32xf32, #tpu.memory_space<hbm>> -> memref<1x32xf32, #tpu.memory_space<hbm>>
      %dma_start3A_134 = arith.constant 0 : i32
      %dma_start3A_135 = tpu.memref_slice %arg8[%add3A_129, %dma_start3A_134] : memref<512x32xf32, #tpu.memory_space<vmem>> -> memref<1x32xf32, #tpu.memory_space<vmem>>
      %dma_start3A_136 = arith.constant 0 : i32
      %dma_start3A_137 = tpu.memref_slice %arg5[%squeeze3A_127, %dma_start3A_136] : memref<1000000x32xf32, #tpu.memory_space<hbm>> -> memref<1x32xf32, #tpu.memory_space<hbm>>
      tpu.enqueue_dma source(%dma_start3A_137 : memref<1x32xf32, #tpu.memory_space<hbm>>) target(%dma_start3A_135 : memref<1x32xf32, #tpu.memory_space<vmem>>) target_semaphore(%arg12 : memref<!tpu.dma_semaphore, #tpu.memory_space<semaphore_mem>>)
      %slice3A_138 = vector.extract_strided_slice %get3A_31 {offsets = [9], sizes = [1], strides = [1]} : vector<16xi32> to vector<1xi32>
      %squeeze3A_139 = vector.extract %slice3A_138[0] : i32 from vector<1xi32>
      %add3A_140 = arith.constant 9 : i32
      %add3A_141 = arith.addi %mul3A_30, %add3A_140 : i32
      %dma_start3A_142 = arith.constant 0 : i32
      %dma_start3A_143 = tpu.memref_slice %arg8[%add3A_141, %dma_start3A_142] : memref<512x32xf32, #tpu.memory_space<vmem>> -> memref<1x32xf32, #tpu.memory_space<vmem>>
      %dma_start3A_144 = arith.constant 0 : i32
      %dma_start3A_145 = tpu.memref_slice %arg5[%squeeze3A_139, %dma_start3A_144] : memref<1000000x32xf32, #tpu.memory_space<hbm>> -> memref<1x32xf32, #tpu.memory_space<hbm>>
      %dma_start3A_146 = arith.constant 0 : i32
      %dma_start3A_147 = tpu.memref_slice %arg8[%add3A_141, %dma_start3A_146] : memref<512x32xf32, #tpu.memory_space<vmem>> -> memref<1x32xf32, #tpu.memory_space<vmem>>
      %dma_start3A_148 = arith.constant 0 : i32
      %dma_start3A_149 = tpu.memref_slice %arg5[%squeeze3A_139, %dma_start3A_148] : memref<1000000x32xf32, #tpu.memory_space<hbm>> -> memref<1x32xf32, #tpu.memory_space<hbm>>
      tpu.enqueue_dma source(%dma_start3A_149 : memref<1x32xf32, #tpu.memory_space<hbm>>) target(%dma_start3A_147 : memref<1x32xf32, #tpu.memory_space<vmem>>) target_semaphore(%arg12 : memref<!tpu.dma_semaphore, #tpu.memory_space<semaphore_mem>>)
      %slice3A_150 = vector.extract_strided_slice %get3A_31 {offsets = [10], sizes = [1], strides = [1]} : vector<16xi32> to vector<1xi32>
      %squeeze3A_151 = vector.extract %slice3A_150[0] : i32 from vector<1xi32>
      %add3A_152 = arith.constant 10 : i32
      %add3A_153 = arith.addi %mul3A_30, %add3A_152 : i32
      %dma_start3A_154 = arith.constant 0 : i32
      %dma_start3A_155 = tpu.memref_slice %arg8[%add3A_153, %dma_start3A_154] : memref<512x32xf32, #tpu.memory_space<vmem>> -> memref<1x32xf32, #tpu.memory_space<vmem>>
      %dma_start3A_156 = arith.constant 0 : i32
      %dma_start3A_157 = tpu.memref_slice %arg5[%squeeze3A_151, %dma_start3A_156] : memref<1000000x32xf32, #tpu.memory_space<hbm>> -> memref<1x32xf32, #tpu.memory_space<hbm>>
      %dma_start3A_158 = arith.constant 0 : i32
      %dma_start3A_159 = tpu.memref_slice %arg8[%add3A_153, %dma_start3A_158] : memref<512x32xf32, #tpu.memory_space<vmem>> -> memref<1x32xf32, #tpu.memory_space<vmem>>
      %dma_start3A_160 = arith.constant 0 : i32
      %dma_start3A_161 = tpu.memref_slice %arg5[%squeeze3A_151, %dma_start3A_160] : memref<1000000x32xf32, #tpu.memory_space<hbm>> -> memref<1x32xf32, #tpu.memory_space<hbm>>
      tpu.enqueue_dma source(%dma_start3A_161 : memref<1x32xf32, #tpu.memory_space<hbm>>) target(%dma_start3A_159 : memref<1x32xf32, #tpu.memory_space<vmem>>) target_semaphore(%arg12 : memref<!tpu.dma_semaphore, #tpu.memory_space<semaphore_mem>>)
      %slice3A_162 = vector.extract_strided_slice %get3A_31 {offsets = [11], sizes = [1], strides = [1]} : vector<16xi32> to vector<1xi32>
      %squeeze3A_163 = vector.extract %slice3A_162[0] : i32 from vector<1xi32>
      %add3A_164 = arith.constant 11 : i32
      %add3A_165 = arith.addi %mul3A_30, %add3A_164 : i32
      %dma_start3A_166 = arith.constant 0 : i32
      %dma_start3A_167 = tpu.memref_slice %arg8[%add3A_165, %dma_start3A_166] : memref<512x32xf32, #tpu.memory_space<vmem>> -> memref<1x32xf32, #tpu.memory_space<vmem>>
      %dma_start3A_168 = arith.constant 0 : i32
      %dma_start3A_169 = tpu.memref_slice %arg5[%squeeze3A_163, %dma_start3A_168] : memref<1000000x32xf32, #tpu.memory_space<hbm>> -> memref<1x32xf32, #tpu.memory_space<hbm>>
      %dma_start3A_170 = arith.constant 0 : i32
      %dma_start3A_171 = tpu.memref_slice %arg8[%add3A_165, %dma_start3A_170] : memref<512x32xf32, #tpu.memory_space<vmem>> -> memref<1x32xf32, #tpu.memory_space<vmem>>
      %dma_start3A_172 = arith.constant 0 : i32
      %dma_start3A_173 = tpu.memref_slice %arg5[%squeeze3A_163, %dma_start3A_172] : memref<1000000x32xf32, #tpu.memory_space<hbm>> -> memref<1x32xf32, #tpu.memory_space<hbm>>
      tpu.enqueue_dma source(%dma_start3A_173 : memref<1x32xf32, #tpu.memory_space<hbm>>) target(%dma_start3A_171 : memref<1x32xf32, #tpu.memory_space<vmem>>) target_semaphore(%arg12 : memref<!tpu.dma_semaphore, #tpu.memory_space<semaphore_mem>>)
      %slice3A_174 = vector.extract_strided_slice %get3A_31 {offsets = [12], sizes = [1], strides = [1]} : vector<16xi32> to vector<1xi32>
      %squeeze3A_175 = vector.extract %slice3A_174[0] : i32 from vector<1xi32>
      %add3A_176 = arith.constant 12 : i32
      %add3A_177 = arith.addi %mul3A_30, %add3A_176 : i32
      %dma_start3A_178 = arith.constant 0 : i32
      %dma_start3A_179 = tpu.memref_slice %arg8[%add3A_177, %dma_start3A_178] : memref<512x32xf32, #tpu.memory_space<vmem>> -> memref<1x32xf32, #tpu.memory_space<vmem>>
      %dma_start3A_180 = arith.constant 0 : i32
      %dma_start3A_181 = tpu.memref_slice %arg5[%squeeze3A_175, %dma_start3A_180] : memref<1000000x32xf32, #tpu.memory_space<hbm>> -> memref<1x32xf32, #tpu.memory_space<hbm>>
      %dma_start3A_182 = arith.constant 0 : i32
      %dma_start3A_183 = tpu.memref_slice %arg8[%add3A_177, %dma_start3A_182] : memref<512x32xf32, #tpu.memory_space<vmem>> -> memref<1x32xf32, #tpu.memory_space<vmem>>
      %dma_start3A_184 = arith.constant 0 : i32
      %dma_start3A_185 = tpu.memref_slice %arg5[%squeeze3A_175, %dma_start3A_184] : memref<1000000x32xf32, #tpu.memory_space<hbm>> -> memref<1x32xf32, #tpu.memory_space<hbm>>
      tpu.enqueue_dma source(%dma_start3A_185 : memref<1x32xf32, #tpu.memory_space<hbm>>) target(%dma_start3A_183 : memref<1x32xf32, #tpu.memory_space<vmem>>) target_semaphore(%arg12 : memref<!tpu.dma_semaphore, #tpu.memory_space<semaphore_mem>>)
      %slice3A_186 = vector.extract_strided_slice %get3A_31 {offsets = [13], sizes = [1], strides = [1]} : vector<16xi32> to vector<1xi32>
      %squeeze3A_187 = vector.extract %slice3A_186[0] : i32 from vector<1xi32>
      %add3A_188 = arith.constant 13 : i32
      %add3A_189 = arith.addi %mul3A_30, %add3A_188 : i32
      %dma_start3A_190 = arith.constant 0 : i32
      %dma_start3A_191 = tpu.memref_slice %arg8[%add3A_189, %dma_start3A_190] : memref<512x32xf32, #tpu.memory_space<vmem>> -> memref<1x32xf32, #tpu.memory_space<vmem>>
      %dma_start3A_192 = arith.constant 0 : i32
      %dma_start3A_193 = tpu.memref_slice %arg5[%squeeze3A_187, %dma_start3A_192] : memref<1000000x32xf32, #tpu.memory_space<hbm>> -> memref<1x32xf32, #tpu.memory_space<hbm>>
      %dma_start3A_194 = arith.constant 0 : i32
      %dma_start3A_195 = tpu.memref_slice %arg8[%add3A_189, %dma_start3A_194] : memref<512x32xf32, #tpu.memory_space<vmem>> -> memref<1x32xf32, #tpu.memory_space<vmem>>
      %dma_start3A_196 = arith.constant 0 : i32
      %dma_start3A_197 = tpu.memref_slice %arg5[%squeeze3A_187, %dma_start3A_196] : memref<1000000x32xf32, #tpu.memory_space<hbm>> -> memref<1x32xf32, #tpu.memory_space<hbm>>
      tpu.enqueue_dma source(%dma_start3A_197 : memref<1x32xf32, #tpu.memory_space<hbm>>) target(%dma_start3A_195 : memref<1x32xf32, #tpu.memory_space<vmem>>) target_semaphore(%arg12 : memref<!tpu.dma_semaphore, #tpu.memory_space<semaphore_mem>>)
      %slice3A_198 = vector.extract_strided_slice %get3A_31 {offsets = [14], sizes = [1], strides = [1]} : vector<16xi32> to vector<1xi32>
      %squeeze3A_199 = vector.extract %slice3A_198[0] : i32 from vector<1xi32>
      %add3A_200 = arith.constant 14 : i32
      %add3A_201 = arith.addi %mul3A_30, %add3A_200 : i32
      %dma_start3A_202 = arith.constant 0 : i32
      %dma_start3A_203 = tpu.memref_slice %arg8[%add3A_201, %dma_start3A_202] : memref<512x32xf32, #tpu.memory_space<vmem>> -> memref<1x32xf32, #tpu.memory_space<vmem>>
      %dma_start3A_204 = arith.constant 0 : i32
      %dma_start3A_205 = tpu.memref_slice %arg5[%squeeze3A_199, %dma_start3A_204] : memref<1000000x32xf32, #tpu.memory_space<hbm>> -> memref<1x32xf32, #tpu.memory_space<hbm>>
      %dma_start3A_206 = arith.constant 0 : i32
      %dma_start3A_207 = tpu.memref_slice %arg8[%add3A_201, %dma_start3A_206] : memref<512x32xf32, #tpu.memory_space<vmem>> -> memref<1x32xf32, #tpu.memory_space<vmem>>
      %dma_start3A_208 = arith.constant 0 : i32
      %dma_start3A_209 = tpu.memref_slice %arg5[%squeeze3A_199, %dma_start3A_208] : memref<1000000x32xf32, #tpu.memory_space<hbm>> -> memref<1x32xf32, #tpu.memory_space<hbm>>
      tpu.enqueue_dma source(%dma_start3A_209 : memref<1x32xf32, #tpu.memory_space<hbm>>) target(%dma_start3A_207 : memref<1x32xf32, #tpu.memory_space<vmem>>) target_semaphore(%arg12 : memref<!tpu.dma_semaphore, #tpu.memory_space<semaphore_mem>>)
      %slice3A_210 = vector.extract_strided_slice %get3A_31 {offsets = [15], sizes = [1], strides = [1]} : vector<16xi32> to vector<1xi32>
      %squeeze3A_211 = vector.extract %slice3A_210[0] : i32 from vector<1xi32>
      %add3A_212 = arith.constant 15 : i32
      %add3A_213 = arith.addi %mul3A_30, %add3A_212 : i32
      %dma_start3A_214 = arith.constant 0 : i32
      %dma_start3A_215 = tpu.memref_slice %arg8[%add3A_213, %dma_start3A_214] : memref<512x32xf32, #tpu.memory_space<vmem>> -> memref<1x32xf32, #tpu.memory_space<vmem>>
      %dma_start3A_216 = arith.constant 0 : i32
      %dma_start3A_217 = tpu.memref_slice %arg5[%squeeze3A_211, %dma_start3A_216] : memref<1000000x32xf32, #tpu.memory_space<hbm>> -> memref<1x32xf32, #tpu.memory_space<hbm>>
      %dma_start3A_218 = arith.constant 0 : i32
      %dma_start3A_219 = tpu.memref_slice %arg8[%add3A_213, %dma_start3A_218] : memref<512x32xf32, #tpu.memory_space<vmem>> -> memref<1x32xf32, #tpu.memory_space<vmem>>
      %dma_start3A_220 = arith.constant 0 : i32
      %dma_start3A_221 = tpu.memref_slice %arg5[%squeeze3A_211, %dma_start3A_220] : memref<1000000x32xf32, #tpu.memory_space<hbm>> -> memref<1x32xf32, #tpu.memory_space<hbm>>
      tpu.enqueue_dma source(%dma_start3A_221 : memref<1x32xf32, #tpu.memory_space<hbm>>) target(%dma_start3A_219 : memref<1x32xf32, #tpu.memory_space<vmem>>) target_semaphore(%arg12 : memref<!tpu.dma_semaphore, #tpu.memory_space<semaphore_mem>>)
    }
    %scan3A_7 = arith.constant 32 : i32
    %dma_start3A = tpu.memref_slice %arg4[%mul3A_2] : memref<16384xf32, #tpu.memory_space<hbm>> -> memref<512xf32, #tpu.memory_space<hbm>>
    %dma_start3A_8 = tpu.memref_slice %arg4[%mul3A_2] : memref<16384xf32, #tpu.memory_space<hbm>> -> memref<512xf32, #tpu.memory_space<hbm>>
    tpu.enqueue_dma source(%dma_start3A_8 : memref<512xf32, #tpu.memory_space<hbm>>) target(%arg11 : memref<512xf32, #tpu.memory_space<vmem>>) target_semaphore(%arg13 : memref<!tpu.dma_semaphore, #tpu.memory_space<semaphore_mem>>)
    "tpu.region"() ({
      %run_scoped3A = tpu.sem_alloc : memref<!tpu.dma_semaphore, #tpu.memory_space<semaphore_mem>>
      tpu.enqueue_dma source(%arg3 : memref<512xf32, #tpu.memory_space<hbm>>) target(%arg10 : memref<512xf32, #tpu.memory_space<vmem>>) target_semaphore(%run_scoped3A : memref<!tpu.dma_semaphore, #tpu.memory_space<semaphore_mem>>)
      tpu.wait_dma2 semaphore(%run_scoped3A : memref<!tpu.dma_semaphore, #tpu.memory_space<semaphore_mem>>) src(%arg3 : memref<512xf32, #tpu.memory_space<hbm>>) dst(%arg10 : memref<512xf32, #tpu.memory_space<vmem>>)
      tpu.yield
    }) : () -> ()
    %dma_wait3A = arith.constant 0 : i32
    %dma_wait3A_9 = arith.constant 0 : i32
    %dma_wait3A_10 = tpu.memref_slice %arg5[%dma_wait3A, %dma_wait3A_9] : memref<1000000x32xf32, #tpu.memory_space<hbm>> -> memref<512x32xf32, #tpu.memory_space<hbm>>
    %dma_wait3A_11 = arith.constant 0 : i32
    %dma_wait3A_12 = arith.constant 0 : i32
    %dma_wait3A_13 = tpu.memref_slice %arg5[%dma_wait3A_11, %dma_wait3A_12] : memref<1000000x32xf32, #tpu.memory_space<hbm>> -> memref<512x32xf32, #tpu.memory_space<hbm>>
    tpu.wait_dma2 semaphore(%arg12 : memref<!tpu.dma_semaphore, #tpu.memory_space<semaphore_mem>>) src(%dma_wait3A_13 : memref<512x32xf32, #tpu.memory_space<hbm>>) dst(%arg8 : memref<512x32xf32, #tpu.memory_space<vmem>>)
    %scan3A_14 = arith.constant 0 : i32
    %scan3A_15 = arith.constant 0 : i32
    %scan3A_16 = arith.constant 512 : i32
    %scan3A_17 = arith.addi %scan3A_15, %scan3A_16 : i32
    %scan3A_18 = arith.constant 1 : i32
    scf.for %scan3A_28 = %scan3A_15 to %scan3A_17 step %scan3A_18  : i32 {
      %mul3A_29 = arith.constant 32 : i32
      %mul3A_30 = arith.muli %scan3A_28, %mul3A_29 : i32
      %get3A = arith.index_cast %scan3A_28 : i32 to index
      %get3A_31 = arith.constant 0 : index
      %get3A_32 = tpu.vector_load %arg8[%get3A, %get3A_31] {strides = array<i32>} : memref<512x32xf32, #tpu.memory_space<vmem>>, vector<16xf32>,
      %add3A_33 = arith.constant 0 : i32
      %add3A_34 = arith.addi %mul3A_30, %add3A_33 : i32
      %swap3A = arith.index_cast %add3A_34 : i32 to index
      %swap3A_35 = tpu.vector_load %arg9[%swap3A] {strides = array<i32>} : memref<16384xf32, #tpu.memory_space<vmem>>, vector<16xf32>,
      tpu.vector_store %arg9[%swap3A], %get3A_32 {strides = array<i32>} : memref<16384xf32, #tpu.memory_space<vmem>>, vector<16xf32>,
      %get3A_36 = arith.index_cast %scan3A_28 : i32 to index
      %get3A_37 = arith.constant 16 : index
      %get3A_38 = tpu.vector_load %arg8[%get3A_36, %get3A_37] {strides = array<i32>} : memref<512x32xf32, #tpu.memory_space<vmem>>, vector<16xf32>,
      %add3A_39 = arith.constant 16 : i32
      %add3A_40 = arith.addi %mul3A_30, %add3A_39 : i32
      %swap3A_41 = arith.index_cast %add3A_40 : i32 to index
      %swap3A_42 = tpu.vector_load %arg9[%swap3A_41] {strides = array<i32>} : memref<16384xf32, #tpu.memory_space<vmem>>, vector<16xf32>,
      tpu.vector_store %arg9[%swap3A_41], %get3A_38 {strides = array<i32>} : memref<16384xf32, #tpu.memory_space<vmem>>, vector<16xf32>,
    }
    %scan3A_19 = arith.constant 512 : i32
    %dma_wait3A_20 = tpu.memref_slice %arg4[%mul3A_2] : memref<16384xf32, #tpu.memory_space<hbm>> -> memref<512xf32, #tpu.memory_space<hbm>>
    %dma_wait3A_21 = tpu.memref_slice %arg4[%mul3A_2] : memref<16384xf32, #tpu.memory_space<hbm>> -> memref<512xf32, #tpu.memory_space<hbm>>
    tpu.wait_dma2 semaphore(%arg13 : memref<!tpu.dma_semaphore, #tpu.memory_space<semaphore_mem>>) src(%dma_wait3A_21 : memref<512xf32, #tpu.memory_space<hbm>>) dst(%arg11 : memref<512xf32, #tpu.memory_space<vmem>>)
    %iota3A = tpu.iota {dimensions = array<i32: 0>} : vector<16xi32>
    %scan3A_22 = arith.constant 0 : i32
    %scan3A_23 = arith.constant 0 : i32
    %scan3A_24 = arith.constant 32 : i32
    %scan3A_25 = arith.addi %scan3A_23, %scan3A_24 : i32
    %scan3A_26 = arith.constant 1 : i32
    scf.for %scan3A_28 = %scan3A_23 to %scan3A_25 step %scan3A_26  : i32 {
      %mul3A_29 = arith.constant 16 : i32
      %mul3A_30 = arith.muli %scan3A_28, %mul3A_29 : i32
      %add3A_31 = vector.broadcast %mul3A_30 : i32 to vector<16xi32>
      %add3A_32 = arith.addi %iota3A, %add3A_31 : vector<16xi32>
      %mul3A_33 = arith.constant 16 : i32
      %mul3A_34 = arith.muli %scan3A_28, %mul3A_33 : i32
      %get3A = arith.index_cast %mul3A_34 : i32 to index
      %get3A_35 = tpu.vector_load %arg11[%get3A] {strides = array<i32>} : memref<512xf32, #tpu.memory_space<vmem>>, vector<16xf32>,
      %mul3A_36 = arith.constant 32 : i32
      %mul3A_37 = vector.broadcast %mul3A_36 : i32 to vector<16xi32>
      %mul3A_38 = arith.muli %add3A_32, %mul3A_37 : vector<16xi32>
      %add3A_39 = arith.constant 0 : i32
      %add3A_40 = vector.broadcast %add3A_39 : i32 to vector<16xi32>
      %add3A_41 = arith.addi %mul3A_38, %add3A_40 : vector<16xi32>
      %gather3A = tpu.vector_load_idx %arg9[%add3A_41] : memref<16384xf32, #tpu.memory_space<vmem>>[vector<16xi32>], vector<16xf32>,
      %get3A_42 = arith.constant 0 : index
      %get3A_43 = tpu.vector_load %arg10[%get3A_42] {strides = array<i32>} : memref<512xf32, #tpu.memory_space<vmem>>, vector<16xf32>,
      %mul3A_44 = arith.mulf %gather3A, %get3A_43 : vector<16xf32>
      %add3A_45 = arith.addf %get3A_35, %mul3A_44 : vector<16xf32>
      %add3A_46 = arith.constant 1 : i32
      %add3A_47 = vector.broadcast %add3A_46 : i32 to vector<16xi32>
      %add3A_48 = arith.addi %mul3A_38, %add3A_47 : vector<16xi32>
      %gather3A_49 = tpu.vector_load_idx %arg9[%add3A_48] : memref<16384xf32, #tpu.memory_space<vmem>>[vector<16xi32>], vector<16xf32>,
      %get3A_50 = arith.constant 16 : index
      %get3A_51 = tpu.vector_load %arg10[%get3A_50] {strides = array<i32>} : memref<512xf32, #tpu.memory_space<vmem>>, vector<16xf32>,
      %mul3A_52 = arith.mulf %gather3A_49, %get3A_51 : vector<16xf32>
      %add3A_53 = arith.addf %add3A_45, %mul3A_52 : vector<16xf32>
      %add3A_54 = arith.constant 2 : i32
      %add3A_55 = vector.broadcast %add3A_54 : i32 to vector<16xi32>
      %add3A_56 = arith.addi %mul3A_38, %add3A_55 : vector<16xi32>
      %gather3A_57 = tpu.vector_load_idx %arg9[%add3A_56] : memref<16384xf32, #tpu.memory_space<vmem>>[vector<16xi32>], vector<16xf32>,
      %get3A_58 = arith.constant 32 : index
      %get3A_59 = tpu.vector_load %arg10[%get3A_58] {strides = array<i32>} : memref<512xf32, #tpu.memory_space<vmem>>, vector<16xf32>,
      %mul3A_60 = arith.mulf %gather3A_57, %get3A_59 : vector<16xf32>
      %add3A_61 = arith.addf %add3A_53, %mul3A_60 : vector<16xf32>
      %add3A_62 = arith.constant 3 : i32
      %add3A_63 = vector.broadcast %add3A_62 : i32 to vector<16xi32>
      %add3A_64 = arith.addi %mul3A_38, %add3A_63 : vector<16xi32>
      %gather3A_65 = tpu.vector_load_idx %arg9[%add3A_64] : memref<16384xf32, #tpu.memory_space<vmem>>[vector<16xi32>], vector<16xf32>,
      %get3A_66 = arith.constant 48 : index
      %get3A_67 = tpu.vector_load %arg10[%get3A_66] {strides = array<i32>} : memref<512xf32, #tpu.memory_space<vmem>>, vector<16xf32>,
      %mul3A_68 = arith.mulf %gather3A_65, %get3A_67 : vector<16xf32>
      %add3A_69 = arith.addf %add3A_61, %mul3A_68 : vector<16xf32>
      %add3A_70 = arith.constant 4 : i32
      %add3A_71 = vector.broadcast %add3A_70 : i32 to vector<16xi32>
      %add3A_72 = arith.addi %mul3A_38, %add3A_71 : vector<16xi32>
      %gather3A_73 = tpu.vector_load_idx %arg9[%add3A_72] : memref<16384xf32, #tpu.memory_space<vmem>>[vector<16xi32>], vector<16xf32>,
      %get3A_74 = arith.constant 64 : index
      %get3A_75 = tpu.vector_load %arg10[%get3A_74] {strides = array<i32>} : memref<512xf32, #tpu.memory_space<vmem>>, vector<16xf32>,
      %mul3A_76 = arith.mulf %gather3A_73, %get3A_75 : vector<16xf32>
      %add3A_77 = arith.addf %add3A_69, %mul3A_76 : vector<16xf32>
      %add3A_78 = arith.constant 5 : i32
      %add3A_79 = vector.broadcast %add3A_78 : i32 to vector<16xi32>
      %add3A_80 = arith.addi %mul3A_38, %add3A_79 : vector<16xi32>
      %gather3A_81 = tpu.vector_load_idx %arg9[%add3A_80] : memref<16384xf32, #tpu.memory_space<vmem>>[vector<16xi32>], vector<16xf32>,
      %get3A_82 = arith.constant 80 : index
      %get3A_83 = tpu.vector_load %arg10[%get3A_82] {strides = array<i32>} : memref<512xf32, #tpu.memory_space<vmem>>, vector<16xf32>,
      %mul3A_84 = arith.mulf %gather3A_81, %get3A_83 : vector<16xf32>
      %add3A_85 = arith.addf %add3A_77, %mul3A_84 : vector<16xf32>
      %add3A_86 = arith.constant 6 : i32
      %add3A_87 = vector.broadcast %add3A_86 : i32 to vector<16xi32>
      %add3A_88 = arith.addi %mul3A_38, %add3A_87 : vector<16xi32>
      %gather3A_89 = tpu.vector_load_idx %arg9[%add3A_88] : memref<16384xf32, #tpu.memory_space<vmem>>[vector<16xi32>], vector<16xf32>,
      %get3A_90 = arith.constant 96 : index
      %get3A_91 = tpu.vector_load %arg10[%get3A_90] {strides = array<i32>} : memref<512xf32, #tpu.memory_space<vmem>>, vector<16xf32>,
      %mul3A_92 = arith.mulf %gather3A_89, %get3A_91 : vector<16xf32>
      %add3A_93 = arith.addf %add3A_85, %mul3A_92 : vector<16xf32>
      %add3A_94 = arith.constant 7 : i32
      %add3A_95 = vector.broadcast %add3A_94 : i32 to vector<16xi32>
      %add3A_96 = arith.addi %mul3A_38, %add3A_95 : vector<16xi32>
      %gather3A_97 = tpu.vector_load_idx %arg9[%add3A_96] : memref<16384xf32, #tpu.memory_space<vmem>>[vector<16xi32>], vector<16xf32>,
      %get3A_98 = arith.constant 112 : index
      %get3A_99 = tpu.vector_load %arg10[%get3A_98] {strides = array<i32>} : memref<512xf32, #tpu.memory_space<vmem>>, vector<16xf32>,
      %mul3A_100 = arith.mulf %gather3A_97, %get3A_99 : vector<16xf32>
      %add3A_101 = arith.addf %add3A_93, %mul3A_100 : vector<16xf32>
      %add3A_102 = arith.constant 8 : i32
      %add3A_103 = vector.broadcast %add3A_102 : i32 to vector<16xi32>
      %add3A_104 = arith.addi %mul3A_38, %add3A_103 : vector<16xi32>
      %gather3A_105 = tpu.vector_load_idx %arg9[%add3A_104] : memref<16384xf32, #tpu.memory_space<vmem>>[vector<16xi32>], vector<16xf32>,
      %get3A_106 = arith.constant 128 : index
      %get3A_107 = tpu.vector_load %arg10[%get3A_106] {strides = array<i32>} : memref<512xf32, #tpu.memory_space<vmem>>, vector<16xf32>,
      %mul3A_108 = arith.mulf %gather3A_105, %get3A_107 : vector<16xf32>
      %add3A_109 = arith.addf %add3A_101, %mul3A_108 : vector<16xf32>
      %add3A_110 = arith.constant 9 : i32
      %add3A_111 = vector.broadcast %add3A_110 : i32 to vector<16xi32>
      %add3A_112 = arith.addi %mul3A_38, %add3A_111 : vector<16xi32>
      %gather3A_113 = tpu.vector_load_idx %arg9[%add3A_112] : memref<16384xf32, #tpu.memory_space<vmem>>[vector<16xi32>], vector<16xf32>,
      %get3A_114 = arith.constant 144 : index
      %get3A_115 = tpu.vector_load %arg10[%get3A_114] {strides = array<i32>} : memref<512xf32, #tpu.memory_space<vmem>>, vector<16xf32>,
      %mul3A_116 = arith.mulf %gather3A_113, %get3A_115 : vector<16xf32>
      %add3A_117 = arith.addf %add3A_109, %mul3A_116 : vector<16xf32>
      %add3A_118 = arith.constant 10 : i32
      %add3A_119 = vector.broadcast %add3A_118 : i32 to vector<16xi32>
      %add3A_120 = arith.addi %mul3A_38, %add3A_119 : vector<16xi32>
      %gather3A_121 = tpu.vector_load_idx %arg9[%add3A_120] : memref<16384xf32, #tpu.memory_space<vmem>>[vector<16xi32>], vector<16xf32>,
      %get3A_122 = arith.constant 160 : index
      %get3A_123 = tpu.vector_load %arg10[%get3A_122] {strides = array<i32>} : memref<512xf32, #tpu.memory_space<vmem>>, vector<16xf32>,
      %mul3A_124 = arith.mulf %gather3A_121, %get3A_123 : vector<16xf32>
      %add3A_125 = arith.addf %add3A_117, %mul3A_124 : vector<16xf32>
      %add3A_126 = arith.constant 11 : i32
      %add3A_127 = vector.broadcast %add3A_126 : i32 to vector<16xi32>
      %add3A_128 = arith.addi %mul3A_38, %add3A_127 : vector<16xi32>
      %gather3A_129 = tpu.vector_load_idx %arg9[%add3A_128] : memref<16384xf32, #tpu.memory_space<vmem>>[vector<16xi32>], vector<16xf32>,
      %get3A_130 = arith.constant 176 : index
      %get3A_131 = tpu.vector_load %arg10[%get3A_130] {strides = array<i32>} : memref<512xf32, #tpu.memory_space<vmem>>, vector<16xf32>,
      %mul3A_132 = arith.mulf %gather3A_129, %get3A_131 : vector<16xf32>
      %add3A_133 = arith.addf %add3A_125, %mul3A_132 : vector<16xf32>
      %add3A_134 = arith.constant 12 : i32
      %add3A_135 = vector.broadcast %add3A_134 : i32 to vector<16xi32>
      %add3A_136 = arith.addi %mul3A_38, %add3A_135 : vector<16xi32>
      %gather3A_137 = tpu.vector_load_idx %arg9[%add3A_136] : memref<16384xf32, #tpu.memory_space<vmem>>[vector<16xi32>], vector<16xf32>,
      %get3A_138 = arith.constant 192 : index
      %get3A_139 = tpu.vector_load %arg10[%get3A_138] {strides = array<i32>} : memref<512xf32, #tpu.memory_space<vmem>>, vector<16xf32>,
      %mul3A_140 = arith.mulf %gather3A_137, %get3A_139 : vector<16xf32>
      %add3A_141 = arith.addf %add3A_133, %mul3A_140 : vector<16xf32>
      %add3A_142 = arith.constant 13 : i32
      %add3A_143 = vector.broadcast %add3A_142 : i32 to vector<16xi32>
      %add3A_144 = arith.addi %mul3A_38, %add3A_143 : vector<16xi32>
      %gather3A_145 = tpu.vector_load_idx %arg9[%add3A_144] : memref<16384xf32, #tpu.memory_space<vmem>>[vector<16xi32>], vector<16xf32>,
      %get3A_146 = arith.constant 208 : index
      %get3A_147 = tpu.vector_load %arg10[%get3A_146] {strides = array<i32>} : memref<512xf32, #tpu.memory_space<vmem>>, vector<16xf32>,
      %mul3A_148 = arith.mulf %gather3A_145, %get3A_147 : vector<16xf32>
      %add3A_149 = arith.addf %add3A_141, %mul3A_148 : vector<16xf32>
      %add3A_150 = arith.constant 14 : i32
      %add3A_151 = vector.broadcast %add3A_150 : i32 to vector<16xi32>
      %add3A_152 = arith.addi %mul3A_38, %add3A_151 : vector<16xi32>
      %gather3A_153 = tpu.vector_load_idx %arg9[%add3A_152] : memref<16384xf32, #tpu.memory_space<vmem>>[vector<16xi32>], vector<16xf32>,
      %get3A_154 = arith.constant 224 : index
      %get3A_155 = tpu.vector_load %arg10[%get3A_154] {strides = array<i32>} : memref<512xf32, #tpu.memory_space<vmem>>, vector<16xf32>,
      %mul3A_156 = arith.mulf %gather3A_153, %get3A_155 : vector<16xf32>
      %add3A_157 = arith.addf %add3A_149, %mul3A_156 : vector<16xf32>
      %add3A_158 = arith.constant 15 : i32
      %add3A_159 = vector.broadcast %add3A_158 : i32 to vector<16xi32>
      %add3A_160 = arith.addi %mul3A_38, %add3A_159 : vector<16xi32>
      %gather3A_161 = tpu.vector_load_idx %arg9[%add3A_160] : memref<16384xf32, #tpu.memory_space<vmem>>[vector<16xi32>], vector<16xf32>,
      %get3A_162 = arith.constant 240 : index
      %get3A_163 = tpu.vector_load %arg10[%get3A_162] {strides = array<i32>} : memref<512xf32, #tpu.memory_space<vmem>>, vector<16xf32>,
      %mul3A_164 = arith.mulf %gather3A_161, %get3A_163 : vector<16xf32>
      %add3A_165 = arith.addf %add3A_157, %mul3A_164 : vector<16xf32>
      %add3A_166 = arith.constant 16 : i32
      %add3A_167 = vector.broadcast %add3A_166 : i32 to vector<16xi32>
      %add3A_168 = arith.addi %mul3A_38, %add3A_167 : vector<16xi32>
      %gather3A_169 = tpu.vector_load_idx %arg9[%add3A_168] : memref<16384xf32, #tpu.memory_space<vmem>>[vector<16xi32>], vector<16xf32>,
      %get3A_170 = arith.constant 256 : index
      %get3A_171 = tpu.vector_load %arg10[%get3A_170] {strides = array<i32>} : memref<512xf32, #tpu.memory_space<vmem>>, vector<16xf32>,
      %mul3A_172 = arith.mulf %gather3A_169, %get3A_171 : vector<16xf32>
      %add3A_173 = arith.addf %add3A_165, %mul3A_172 : vector<16xf32>
      %add3A_174 = arith.constant 17 : i32
      %add3A_175 = vector.broadcast %add3A_174 : i32 to vector<16xi32>
      %add3A_176 = arith.addi %mul3A_38, %add3A_175 : vector<16xi32>
      %gather3A_177 = tpu.vector_load_idx %arg9[%add3A_176] : memref<16384xf32, #tpu.memory_space<vmem>>[vector<16xi32>], vector<16xf32>,
      %get3A_178 = arith.constant 272 : index
      %get3A_179 = tpu.vector_load %arg10[%get3A_178] {strides = array<i32>} : memref<512xf32, #tpu.memory_space<vmem>>, vector<16xf32>,
      %mul3A_180 = arith.mulf %gather3A_177, %get3A_179 : vector<16xf32>
      %add3A_181 = arith.addf %add3A_173, %mul3A_180 : vector<16xf32>
      %add3A_182 = arith.constant 18 : i32
      %add3A_183 = vector.broadcast %add3A_182 : i32 to vector<16xi32>
      %add3A_184 = arith.addi %mul3A_38, %add3A_183 : vector<16xi32>
      %gather3A_185 = tpu.vector_load_idx %arg9[%add3A_184] : memref<16384xf32, #tpu.memory_space<vmem>>[vector<16xi32>], vector<16xf32>,
      %get3A_186 = arith.constant 288 : index
      %get3A_187 = tpu.vector_load %arg10[%get3A_186] {strides = array<i32>} : memref<512xf32, #tpu.memory_space<vmem>>, vector<16xf32>,
      %mul3A_188 = arith.mulf %gather3A_185, %get3A_187 : vector<16xf32>
      %add3A_189 = arith.addf %add3A_181, %mul3A_188 : vector<16xf32>
      %add3A_190 = arith.constant 19 : i32
      %add3A_191 = vector.broadcast %add3A_190 : i32 to vector<16xi32>
      %add3A_192 = arith.addi %mul3A_38, %add3A_191 : vector<16xi32>
      %gather3A_193 = tpu.vector_load_idx %arg9[%add3A_192] : memref<16384xf32, #tpu.memory_space<vmem>>[vector<16xi32>], vector<16xf32>,
      %get3A_194 = arith.constant 304 : index
      %get3A_195 = tpu.vector_load %arg10[%get3A_194] {strides = array<i32>} : memref<512xf32, #tpu.memory_space<vmem>>, vector<16xf32>,
      %mul3A_196 = arith.mulf %gather3A_193, %get3A_195 : vector<16xf32>
      %add3A_197 = arith.addf %add3A_189, %mul3A_196 : vector<16xf32>
      %add3A_198 = arith.constant 20 : i32
      %add3A_199 = vector.broadcast %add3A_198 : i32 to vector<16xi32>
      %add3A_200 = arith.addi %mul3A_38, %add3A_199 : vector<16xi32>
      %gather3A_201 = tpu.vector_load_idx %arg9[%add3A_200] : memref<16384xf32, #tpu.memory_space<vmem>>[vector<16xi32>], vector<16xf32>,
      %get3A_202 = arith.constant 320 : index
      %get3A_203 = tpu.vector_load %arg10[%get3A_202] {strides = array<i32>} : memref<512xf32, #tpu.memory_space<vmem>>, vector<16xf32>,
      %mul3A_204 = arith.mulf %gather3A_201, %get3A_203 : vector<16xf32>
      %add3A_205 = arith.addf %add3A_197, %mul3A_204 : vector<16xf32>
      %add3A_206 = arith.constant 21 : i32
      %add3A_207 = vector.broadcast %add3A_206 : i32 to vector<16xi32>
      %add3A_208 = arith.addi %mul3A_38, %add3A_207 : vector<16xi32>
      %gather3A_209 = tpu.vector_load_idx %arg9[%add3A_208] : memref<16384xf32, #tpu.memory_space<vmem>>[vector<16xi32>], vector<16xf32>,
      %get3A_210 = arith.constant 336 : index
      %get3A_211 = tpu.vector_load %arg10[%get3A_210] {strides = array<i32>} : memref<512xf32, #tpu.memory_space<vmem>>, vector<16xf32>,
      %mul3A_212 = arith.mulf %gather3A_209, %get3A_211 : vector<16xf32>
      %add3A_213 = arith.addf %add3A_205, %mul3A_212 : vector<16xf32>
      %add3A_214 = arith.constant 22 : i32
      %add3A_215 = vector.broadcast %add3A_214 : i32 to vector<16xi32>
      %add3A_216 = arith.addi %mul3A_38, %add3A_215 : vector<16xi32>
      %gather3A_217 = tpu.vector_load_idx %arg9[%add3A_216] : memref<16384xf32, #tpu.memory_space<vmem>>[vector<16xi32>], vector<16xf32>,
      %get3A_218 = arith.constant 352 : index
      %get3A_219 = tpu.vector_load %arg10[%get3A_218] {strides = array<i32>} : memref<512xf32, #tpu.memory_space<vmem>>, vector<16xf32>,
      %mul3A_220 = arith.mulf %gather3A_217, %get3A_219 : vector<16xf32>
      %add3A_221 = arith.addf %add3A_213, %mul3A_220 : vector<16xf32>
      %add3A_222 = arith.constant 23 : i32
      %add3A_223 = vector.broadcast %add3A_222 : i32 to vector<16xi32>
      %add3A_224 = arith.addi %mul3A_38, %add3A_223 : vector<16xi32>
      %gather3A_225 = tpu.vector_load_idx %arg9[%add3A_224] : memref<16384xf32, #tpu.memory_space<vmem>>[vector<16xi32>], vector<16xf32>,
      %get3A_226 = arith.constant 368 : index
      %get3A_227 = tpu.vector_load %arg10[%get3A_226] {strides = array<i32>} : memref<512xf32, #tpu.memory_space<vmem>>, vector<16xf32>,
      %mul3A_228 = arith.mulf %gather3A_225, %get3A_227 : vector<16xf32>
      %add3A_229 = arith.addf %add3A_221, %mul3A_228 : vector<16xf32>
      %add3A_230 = arith.constant 24 : i32
      %add3A_231 = vector.broadcast %add3A_230 : i32 to vector<16xi32>
      %add3A_232 = arith.addi %mul3A_38, %add3A_231 : vector<16xi32>
      %gather3A_233 = tpu.vector_load_idx %arg9[%add3A_232] : memref<16384xf32, #tpu.memory_space<vmem>>[vector<16xi32>], vector<16xf32>,
      %get3A_234 = arith.constant 384 : index
      %get3A_235 = tpu.vector_load %arg10[%get3A_234] {strides = array<i32>} : memref<512xf32, #tpu.memory_space<vmem>>, vector<16xf32>,
      %mul3A_236 = arith.mulf %gather3A_233, %get3A_235 : vector<16xf32>
      %add3A_237 = arith.addf %add3A_229, %mul3A_236 : vector<16xf32>
      %add3A_238 = arith.constant 25 : i32
      %add3A_239 = vector.broadcast %add3A_238 : i32 to vector<16xi32>
      %add3A_240 = arith.addi %mul3A_38, %add3A_239 : vector<16xi32>
      %gather3A_241 = tpu.vector_load_idx %arg9[%add3A_240] : memref<16384xf32, #tpu.memory_space<vmem>>[vector<16xi32>], vector<16xf32>,
      %get3A_242 = arith.constant 400 : index
      %get3A_243 = tpu.vector_load %arg10[%get3A_242] {strides = array<i32>} : memref<512xf32, #tpu.memory_space<vmem>>, vector<16xf32>,
      %mul3A_244 = arith.mulf %gather3A_241, %get3A_243 : vector<16xf32>
      %add3A_245 = arith.addf %add3A_237, %mul3A_244 : vector<16xf32>
      %add3A_246 = arith.constant 26 : i32
      %add3A_247 = vector.broadcast %add3A_246 : i32 to vector<16xi32>
      %add3A_248 = arith.addi %mul3A_38, %add3A_247 : vector<16xi32>
      %gather3A_249 = tpu.vector_load_idx %arg9[%add3A_248] : memref<16384xf32, #tpu.memory_space<vmem>>[vector<16xi32>], vector<16xf32>,
      %get3A_250 = arith.constant 416 : index
      %get3A_251 = tpu.vector_load %arg10[%get3A_250] {strides = array<i32>} : memref<512xf32, #tpu.memory_space<vmem>>, vector<16xf32>,
      %mul3A_252 = arith.mulf %gather3A_249, %get3A_251 : vector<16xf32>
      %add3A_253 = arith.addf %add3A_245, %mul3A_252 : vector<16xf32>
      %add3A_254 = arith.constant 27 : i32
      %add3A_255 = vector.broadcast %add3A_254 : i32 to vector<16xi32>
      %add3A_256 = arith.addi %mul3A_38, %add3A_255 : vector<16xi32>
      %gather3A_257 = tpu.vector_load_idx %arg9[%add3A_256] : memref<16384xf32, #tpu.memory_space<vmem>>[vector<16xi32>], vector<16xf32>,
      %get3A_258 = arith.constant 432 : index
      %get3A_259 = tpu.vector_load %arg10[%get3A_258] {strides = array<i32>} : memref<512xf32, #tpu.memory_space<vmem>>, vector<16xf32>,
      %mul3A_260 = arith.mulf %gather3A_257, %get3A_259 : vector<16xf32>
      %add3A_261 = arith.addf %add3A_253, %mul3A_260 : vector<16xf32>
      %add3A_262 = arith.constant 28 : i32
      %add3A_263 = vector.broadcast %add3A_262 : i32 to vector<16xi32>
      %add3A_264 = arith.addi %mul3A_38, %add3A_263 : vector<16xi32>
      %gather3A_265 = tpu.vector_load_idx %arg9[%add3A_264] : memref<16384xf32, #tpu.memory_space<vmem>>[vector<16xi32>], vector<16xf32>,
      %get3A_266 = arith.constant 448 : index
      %get3A_267 = tpu.vector_load %arg10[%get3A_266] {strides = array<i32>} : memref<512xf32, #tpu.memory_space<vmem>>, vector<16xf32>,
      %mul3A_268 = arith.mulf %gather3A_265, %get3A_267 : vector<16xf32>
      %add3A_269 = arith.addf %add3A_261, %mul3A_268 : vector<16xf32>
      %add3A_270 = arith.constant 29 : i32
      %add3A_271 = vector.broadcast %add3A_270 : i32 to vector<16xi32>
      %add3A_272 = arith.addi %mul3A_38, %add3A_271 : vector<16xi32>
      %gather3A_273 = tpu.vector_load_idx %arg9[%add3A_272] : memref<16384xf32, #tpu.memory_space<vmem>>[vector<16xi32>], vector<16xf32>,
      %get3A_274 = arith.constant 464 : index
      %get3A_275 = tpu.vector_load %arg10[%get3A_274] {strides = array<i32>} : memref<512xf32, #tpu.memory_space<vmem>>, vector<16xf32>,
      %mul3A_276 = arith.mulf %gather3A_273, %get3A_275 : vector<16xf32>
      %add3A_277 = arith.addf %add3A_269, %mul3A_276 : vector<16xf32>
      %add3A_278 = arith.constant 30 : i32
      %add3A_279 = vector.broadcast %add3A_278 : i32 to vector<16xi32>
      %add3A_280 = arith.addi %mul3A_38, %add3A_279 : vector<16xi32>
      %gather3A_281 = tpu.vector_load_idx %arg9[%add3A_280] : memref<16384xf32, #tpu.memory_space<vmem>>[vector<16xi32>], vector<16xf32>,
      %get3A_282 = arith.constant 480 : index
      %get3A_283 = tpu.vector_load %arg10[%get3A_282] {strides = array<i32>} : memref<512xf32, #tpu.memory_space<vmem>>, vector<16xf32>,
      %mul3A_284 = arith.mulf %gather3A_281, %get3A_283 : vector<16xf32>
      %add3A_285 = arith.addf %add3A_277, %mul3A_284 : vector<16xf32>
      %add3A_286 = arith.constant 31 : i32
      %add3A_287 = vector.broadcast %add3A_286 : i32 to vector<16xi32>
      %add3A_288 = arith.addi %mul3A_38, %add3A_287 : vector<16xi32>
      %gather3A_289 = tpu.vector_load_idx %arg9[%add3A_288] : memref<16384xf32, #tpu.memory_space<vmem>>[vector<16xi32>], vector<16xf32>,
      %get3A_290 = arith.constant 496 : index
      %get3A_291 = tpu.vector_load %arg10[%get3A_290] {strides = array<i32>} : memref<512xf32, #tpu.memory_space<vmem>>, vector<16xf32>,
      %mul3A_292 = arith.mulf %gather3A_289, %get3A_291 : vector<16xf32>
      %add3A_293 = arith.addf %add3A_285, %mul3A_292 : vector<16xf32>
      %mul3A_294 = arith.constant 16 : i32
      %mul3A_295 = arith.muli %scan3A_28, %mul3A_294 : i32
      %swap3A = arith.index_cast %mul3A_295 : i32 to index
      %swap3A_296 = tpu.vector_load %arg11[%swap3A] {strides = array<i32>} : memref<512xf32, #tpu.memory_space<vmem>>, vector<16xf32>,
      tpu.vector_store %arg11[%swap3A], %add3A_293 {strides = array<i32>} : memref<512xf32, #tpu.memory_space<vmem>>, vector<16xf32>,
    }
    %scan3A_27 = arith.constant 32 : i32
    "tpu.region"() ({
      %run_scoped3A = tpu.sem_alloc : memref<!tpu.dma_semaphore, #tpu.memory_space<semaphore_mem>>
      %dma_start3A_28 = tpu.memref_slice %arg6[%mul3A_2] : memref<16384xf32, #tpu.memory_space<hbm>> -> memref<512xf32, #tpu.memory_space<hbm>>
      %dma_start3A_29 = tpu.memref_slice %arg6[%mul3A_2] : memref<16384xf32, #tpu.memory_space<hbm>> -> memref<512xf32, #tpu.memory_space<hbm>>
      tpu.enqueue_dma source(%arg11 : memref<512xf32, #tpu.memory_space<vmem>>) target(%dma_start3A_29 : memref<512xf32, #tpu.memory_space<hbm>>) target_semaphore(%run_scoped3A : memref<!tpu.dma_semaphore, #tpu.memory_space<semaphore_mem>>)
      %dma_wait3A_30 = tpu.memref_slice %arg6[%mul3A_2] : memref<16384xf32, #tpu.memory_space<hbm>> -> memref<512xf32, #tpu.memory_space<hbm>>
      %dma_wait3A_31 = tpu.memref_slice %arg6[%mul3A_2] : memref<16384xf32, #tpu.memory_space<hbm>> -> memref<512xf32, #tpu.memory_space<hbm>>
      tpu.wait_dma2 semaphore(%run_scoped3A : memref<!tpu.dma_semaphore, #tpu.memory_space<semaphore_mem>>) src(%arg11 : memref<512xf32, #tpu.memory_space<vmem>>) dst(%dma_wait3A_31 : memref<512xf32, #tpu.memory_space<hbm>>)
      tpu.yield
    }) : () -> ()
    return
  }
}

#map = affine_map<(d0, d1) -> (0)>
#map1 = affine_map<(d0, d1) -> (0, 0)>
module attributes {stable_mosaic.version = 14 : i64} {
  func.func @movie_k(%arg0: i32, %arg1: i32, %arg2: memref<16384xi32, #tpu.memory_space<hbm>>, %arg3: memref<262144xf32, #tpu.memory_space<hbm>>, %arg4: memref<1296xf32, #tpu.memory_space<hbm>>, %arg5: memref<100000x32xf32, #tpu.memory_space<hbm>>, %arg6: memref<16384xf32, #tpu.memory_space<hbm>>, %arg7: memref<512xi32, #tpu.memory_space<vmem>>, %arg8: memref<128x32xf32, #tpu.memory_space<vmem>>, %arg9: memref<16384xf32, #tpu.memory_space<vmem>>, %arg10: memref<8192xf32, #tpu.memory_space<vmem>>, %arg11: memref<1296xf32, #tpu.memory_space<vmem>>, %arg12: memref<512xf32, #tpu.memory_space<vmem>>, %arg13: memref<!tpu.dma_semaphore, #tpu.memory_space<semaphore_mem>>, %arg14: memref<!tpu.dma_semaphore, #tpu.memory_space<semaphore_mem>>) attributes {dimension_semantics = [#tpu.dimension_semantics<core_parallel>, #tpu.dimension_semantics<subcore_parallel>], iteration_bounds = array<i64: 2, 16>, scalar_prefetch = 0 : i64, scratch_operands = 8 : i64, tpu.core_type = #tpu.core_type<sc_vector_subcore>, window_params = [{transform_indices = #map}, {transform_indices = #map}, {transform_indices = #map}, {transform_indices = #map1}, {transform_indices = #map}]} {
    %mul3A = arith.constant 2 : i32
    %mul3A_0 = arith.muli %arg1, %mul3A : i32
    %add3A = arith.addi %mul3A_0, %arg0 : i32
    %mul3A_1 = arith.constant 512 : i32
    %mul3A_2 = arith.muli %add3A, %mul3A_1 : i32
    "tpu.region"() ({
      %run_scoped3A = tpu.sem_alloc : memref<!tpu.dma_semaphore, #tpu.memory_space<semaphore_mem>>
      %dma_start3A_85 = tpu.memref_slice %arg2[%mul3A_2] : memref<16384xi32, #tpu.memory_space<hbm>> -> memref<512xi32, #tpu.memory_space<hbm>>
      %dma_start3A_86 = tpu.memref_slice %arg2[%mul3A_2] : memref<16384xi32, #tpu.memory_space<hbm>> -> memref<512xi32, #tpu.memory_space<hbm>>
      tpu.enqueue_dma source(%dma_start3A_86 : memref<512xi32, #tpu.memory_space<hbm>>) target(%arg7 : memref<512xi32, #tpu.memory_space<vmem>>) target_semaphore(%run_scoped3A : memref<!tpu.dma_semaphore, #tpu.memory_space<semaphore_mem>>)
      %dma_wait3A_87 = tpu.memref_slice %arg2[%mul3A_2] : memref<16384xi32, #tpu.memory_space<hbm>> -> memref<512xi32, #tpu.memory_space<hbm>>
      %dma_wait3A_88 = tpu.memref_slice %arg2[%mul3A_2] : memref<16384xi32, #tpu.memory_space<hbm>> -> memref<512xi32, #tpu.memory_space<hbm>>
      tpu.wait_dma2 semaphore(%run_scoped3A : memref<!tpu.dma_semaphore, #tpu.memory_space<semaphore_mem>>) src(%dma_wait3A_88 : memref<512xi32, #tpu.memory_space<hbm>>) dst(%arg7 : memref<512xi32, #tpu.memory_space<vmem>>)
      tpu.yield
    }) : () -> ()
    %mul3A_3 = arith.constant 16 : i32
    %mul3A_4 = arith.muli %mul3A_2, %mul3A_3 : i32
    %dma_start3A = tpu.memref_slice %arg3[%mul3A_4] : memref<262144xf32, #tpu.memory_space<hbm>> -> memref<8192xf32, #tpu.memory_space<hbm>>
    %dma_start3A_5 = tpu.memref_slice %arg3[%mul3A_4] : memref<262144xf32, #tpu.memory_space<hbm>> -> memref<8192xf32, #tpu.memory_space<hbm>>
    tpu.enqueue_dma source(%dma_start3A_5 : memref<8192xf32, #tpu.memory_space<hbm>>) target(%arg10 : memref<8192xf32, #tpu.memory_space<vmem>>) target_semaphore(%arg14 : memref<!tpu.dma_semaphore, #tpu.memory_space<semaphore_mem>>)
    "tpu.region"() ({
      %run_scoped3A = tpu.sem_alloc : memref<!tpu.dma_semaphore, #tpu.memory_space<semaphore_mem>>
      tpu.enqueue_dma source(%arg4 : memref<1296xf32, #tpu.memory_space<hbm>>) target(%arg11 : memref<1296xf32, #tpu.memory_space<vmem>>) target_semaphore(%run_scoped3A : memref<!tpu.dma_semaphore, #tpu.memory_space<semaphore_mem>>)
      tpu.wait_dma2 semaphore(%run_scoped3A : memref<!tpu.dma_semaphore, #tpu.memory_space<semaphore_mem>>) src(%arg4 : memref<1296xf32, #tpu.memory_space<hbm>>) dst(%arg11 : memref<1296xf32, #tpu.memory_space<vmem>>)
      tpu.yield
    }) : () -> ()
    %scan3A = arith.constant 0 : i32
    %scan3A_6 = arith.constant 0 : i32
    %scan3A_7 = arith.constant 8 : i32
    %scan3A_8 = arith.addi %scan3A_6, %scan3A_7 : i32
    %scan3A_9 = arith.constant 1 : i32
    scf.for %scan3A_85 = %scan3A_6 to %scan3A_8 step %scan3A_9  : i32 {
      %mul3A_86 = arith.constant 16 : i32
      %mul3A_87 = arith.muli %scan3A_85, %mul3A_86 : i32
      %add3A_88 = arith.constant 0 : i32
      %add3A_89 = arith.addi %add3A_88, %mul3A_87 : i32
      %get3A_90 = arith.index_cast %add3A_89 : i32 to index
      %get3A_91 = tpu.vector_load %arg7[%get3A_90] {strides = array<i32>} : memref<512xi32, #tpu.memory_space<vmem>>, vector<16xi32>,
      %slice3A = vector.extract_strided_slice %get3A_91 {offsets = [0], sizes = [1], strides = [1]} : vector<16xi32> to vector<1xi32>
      %squeeze3A = vector.extract %slice3A[0] : i32 from vector<1xi32>
      %mul3A_92 = arith.constant 16 : i32
      %mul3A_93 = arith.muli %scan3A_85, %mul3A_92 : i32
      %add3A_94 = arith.constant 0 : i32
      %add3A_95 = arith.addi %mul3A_93, %add3A_94 : i32
      %dma_start3A_96 = arith.constant 0 : i32
      %dma_start3A_97 = tpu.memref_slice %arg8[%add3A_95, %dma_start3A_96] : memref<128x32xf32, #tpu.memory_space<vmem>> -> memref<1x32xf32, #tpu.memory_space<vmem>>
      %dma_start3A_98 = arith.constant 0 : i32
      %dma_start3A_99 = tpu.memref_slice %arg5[%squeeze3A, %dma_start3A_98] : memref<100000x32xf32, #tpu.memory_space<hbm>> -> memref<1x32xf32, #tpu.memory_space<hbm>>
      %dma_start3A_100 = arith.constant 0 : i32
      %dma_start3A_101 = tpu.memref_slice %arg8[%add3A_95, %dma_start3A_100] : memref<128x32xf32, #tpu.memory_space<vmem>> -> memref<1x32xf32, #tpu.memory_space<vmem>>
      %dma_start3A_102 = arith.constant 0 : i32
      %dma_start3A_103 = tpu.memref_slice %arg5[%squeeze3A, %dma_start3A_102] : memref<100000x32xf32, #tpu.memory_space<hbm>> -> memref<1x32xf32, #tpu.memory_space<hbm>>
      tpu.enqueue_dma source(%dma_start3A_103 : memref<1x32xf32, #tpu.memory_space<hbm>>) target(%dma_start3A_101 : memref<1x32xf32, #tpu.memory_space<vmem>>) target_semaphore(%arg13 : memref<!tpu.dma_semaphore, #tpu.memory_space<semaphore_mem>>)
      %slice3A_104 = vector.extract_strided_slice %get3A_91 {offsets = [1], sizes = [1], strides = [1]} : vector<16xi32> to vector<1xi32>
      %squeeze3A_105 = vector.extract %slice3A_104[0] : i32 from vector<1xi32>
      %mul3A_106 = arith.constant 16 : i32
      %mul3A_107 = arith.muli %scan3A_85, %mul3A_106 : i32
      %add3A_108 = arith.constant 1 : i32
      %add3A_109 = arith.addi %mul3A_107, %add3A_108 : i32
      %dma_start3A_110 = arith.constant 0 : i32
      %dma_start3A_111 = tpu.memref_slice %arg8[%add3A_109, %dma_start3A_110] : memref<128x32xf32, #tpu.memory_space<vmem>> -> memref<1x32xf32, #tpu.memory_space<vmem>>
      %dma_start3A_112 = arith.constant 0 : i32
      %dma_start3A_113 = tpu.memref_slice %arg5[%squeeze3A_105, %dma_start3A_112] : memref<100000x32xf32, #tpu.memory_space<hbm>> -> memref<1x32xf32, #tpu.memory_space<hbm>>
      %dma_start3A_114 = arith.constant 0 : i32
      %dma_start3A_115 = tpu.memref_slice %arg8[%add3A_109, %dma_start3A_114] : memref<128x32xf32, #tpu.memory_space<vmem>> -> memref<1x32xf32, #tpu.memory_space<vmem>>
      %dma_start3A_116 = arith.constant 0 : i32
      %dma_start3A_117 = tpu.memref_slice %arg5[%squeeze3A_105, %dma_start3A_116] : memref<100000x32xf32, #tpu.memory_space<hbm>> -> memref<1x32xf32, #tpu.memory_space<hbm>>
      tpu.enqueue_dma source(%dma_start3A_117 : memref<1x32xf32, #tpu.memory_space<hbm>>) target(%dma_start3A_115 : memref<1x32xf32, #tpu.memory_space<vmem>>) target_semaphore(%arg13 : memref<!tpu.dma_semaphore, #tpu.memory_space<semaphore_mem>>)
      %slice3A_118 = vector.extract_strided_slice %get3A_91 {offsets = [2], sizes = [1], strides = [1]} : vector<16xi32> to vector<1xi32>
      %squeeze3A_119 = vector.extract %slice3A_118[0] : i32 from vector<1xi32>
      %mul3A_120 = arith.constant 16 : i32
      %mul3A_121 = arith.muli %scan3A_85, %mul3A_120 : i32
      %add3A_122 = arith.constant 2 : i32
      %add3A_123 = arith.addi %mul3A_121, %add3A_122 : i32
      %dma_start3A_124 = arith.constant 0 : i32
      %dma_start3A_125 = tpu.memref_slice %arg8[%add3A_123, %dma_start3A_124] : memref<128x32xf32, #tpu.memory_space<vmem>> -> memref<1x32xf32, #tpu.memory_space<vmem>>
      %dma_start3A_126 = arith.constant 0 : i32
      %dma_start3A_127 = tpu.memref_slice %arg5[%squeeze3A_119, %dma_start3A_126] : memref<100000x32xf32, #tpu.memory_space<hbm>> -> memref<1x32xf32, #tpu.memory_space<hbm>>
      %dma_start3A_128 = arith.constant 0 : i32
      %dma_start3A_129 = tpu.memref_slice %arg8[%add3A_123, %dma_start3A_128] : memref<128x32xf32, #tpu.memory_space<vmem>> -> memref<1x32xf32, #tpu.memory_space<vmem>>
      %dma_start3A_130 = arith.constant 0 : i32
      %dma_start3A_131 = tpu.memref_slice %arg5[%squeeze3A_119, %dma_start3A_130] : memref<100000x32xf32, #tpu.memory_space<hbm>> -> memref<1x32xf32, #tpu.memory_space<hbm>>
      tpu.enqueue_dma source(%dma_start3A_131 : memref<1x32xf32, #tpu.memory_space<hbm>>) target(%dma_start3A_129 : memref<1x32xf32, #tpu.memory_space<vmem>>) target_semaphore(%arg13 : memref<!tpu.dma_semaphore, #tpu.memory_space<semaphore_mem>>)
      %slice3A_132 = vector.extract_strided_slice %get3A_91 {offsets = [3], sizes = [1], strides = [1]} : vector<16xi32> to vector<1xi32>
      %squeeze3A_133 = vector.extract %slice3A_132[0] : i32 from vector<1xi32>
      %mul3A_134 = arith.constant 16 : i32
      %mul3A_135 = arith.muli %scan3A_85, %mul3A_134 : i32
      %add3A_136 = arith.constant 3 : i32
      %add3A_137 = arith.addi %mul3A_135, %add3A_136 : i32
      %dma_start3A_138 = arith.constant 0 : i32
      %dma_start3A_139 = tpu.memref_slice %arg8[%add3A_137, %dma_start3A_138] : memref<128x32xf32, #tpu.memory_space<vmem>> -> memref<1x32xf32, #tpu.memory_space<vmem>>
      %dma_start3A_140 = arith.constant 0 : i32
      %dma_start3A_141 = tpu.memref_slice %arg5[%squeeze3A_133, %dma_start3A_140] : memref<100000x32xf32, #tpu.memory_space<hbm>> -> memref<1x32xf32, #tpu.memory_space<hbm>>
      %dma_start3A_142 = arith.constant 0 : i32
      %dma_start3A_143 = tpu.memref_slice %arg8[%add3A_137, %dma_start3A_142] : memref<128x32xf32, #tpu.memory_space<vmem>> -> memref<1x32xf32, #tpu.memory_space<vmem>>
      %dma_start3A_144 = arith.constant 0 : i32
      %dma_start3A_145 = tpu.memref_slice %arg5[%squeeze3A_133, %dma_start3A_144] : memref<100000x32xf32, #tpu.memory_space<hbm>> -> memref<1x32xf32, #tpu.memory_space<hbm>>
      tpu.enqueue_dma source(%dma_start3A_145 : memref<1x32xf32, #tpu.memory_space<hbm>>) target(%dma_start3A_143 : memref<1x32xf32, #tpu.memory_space<vmem>>) target_semaphore(%arg13 : memref<!tpu.dma_semaphore, #tpu.memory_space<semaphore_mem>>)
      %slice3A_146 = vector.extract_strided_slice %get3A_91 {offsets = [4], sizes = [1], strides = [1]} : vector<16xi32> to vector<1xi32>
      %squeeze3A_147 = vector.extract %slice3A_146[0] : i32 from vector<1xi32>
      %mul3A_148 = arith.constant 16 : i32
      %mul3A_149 = arith.muli %scan3A_85, %mul3A_148 : i32
      %add3A_150 = arith.constant 4 : i32
      %add3A_151 = arith.addi %mul3A_149, %add3A_150 : i32
      %dma_start3A_152 = arith.constant 0 : i32
      %dma_start3A_153 = tpu.memref_slice %arg8[%add3A_151, %dma_start3A_152] : memref<128x32xf32, #tpu.memory_space<vmem>> -> memref<1x32xf32, #tpu.memory_space<vmem>>
      %dma_start3A_154 = arith.constant 0 : i32
      %dma_start3A_155 = tpu.memref_slice %arg5[%squeeze3A_147, %dma_start3A_154] : memref<100000x32xf32, #tpu.memory_space<hbm>> -> memref<1x32xf32, #tpu.memory_space<hbm>>
      %dma_start3A_156 = arith.constant 0 : i32
      %dma_start3A_157 = tpu.memref_slice %arg8[%add3A_151, %dma_start3A_156] : memref<128x32xf32, #tpu.memory_space<vmem>> -> memref<1x32xf32, #tpu.memory_space<vmem>>
      %dma_start3A_158 = arith.constant 0 : i32
      %dma_start3A_159 = tpu.memref_slice %arg5[%squeeze3A_147, %dma_start3A_158] : memref<100000x32xf32, #tpu.memory_space<hbm>> -> memref<1x32xf32, #tpu.memory_space<hbm>>
      tpu.enqueue_dma source(%dma_start3A_159 : memref<1x32xf32, #tpu.memory_space<hbm>>) target(%dma_start3A_157 : memref<1x32xf32, #tpu.memory_space<vmem>>) target_semaphore(%arg13 : memref<!tpu.dma_semaphore, #tpu.memory_space<semaphore_mem>>)
      %slice3A_160 = vector.extract_strided_slice %get3A_91 {offsets = [5], sizes = [1], strides = [1]} : vector<16xi32> to vector<1xi32>
      %squeeze3A_161 = vector.extract %slice3A_160[0] : i32 from vector<1xi32>
      %mul3A_162 = arith.constant 16 : i32
      %mul3A_163 = arith.muli %scan3A_85, %mul3A_162 : i32
      %add3A_164 = arith.constant 5 : i32
      %add3A_165 = arith.addi %mul3A_163, %add3A_164 : i32
      %dma_start3A_166 = arith.constant 0 : i32
      %dma_start3A_167 = tpu.memref_slice %arg8[%add3A_165, %dma_start3A_166] : memref<128x32xf32, #tpu.memory_space<vmem>> -> memref<1x32xf32, #tpu.memory_space<vmem>>
      %dma_start3A_168 = arith.constant 0 : i32
      %dma_start3A_169 = tpu.memref_slice %arg5[%squeeze3A_161, %dma_start3A_168] : memref<100000x32xf32, #tpu.memory_space<hbm>> -> memref<1x32xf32, #tpu.memory_space<hbm>>
      %dma_start3A_170 = arith.constant 0 : i32
      %dma_start3A_171 = tpu.memref_slice %arg8[%add3A_165, %dma_start3A_170] : memref<128x32xf32, #tpu.memory_space<vmem>> -> memref<1x32xf32, #tpu.memory_space<vmem>>
      %dma_start3A_172 = arith.constant 0 : i32
      %dma_start3A_173 = tpu.memref_slice %arg5[%squeeze3A_161, %dma_start3A_172] : memref<100000x32xf32, #tpu.memory_space<hbm>> -> memref<1x32xf32, #tpu.memory_space<hbm>>
      tpu.enqueue_dma source(%dma_start3A_173 : memref<1x32xf32, #tpu.memory_space<hbm>>) target(%dma_start3A_171 : memref<1x32xf32, #tpu.memory_space<vmem>>) target_semaphore(%arg13 : memref<!tpu.dma_semaphore, #tpu.memory_space<semaphore_mem>>)
      %slice3A_174 = vector.extract_strided_slice %get3A_91 {offsets = [6], sizes = [1], strides = [1]} : vector<16xi32> to vector<1xi32>
      %squeeze3A_175 = vector.extract %slice3A_174[0] : i32 from vector<1xi32>
      %mul3A_176 = arith.constant 16 : i32
      %mul3A_177 = arith.muli %scan3A_85, %mul3A_176 : i32
      %add3A_178 = arith.constant 6 : i32
      %add3A_179 = arith.addi %mul3A_177, %add3A_178 : i32
      %dma_start3A_180 = arith.constant 0 : i32
      %dma_start3A_181 = tpu.memref_slice %arg8[%add3A_179, %dma_start3A_180] : memref<128x32xf32, #tpu.memory_space<vmem>> -> memref<1x32xf32, #tpu.memory_space<vmem>>
      %dma_start3A_182 = arith.constant 0 : i32
      %dma_start3A_183 = tpu.memref_slice %arg5[%squeeze3A_175, %dma_start3A_182] : memref<100000x32xf32, #tpu.memory_space<hbm>> -> memref<1x32xf32, #tpu.memory_space<hbm>>
      %dma_start3A_184 = arith.constant 0 : i32
      %dma_start3A_185 = tpu.memref_slice %arg8[%add3A_179, %dma_start3A_184] : memref<128x32xf32, #tpu.memory_space<vmem>> -> memref<1x32xf32, #tpu.memory_space<vmem>>
      %dma_start3A_186 = arith.constant 0 : i32
      %dma_start3A_187 = tpu.memref_slice %arg5[%squeeze3A_175, %dma_start3A_186] : memref<100000x32xf32, #tpu.memory_space<hbm>> -> memref<1x32xf32, #tpu.memory_space<hbm>>
      tpu.enqueue_dma source(%dma_start3A_187 : memref<1x32xf32, #tpu.memory_space<hbm>>) target(%dma_start3A_185 : memref<1x32xf32, #tpu.memory_space<vmem>>) target_semaphore(%arg13 : memref<!tpu.dma_semaphore, #tpu.memory_space<semaphore_mem>>)
      %slice3A_188 = vector.extract_strided_slice %get3A_91 {offsets = [7], sizes = [1], strides = [1]} : vector<16xi32> to vector<1xi32>
      %squeeze3A_189 = vector.extract %slice3A_188[0] : i32 from vector<1xi32>
      %mul3A_190 = arith.constant 16 : i32
      %mul3A_191 = arith.muli %scan3A_85, %mul3A_190 : i32
      %add3A_192 = arith.constant 7 : i32
      %add3A_193 = arith.addi %mul3A_191, %add3A_192 : i32
      %dma_start3A_194 = arith.constant 0 : i32
      %dma_start3A_195 = tpu.memref_slice %arg8[%add3A_193, %dma_start3A_194] : memref<128x32xf32, #tpu.memory_space<vmem>> -> memref<1x32xf32, #tpu.memory_space<vmem>>
      %dma_start3A_196 = arith.constant 0 : i32
      %dma_start3A_197 = tpu.memref_slice %arg5[%squeeze3A_189, %dma_start3A_196] : memref<100000x32xf32, #tpu.memory_space<hbm>> -> memref<1x32xf32, #tpu.memory_space<hbm>>
      %dma_start3A_198 = arith.constant 0 : i32
      %dma_start3A_199 = tpu.memref_slice %arg8[%add3A_193, %dma_start3A_198] : memref<128x32xf32, #tpu.memory_space<vmem>> -> memref<1x32xf32, #tpu.memory_space<vmem>>
      %dma_start3A_200 = arith.constant 0 : i32
      %dma_start3A_201 = tpu.memref_slice %arg5[%squeeze3A_189, %dma_start3A_200] : memref<100000x32xf32, #tpu.memory_space<hbm>> -> memref<1x32xf32, #tpu.memory_space<hbm>>
      tpu.enqueue_dma source(%dma_start3A_201 : memref<1x32xf32, #tpu.memory_space<hbm>>) target(%dma_start3A_199 : memref<1x32xf32, #tpu.memory_space<vmem>>) target_semaphore(%arg13 : memref<!tpu.dma_semaphore, #tpu.memory_space<semaphore_mem>>)
      %slice3A_202 = vector.extract_strided_slice %get3A_91 {offsets = [8], sizes = [1], strides = [1]} : vector<16xi32> to vector<1xi32>
      %squeeze3A_203 = vector.extract %slice3A_202[0] : i32 from vector<1xi32>
      %mul3A_204 = arith.constant 16 : i32
      %mul3A_205 = arith.muli %scan3A_85, %mul3A_204 : i32
      %add3A_206 = arith.constant 8 : i32
      %add3A_207 = arith.addi %mul3A_205, %add3A_206 : i32
      %dma_start3A_208 = arith.constant 0 : i32
      %dma_start3A_209 = tpu.memref_slice %arg8[%add3A_207, %dma_start3A_208] : memref<128x32xf32, #tpu.memory_space<vmem>> -> memref<1x32xf32, #tpu.memory_space<vmem>>
      %dma_start3A_210 = arith.constant 0 : i32
      %dma_start3A_211 = tpu.memref_slice %arg5[%squeeze3A_203, %dma_start3A_210] : memref<100000x32xf32, #tpu.memory_space<hbm>> -> memref<1x32xf32, #tpu.memory_space<hbm>>
      %dma_start3A_212 = arith.constant 0 : i32
      %dma_start3A_213 = tpu.memref_slice %arg8[%add3A_207, %dma_start3A_212] : memref<128x32xf32, #tpu.memory_space<vmem>> -> memref<1x32xf32, #tpu.memory_space<vmem>>
      %dma_start3A_214 = arith.constant 0 : i32
      %dma_start3A_215 = tpu.memref_slice %arg5[%squeeze3A_203, %dma_start3A_214] : memref<100000x32xf32, #tpu.memory_space<hbm>> -> memref<1x32xf32, #tpu.memory_space<hbm>>
      tpu.enqueue_dma source(%dma_start3A_215 : memref<1x32xf32, #tpu.memory_space<hbm>>) target(%dma_start3A_213 : memref<1x32xf32, #tpu.memory_space<vmem>>) target_semaphore(%arg13 : memref<!tpu.dma_semaphore, #tpu.memory_space<semaphore_mem>>)
      %slice3A_216 = vector.extract_strided_slice %get3A_91 {offsets = [9], sizes = [1], strides = [1]} : vector<16xi32> to vector<1xi32>
      %squeeze3A_217 = vector.extract %slice3A_216[0] : i32 from vector<1xi32>
      %mul3A_218 = arith.constant 16 : i32
      %mul3A_219 = arith.muli %scan3A_85, %mul3A_218 : i32
      %add3A_220 = arith.constant 9 : i32
      %add3A_221 = arith.addi %mul3A_219, %add3A_220 : i32
      %dma_start3A_222 = arith.constant 0 : i32
      %dma_start3A_223 = tpu.memref_slice %arg8[%add3A_221, %dma_start3A_222] : memref<128x32xf32, #tpu.memory_space<vmem>> -> memref<1x32xf32, #tpu.memory_space<vmem>>
      %dma_start3A_224 = arith.constant 0 : i32
      %dma_start3A_225 = tpu.memref_slice %arg5[%squeeze3A_217, %dma_start3A_224] : memref<100000x32xf32, #tpu.memory_space<hbm>> -> memref<1x32xf32, #tpu.memory_space<hbm>>
      %dma_start3A_226 = arith.constant 0 : i32
      %dma_start3A_227 = tpu.memref_slice %arg8[%add3A_221, %dma_start3A_226] : memref<128x32xf32, #tpu.memory_space<vmem>> -> memref<1x32xf32, #tpu.memory_space<vmem>>
      %dma_start3A_228 = arith.constant 0 : i32
      %dma_start3A_229 = tpu.memref_slice %arg5[%squeeze3A_217, %dma_start3A_228] : memref<100000x32xf32, #tpu.memory_space<hbm>> -> memref<1x32xf32, #tpu.memory_space<hbm>>
      tpu.enqueue_dma source(%dma_start3A_229 : memref<1x32xf32, #tpu.memory_space<hbm>>) target(%dma_start3A_227 : memref<1x32xf32, #tpu.memory_space<vmem>>) target_semaphore(%arg13 : memref<!tpu.dma_semaphore, #tpu.memory_space<semaphore_mem>>)
      %slice3A_230 = vector.extract_strided_slice %get3A_91 {offsets = [10], sizes = [1], strides = [1]} : vector<16xi32> to vector<1xi32>
      %squeeze3A_231 = vector.extract %slice3A_230[0] : i32 from vector<1xi32>
      %mul3A_232 = arith.constant 16 : i32
      %mul3A_233 = arith.muli %scan3A_85, %mul3A_232 : i32
      %add3A_234 = arith.constant 10 : i32
      %add3A_235 = arith.addi %mul3A_233, %add3A_234 : i32
      %dma_start3A_236 = arith.constant 0 : i32
      %dma_start3A_237 = tpu.memref_slice %arg8[%add3A_235, %dma_start3A_236] : memref<128x32xf32, #tpu.memory_space<vmem>> -> memref<1x32xf32, #tpu.memory_space<vmem>>
      %dma_start3A_238 = arith.constant 0 : i32
      %dma_start3A_239 = tpu.memref_slice %arg5[%squeeze3A_231, %dma_start3A_238] : memref<100000x32xf32, #tpu.memory_space<hbm>> -> memref<1x32xf32, #tpu.memory_space<hbm>>
      %dma_start3A_240 = arith.constant 0 : i32
      %dma_start3A_241 = tpu.memref_slice %arg8[%add3A_235, %dma_start3A_240] : memref<128x32xf32, #tpu.memory_space<vmem>> -> memref<1x32xf32, #tpu.memory_space<vmem>>
      %dma_start3A_242 = arith.constant 0 : i32
      %dma_start3A_243 = tpu.memref_slice %arg5[%squeeze3A_231, %dma_start3A_242] : memref<100000x32xf32, #tpu.memory_space<hbm>> -> memref<1x32xf32, #tpu.memory_space<hbm>>
      tpu.enqueue_dma source(%dma_start3A_243 : memref<1x32xf32, #tpu.memory_space<hbm>>) target(%dma_start3A_241 : memref<1x32xf32, #tpu.memory_space<vmem>>) target_semaphore(%arg13 : memref<!tpu.dma_semaphore, #tpu.memory_space<semaphore_mem>>)
      %slice3A_244 = vector.extract_strided_slice %get3A_91 {offsets = [11], sizes = [1], strides = [1]} : vector<16xi32> to vector<1xi32>
      %squeeze3A_245 = vector.extract %slice3A_244[0] : i32 from vector<1xi32>
      %mul3A_246 = arith.constant 16 : i32
      %mul3A_247 = arith.muli %scan3A_85, %mul3A_246 : i32
      %add3A_248 = arith.constant 11 : i32
      %add3A_249 = arith.addi %mul3A_247, %add3A_248 : i32
      %dma_start3A_250 = arith.constant 0 : i32
      %dma_start3A_251 = tpu.memref_slice %arg8[%add3A_249, %dma_start3A_250] : memref<128x32xf32, #tpu.memory_space<vmem>> -> memref<1x32xf32, #tpu.memory_space<vmem>>
      %dma_start3A_252 = arith.constant 0 : i32
      %dma_start3A_253 = tpu.memref_slice %arg5[%squeeze3A_245, %dma_start3A_252] : memref<100000x32xf32, #tpu.memory_space<hbm>> -> memref<1x32xf32, #tpu.memory_space<hbm>>
      %dma_start3A_254 = arith.constant 0 : i32
      %dma_start3A_255 = tpu.memref_slice %arg8[%add3A_249, %dma_start3A_254] : memref<128x32xf32, #tpu.memory_space<vmem>> -> memref<1x32xf32, #tpu.memory_space<vmem>>
      %dma_start3A_256 = arith.constant 0 : i32
      %dma_start3A_257 = tpu.memref_slice %arg5[%squeeze3A_245, %dma_start3A_256] : memref<100000x32xf32, #tpu.memory_space<hbm>> -> memref<1x32xf32, #tpu.memory_space<hbm>>
      tpu.enqueue_dma source(%dma_start3A_257 : memref<1x32xf32, #tpu.memory_space<hbm>>) target(%dma_start3A_255 : memref<1x32xf32, #tpu.memory_space<vmem>>) target_semaphore(%arg13 : memref<!tpu.dma_semaphore, #tpu.memory_space<semaphore_mem>>)
      %slice3A_258 = vector.extract_strided_slice %get3A_91 {offsets = [12], sizes = [1], strides = [1]} : vector<16xi32> to vector<1xi32>
      %squeeze3A_259 = vector.extract %slice3A_258[0] : i32 from vector<1xi32>
      %mul3A_260 = arith.constant 16 : i32
      %mul3A_261 = arith.muli %scan3A_85, %mul3A_260 : i32
      %add3A_262 = arith.constant 12 : i32
      %add3A_263 = arith.addi %mul3A_261, %add3A_262 : i32
      %dma_start3A_264 = arith.constant 0 : i32
      %dma_start3A_265 = tpu.memref_slice %arg8[%add3A_263, %dma_start3A_264] : memref<128x32xf32, #tpu.memory_space<vmem>> -> memref<1x32xf32, #tpu.memory_space<vmem>>
      %dma_start3A_266 = arith.constant 0 : i32
      %dma_start3A_267 = tpu.memref_slice %arg5[%squeeze3A_259, %dma_start3A_266] : memref<100000x32xf32, #tpu.memory_space<hbm>> -> memref<1x32xf32, #tpu.memory_space<hbm>>
      %dma_start3A_268 = arith.constant 0 : i32
      %dma_start3A_269 = tpu.memref_slice %arg8[%add3A_263, %dma_start3A_268] : memref<128x32xf32, #tpu.memory_space<vmem>> -> memref<1x32xf32, #tpu.memory_space<vmem>>
      %dma_start3A_270 = arith.constant 0 : i32
      %dma_start3A_271 = tpu.memref_slice %arg5[%squeeze3A_259, %dma_start3A_270] : memref<100000x32xf32, #tpu.memory_space<hbm>> -> memref<1x32xf32, #tpu.memory_space<hbm>>
      tpu.enqueue_dma source(%dma_start3A_271 : memref<1x32xf32, #tpu.memory_space<hbm>>) target(%dma_start3A_269 : memref<1x32xf32, #tpu.memory_space<vmem>>) target_semaphore(%arg13 : memref<!tpu.dma_semaphore, #tpu.memory_space<semaphore_mem>>)
      %slice3A_272 = vector.extract_strided_slice %get3A_91 {offsets = [13], sizes = [1], strides = [1]} : vector<16xi32> to vector<1xi32>
      %squeeze3A_273 = vector.extract %slice3A_272[0] : i32 from vector<1xi32>
      %mul3A_274 = arith.constant 16 : i32
      %mul3A_275 = arith.muli %scan3A_85, %mul3A_274 : i32
      %add3A_276 = arith.constant 13 : i32
      %add3A_277 = arith.addi %mul3A_275, %add3A_276 : i32
      %dma_start3A_278 = arith.constant 0 : i32
      %dma_start3A_279 = tpu.memref_slice %arg8[%add3A_277, %dma_start3A_278] : memref<128x32xf32, #tpu.memory_space<vmem>> -> memref<1x32xf32, #tpu.memory_space<vmem>>
      %dma_start3A_280 = arith.constant 0 : i32
      %dma_start3A_281 = tpu.memref_slice %arg5[%squeeze3A_273, %dma_start3A_280] : memref<100000x32xf32, #tpu.memory_space<hbm>> -> memref<1x32xf32, #tpu.memory_space<hbm>>
      %dma_start3A_282 = arith.constant 0 : i32
      %dma_start3A_283 = tpu.memref_slice %arg8[%add3A_277, %dma_start3A_282] : memref<128x32xf32, #tpu.memory_space<vmem>> -> memref<1x32xf32, #tpu.memory_space<vmem>>
      %dma_start3A_284 = arith.constant 0 : i32
      %dma_start3A_285 = tpu.memref_slice %arg5[%squeeze3A_273, %dma_start3A_284] : memref<100000x32xf32, #tpu.memory_space<hbm>> -> memref<1x32xf32, #tpu.memory_space<hbm>>
      tpu.enqueue_dma source(%dma_start3A_285 : memref<1x32xf32, #tpu.memory_space<hbm>>) target(%dma_start3A_283 : memref<1x32xf32, #tpu.memory_space<vmem>>) target_semaphore(%arg13 : memref<!tpu.dma_semaphore, #tpu.memory_space<semaphore_mem>>)
      %slice3A_286 = vector.extract_strided_slice %get3A_91 {offsets = [14], sizes = [1], strides = [1]} : vector<16xi32> to vector<1xi32>
      %squeeze3A_287 = vector.extract %slice3A_286[0] : i32 from vector<1xi32>
      %mul3A_288 = arith.constant 16 : i32
      %mul3A_289 = arith.muli %scan3A_85, %mul3A_288 : i32
      %add3A_290 = arith.constant 14 : i32
      %add3A_291 = arith.addi %mul3A_289, %add3A_290 : i32
      %dma_start3A_292 = arith.constant 0 : i32
      %dma_start3A_293 = tpu.memref_slice %arg8[%add3A_291, %dma_start3A_292] : memref<128x32xf32, #tpu.memory_space<vmem>> -> memref<1x32xf32, #tpu.memory_space<vmem>>
      %dma_start3A_294 = arith.constant 0 : i32
      %dma_start3A_295 = tpu.memref_slice %arg5[%squeeze3A_287, %dma_start3A_294] : memref<100000x32xf32, #tpu.memory_space<hbm>> -> memref<1x32xf32, #tpu.memory_space<hbm>>
      %dma_start3A_296 = arith.constant 0 : i32
      %dma_start3A_297 = tpu.memref_slice %arg8[%add3A_291, %dma_start3A_296] : memref<128x32xf32, #tpu.memory_space<vmem>> -> memref<1x32xf32, #tpu.memory_space<vmem>>
      %dma_start3A_298 = arith.constant 0 : i32
      %dma_start3A_299 = tpu.memref_slice %arg5[%squeeze3A_287, %dma_start3A_298] : memref<100000x32xf32, #tpu.memory_space<hbm>> -> memref<1x32xf32, #tpu.memory_space<hbm>>
      tpu.enqueue_dma source(%dma_start3A_299 : memref<1x32xf32, #tpu.memory_space<hbm>>) target(%dma_start3A_297 : memref<1x32xf32, #tpu.memory_space<vmem>>) target_semaphore(%arg13 : memref<!tpu.dma_semaphore, #tpu.memory_space<semaphore_mem>>)
      %slice3A_300 = vector.extract_strided_slice %get3A_91 {offsets = [15], sizes = [1], strides = [1]} : vector<16xi32> to vector<1xi32>
      %squeeze3A_301 = vector.extract %slice3A_300[0] : i32 from vector<1xi32>
      %mul3A_302 = arith.constant 16 : i32
      %mul3A_303 = arith.muli %scan3A_85, %mul3A_302 : i32
      %add3A_304 = arith.constant 15 : i32
      %add3A_305 = arith.addi %mul3A_303, %add3A_304 : i32
      %dma_start3A_306 = arith.constant 0 : i32
      %dma_start3A_307 = tpu.memref_slice %arg8[%add3A_305, %dma_start3A_306] : memref<128x32xf32, #tpu.memory_space<vmem>> -> memref<1x32xf32, #tpu.memory_space<vmem>>
      %dma_start3A_308 = arith.constant 0 : i32
      %dma_start3A_309 = tpu.memref_slice %arg5[%squeeze3A_301, %dma_start3A_308] : memref<100000x32xf32, #tpu.memory_space<hbm>> -> memref<1x32xf32, #tpu.memory_space<hbm>>
      %dma_start3A_310 = arith.constant 0 : i32
      %dma_start3A_311 = tpu.memref_slice %arg8[%add3A_305, %dma_start3A_310] : memref<128x32xf32, #tpu.memory_space<vmem>> -> memref<1x32xf32, #tpu.memory_space<vmem>>
      %dma_start3A_312 = arith.constant 0 : i32
      %dma_start3A_313 = tpu.memref_slice %arg5[%squeeze3A_301, %dma_start3A_312] : memref<100000x32xf32, #tpu.memory_space<hbm>> -> memref<1x32xf32, #tpu.memory_space<hbm>>
      tpu.enqueue_dma source(%dma_start3A_313 : memref<1x32xf32, #tpu.memory_space<hbm>>) target(%dma_start3A_311 : memref<1x32xf32, #tpu.memory_space<vmem>>) target_semaphore(%arg13 : memref<!tpu.dma_semaphore, #tpu.memory_space<semaphore_mem>>)
    }
    %scan3A_10 = arith.constant 8 : i32
    %dma_wait3A = arith.constant 0 : i32
    %dma_wait3A_11 = arith.constant 0 : i32
    %dma_wait3A_12 = tpu.memref_slice %arg5[%dma_wait3A, %dma_wait3A_11] : memref<100000x32xf32, #tpu.memory_space<hbm>> -> memref<128x32xf32, #tpu.memory_space<hbm>>
    %dma_wait3A_13 = arith.constant 0 : i32
    %dma_wait3A_14 = arith.constant 0 : i32
    %dma_wait3A_15 = tpu.memref_slice %arg5[%dma_wait3A_13, %dma_wait3A_14] : memref<100000x32xf32, #tpu.memory_space<hbm>> -> memref<128x32xf32, #tpu.memory_space<hbm>>
    tpu.wait_dma2 semaphore(%arg13 : memref<!tpu.dma_semaphore, #tpu.memory_space<semaphore_mem>>) src(%dma_wait3A_15 : memref<128x32xf32, #tpu.memory_space<hbm>>) dst(%arg8 : memref<128x32xf32, #tpu.memory_space<vmem>>)
    %scan3A_16 = arith.constant 0 : i32
    %scan3A_17 = arith.constant 0 : i32
    %scan3A_18 = arith.constant 128 : i32
    %scan3A_19 = arith.addi %scan3A_17, %scan3A_18 : i32
    %scan3A_20 = arith.constant 1 : i32
    scf.for %scan3A_85 = %scan3A_17 to %scan3A_19 step %scan3A_20  : i32 {
      %add3A_86 = arith.constant 0 : i32
      %add3A_87 = arith.addi %add3A_86, %scan3A_85 : i32
      %mul3A_88 = arith.constant 32 : i32
      %mul3A_89 = arith.muli %add3A_87, %mul3A_88 : i32
      %get3A_90 = arith.index_cast %scan3A_85 : i32 to index
      %get3A_91 = arith.constant 0 : index
      %get3A_92 = tpu.vector_load %arg8[%get3A_90, %get3A_91] {strides = array<i32>} : memref<128x32xf32, #tpu.memory_space<vmem>>, vector<16xf32>,
      %add3A_93 = arith.constant 0 : i32
      %add3A_94 = arith.addi %mul3A_89, %add3A_93 : i32
      %swap3A = arith.index_cast %add3A_94 : i32 to index
      %swap3A_95 = tpu.vector_load %arg9[%swap3A] {strides = array<i32>} : memref<16384xf32, #tpu.memory_space<vmem>>, vector<16xf32>,
      tpu.vector_store %arg9[%swap3A], %get3A_92 {strides = array<i32>} : memref<16384xf32, #tpu.memory_space<vmem>>, vector<16xf32>,
      %get3A_96 = arith.index_cast %scan3A_85 : i32 to index
      %get3A_97 = arith.constant 16 : index
      %get3A_98 = tpu.vector_load %arg8[%get3A_96, %get3A_97] {strides = array<i32>} : memref<128x32xf32, #tpu.memory_space<vmem>>, vector<16xf32>,
      %add3A_99 = arith.constant 16 : i32
      %add3A_100 = arith.addi %mul3A_89, %add3A_99 : i32
      %swap3A_101 = arith.index_cast %add3A_100 : i32 to index
      %swap3A_102 = tpu.vector_load %arg9[%swap3A_101] {strides = array<i32>} : memref<16384xf32, #tpu.memory_space<vmem>>, vector<16xf32>,
      tpu.vector_store %arg9[%swap3A_101], %get3A_98 {strides = array<i32>} : memref<16384xf32, #tpu.memory_space<vmem>>, vector<16xf32>,
    }
    %scan3A_21 = arith.constant 128 : i32
    %scan3A_22 = arith.constant 0 : i32
    %scan3A_23 = arith.constant 0 : i32
    %scan3A_24 = arith.constant 8 : i32
    %scan3A_25 = arith.addi %scan3A_23, %scan3A_24 : i32
    %scan3A_26 = arith.constant 1 : i32
    scf.for %scan3A_85 = %scan3A_23 to %scan3A_25 step %scan3A_26  : i32 {
      %mul3A_86 = arith.constant 16 : i32
      %mul3A_87 = arith.muli %scan3A_85, %mul3A_86 : i32
      %add3A_88 = arith.constant 128 : i32
      %add3A_89 = arith.addi %add3A_88, %mul3A_87 : i32
      %get3A_90 = arith.index_cast %add3A_89 : i32 to index
      %get3A_91 = tpu.vector_load %arg7[%get3A_90] {strides = array<i32>} : memref<512xi32, #tpu.memory_space<vmem>>, vector<16xi32>,
      %slice3A = vector.extract_strided_slice %get3A_91 {offsets = [0], sizes = [1], strides = [1]} : vector<16xi32> to vector<1xi32>
      %squeeze3A = vector.extract %slice3A[0] : i32 from vector<1xi32>
      %mul3A_92 = arith.constant 16 : i32
      %mul3A_93 = arith.muli %scan3A_85, %mul3A_92 : i32
      %add3A_94 = arith.constant 0 : i32
      %add3A_95 = arith.addi %mul3A_93, %add3A_94 : i32
      %dma_start3A_96 = arith.constant 0 : i32
      %dma_start3A_97 = tpu.memref_slice %arg8[%add3A_95, %dma_start3A_96] : memref<128x32xf32, #tpu.memory_space<vmem>> -> memref<1x32xf32, #tpu.memory_space<vmem>>
      %dma_start3A_98 = arith.constant 0 : i32
      %dma_start3A_99 = tpu.memref_slice %arg5[%squeeze3A, %dma_start3A_98] : memref<100000x32xf32, #tpu.memory_space<hbm>> -> memref<1x32xf32, #tpu.memory_space<hbm>>
      %dma_start3A_100 = arith.constant 0 : i32
      %dma_start3A_101 = tpu.memref_slice %arg8[%add3A_95, %dma_start3A_100] : memref<128x32xf32, #tpu.memory_space<vmem>> -> memref<1x32xf32, #tpu.memory_space<vmem>>
      %dma_start3A_102 = arith.constant 0 : i32
      %dma_start3A_103 = tpu.memref_slice %arg5[%squeeze3A, %dma_start3A_102] : memref<100000x32xf32, #tpu.memory_space<hbm>> -> memref<1x32xf32, #tpu.memory_space<hbm>>
      tpu.enqueue_dma source(%dma_start3A_103 : memref<1x32xf32, #tpu.memory_space<hbm>>) target(%dma_start3A_101 : memref<1x32xf32, #tpu.memory_space<vmem>>) target_semaphore(%arg13 : memref<!tpu.dma_semaphore, #tpu.memory_space<semaphore_mem>>)
      %slice3A_104 = vector.extract_strided_slice %get3A_91 {offsets = [1], sizes = [1], strides = [1]} : vector<16xi32> to vector<1xi32>
      %squeeze3A_105 = vector.extract %slice3A_104[0] : i32 from vector<1xi32>
      %mul3A_106 = arith.constant 16 : i32
      %mul3A_107 = arith.muli %scan3A_85, %mul3A_106 : i32
      %add3A_108 = arith.constant 1 : i32
      %add3A_109 = arith.addi %mul3A_107, %add3A_108 : i32
      %dma_start3A_110 = arith.constant 0 : i32
      %dma_start3A_111 = tpu.memref_slice %arg8[%add3A_109, %dma_start3A_110] : memref<128x32xf32, #tpu.memory_space<vmem>> -> memref<1x32xf32, #tpu.memory_space<vmem>>
      %dma_start3A_112 = arith.constant 0 : i32
      %dma_start3A_113 = tpu.memref_slice %arg5[%squeeze3A_105, %dma_start3A_112] : memref<100000x32xf32, #tpu.memory_space<hbm>> -> memref<1x32xf32, #tpu.memory_space<hbm>>
      %dma_start3A_114 = arith.constant 0 : i32
      %dma_start3A_115 = tpu.memref_slice %arg8[%add3A_109, %dma_start3A_114] : memref<128x32xf32, #tpu.memory_space<vmem>> -> memref<1x32xf32, #tpu.memory_space<vmem>>
      %dma_start3A_116 = arith.constant 0 : i32
      %dma_start3A_117 = tpu.memref_slice %arg5[%squeeze3A_105, %dma_start3A_116] : memref<100000x32xf32, #tpu.memory_space<hbm>> -> memref<1x32xf32, #tpu.memory_space<hbm>>
      tpu.enqueue_dma source(%dma_start3A_117 : memref<1x32xf32, #tpu.memory_space<hbm>>) target(%dma_start3A_115 : memref<1x32xf32, #tpu.memory_space<vmem>>) target_semaphore(%arg13 : memref<!tpu.dma_semaphore, #tpu.memory_space<semaphore_mem>>)
      %slice3A_118 = vector.extract_strided_slice %get3A_91 {offsets = [2], sizes = [1], strides = [1]} : vector<16xi32> to vector<1xi32>
      %squeeze3A_119 = vector.extract %slice3A_118[0] : i32 from vector<1xi32>
      %mul3A_120 = arith.constant 16 : i32
      %mul3A_121 = arith.muli %scan3A_85, %mul3A_120 : i32
      %add3A_122 = arith.constant 2 : i32
      %add3A_123 = arith.addi %mul3A_121, %add3A_122 : i32
      %dma_start3A_124 = arith.constant 0 : i32
      %dma_start3A_125 = tpu.memref_slice %arg8[%add3A_123, %dma_start3A_124] : memref<128x32xf32, #tpu.memory_space<vmem>> -> memref<1x32xf32, #tpu.memory_space<vmem>>
      %dma_start3A_126 = arith.constant 0 : i32
      %dma_start3A_127 = tpu.memref_slice %arg5[%squeeze3A_119, %dma_start3A_126] : memref<100000x32xf32, #tpu.memory_space<hbm>> -> memref<1x32xf32, #tpu.memory_space<hbm>>
      %dma_start3A_128 = arith.constant 0 : i32
      %dma_start3A_129 = tpu.memref_slice %arg8[%add3A_123, %dma_start3A_128] : memref<128x32xf32, #tpu.memory_space<vmem>> -> memref<1x32xf32, #tpu.memory_space<vmem>>
      %dma_start3A_130 = arith.constant 0 : i32
      %dma_start3A_131 = tpu.memref_slice %arg5[%squeeze3A_119, %dma_start3A_130] : memref<100000x32xf32, #tpu.memory_space<hbm>> -> memref<1x32xf32, #tpu.memory_space<hbm>>
      tpu.enqueue_dma source(%dma_start3A_131 : memref<1x32xf32, #tpu.memory_space<hbm>>) target(%dma_start3A_129 : memref<1x32xf32, #tpu.memory_space<vmem>>) target_semaphore(%arg13 : memref<!tpu.dma_semaphore, #tpu.memory_space<semaphore_mem>>)
      %slice3A_132 = vector.extract_strided_slice %get3A_91 {offsets = [3], sizes = [1], strides = [1]} : vector<16xi32> to vector<1xi32>
      %squeeze3A_133 = vector.extract %slice3A_132[0] : i32 from vector<1xi32>
      %mul3A_134 = arith.constant 16 : i32
      %mul3A_135 = arith.muli %scan3A_85, %mul3A_134 : i32
      %add3A_136 = arith.constant 3 : i32
      %add3A_137 = arith.addi %mul3A_135, %add3A_136 : i32
      %dma_start3A_138 = arith.constant 0 : i32
      %dma_start3A_139 = tpu.memref_slice %arg8[%add3A_137, %dma_start3A_138] : memref<128x32xf32, #tpu.memory_space<vmem>> -> memref<1x32xf32, #tpu.memory_space<vmem>>
      %dma_start3A_140 = arith.constant 0 : i32
      %dma_start3A_141 = tpu.memref_slice %arg5[%squeeze3A_133, %dma_start3A_140] : memref<100000x32xf32, #tpu.memory_space<hbm>> -> memref<1x32xf32, #tpu.memory_space<hbm>>
      %dma_start3A_142 = arith.constant 0 : i32
      %dma_start3A_143 = tpu.memref_slice %arg8[%add3A_137, %dma_start3A_142] : memref<128x32xf32, #tpu.memory_space<vmem>> -> memref<1x32xf32, #tpu.memory_space<vmem>>
      %dma_start3A_144 = arith.constant 0 : i32
      %dma_start3A_145 = tpu.memref_slice %arg5[%squeeze3A_133, %dma_start3A_144] : memref<100000x32xf32, #tpu.memory_space<hbm>> -> memref<1x32xf32, #tpu.memory_space<hbm>>
      tpu.enqueue_dma source(%dma_start3A_145 : memref<1x32xf32, #tpu.memory_space<hbm>>) target(%dma_start3A_143 : memref<1x32xf32, #tpu.memory_space<vmem>>) target_semaphore(%arg13 : memref<!tpu.dma_semaphore, #tpu.memory_space<semaphore_mem>>)
      %slice3A_146 = vector.extract_strided_slice %get3A_91 {offsets = [4], sizes = [1], strides = [1]} : vector<16xi32> to vector<1xi32>
      %squeeze3A_147 = vector.extract %slice3A_146[0] : i32 from vector<1xi32>
      %mul3A_148 = arith.constant 16 : i32
      %mul3A_149 = arith.muli %scan3A_85, %mul3A_148 : i32
      %add3A_150 = arith.constant 4 : i32
      %add3A_151 = arith.addi %mul3A_149, %add3A_150 : i32
      %dma_start3A_152 = arith.constant 0 : i32
      %dma_start3A_153 = tpu.memref_slice %arg8[%add3A_151, %dma_start3A_152] : memref<128x32xf32, #tpu.memory_space<vmem>> -> memref<1x32xf32, #tpu.memory_space<vmem>>
      %dma_start3A_154 = arith.constant 0 : i32
      %dma_start3A_155 = tpu.memref_slice %arg5[%squeeze3A_147, %dma_start3A_154] : memref<100000x32xf32, #tpu.memory_space<hbm>> -> memref<1x32xf32, #tpu.memory_space<hbm>>
      %dma_start3A_156 = arith.constant 0 : i32
      %dma_start3A_157 = tpu.memref_slice %arg8[%add3A_151, %dma_start3A_156] : memref<128x32xf32, #tpu.memory_space<vmem>> -> memref<1x32xf32, #tpu.memory_space<vmem>>
      %dma_start3A_158 = arith.constant 0 : i32
      %dma_start3A_159 = tpu.memref_slice %arg5[%squeeze3A_147, %dma_start3A_158] : memref<100000x32xf32, #tpu.memory_space<hbm>> -> memref<1x32xf32, #tpu.memory_space<hbm>>
      tpu.enqueue_dma source(%dma_start3A_159 : memref<1x32xf32, #tpu.memory_space<hbm>>) target(%dma_start3A_157 : memref<1x32xf32, #tpu.memory_space<vmem>>) target_semaphore(%arg13 : memref<!tpu.dma_semaphore, #tpu.memory_space<semaphore_mem>>)
      %slice3A_160 = vector.extract_strided_slice %get3A_91 {offsets = [5], sizes = [1], strides = [1]} : vector<16xi32> to vector<1xi32>
      %squeeze3A_161 = vector.extract %slice3A_160[0] : i32 from vector<1xi32>
      %mul3A_162 = arith.constant 16 : i32
      %mul3A_163 = arith.muli %scan3A_85, %mul3A_162 : i32
      %add3A_164 = arith.constant 5 : i32
      %add3A_165 = arith.addi %mul3A_163, %add3A_164 : i32
      %dma_start3A_166 = arith.constant 0 : i32
      %dma_start3A_167 = tpu.memref_slice %arg8[%add3A_165, %dma_start3A_166] : memref<128x32xf32, #tpu.memory_space<vmem>> -> memref<1x32xf32, #tpu.memory_space<vmem>>
      %dma_start3A_168 = arith.constant 0 : i32
      %dma_start3A_169 = tpu.memref_slice %arg5[%squeeze3A_161, %dma_start3A_168] : memref<100000x32xf32, #tpu.memory_space<hbm>> -> memref<1x32xf32, #tpu.memory_space<hbm>>
      %dma_start3A_170 = arith.constant 0 : i32
      %dma_start3A_171 = tpu.memref_slice %arg8[%add3A_165, %dma_start3A_170] : memref<128x32xf32, #tpu.memory_space<vmem>> -> memref<1x32xf32, #tpu.memory_space<vmem>>
      %dma_start3A_172 = arith.constant 0 : i32
      %dma_start3A_173 = tpu.memref_slice %arg5[%squeeze3A_161, %dma_start3A_172] : memref<100000x32xf32, #tpu.memory_space<hbm>> -> memref<1x32xf32, #tpu.memory_space<hbm>>
      tpu.enqueue_dma source(%dma_start3A_173 : memref<1x32xf32, #tpu.memory_space<hbm>>) target(%dma_start3A_171 : memref<1x32xf32, #tpu.memory_space<vmem>>) target_semaphore(%arg13 : memref<!tpu.dma_semaphore, #tpu.memory_space<semaphore_mem>>)
      %slice3A_174 = vector.extract_strided_slice %get3A_91 {offsets = [6], sizes = [1], strides = [1]} : vector<16xi32> to vector<1xi32>
      %squeeze3A_175 = vector.extract %slice3A_174[0] : i32 from vector<1xi32>
      %mul3A_176 = arith.constant 16 : i32
      %mul3A_177 = arith.muli %scan3A_85, %mul3A_176 : i32
      %add3A_178 = arith.constant 6 : i32
      %add3A_179 = arith.addi %mul3A_177, %add3A_178 : i32
      %dma_start3A_180 = arith.constant 0 : i32
      %dma_start3A_181 = tpu.memref_slice %arg8[%add3A_179, %dma_start3A_180] : memref<128x32xf32, #tpu.memory_space<vmem>> -> memref<1x32xf32, #tpu.memory_space<vmem>>
      %dma_start3A_182 = arith.constant 0 : i32
      %dma_start3A_183 = tpu.memref_slice %arg5[%squeeze3A_175, %dma_start3A_182] : memref<100000x32xf32, #tpu.memory_space<hbm>> -> memref<1x32xf32, #tpu.memory_space<hbm>>
      %dma_start3A_184 = arith.constant 0 : i32
      %dma_start3A_185 = tpu.memref_slice %arg8[%add3A_179, %dma_start3A_184] : memref<128x32xf32, #tpu.memory_space<vmem>> -> memref<1x32xf32, #tpu.memory_space<vmem>>
      %dma_start3A_186 = arith.constant 0 : i32
      %dma_start3A_187 = tpu.memref_slice %arg5[%squeeze3A_175, %dma_start3A_186] : memref<100000x32xf32, #tpu.memory_space<hbm>> -> memref<1x32xf32, #tpu.memory_space<hbm>>
      tpu.enqueue_dma source(%dma_start3A_187 : memref<1x32xf32, #tpu.memory_space<hbm>>) target(%dma_start3A_185 : memref<1x32xf32, #tpu.memory_space<vmem>>) target_semaphore(%arg13 : memref<!tpu.dma_semaphore, #tpu.memory_space<semaphore_mem>>)
      %slice3A_188 = vector.extract_strided_slice %get3A_91 {offsets = [7], sizes = [1], strides = [1]} : vector<16xi32> to vector<1xi32>
      %squeeze3A_189 = vector.extract %slice3A_188[0] : i32 from vector<1xi32>
      %mul3A_190 = arith.constant 16 : i32
      %mul3A_191 = arith.muli %scan3A_85, %mul3A_190 : i32
      %add3A_192 = arith.constant 7 : i32
      %add3A_193 = arith.addi %mul3A_191, %add3A_192 : i32
      %dma_start3A_194 = arith.constant 0 : i32
      %dma_start3A_195 = tpu.memref_slice %arg8[%add3A_193, %dma_start3A_194] : memref<128x32xf32, #tpu.memory_space<vmem>> -> memref<1x32xf32, #tpu.memory_space<vmem>>
      %dma_start3A_196 = arith.constant 0 : i32
      %dma_start3A_197 = tpu.memref_slice %arg5[%squeeze3A_189, %dma_start3A_196] : memref<100000x32xf32, #tpu.memory_space<hbm>> -> memref<1x32xf32, #tpu.memory_space<hbm>>
      %dma_start3A_198 = arith.constant 0 : i32
      %dma_start3A_199 = tpu.memref_slice %arg8[%add3A_193, %dma_start3A_198] : memref<128x32xf32, #tpu.memory_space<vmem>> -> memref<1x32xf32, #tpu.memory_space<vmem>>
      %dma_start3A_200 = arith.constant 0 : i32
      %dma_start3A_201 = tpu.memref_slice %arg5[%squeeze3A_189, %dma_start3A_200] : memref<100000x32xf32, #tpu.memory_space<hbm>> -> memref<1x32xf32, #tpu.memory_space<hbm>>
      tpu.enqueue_dma source(%dma_start3A_201 : memref<1x32xf32, #tpu.memory_space<hbm>>) target(%dma_start3A_199 : memref<1x32xf32, #tpu.memory_space<vmem>>) target_semaphore(%arg13 : memref<!tpu.dma_semaphore, #tpu.memory_space<semaphore_mem>>)
      %slice3A_202 = vector.extract_strided_slice %get3A_91 {offsets = [8], sizes = [1], strides = [1]} : vector<16xi32> to vector<1xi32>
      %squeeze3A_203 = vector.extract %slice3A_202[0] : i32 from vector<1xi32>
      %mul3A_204 = arith.constant 16 : i32
      %mul3A_205 = arith.muli %scan3A_85, %mul3A_204 : i32
      %add3A_206 = arith.constant 8 : i32
      %add3A_207 = arith.addi %mul3A_205, %add3A_206 : i32
      %dma_start3A_208 = arith.constant 0 : i32
      %dma_start3A_209 = tpu.memref_slice %arg8[%add3A_207, %dma_start3A_208] : memref<128x32xf32, #tpu.memory_space<vmem>> -> memref<1x32xf32, #tpu.memory_space<vmem>>
      %dma_start3A_210 = arith.constant 0 : i32
      %dma_start3A_211 = tpu.memref_slice %arg5[%squeeze3A_203, %dma_start3A_210] : memref<100000x32xf32, #tpu.memory_space<hbm>> -> memref<1x32xf32, #tpu.memory_space<hbm>>
      %dma_start3A_212 = arith.constant 0 : i32
      %dma_start3A_213 = tpu.memref_slice %arg8[%add3A_207, %dma_start3A_212] : memref<128x32xf32, #tpu.memory_space<vmem>> -> memref<1x32xf32, #tpu.memory_space<vmem>>
      %dma_start3A_214 = arith.constant 0 : i32
      %dma_start3A_215 = tpu.memref_slice %arg5[%squeeze3A_203, %dma_start3A_214] : memref<100000x32xf32, #tpu.memory_space<hbm>> -> memref<1x32xf32, #tpu.memory_space<hbm>>
      tpu.enqueue_dma source(%dma_start3A_215 : memref<1x32xf32, #tpu.memory_space<hbm>>) target(%dma_start3A_213 : memref<1x32xf32, #tpu.memory_space<vmem>>) target_semaphore(%arg13 : memref<!tpu.dma_semaphore, #tpu.memory_space<semaphore_mem>>)
      %slice3A_216 = vector.extract_strided_slice %get3A_91 {offsets = [9], sizes = [1], strides = [1]} : vector<16xi32> to vector<1xi32>
      %squeeze3A_217 = vector.extract %slice3A_216[0] : i32 from vector<1xi32>
      %mul3A_218 = arith.constant 16 : i32
      %mul3A_219 = arith.muli %scan3A_85, %mul3A_218 : i32
      %add3A_220 = arith.constant 9 : i32
      %add3A_221 = arith.addi %mul3A_219, %add3A_220 : i32
      %dma_start3A_222 = arith.constant 0 : i32
      %dma_start3A_223 = tpu.memref_slice %arg8[%add3A_221, %dma_start3A_222] : memref<128x32xf32, #tpu.memory_space<vmem>> -> memref<1x32xf32, #tpu.memory_space<vmem>>
      %dma_start3A_224 = arith.constant 0 : i32
      %dma_start3A_225 = tpu.memref_slice %arg5[%squeeze3A_217, %dma_start3A_224] : memref<100000x32xf32, #tpu.memory_space<hbm>> -> memref<1x32xf32, #tpu.memory_space<hbm>>
      %dma_start3A_226 = arith.constant 0 : i32
      %dma_start3A_227 = tpu.memref_slice %arg8[%add3A_221, %dma_start3A_226] : memref<128x32xf32, #tpu.memory_space<vmem>> -> memref<1x32xf32, #tpu.memory_space<vmem>>
      %dma_start3A_228 = arith.constant 0 : i32
      %dma_start3A_229 = tpu.memref_slice %arg5[%squeeze3A_217, %dma_start3A_228] : memref<100000x32xf32, #tpu.memory_space<hbm>> -> memref<1x32xf32, #tpu.memory_space<hbm>>
      tpu.enqueue_dma source(%dma_start3A_229 : memref<1x32xf32, #tpu.memory_space<hbm>>) target(%dma_start3A_227 : memref<1x32xf32, #tpu.memory_space<vmem>>) target_semaphore(%arg13 : memref<!tpu.dma_semaphore, #tpu.memory_space<semaphore_mem>>)
      %slice3A_230 = vector.extract_strided_slice %get3A_91 {offsets = [10], sizes = [1], strides = [1]} : vector<16xi32> to vector<1xi32>
      %squeeze3A_231 = vector.extract %slice3A_230[0] : i32 from vector<1xi32>
      %mul3A_232 = arith.constant 16 : i32
      %mul3A_233 = arith.muli %scan3A_85, %mul3A_232 : i32
      %add3A_234 = arith.constant 10 : i32
      %add3A_235 = arith.addi %mul3A_233, %add3A_234 : i32
      %dma_start3A_236 = arith.constant 0 : i32
      %dma_start3A_237 = tpu.memref_slice %arg8[%add3A_235, %dma_start3A_236] : memref<128x32xf32, #tpu.memory_space<vmem>> -> memref<1x32xf32, #tpu.memory_space<vmem>>
      %dma_start3A_238 = arith.constant 0 : i32
      %dma_start3A_239 = tpu.memref_slice %arg5[%squeeze3A_231, %dma_start3A_238] : memref<100000x32xf32, #tpu.memory_space<hbm>> -> memref<1x32xf32, #tpu.memory_space<hbm>>
      %dma_start3A_240 = arith.constant 0 : i32
      %dma_start3A_241 = tpu.memref_slice %arg8[%add3A_235, %dma_start3A_240] : memref<128x32xf32, #tpu.memory_space<vmem>> -> memref<1x32xf32, #tpu.memory_space<vmem>>
      %dma_start3A_242 = arith.constant 0 : i32
      %dma_start3A_243 = tpu.memref_slice %arg5[%squeeze3A_231, %dma_start3A_242] : memref<100000x32xf32, #tpu.memory_space<hbm>> -> memref<1x32xf32, #tpu.memory_space<hbm>>
      tpu.enqueue_dma source(%dma_start3A_243 : memref<1x32xf32, #tpu.memory_space<hbm>>) target(%dma_start3A_241 : memref<1x32xf32, #tpu.memory_space<vmem>>) target_semaphore(%arg13 : memref<!tpu.dma_semaphore, #tpu.memory_space<semaphore_mem>>)
      %slice3A_244 = vector.extract_strided_slice %get3A_91 {offsets = [11], sizes = [1], strides = [1]} : vector<16xi32> to vector<1xi32>
      %squeeze3A_245 = vector.extract %slice3A_244[0] : i32 from vector<1xi32>
      %mul3A_246 = arith.constant 16 : i32
      %mul3A_247 = arith.muli %scan3A_85, %mul3A_246 : i32
      %add3A_248 = arith.constant 11 : i32
      %add3A_249 = arith.addi %mul3A_247, %add3A_248 : i32
      %dma_start3A_250 = arith.constant 0 : i32
      %dma_start3A_251 = tpu.memref_slice %arg8[%add3A_249, %dma_start3A_250] : memref<128x32xf32, #tpu.memory_space<vmem>> -> memref<1x32xf32, #tpu.memory_space<vmem>>
      %dma_start3A_252 = arith.constant 0 : i32
      %dma_start3A_253 = tpu.memref_slice %arg5[%squeeze3A_245, %dma_start3A_252] : memref<100000x32xf32, #tpu.memory_space<hbm>> -> memref<1x32xf32, #tpu.memory_space<hbm>>
      %dma_start3A_254 = arith.constant 0 : i32
      %dma_start3A_255 = tpu.memref_slice %arg8[%add3A_249, %dma_start3A_254] : memref<128x32xf32, #tpu.memory_space<vmem>> -> memref<1x32xf32, #tpu.memory_space<vmem>>
      %dma_start3A_256 = arith.constant 0 : i32
      %dma_start3A_257 = tpu.memref_slice %arg5[%squeeze3A_245, %dma_start3A_256] : memref<100000x32xf32, #tpu.memory_space<hbm>> -> memref<1x32xf32, #tpu.memory_space<hbm>>
      tpu.enqueue_dma source(%dma_start3A_257 : memref<1x32xf32, #tpu.memory_space<hbm>>) target(%dma_start3A_255 : memref<1x32xf32, #tpu.memory_space<vmem>>) target_semaphore(%arg13 : memref<!tpu.dma_semaphore, #tpu.memory_space<semaphore_mem>>)
      %slice3A_258 = vector.extract_strided_slice %get3A_91 {offsets = [12], sizes = [1], strides = [1]} : vector<16xi32> to vector<1xi32>
      %squeeze3A_259 = vector.extract %slice3A_258[0] : i32 from vector<1xi32>
      %mul3A_260 = arith.constant 16 : i32
      %mul3A_261 = arith.muli %scan3A_85, %mul3A_260 : i32
      %add3A_262 = arith.constant 12 : i32
      %add3A_263 = arith.addi %mul3A_261, %add3A_262 : i32
      %dma_start3A_264 = arith.constant 0 : i32
      %dma_start3A_265 = tpu.memref_slice %arg8[%add3A_263, %dma_start3A_264] : memref<128x32xf32, #tpu.memory_space<vmem>> -> memref<1x32xf32, #tpu.memory_space<vmem>>
      %dma_start3A_266 = arith.constant 0 : i32
      %dma_start3A_267 = tpu.memref_slice %arg5[%squeeze3A_259, %dma_start3A_266] : memref<100000x32xf32, #tpu.memory_space<hbm>> -> memref<1x32xf32, #tpu.memory_space<hbm>>
      %dma_start3A_268 = arith.constant 0 : i32
      %dma_start3A_269 = tpu.memref_slice %arg8[%add3A_263, %dma_start3A_268] : memref<128x32xf32, #tpu.memory_space<vmem>> -> memref<1x32xf32, #tpu.memory_space<vmem>>
      %dma_start3A_270 = arith.constant 0 : i32
      %dma_start3A_271 = tpu.memref_slice %arg5[%squeeze3A_259, %dma_start3A_270] : memref<100000x32xf32, #tpu.memory_space<hbm>> -> memref<1x32xf32, #tpu.memory_space<hbm>>
      tpu.enqueue_dma source(%dma_start3A_271 : memref<1x32xf32, #tpu.memory_space<hbm>>) target(%dma_start3A_269 : memref<1x32xf32, #tpu.memory_space<vmem>>) target_semaphore(%arg13 : memref<!tpu.dma_semaphore, #tpu.memory_space<semaphore_mem>>)
      %slice3A_272 = vector.extract_strided_slice %get3A_91 {offsets = [13], sizes = [1], strides = [1]} : vector<16xi32> to vector<1xi32>
      %squeeze3A_273 = vector.extract %slice3A_272[0] : i32 from vector<1xi32>
      %mul3A_274 = arith.constant 16 : i32
      %mul3A_275 = arith.muli %scan3A_85, %mul3A_274 : i32
      %add3A_276 = arith.constant 13 : i32
      %add3A_277 = arith.addi %mul3A_275, %add3A_276 : i32
      %dma_start3A_278 = arith.constant 0 : i32
      %dma_start3A_279 = tpu.memref_slice %arg8[%add3A_277, %dma_start3A_278] : memref<128x32xf32, #tpu.memory_space<vmem>> -> memref<1x32xf32, #tpu.memory_space<vmem>>
      %dma_start3A_280 = arith.constant 0 : i32
      %dma_start3A_281 = tpu.memref_slice %arg5[%squeeze3A_273, %dma_start3A_280] : memref<100000x32xf32, #tpu.memory_space<hbm>> -> memref<1x32xf32, #tpu.memory_space<hbm>>
      %dma_start3A_282 = arith.constant 0 : i32
      %dma_start3A_283 = tpu.memref_slice %arg8[%add3A_277, %dma_start3A_282] : memref<128x32xf32, #tpu.memory_space<vmem>> -> memref<1x32xf32, #tpu.memory_space<vmem>>
      %dma_start3A_284 = arith.constant 0 : i32
      %dma_start3A_285 = tpu.memref_slice %arg5[%squeeze3A_273, %dma_start3A_284] : memref<100000x32xf32, #tpu.memory_space<hbm>> -> memref<1x32xf32, #tpu.memory_space<hbm>>
      tpu.enqueue_dma source(%dma_start3A_285 : memref<1x32xf32, #tpu.memory_space<hbm>>) target(%dma_start3A_283 : memref<1x32xf32, #tpu.memory_space<vmem>>) target_semaphore(%arg13 : memref<!tpu.dma_semaphore, #tpu.memory_space<semaphore_mem>>)
      %slice3A_286 = vector.extract_strided_slice %get3A_91 {offsets = [14], sizes = [1], strides = [1]} : vector<16xi32> to vector<1xi32>
      %squeeze3A_287 = vector.extract %slice3A_286[0] : i32 from vector<1xi32>
      %mul3A_288 = arith.constant 16 : i32
      %mul3A_289 = arith.muli %scan3A_85, %mul3A_288 : i32
      %add3A_290 = arith.constant 14 : i32
      %add3A_291 = arith.addi %mul3A_289, %add3A_290 : i32
      %dma_start3A_292 = arith.constant 0 : i32
      %dma_start3A_293 = tpu.memref_slice %arg8[%add3A_291, %dma_start3A_292] : memref<128x32xf32, #tpu.memory_space<vmem>> -> memref<1x32xf32, #tpu.memory_space<vmem>>
      %dma_start3A_294 = arith.constant 0 : i32
      %dma_start3A_295 = tpu.memref_slice %arg5[%squeeze3A_287, %dma_start3A_294] : memref<100000x32xf32, #tpu.memory_space<hbm>> -> memref<1x32xf32, #tpu.memory_space<hbm>>
      %dma_start3A_296 = arith.constant 0 : i32
      %dma_start3A_297 = tpu.memref_slice %arg8[%add3A_291, %dma_start3A_296] : memref<128x32xf32, #tpu.memory_space<vmem>> -> memref<1x32xf32, #tpu.memory_space<vmem>>
      %dma_start3A_298 = arith.constant 0 : i32
      %dma_start3A_299 = tpu.memref_slice %arg5[%squeeze3A_287, %dma_start3A_298] : memref<100000x32xf32, #tpu.memory_space<hbm>> -> memref<1x32xf32, #tpu.memory_space<hbm>>
      tpu.enqueue_dma source(%dma_start3A_299 : memref<1x32xf32, #tpu.memory_space<hbm>>) target(%dma_start3A_297 : memref<1x32xf32, #tpu.memory_space<vmem>>) target_semaphore(%arg13 : memref<!tpu.dma_semaphore, #tpu.memory_space<semaphore_mem>>)
      %slice3A_300 = vector.extract_strided_slice %get3A_91 {offsets = [15], sizes = [1], strides = [1]} : vector<16xi32> to vector<1xi32>
      %squeeze3A_301 = vector.extract %slice3A_300[0] : i32 from vector<1xi32>
      %mul3A_302 = arith.constant 16 : i32
      %mul3A_303 = arith.muli %scan3A_85, %mul3A_302 : i32
      %add3A_304 = arith.constant 15 : i32
      %add3A_305 = arith.addi %mul3A_303, %add3A_304 : i32
      %dma_start3A_306 = arith.constant 0 : i32
      %dma_start3A_307 = tpu.memref_slice %arg8[%add3A_305, %dma_start3A_306] : memref<128x32xf32, #tpu.memory_space<vmem>> -> memref<1x32xf32, #tpu.memory_space<vmem>>
      %dma_start3A_308 = arith.constant 0 : i32
      %dma_start3A_309 = tpu.memref_slice %arg5[%squeeze3A_301, %dma_start3A_308] : memref<100000x32xf32, #tpu.memory_space<hbm>> -> memref<1x32xf32, #tpu.memory_space<hbm>>
      %dma_start3A_310 = arith.constant 0 : i32
      %dma_start3A_311 = tpu.memref_slice %arg8[%add3A_305, %dma_start3A_310] : memref<128x32xf32, #tpu.memory_space<vmem>> -> memref<1x32xf32, #tpu.memory_space<vmem>>
      %dma_start3A_312 = arith.constant 0 : i32
      %dma_start3A_313 = tpu.memref_slice %arg5[%squeeze3A_301, %dma_start3A_312] : memref<100000x32xf32, #tpu.memory_space<hbm>> -> memref<1x32xf32, #tpu.memory_space<hbm>>
      tpu.enqueue_dma source(%dma_start3A_313 : memref<1x32xf32, #tpu.memory_space<hbm>>) target(%dma_start3A_311 : memref<1x32xf32, #tpu.memory_space<vmem>>) target_semaphore(%arg13 : memref<!tpu.dma_semaphore, #tpu.memory_space<semaphore_mem>>)
    }
    %scan3A_27 = arith.constant 8 : i32
    %dma_wait3A_28 = arith.constant 0 : i32
    %dma_wait3A_29 = arith.constant 0 : i32
    %dma_wait3A_30 = tpu.memref_slice %arg5[%dma_wait3A_28, %dma_wait3A_29] : memref<100000x32xf32, #tpu.memory_space<hbm>> -> memref<128x32xf32, #tpu.memory_space<hbm>>
    %dma_wait3A_31 = arith.constant 0 : i32
    %dma_wait3A_32 = arith.constant 0 : i32
    %dma_wait3A_33 = tpu.memref_slice %arg5[%dma_wait3A_31, %dma_wait3A_32] : memref<100000x32xf32, #tpu.memory_space<hbm>> -> memref<128x32xf32, #tpu.memory_space<hbm>>
    tpu.wait_dma2 semaphore(%arg13 : memref<!tpu.dma_semaphore, #tpu.memory_space<semaphore_mem>>) src(%dma_wait3A_33 : memref<128x32xf32, #tpu.memory_space<hbm>>) dst(%arg8 : memref<128x32xf32, #tpu.memory_space<vmem>>)
    %scan3A_34 = arith.constant 0 : i32
    %scan3A_35 = arith.constant 0 : i32
    %scan3A_36 = arith.constant 128 : i32
    %scan3A_37 = arith.addi %scan3A_35, %scan3A_36 : i32
    %scan3A_38 = arith.constant 1 : i32
    scf.for %scan3A_85 = %scan3A_35 to %scan3A_37 step %scan3A_38  : i32 {
      %add3A_86 = arith.constant 128 : i32
      %add3A_87 = arith.addi %add3A_86, %scan3A_85 : i32
      %mul3A_88 = arith.constant 32 : i32
      %mul3A_89 = arith.muli %add3A_87, %mul3A_88 : i32
      %get3A_90 = arith.index_cast %scan3A_85 : i32 to index
      %get3A_91 = arith.constant 0 : index
      %get3A_92 = tpu.vector_load %arg8[%get3A_90, %get3A_91] {strides = array<i32>} : memref<128x32xf32, #tpu.memory_space<vmem>>, vector<16xf32>,
      %add3A_93 = arith.constant 0 : i32
      %add3A_94 = arith.addi %mul3A_89, %add3A_93 : i32
      %swap3A = arith.index_cast %add3A_94 : i32 to index
      %swap3A_95 = tpu.vector_load %arg9[%swap3A] {strides = array<i32>} : memref<16384xf32, #tpu.memory_space<vmem>>, vector<16xf32>,
      tpu.vector_store %arg9[%swap3A], %get3A_92 {strides = array<i32>} : memref<16384xf32, #tpu.memory_space<vmem>>, vector<16xf32>,
      %get3A_96 = arith.index_cast %scan3A_85 : i32 to index
      %get3A_97 = arith.constant 16 : index
      %get3A_98 = tpu.vector_load %arg8[%get3A_96, %get3A_97] {strides = array<i32>} : memref<128x32xf32, #tpu.memory_space<vmem>>, vector<16xf32>,
      %add3A_99 = arith.constant 16 : i32
      %add3A_100 = arith.addi %mul3A_89, %add3A_99 : i32
      %swap3A_101 = arith.index_cast %add3A_100 : i32 to index
      %swap3A_102 = tpu.vector_load %arg9[%swap3A_101] {strides = array<i32>} : memref<16384xf32, #tpu.memory_space<vmem>>, vector<16xf32>,
      tpu.vector_store %arg9[%swap3A_101], %get3A_98 {strides = array<i32>} : memref<16384xf32, #tpu.memory_space<vmem>>, vector<16xf32>,
    }
    %scan3A_39 = arith.constant 128 : i32
    %scan3A_40 = arith.constant 0 : i32
    %scan3A_41 = arith.constant 0 : i32
    %scan3A_42 = arith.constant 8 : i32
    %scan3A_43 = arith.addi %scan3A_41, %scan3A_42 : i32
    %scan3A_44 = arith.constant 1 : i32
    scf.for %scan3A_85 = %scan3A_41 to %scan3A_43 step %scan3A_44  : i32 {
      %mul3A_86 = arith.constant 16 : i32
      %mul3A_87 = arith.muli %scan3A_85, %mul3A_86 : i32
      %add3A_88 = arith.constant 256 : i32
      %add3A_89 = arith.addi %add3A_88, %mul3A_87 : i32
      %get3A_90 = arith.index_cast %add3A_89 : i32 to index
      %get3A_91 = tpu.vector_load %arg7[%get3A_90] {strides = array<i32>} : memref<512xi32, #tpu.memory_space<vmem>>, vector<16xi32>,
      %slice3A = vector.extract_strided_slice %get3A_91 {offsets = [0], sizes = [1], strides = [1]} : vector<16xi32> to vector<1xi32>
      %squeeze3A = vector.extract %slice3A[0] : i32 from vector<1xi32>
      %mul3A_92 = arith.constant 16 : i32
      %mul3A_93 = arith.muli %scan3A_85, %mul3A_92 : i32
      %add3A_94 = arith.constant 0 : i32
      %add3A_95 = arith.addi %mul3A_93, %add3A_94 : i32
      %dma_start3A_96 = arith.constant 0 : i32
      %dma_start3A_97 = tpu.memref_slice %arg8[%add3A_95, %dma_start3A_96] : memref<128x32xf32, #tpu.memory_space<vmem>> -> memref<1x32xf32, #tpu.memory_space<vmem>>
      %dma_start3A_98 = arith.constant 0 : i32
      %dma_start3A_99 = tpu.memref_slice %arg5[%squeeze3A, %dma_start3A_98] : memref<100000x32xf32, #tpu.memory_space<hbm>> -> memref<1x32xf32, #tpu.memory_space<hbm>>
      %dma_start3A_100 = arith.constant 0 : i32
      %dma_start3A_101 = tpu.memref_slice %arg8[%add3A_95, %dma_start3A_100] : memref<128x32xf32, #tpu.memory_space<vmem>> -> memref<1x32xf32, #tpu.memory_space<vmem>>
      %dma_start3A_102 = arith.constant 0 : i32
      %dma_start3A_103 = tpu.memref_slice %arg5[%squeeze3A, %dma_start3A_102] : memref<100000x32xf32, #tpu.memory_space<hbm>> -> memref<1x32xf32, #tpu.memory_space<hbm>>
      tpu.enqueue_dma source(%dma_start3A_103 : memref<1x32xf32, #tpu.memory_space<hbm>>) target(%dma_start3A_101 : memref<1x32xf32, #tpu.memory_space<vmem>>) target_semaphore(%arg13 : memref<!tpu.dma_semaphore, #tpu.memory_space<semaphore_mem>>)
      %slice3A_104 = vector.extract_strided_slice %get3A_91 {offsets = [1], sizes = [1], strides = [1]} : vector<16xi32> to vector<1xi32>
      %squeeze3A_105 = vector.extract %slice3A_104[0] : i32 from vector<1xi32>
      %mul3A_106 = arith.constant 16 : i32
      %mul3A_107 = arith.muli %scan3A_85, %mul3A_106 : i32
      %add3A_108 = arith.constant 1 : i32
      %add3A_109 = arith.addi %mul3A_107, %add3A_108 : i32
      %dma_start3A_110 = arith.constant 0 : i32
      %dma_start3A_111 = tpu.memref_slice %arg8[%add3A_109, %dma_start3A_110] : memref<128x32xf32, #tpu.memory_space<vmem>> -> memref<1x32xf32, #tpu.memory_space<vmem>>
      %dma_start3A_112 = arith.constant 0 : i32
      %dma_start3A_113 = tpu.memref_slice %arg5[%squeeze3A_105, %dma_start3A_112] : memref<100000x32xf32, #tpu.memory_space<hbm>> -> memref<1x32xf32, #tpu.memory_space<hbm>>
      %dma_start3A_114 = arith.constant 0 : i32
      %dma_start3A_115 = tpu.memref_slice %arg8[%add3A_109, %dma_start3A_114] : memref<128x32xf32, #tpu.memory_space<vmem>> -> memref<1x32xf32, #tpu.memory_space<vmem>>
      %dma_start3A_116 = arith.constant 0 : i32
      %dma_start3A_117 = tpu.memref_slice %arg5[%squeeze3A_105, %dma_start3A_116] : memref<100000x32xf32, #tpu.memory_space<hbm>> -> memref<1x32xf32, #tpu.memory_space<hbm>>
      tpu.enqueue_dma source(%dma_start3A_117 : memref<1x32xf32, #tpu.memory_space<hbm>>) target(%dma_start3A_115 : memref<1x32xf32, #tpu.memory_space<vmem>>) target_semaphore(%arg13 : memref<!tpu.dma_semaphore, #tpu.memory_space<semaphore_mem>>)
      %slice3A_118 = vector.extract_strided_slice %get3A_91 {offsets = [2], sizes = [1], strides = [1]} : vector<16xi32> to vector<1xi32>
      %squeeze3A_119 = vector.extract %slice3A_118[0] : i32 from vector<1xi32>
      %mul3A_120 = arith.constant 16 : i32
      %mul3A_121 = arith.muli %scan3A_85, %mul3A_120 : i32
      %add3A_122 = arith.constant 2 : i32
      %add3A_123 = arith.addi %mul3A_121, %add3A_122 : i32
      %dma_start3A_124 = arith.constant 0 : i32
      %dma_start3A_125 = tpu.memref_slice %arg8[%add3A_123, %dma_start3A_124] : memref<128x32xf32, #tpu.memory_space<vmem>> -> memref<1x32xf32, #tpu.memory_space<vmem>>
      %dma_start3A_126 = arith.constant 0 : i32
      %dma_start3A_127 = tpu.memref_slice %arg5[%squeeze3A_119, %dma_start3A_126] : memref<100000x32xf32, #tpu.memory_space<hbm>> -> memref<1x32xf32, #tpu.memory_space<hbm>>
      %dma_start3A_128 = arith.constant 0 : i32
      %dma_start3A_129 = tpu.memref_slice %arg8[%add3A_123, %dma_start3A_128] : memref<128x32xf32, #tpu.memory_space<vmem>> -> memref<1x32xf32, #tpu.memory_space<vmem>>
      %dma_start3A_130 = arith.constant 0 : i32
      %dma_start3A_131 = tpu.memref_slice %arg5[%squeeze3A_119, %dma_start3A_130] : memref<100000x32xf32, #tpu.memory_space<hbm>> -> memref<1x32xf32, #tpu.memory_space<hbm>>
      tpu.enqueue_dma source(%dma_start3A_131 : memref<1x32xf32, #tpu.memory_space<hbm>>) target(%dma_start3A_129 : memref<1x32xf32, #tpu.memory_space<vmem>>) target_semaphore(%arg13 : memref<!tpu.dma_semaphore, #tpu.memory_space<semaphore_mem>>)
      %slice3A_132 = vector.extract_strided_slice %get3A_91 {offsets = [3], sizes = [1], strides = [1]} : vector<16xi32> to vector<1xi32>
      %squeeze3A_133 = vector.extract %slice3A_132[0] : i32 from vector<1xi32>
      %mul3A_134 = arith.constant 16 : i32
      %mul3A_135 = arith.muli %scan3A_85, %mul3A_134 : i32
      %add3A_136 = arith.constant 3 : i32
      %add3A_137 = arith.addi %mul3A_135, %add3A_136 : i32
      %dma_start3A_138 = arith.constant 0 : i32
      %dma_start3A_139 = tpu.memref_slice %arg8[%add3A_137, %dma_start3A_138] : memref<128x32xf32, #tpu.memory_space<vmem>> -> memref<1x32xf32, #tpu.memory_space<vmem>>
      %dma_start3A_140 = arith.constant 0 : i32
      %dma_start3A_141 = tpu.memref_slice %arg5[%squeeze3A_133, %dma_start3A_140] : memref<100000x32xf32, #tpu.memory_space<hbm>> -> memref<1x32xf32, #tpu.memory_space<hbm>>
      %dma_start3A_142 = arith.constant 0 : i32
      %dma_start3A_143 = tpu.memref_slice %arg8[%add3A_137, %dma_start3A_142] : memref<128x32xf32, #tpu.memory_space<vmem>> -> memref<1x32xf32, #tpu.memory_space<vmem>>
      %dma_start3A_144 = arith.constant 0 : i32
      %dma_start3A_145 = tpu.memref_slice %arg5[%squeeze3A_133, %dma_start3A_144] : memref<100000x32xf32, #tpu.memory_space<hbm>> -> memref<1x32xf32, #tpu.memory_space<hbm>>
      tpu.enqueue_dma source(%dma_start3A_145 : memref<1x32xf32, #tpu.memory_space<hbm>>) target(%dma_start3A_143 : memref<1x32xf32, #tpu.memory_space<vmem>>) target_semaphore(%arg13 : memref<!tpu.dma_semaphore, #tpu.memory_space<semaphore_mem>>)
      %slice3A_146 = vector.extract_strided_slice %get3A_91 {offsets = [4], sizes = [1], strides = [1]} : vector<16xi32> to vector<1xi32>
      %squeeze3A_147 = vector.extract %slice3A_146[0] : i32 from vector<1xi32>
      %mul3A_148 = arith.constant 16 : i32
      %mul3A_149 = arith.muli %scan3A_85, %mul3A_148 : i32
      %add3A_150 = arith.constant 4 : i32
      %add3A_151 = arith.addi %mul3A_149, %add3A_150 : i32
      %dma_start3A_152 = arith.constant 0 : i32
      %dma_start3A_153 = tpu.memref_slice %arg8[%add3A_151, %dma_start3A_152] : memref<128x32xf32, #tpu.memory_space<vmem>> -> memref<1x32xf32, #tpu.memory_space<vmem>>
      %dma_start3A_154 = arith.constant 0 : i32
      %dma_start3A_155 = tpu.memref_slice %arg5[%squeeze3A_147, %dma_start3A_154] : memref<100000x32xf32, #tpu.memory_space<hbm>> -> memref<1x32xf32, #tpu.memory_space<hbm>>
      %dma_start3A_156 = arith.constant 0 : i32
      %dma_start3A_157 = tpu.memref_slice %arg8[%add3A_151, %dma_start3A_156] : memref<128x32xf32, #tpu.memory_space<vmem>> -> memref<1x32xf32, #tpu.memory_space<vmem>>
      %dma_start3A_158 = arith.constant 0 : i32
      %dma_start3A_159 = tpu.memref_slice %arg5[%squeeze3A_147, %dma_start3A_158] : memref<100000x32xf32, #tpu.memory_space<hbm>> -> memref<1x32xf32, #tpu.memory_space<hbm>>
      tpu.enqueue_dma source(%dma_start3A_159 : memref<1x32xf32, #tpu.memory_space<hbm>>) target(%dma_start3A_157 : memref<1x32xf32, #tpu.memory_space<vmem>>) target_semaphore(%arg13 : memref<!tpu.dma_semaphore, #tpu.memory_space<semaphore_mem>>)
      %slice3A_160 = vector.extract_strided_slice %get3A_91 {offsets = [5], sizes = [1], strides = [1]} : vector<16xi32> to vector<1xi32>
      %squeeze3A_161 = vector.extract %slice3A_160[0] : i32 from vector<1xi32>
      %mul3A_162 = arith.constant 16 : i32
      %mul3A_163 = arith.muli %scan3A_85, %mul3A_162 : i32
      %add3A_164 = arith.constant 5 : i32
      %add3A_165 = arith.addi %mul3A_163, %add3A_164 : i32
      %dma_start3A_166 = arith.constant 0 : i32
      %dma_start3A_167 = tpu.memref_slice %arg8[%add3A_165, %dma_start3A_166] : memref<128x32xf32, #tpu.memory_space<vmem>> -> memref<1x32xf32, #tpu.memory_space<vmem>>
      %dma_start3A_168 = arith.constant 0 : i32
      %dma_start3A_169 = tpu.memref_slice %arg5[%squeeze3A_161, %dma_start3A_168] : memref<100000x32xf32, #tpu.memory_space<hbm>> -> memref<1x32xf32, #tpu.memory_space<hbm>>
      %dma_start3A_170 = arith.constant 0 : i32
      %dma_start3A_171 = tpu.memref_slice %arg8[%add3A_165, %dma_start3A_170] : memref<128x32xf32, #tpu.memory_space<vmem>> -> memref<1x32xf32, #tpu.memory_space<vmem>>
      %dma_start3A_172 = arith.constant 0 : i32
      %dma_start3A_173 = tpu.memref_slice %arg5[%squeeze3A_161, %dma_start3A_172] : memref<100000x32xf32, #tpu.memory_space<hbm>> -> memref<1x32xf32, #tpu.memory_space<hbm>>
      tpu.enqueue_dma source(%dma_start3A_173 : memref<1x32xf32, #tpu.memory_space<hbm>>) target(%dma_start3A_171 : memref<1x32xf32, #tpu.memory_space<vmem>>) target_semaphore(%arg13 : memref<!tpu.dma_semaphore, #tpu.memory_space<semaphore_mem>>)
      %slice3A_174 = vector.extract_strided_slice %get3A_91 {offsets = [6], sizes = [1], strides = [1]} : vector<16xi32> to vector<1xi32>
      %squeeze3A_175 = vector.extract %slice3A_174[0] : i32 from vector<1xi32>
      %mul3A_176 = arith.constant 16 : i32
      %mul3A_177 = arith.muli %scan3A_85, %mul3A_176 : i32
      %add3A_178 = arith.constant 6 : i32
      %add3A_179 = arith.addi %mul3A_177, %add3A_178 : i32
      %dma_start3A_180 = arith.constant 0 : i32
      %dma_start3A_181 = tpu.memref_slice %arg8[%add3A_179, %dma_start3A_180] : memref<128x32xf32, #tpu.memory_space<vmem>> -> memref<1x32xf32, #tpu.memory_space<vmem>>
      %dma_start3A_182 = arith.constant 0 : i32
      %dma_start3A_183 = tpu.memref_slice %arg5[%squeeze3A_175, %dma_start3A_182] : memref<100000x32xf32, #tpu.memory_space<hbm>> -> memref<1x32xf32, #tpu.memory_space<hbm>>
      %dma_start3A_184 = arith.constant 0 : i32
      %dma_start3A_185 = tpu.memref_slice %arg8[%add3A_179, %dma_start3A_184] : memref<128x32xf32, #tpu.memory_space<vmem>> -> memref<1x32xf32, #tpu.memory_space<vmem>>
      %dma_start3A_186 = arith.constant 0 : i32
      %dma_start3A_187 = tpu.memref_slice %arg5[%squeeze3A_175, %dma_start3A_186] : memref<100000x32xf32, #tpu.memory_space<hbm>> -> memref<1x32xf32, #tpu.memory_space<hbm>>
      tpu.enqueue_dma source(%dma_start3A_187 : memref<1x32xf32, #tpu.memory_space<hbm>>) target(%dma_start3A_185 : memref<1x32xf32, #tpu.memory_space<vmem>>) target_semaphore(%arg13 : memref<!tpu.dma_semaphore, #tpu.memory_space<semaphore_mem>>)
      %slice3A_188 = vector.extract_strided_slice %get3A_91 {offsets = [7], sizes = [1], strides = [1]} : vector<16xi32> to vector<1xi32>
      %squeeze3A_189 = vector.extract %slice3A_188[0] : i32 from vector<1xi32>
      %mul3A_190 = arith.constant 16 : i32
      %mul3A_191 = arith.muli %scan3A_85, %mul3A_190 : i32
      %add3A_192 = arith.constant 7 : i32
      %add3A_193 = arith.addi %mul3A_191, %add3A_192 : i32
      %dma_start3A_194 = arith.constant 0 : i32
      %dma_start3A_195 = tpu.memref_slice %arg8[%add3A_193, %dma_start3A_194] : memref<128x32xf32, #tpu.memory_space<vmem>> -> memref<1x32xf32, #tpu.memory_space<vmem>>
      %dma_start3A_196 = arith.constant 0 : i32
      %dma_start3A_197 = tpu.memref_slice %arg5[%squeeze3A_189, %dma_start3A_196] : memref<100000x32xf32, #tpu.memory_space<hbm>> -> memref<1x32xf32, #tpu.memory_space<hbm>>
      %dma_start3A_198 = arith.constant 0 : i32
      %dma_start3A_199 = tpu.memref_slice %arg8[%add3A_193, %dma_start3A_198] : memref<128x32xf32, #tpu.memory_space<vmem>> -> memref<1x32xf32, #tpu.memory_space<vmem>>
      %dma_start3A_200 = arith.constant 0 : i32
      %dma_start3A_201 = tpu.memref_slice %arg5[%squeeze3A_189, %dma_start3A_200] : memref<100000x32xf32, #tpu.memory_space<hbm>> -> memref<1x32xf32, #tpu.memory_space<hbm>>
      tpu.enqueue_dma source(%dma_start3A_201 : memref<1x32xf32, #tpu.memory_space<hbm>>) target(%dma_start3A_199 : memref<1x32xf32, #tpu.memory_space<vmem>>) target_semaphore(%arg13 : memref<!tpu.dma_semaphore, #tpu.memory_space<semaphore_mem>>)
      %slice3A_202 = vector.extract_strided_slice %get3A_91 {offsets = [8], sizes = [1], strides = [1]} : vector<16xi32> to vector<1xi32>
      %squeeze3A_203 = vector.extract %slice3A_202[0] : i32 from vector<1xi32>
      %mul3A_204 = arith.constant 16 : i32
      %mul3A_205 = arith.muli %scan3A_85, %mul3A_204 : i32
      %add3A_206 = arith.constant 8 : i32
      %add3A_207 = arith.addi %mul3A_205, %add3A_206 : i32
      %dma_start3A_208 = arith.constant 0 : i32
      %dma_start3A_209 = tpu.memref_slice %arg8[%add3A_207, %dma_start3A_208] : memref<128x32xf32, #tpu.memory_space<vmem>> -> memref<1x32xf32, #tpu.memory_space<vmem>>
      %dma_start3A_210 = arith.constant 0 : i32
      %dma_start3A_211 = tpu.memref_slice %arg5[%squeeze3A_203, %dma_start3A_210] : memref<100000x32xf32, #tpu.memory_space<hbm>> -> memref<1x32xf32, #tpu.memory_space<hbm>>
      %dma_start3A_212 = arith.constant 0 : i32
      %dma_start3A_213 = tpu.memref_slice %arg8[%add3A_207, %dma_start3A_212] : memref<128x32xf32, #tpu.memory_space<vmem>> -> memref<1x32xf32, #tpu.memory_space<vmem>>
      %dma_start3A_214 = arith.constant 0 : i32
      %dma_start3A_215 = tpu.memref_slice %arg5[%squeeze3A_203, %dma_start3A_214] : memref<100000x32xf32, #tpu.memory_space<hbm>> -> memref<1x32xf32, #tpu.memory_space<hbm>>
      tpu.enqueue_dma source(%dma_start3A_215 : memref<1x32xf32, #tpu.memory_space<hbm>>) target(%dma_start3A_213 : memref<1x32xf32, #tpu.memory_space<vmem>>) target_semaphore(%arg13 : memref<!tpu.dma_semaphore, #tpu.memory_space<semaphore_mem>>)
      %slice3A_216 = vector.extract_strided_slice %get3A_91 {offsets = [9], sizes = [1], strides = [1]} : vector<16xi32> to vector<1xi32>
      %squeeze3A_217 = vector.extract %slice3A_216[0] : i32 from vector<1xi32>
      %mul3A_218 = arith.constant 16 : i32
      %mul3A_219 = arith.muli %scan3A_85, %mul3A_218 : i32
      %add3A_220 = arith.constant 9 : i32
      %add3A_221 = arith.addi %mul3A_219, %add3A_220 : i32
      %dma_start3A_222 = arith.constant 0 : i32
      %dma_start3A_223 = tpu.memref_slice %arg8[%add3A_221, %dma_start3A_222] : memref<128x32xf32, #tpu.memory_space<vmem>> -> memref<1x32xf32, #tpu.memory_space<vmem>>
      %dma_start3A_224 = arith.constant 0 : i32
      %dma_start3A_225 = tpu.memref_slice %arg5[%squeeze3A_217, %dma_start3A_224] : memref<100000x32xf32, #tpu.memory_space<hbm>> -> memref<1x32xf32, #tpu.memory_space<hbm>>
      %dma_start3A_226 = arith.constant 0 : i32
      %dma_start3A_227 = tpu.memref_slice %arg8[%add3A_221, %dma_start3A_226] : memref<128x32xf32, #tpu.memory_space<vmem>> -> memref<1x32xf32, #tpu.memory_space<vmem>>
      %dma_start3A_228 = arith.constant 0 : i32
      %dma_start3A_229 = tpu.memref_slice %arg5[%squeeze3A_217, %dma_start3A_228] : memref<100000x32xf32, #tpu.memory_space<hbm>> -> memref<1x32xf32, #tpu.memory_space<hbm>>
      tpu.enqueue_dma source(%dma_start3A_229 : memref<1x32xf32, #tpu.memory_space<hbm>>) target(%dma_start3A_227 : memref<1x32xf32, #tpu.memory_space<vmem>>) target_semaphore(%arg13 : memref<!tpu.dma_semaphore, #tpu.memory_space<semaphore_mem>>)
      %slice3A_230 = vector.extract_strided_slice %get3A_91 {offsets = [10], sizes = [1], strides = [1]} : vector<16xi32> to vector<1xi32>
      %squeeze3A_231 = vector.extract %slice3A_230[0] : i32 from vector<1xi32>
      %mul3A_232 = arith.constant 16 : i32
      %mul3A_233 = arith.muli %scan3A_85, %mul3A_232 : i32
      %add3A_234 = arith.constant 10 : i32
      %add3A_235 = arith.addi %mul3A_233, %add3A_234 : i32
      %dma_start3A_236 = arith.constant 0 : i32
      %dma_start3A_237 = tpu.memref_slice %arg8[%add3A_235, %dma_start3A_236] : memref<128x32xf32, #tpu.memory_space<vmem>> -> memref<1x32xf32, #tpu.memory_space<vmem>>
      %dma_start3A_238 = arith.constant 0 : i32
      %dma_start3A_239 = tpu.memref_slice %arg5[%squeeze3A_231, %dma_start3A_238] : memref<100000x32xf32, #tpu.memory_space<hbm>> -> memref<1x32xf32, #tpu.memory_space<hbm>>
      %dma_start3A_240 = arith.constant 0 : i32
      %dma_start3A_241 = tpu.memref_slice %arg8[%add3A_235, %dma_start3A_240] : memref<128x32xf32, #tpu.memory_space<vmem>> -> memref<1x32xf32, #tpu.memory_space<vmem>>
      %dma_start3A_242 = arith.constant 0 : i32
      %dma_start3A_243 = tpu.memref_slice %arg5[%squeeze3A_231, %dma_start3A_242] : memref<100000x32xf32, #tpu.memory_space<hbm>> -> memref<1x32xf32, #tpu.memory_space<hbm>>
      tpu.enqueue_dma source(%dma_start3A_243 : memref<1x32xf32, #tpu.memory_space<hbm>>) target(%dma_start3A_241 : memref<1x32xf32, #tpu.memory_space<vmem>>) target_semaphore(%arg13 : memref<!tpu.dma_semaphore, #tpu.memory_space<semaphore_mem>>)
      %slice3A_244 = vector.extract_strided_slice %get3A_91 {offsets = [11], sizes = [1], strides = [1]} : vector<16xi32> to vector<1xi32>
      %squeeze3A_245 = vector.extract %slice3A_244[0] : i32 from vector<1xi32>
      %mul3A_246 = arith.constant 16 : i32
      %mul3A_247 = arith.muli %scan3A_85, %mul3A_246 : i32
      %add3A_248 = arith.constant 11 : i32
      %add3A_249 = arith.addi %mul3A_247, %add3A_248 : i32
      %dma_start3A_250 = arith.constant 0 : i32
      %dma_start3A_251 = tpu.memref_slice %arg8[%add3A_249, %dma_start3A_250] : memref<128x32xf32, #tpu.memory_space<vmem>> -> memref<1x32xf32, #tpu.memory_space<vmem>>
      %dma_start3A_252 = arith.constant 0 : i32
      %dma_start3A_253 = tpu.memref_slice %arg5[%squeeze3A_245, %dma_start3A_252] : memref<100000x32xf32, #tpu.memory_space<hbm>> -> memref<1x32xf32, #tpu.memory_space<hbm>>
      %dma_start3A_254 = arith.constant 0 : i32
      %dma_start3A_255 = tpu.memref_slice %arg8[%add3A_249, %dma_start3A_254] : memref<128x32xf32, #tpu.memory_space<vmem>> -> memref<1x32xf32, #tpu.memory_space<vmem>>
      %dma_start3A_256 = arith.constant 0 : i32
      %dma_start3A_257 = tpu.memref_slice %arg5[%squeeze3A_245, %dma_start3A_256] : memref<100000x32xf32, #tpu.memory_space<hbm>> -> memref<1x32xf32, #tpu.memory_space<hbm>>
      tpu.enqueue_dma source(%dma_start3A_257 : memref<1x32xf32, #tpu.memory_space<hbm>>) target(%dma_start3A_255 : memref<1x32xf32, #tpu.memory_space<vmem>>) target_semaphore(%arg13 : memref<!tpu.dma_semaphore, #tpu.memory_space<semaphore_mem>>)
      %slice3A_258 = vector.extract_strided_slice %get3A_91 {offsets = [12], sizes = [1], strides = [1]} : vector<16xi32> to vector<1xi32>
      %squeeze3A_259 = vector.extract %slice3A_258[0] : i32 from vector<1xi32>
      %mul3A_260 = arith.constant 16 : i32
      %mul3A_261 = arith.muli %scan3A_85, %mul3A_260 : i32
      %add3A_262 = arith.constant 12 : i32
      %add3A_263 = arith.addi %mul3A_261, %add3A_262 : i32
      %dma_start3A_264 = arith.constant 0 : i32
      %dma_start3A_265 = tpu.memref_slice %arg8[%add3A_263, %dma_start3A_264] : memref<128x32xf32, #tpu.memory_space<vmem>> -> memref<1x32xf32, #tpu.memory_space<vmem>>
      %dma_start3A_266 = arith.constant 0 : i32
      %dma_start3A_267 = tpu.memref_slice %arg5[%squeeze3A_259, %dma_start3A_266] : memref<100000x32xf32, #tpu.memory_space<hbm>> -> memref<1x32xf32, #tpu.memory_space<hbm>>
      %dma_start3A_268 = arith.constant 0 : i32
      %dma_start3A_269 = tpu.memref_slice %arg8[%add3A_263, %dma_start3A_268] : memref<128x32xf32, #tpu.memory_space<vmem>> -> memref<1x32xf32, #tpu.memory_space<vmem>>
      %dma_start3A_270 = arith.constant 0 : i32
      %dma_start3A_271 = tpu.memref_slice %arg5[%squeeze3A_259, %dma_start3A_270] : memref<100000x32xf32, #tpu.memory_space<hbm>> -> memref<1x32xf32, #tpu.memory_space<hbm>>
      tpu.enqueue_dma source(%dma_start3A_271 : memref<1x32xf32, #tpu.memory_space<hbm>>) target(%dma_start3A_269 : memref<1x32xf32, #tpu.memory_space<vmem>>) target_semaphore(%arg13 : memref<!tpu.dma_semaphore, #tpu.memory_space<semaphore_mem>>)
      %slice3A_272 = vector.extract_strided_slice %get3A_91 {offsets = [13], sizes = [1], strides = [1]} : vector<16xi32> to vector<1xi32>
      %squeeze3A_273 = vector.extract %slice3A_272[0] : i32 from vector<1xi32>
      %mul3A_274 = arith.constant 16 : i32
      %mul3A_275 = arith.muli %scan3A_85, %mul3A_274 : i32
      %add3A_276 = arith.constant 13 : i32
      %add3A_277 = arith.addi %mul3A_275, %add3A_276 : i32
      %dma_start3A_278 = arith.constant 0 : i32
      %dma_start3A_279 = tpu.memref_slice %arg8[%add3A_277, %dma_start3A_278] : memref<128x32xf32, #tpu.memory_space<vmem>> -> memref<1x32xf32, #tpu.memory_space<vmem>>
      %dma_start3A_280 = arith.constant 0 : i32
      %dma_start3A_281 = tpu.memref_slice %arg5[%squeeze3A_273, %dma_start3A_280] : memref<100000x32xf32, #tpu.memory_space<hbm>> -> memref<1x32xf32, #tpu.memory_space<hbm>>
      %dma_start3A_282 = arith.constant 0 : i32
      %dma_start3A_283 = tpu.memref_slice %arg8[%add3A_277, %dma_start3A_282] : memref<128x32xf32, #tpu.memory_space<vmem>> -> memref<1x32xf32, #tpu.memory_space<vmem>>
      %dma_start3A_284 = arith.constant 0 : i32
      %dma_start3A_285 = tpu.memref_slice %arg5[%squeeze3A_273, %dma_start3A_284] : memref<100000x32xf32, #tpu.memory_space<hbm>> -> memref<1x32xf32, #tpu.memory_space<hbm>>
      tpu.enqueue_dma source(%dma_start3A_285 : memref<1x32xf32, #tpu.memory_space<hbm>>) target(%dma_start3A_283 : memref<1x32xf32, #tpu.memory_space<vmem>>) target_semaphore(%arg13 : memref<!tpu.dma_semaphore, #tpu.memory_space<semaphore_mem>>)
      %slice3A_286 = vector.extract_strided_slice %get3A_91 {offsets = [14], sizes = [1], strides = [1]} : vector<16xi32> to vector<1xi32>
      %squeeze3A_287 = vector.extract %slice3A_286[0] : i32 from vector<1xi32>
      %mul3A_288 = arith.constant 16 : i32
      %mul3A_289 = arith.muli %scan3A_85, %mul3A_288 : i32
      %add3A_290 = arith.constant 14 : i32
      %add3A_291 = arith.addi %mul3A_289, %add3A_290 : i32
      %dma_start3A_292 = arith.constant 0 : i32
      %dma_start3A_293 = tpu.memref_slice %arg8[%add3A_291, %dma_start3A_292] : memref<128x32xf32, #tpu.memory_space<vmem>> -> memref<1x32xf32, #tpu.memory_space<vmem>>
      %dma_start3A_294 = arith.constant 0 : i32
      %dma_start3A_295 = tpu.memref_slice %arg5[%squeeze3A_287, %dma_start3A_294] : memref<100000x32xf32, #tpu.memory_space<hbm>> -> memref<1x32xf32, #tpu.memory_space<hbm>>
      %dma_start3A_296 = arith.constant 0 : i32
      %dma_start3A_297 = tpu.memref_slice %arg8[%add3A_291, %dma_start3A_296] : memref<128x32xf32, #tpu.memory_space<vmem>> -> memref<1x32xf32, #tpu.memory_space<vmem>>
      %dma_start3A_298 = arith.constant 0 : i32
      %dma_start3A_299 = tpu.memref_slice %arg5[%squeeze3A_287, %dma_start3A_298] : memref<100000x32xf32, #tpu.memory_space<hbm>> -> memref<1x32xf32, #tpu.memory_space<hbm>>
      tpu.enqueue_dma source(%dma_start3A_299 : memref<1x32xf32, #tpu.memory_space<hbm>>) target(%dma_start3A_297 : memref<1x32xf32, #tpu.memory_space<vmem>>) target_semaphore(%arg13 : memref<!tpu.dma_semaphore, #tpu.memory_space<semaphore_mem>>)
      %slice3A_300 = vector.extract_strided_slice %get3A_91 {offsets = [15], sizes = [1], strides = [1]} : vector<16xi32> to vector<1xi32>
      %squeeze3A_301 = vector.extract %slice3A_300[0] : i32 from vector<1xi32>
      %mul3A_302 = arith.constant 16 : i32
      %mul3A_303 = arith.muli %scan3A_85, %mul3A_302 : i32
      %add3A_304 = arith.constant 15 : i32
      %add3A_305 = arith.addi %mul3A_303, %add3A_304 : i32
      %dma_start3A_306 = arith.constant 0 : i32
      %dma_start3A_307 = tpu.memref_slice %arg8[%add3A_305, %dma_start3A_306] : memref<128x32xf32, #tpu.memory_space<vmem>> -> memref<1x32xf32, #tpu.memory_space<vmem>>
      %dma_start3A_308 = arith.constant 0 : i32
      %dma_start3A_309 = tpu.memref_slice %arg5[%squeeze3A_301, %dma_start3A_308] : memref<100000x32xf32, #tpu.memory_space<hbm>> -> memref<1x32xf32, #tpu.memory_space<hbm>>
      %dma_start3A_310 = arith.constant 0 : i32
      %dma_start3A_311 = tpu.memref_slice %arg8[%add3A_305, %dma_start3A_310] : memref<128x32xf32, #tpu.memory_space<vmem>> -> memref<1x32xf32, #tpu.memory_space<vmem>>
      %dma_start3A_312 = arith.constant 0 : i32
      %dma_start3A_313 = tpu.memref_slice %arg5[%squeeze3A_301, %dma_start3A_312] : memref<100000x32xf32, #tpu.memory_space<hbm>> -> memref<1x32xf32, #tpu.memory_space<hbm>>
      tpu.enqueue_dma source(%dma_start3A_313 : memref<1x32xf32, #tpu.memory_space<hbm>>) target(%dma_start3A_311 : memref<1x32xf32, #tpu.memory_space<vmem>>) target_semaphore(%arg13 : memref<!tpu.dma_semaphore, #tpu.memory_space<semaphore_mem>>)
    }
    %scan3A_45 = arith.constant 8 : i32
    %dma_wait3A_46 = arith.constant 0 : i32
    %dma_wait3A_47 = arith.constant 0 : i32
    %dma_wait3A_48 = tpu.memref_slice %arg5[%dma_wait3A_46, %dma_wait3A_47] : memref<100000x32xf32, #tpu.memory_space<hbm>> -> memref<128x32xf32, #tpu.memory_space<hbm>>
    %dma_wait3A_49 = arith.constant 0 : i32
    %dma_wait3A_50 = arith.constant 0 : i32
    %dma_wait3A_51 = tpu.memref_slice %arg5[%dma_wait3A_49, %dma_wait3A_50] : memref<100000x32xf32, #tpu.memory_space<hbm>> -> memref<128x32xf32, #tpu.memory_space<hbm>>
    tpu.wait_dma2 semaphore(%arg13 : memref<!tpu.dma_semaphore, #tpu.memory_space<semaphore_mem>>) src(%dma_wait3A_51 : memref<128x32xf32, #tpu.memory_space<hbm>>) dst(%arg8 : memref<128x32xf32, #tpu.memory_space<vmem>>)
    %scan3A_52 = arith.constant 0 : i32
    %scan3A_53 = arith.constant 0 : i32
    %scan3A_54 = arith.constant 128 : i32
    %scan3A_55 = arith.addi %scan3A_53, %scan3A_54 : i32
    %scan3A_56 = arith.constant 1 : i32
    scf.for %scan3A_85 = %scan3A_53 to %scan3A_55 step %scan3A_56  : i32 {
      %add3A_86 = arith.constant 256 : i32
      %add3A_87 = arith.addi %add3A_86, %scan3A_85 : i32
      %mul3A_88 = arith.constant 32 : i32
      %mul3A_89 = arith.muli %add3A_87, %mul3A_88 : i32
      %get3A_90 = arith.index_cast %scan3A_85 : i32 to index
      %get3A_91 = arith.constant 0 : index
      %get3A_92 = tpu.vector_load %arg8[%get3A_90, %get3A_91] {strides = array<i32>} : memref<128x32xf32, #tpu.memory_space<vmem>>, vector<16xf32>,
      %add3A_93 = arith.constant 0 : i32
      %add3A_94 = arith.addi %mul3A_89, %add3A_93 : i32
      %swap3A = arith.index_cast %add3A_94 : i32 to index
      %swap3A_95 = tpu.vector_load %arg9[%swap3A] {strides = array<i32>} : memref<16384xf32, #tpu.memory_space<vmem>>, vector<16xf32>,
      tpu.vector_store %arg9[%swap3A], %get3A_92 {strides = array<i32>} : memref<16384xf32, #tpu.memory_space<vmem>>, vector<16xf32>,
      %get3A_96 = arith.index_cast %scan3A_85 : i32 to index
      %get3A_97 = arith.constant 16 : index
      %get3A_98 = tpu.vector_load %arg8[%get3A_96, %get3A_97] {strides = array<i32>} : memref<128x32xf32, #tpu.memory_space<vmem>>, vector<16xf32>,
      %add3A_99 = arith.constant 16 : i32
      %add3A_100 = arith.addi %mul3A_89, %add3A_99 : i32
      %swap3A_101 = arith.index_cast %add3A_100 : i32 to index
      %swap3A_102 = tpu.vector_load %arg9[%swap3A_101] {strides = array<i32>} : memref<16384xf32, #tpu.memory_space<vmem>>, vector<16xf32>,
      tpu.vector_store %arg9[%swap3A_101], %get3A_98 {strides = array<i32>} : memref<16384xf32, #tpu.memory_space<vmem>>, vector<16xf32>,
    }
    %scan3A_57 = arith.constant 128 : i32
    %scan3A_58 = arith.constant 0 : i32
    %scan3A_59 = arith.constant 0 : i32
    %scan3A_60 = arith.constant 8 : i32
    %scan3A_61 = arith.addi %scan3A_59, %scan3A_60 : i32
    %scan3A_62 = arith.constant 1 : i32
    scf.for %scan3A_85 = %scan3A_59 to %scan3A_61 step %scan3A_62  : i32 {
      %mul3A_86 = arith.constant 16 : i32
      %mul3A_87 = arith.muli %scan3A_85, %mul3A_86 : i32
      %add3A_88 = arith.constant 384 : i32
      %add3A_89 = arith.addi %add3A_88, %mul3A_87 : i32
      %get3A_90 = arith.index_cast %add3A_89 : i32 to index
      %get3A_91 = tpu.vector_load %arg7[%get3A_90] {strides = array<i32>} : memref<512xi32, #tpu.memory_space<vmem>>, vector<16xi32>,
      %slice3A = vector.extract_strided_slice %get3A_91 {offsets = [0], sizes = [1], strides = [1]} : vector<16xi32> to vector<1xi32>
      %squeeze3A = vector.extract %slice3A[0] : i32 from vector<1xi32>
      %mul3A_92 = arith.constant 16 : i32
      %mul3A_93 = arith.muli %scan3A_85, %mul3A_92 : i32
      %add3A_94 = arith.constant 0 : i32
      %add3A_95 = arith.addi %mul3A_93, %add3A_94 : i32
      %dma_start3A_96 = arith.constant 0 : i32
      %dma_start3A_97 = tpu.memref_slice %arg8[%add3A_95, %dma_start3A_96] : memref<128x32xf32, #tpu.memory_space<vmem>> -> memref<1x32xf32, #tpu.memory_space<vmem>>
      %dma_start3A_98 = arith.constant 0 : i32
      %dma_start3A_99 = tpu.memref_slice %arg5[%squeeze3A, %dma_start3A_98] : memref<100000x32xf32, #tpu.memory_space<hbm>> -> memref<1x32xf32, #tpu.memory_space<hbm>>
      %dma_start3A_100 = arith.constant 0 : i32
      %dma_start3A_101 = tpu.memref_slice %arg8[%add3A_95, %dma_start3A_100] : memref<128x32xf32, #tpu.memory_space<vmem>> -> memref<1x32xf32, #tpu.memory_space<vmem>>
      %dma_start3A_102 = arith.constant 0 : i32
      %dma_start3A_103 = tpu.memref_slice %arg5[%squeeze3A, %dma_start3A_102] : memref<100000x32xf32, #tpu.memory_space<hbm>> -> memref<1x32xf32, #tpu.memory_space<hbm>>
      tpu.enqueue_dma source(%dma_start3A_103 : memref<1x32xf32, #tpu.memory_space<hbm>>) target(%dma_start3A_101 : memref<1x32xf32, #tpu.memory_space<vmem>>) target_semaphore(%arg13 : memref<!tpu.dma_semaphore, #tpu.memory_space<semaphore_mem>>)
      %slice3A_104 = vector.extract_strided_slice %get3A_91 {offsets = [1], sizes = [1], strides = [1]} : vector<16xi32> to vector<1xi32>
      %squeeze3A_105 = vector.extract %slice3A_104[0] : i32 from vector<1xi32>
      %mul3A_106 = arith.constant 16 : i32
      %mul3A_107 = arith.muli %scan3A_85, %mul3A_106 : i32
      %add3A_108 = arith.constant 1 : i32
      %add3A_109 = arith.addi %mul3A_107, %add3A_108 : i32
      %dma_start3A_110 = arith.constant 0 : i32
      %dma_start3A_111 = tpu.memref_slice %arg8[%add3A_109, %dma_start3A_110] : memref<128x32xf32, #tpu.memory_space<vmem>> -> memref<1x32xf32, #tpu.memory_space<vmem>>
      %dma_start3A_112 = arith.constant 0 : i32
      %dma_start3A_113 = tpu.memref_slice %arg5[%squeeze3A_105, %dma_start3A_112] : memref<100000x32xf32, #tpu.memory_space<hbm>> -> memref<1x32xf32, #tpu.memory_space<hbm>>
      %dma_start3A_114 = arith.constant 0 : i32
      %dma_start3A_115 = tpu.memref_slice %arg8[%add3A_109, %dma_start3A_114] : memref<128x32xf32, #tpu.memory_space<vmem>> -> memref<1x32xf32, #tpu.memory_space<vmem>>
      %dma_start3A_116 = arith.constant 0 : i32
      %dma_start3A_117 = tpu.memref_slice %arg5[%squeeze3A_105, %dma_start3A_116] : memref<100000x32xf32, #tpu.memory_space<hbm>> -> memref<1x32xf32, #tpu.memory_space<hbm>>
      tpu.enqueue_dma source(%dma_start3A_117 : memref<1x32xf32, #tpu.memory_space<hbm>>) target(%dma_start3A_115 : memref<1x32xf32, #tpu.memory_space<vmem>>) target_semaphore(%arg13 : memref<!tpu.dma_semaphore, #tpu.memory_space<semaphore_mem>>)
      %slice3A_118 = vector.extract_strided_slice %get3A_91 {offsets = [2], sizes = [1], strides = [1]} : vector<16xi32> to vector<1xi32>
      %squeeze3A_119 = vector.extract %slice3A_118[0] : i32 from vector<1xi32>
      %mul3A_120 = arith.constant 16 : i32
      %mul3A_121 = arith.muli %scan3A_85, %mul3A_120 : i32
      %add3A_122 = arith.constant 2 : i32
      %add3A_123 = arith.addi %mul3A_121, %add3A_122 : i32
      %dma_start3A_124 = arith.constant 0 : i32
      %dma_start3A_125 = tpu.memref_slice %arg8[%add3A_123, %dma_start3A_124] : memref<128x32xf32, #tpu.memory_space<vmem>> -> memref<1x32xf32, #tpu.memory_space<vmem>>
      %dma_start3A_126 = arith.constant 0 : i32
      %dma_start3A_127 = tpu.memref_slice %arg5[%squeeze3A_119, %dma_start3A_126] : memref<100000x32xf32, #tpu.memory_space<hbm>> -> memref<1x32xf32, #tpu.memory_space<hbm>>
      %dma_start3A_128 = arith.constant 0 : i32
      %dma_start3A_129 = tpu.memref_slice %arg8[%add3A_123, %dma_start3A_128] : memref<128x32xf32, #tpu.memory_space<vmem>> -> memref<1x32xf32, #tpu.memory_space<vmem>>
      %dma_start3A_130 = arith.constant 0 : i32
      %dma_start3A_131 = tpu.memref_slice %arg5[%squeeze3A_119, %dma_start3A_130] : memref<100000x32xf32, #tpu.memory_space<hbm>> -> memref<1x32xf32, #tpu.memory_space<hbm>>
      tpu.enqueue_dma source(%dma_start3A_131 : memref<1x32xf32, #tpu.memory_space<hbm>>) target(%dma_start3A_129 : memref<1x32xf32, #tpu.memory_space<vmem>>) target_semaphore(%arg13 : memref<!tpu.dma_semaphore, #tpu.memory_space<semaphore_mem>>)
      %slice3A_132 = vector.extract_strided_slice %get3A_91 {offsets = [3], sizes = [1], strides = [1]} : vector<16xi32> to vector<1xi32>
      %squeeze3A_133 = vector.extract %slice3A_132[0] : i32 from vector<1xi32>
      %mul3A_134 = arith.constant 16 : i32
      %mul3A_135 = arith.muli %scan3A_85, %mul3A_134 : i32
      %add3A_136 = arith.constant 3 : i32
      %add3A_137 = arith.addi %mul3A_135, %add3A_136 : i32
      %dma_start3A_138 = arith.constant 0 : i32
      %dma_start3A_139 = tpu.memref_slice %arg8[%add3A_137, %dma_start3A_138] : memref<128x32xf32, #tpu.memory_space<vmem>> -> memref<1x32xf32, #tpu.memory_space<vmem>>
      %dma_start3A_140 = arith.constant 0 : i32
      %dma_start3A_141 = tpu.memref_slice %arg5[%squeeze3A_133, %dma_start3A_140] : memref<100000x32xf32, #tpu.memory_space<hbm>> -> memref<1x32xf32, #tpu.memory_space<hbm>>
      %dma_start3A_142 = arith.constant 0 : i32
      %dma_start3A_143 = tpu.memref_slice %arg8[%add3A_137, %dma_start3A_142] : memref<128x32xf32, #tpu.memory_space<vmem>> -> memref<1x32xf32, #tpu.memory_space<vmem>>
      %dma_start3A_144 = arith.constant 0 : i32
      %dma_start3A_145 = tpu.memref_slice %arg5[%squeeze3A_133, %dma_start3A_144] : memref<100000x32xf32, #tpu.memory_space<hbm>> -> memref<1x32xf32, #tpu.memory_space<hbm>>
      tpu.enqueue_dma source(%dma_start3A_145 : memref<1x32xf32, #tpu.memory_space<hbm>>) target(%dma_start3A_143 : memref<1x32xf32, #tpu.memory_space<vmem>>) target_semaphore(%arg13 : memref<!tpu.dma_semaphore, #tpu.memory_space<semaphore_mem>>)
      %slice3A_146 = vector.extract_strided_slice %get3A_91 {offsets = [4], sizes = [1], strides = [1]} : vector<16xi32> to vector<1xi32>
      %squeeze3A_147 = vector.extract %slice3A_146[0] : i32 from vector<1xi32>
      %mul3A_148 = arith.constant 16 : i32
      %mul3A_149 = arith.muli %scan3A_85, %mul3A_148 : i32
      %add3A_150 = arith.constant 4 : i32
      %add3A_151 = arith.addi %mul3A_149, %add3A_150 : i32
      %dma_start3A_152 = arith.constant 0 : i32
      %dma_start3A_153 = tpu.memref_slice %arg8[%add3A_151, %dma_start3A_152] : memref<128x32xf32, #tpu.memory_space<vmem>> -> memref<1x32xf32, #tpu.memory_space<vmem>>
      %dma_start3A_154 = arith.constant 0 : i32
      %dma_start3A_155 = tpu.memref_slice %arg5[%squeeze3A_147, %dma_start3A_154] : memref<100000x32xf32, #tpu.memory_space<hbm>> -> memref<1x32xf32, #tpu.memory_space<hbm>>
      %dma_start3A_156 = arith.constant 0 : i32
      %dma_start3A_157 = tpu.memref_slice %arg8[%add3A_151, %dma_start3A_156] : memref<128x32xf32, #tpu.memory_space<vmem>> -> memref<1x32xf32, #tpu.memory_space<vmem>>
      %dma_start3A_158 = arith.constant 0 : i32
      %dma_start3A_159 = tpu.memref_slice %arg5[%squeeze3A_147, %dma_start3A_158] : memref<100000x32xf32, #tpu.memory_space<hbm>> -> memref<1x32xf32, #tpu.memory_space<hbm>>
      tpu.enqueue_dma source(%dma_start3A_159 : memref<1x32xf32, #tpu.memory_space<hbm>>) target(%dma_start3A_157 : memref<1x32xf32, #tpu.memory_space<vmem>>) target_semaphore(%arg13 : memref<!tpu.dma_semaphore, #tpu.memory_space<semaphore_mem>>)
      %slice3A_160 = vector.extract_strided_slice %get3A_91 {offsets = [5], sizes = [1], strides = [1]} : vector<16xi32> to vector<1xi32>
      %squeeze3A_161 = vector.extract %slice3A_160[0] : i32 from vector<1xi32>
      %mul3A_162 = arith.constant 16 : i32
      %mul3A_163 = arith.muli %scan3A_85, %mul3A_162 : i32
      %add3A_164 = arith.constant 5 : i32
      %add3A_165 = arith.addi %mul3A_163, %add3A_164 : i32
      %dma_start3A_166 = arith.constant 0 : i32
      %dma_start3A_167 = tpu.memref_slice %arg8[%add3A_165, %dma_start3A_166] : memref<128x32xf32, #tpu.memory_space<vmem>> -> memref<1x32xf32, #tpu.memory_space<vmem>>
      %dma_start3A_168 = arith.constant 0 : i32
      %dma_start3A_169 = tpu.memref_slice %arg5[%squeeze3A_161, %dma_start3A_168] : memref<100000x32xf32, #tpu.memory_space<hbm>> -> memref<1x32xf32, #tpu.memory_space<hbm>>
      %dma_start3A_170 = arith.constant 0 : i32
      %dma_start3A_171 = tpu.memref_slice %arg8[%add3A_165, %dma_start3A_170] : memref<128x32xf32, #tpu.memory_space<vmem>> -> memref<1x32xf32, #tpu.memory_space<vmem>>
      %dma_start3A_172 = arith.constant 0 : i32
      %dma_start3A_173 = tpu.memref_slice %arg5[%squeeze3A_161, %dma_start3A_172] : memref<100000x32xf32, #tpu.memory_space<hbm>> -> memref<1x32xf32, #tpu.memory_space<hbm>>
      tpu.enqueue_dma source(%dma_start3A_173 : memref<1x32xf32, #tpu.memory_space<hbm>>) target(%dma_start3A_171 : memref<1x32xf32, #tpu.memory_space<vmem>>) target_semaphore(%arg13 : memref<!tpu.dma_semaphore, #tpu.memory_space<semaphore_mem>>)
      %slice3A_174 = vector.extract_strided_slice %get3A_91 {offsets = [6], sizes = [1], strides = [1]} : vector<16xi32> to vector<1xi32>
      %squeeze3A_175 = vector.extract %slice3A_174[0] : i32 from vector<1xi32>
      %mul3A_176 = arith.constant 16 : i32
      %mul3A_177 = arith.muli %scan3A_85, %mul3A_176 : i32
      %add3A_178 = arith.constant 6 : i32
      %add3A_179 = arith.addi %mul3A_177, %add3A_178 : i32
      %dma_start3A_180 = arith.constant 0 : i32
      %dma_start3A_181 = tpu.memref_slice %arg8[%add3A_179, %dma_start3A_180] : memref<128x32xf32, #tpu.memory_space<vmem>> -> memref<1x32xf32, #tpu.memory_space<vmem>>
      %dma_start3A_182 = arith.constant 0 : i32
      %dma_start3A_183 = tpu.memref_slice %arg5[%squeeze3A_175, %dma_start3A_182] : memref<100000x32xf32, #tpu.memory_space<hbm>> -> memref<1x32xf32, #tpu.memory_space<hbm>>
      %dma_start3A_184 = arith.constant 0 : i32
      %dma_start3A_185 = tpu.memref_slice %arg8[%add3A_179, %dma_start3A_184] : memref<128x32xf32, #tpu.memory_space<vmem>> -> memref<1x32xf32, #tpu.memory_space<vmem>>
      %dma_start3A_186 = arith.constant 0 : i32
      %dma_start3A_187 = tpu.memref_slice %arg5[%squeeze3A_175, %dma_start3A_186] : memref<100000x32xf32, #tpu.memory_space<hbm>> -> memref<1x32xf32, #tpu.memory_space<hbm>>
      tpu.enqueue_dma source(%dma_start3A_187 : memref<1x32xf32, #tpu.memory_space<hbm>>) target(%dma_start3A_185 : memref<1x32xf32, #tpu.memory_space<vmem>>) target_semaphore(%arg13 : memref<!tpu.dma_semaphore, #tpu.memory_space<semaphore_mem>>)
      %slice3A_188 = vector.extract_strided_slice %get3A_91 {offsets = [7], sizes = [1], strides = [1]} : vector<16xi32> to vector<1xi32>
      %squeeze3A_189 = vector.extract %slice3A_188[0] : i32 from vector<1xi32>
      %mul3A_190 = arith.constant 16 : i32
      %mul3A_191 = arith.muli %scan3A_85, %mul3A_190 : i32
      %add3A_192 = arith.constant 7 : i32
      %add3A_193 = arith.addi %mul3A_191, %add3A_192 : i32
      %dma_start3A_194 = arith.constant 0 : i32
      %dma_start3A_195 = tpu.memref_slice %arg8[%add3A_193, %dma_start3A_194] : memref<128x32xf32, #tpu.memory_space<vmem>> -> memref<1x32xf32, #tpu.memory_space<vmem>>
      %dma_start3A_196 = arith.constant 0 : i32
      %dma_start3A_197 = tpu.memref_slice %arg5[%squeeze3A_189, %dma_start3A_196] : memref<100000x32xf32, #tpu.memory_space<hbm>> -> memref<1x32xf32, #tpu.memory_space<hbm>>
      %dma_start3A_198 = arith.constant 0 : i32
      %dma_start3A_199 = tpu.memref_slice %arg8[%add3A_193, %dma_start3A_198] : memref<128x32xf32, #tpu.memory_space<vmem>> -> memref<1x32xf32, #tpu.memory_space<vmem>>
      %dma_start3A_200 = arith.constant 0 : i32
      %dma_start3A_201 = tpu.memref_slice %arg5[%squeeze3A_189, %dma_start3A_200] : memref<100000x32xf32, #tpu.memory_space<hbm>> -> memref<1x32xf32, #tpu.memory_space<hbm>>
      tpu.enqueue_dma source(%dma_start3A_201 : memref<1x32xf32, #tpu.memory_space<hbm>>) target(%dma_start3A_199 : memref<1x32xf32, #tpu.memory_space<vmem>>) target_semaphore(%arg13 : memref<!tpu.dma_semaphore, #tpu.memory_space<semaphore_mem>>)
      %slice3A_202 = vector.extract_strided_slice %get3A_91 {offsets = [8], sizes = [1], strides = [1]} : vector<16xi32> to vector<1xi32>
      %squeeze3A_203 = vector.extract %slice3A_202[0] : i32 from vector<1xi32>
      %mul3A_204 = arith.constant 16 : i32
      %mul3A_205 = arith.muli %scan3A_85, %mul3A_204 : i32
      %add3A_206 = arith.constant 8 : i32
      %add3A_207 = arith.addi %mul3A_205, %add3A_206 : i32
      %dma_start3A_208 = arith.constant 0 : i32
      %dma_start3A_209 = tpu.memref_slice %arg8[%add3A_207, %dma_start3A_208] : memref<128x32xf32, #tpu.memory_space<vmem>> -> memref<1x32xf32, #tpu.memory_space<vmem>>
      %dma_start3A_210 = arith.constant 0 : i32
      %dma_start3A_211 = tpu.memref_slice %arg5[%squeeze3A_203, %dma_start3A_210] : memref<100000x32xf32, #tpu.memory_space<hbm>> -> memref<1x32xf32, #tpu.memory_space<hbm>>
      %dma_start3A_212 = arith.constant 0 : i32
      %dma_start3A_213 = tpu.memref_slice %arg8[%add3A_207, %dma_start3A_212] : memref<128x32xf32, #tpu.memory_space<vmem>> -> memref<1x32xf32, #tpu.memory_space<vmem>>
      %dma_start3A_214 = arith.constant 0 : i32
      %dma_start3A_215 = tpu.memref_slice %arg5[%squeeze3A_203, %dma_start3A_214] : memref<100000x32xf32, #tpu.memory_space<hbm>> -> memref<1x32xf32, #tpu.memory_space<hbm>>
      tpu.enqueue_dma source(%dma_start3A_215 : memref<1x32xf32, #tpu.memory_space<hbm>>) target(%dma_start3A_213 : memref<1x32xf32, #tpu.memory_space<vmem>>) target_semaphore(%arg13 : memref<!tpu.dma_semaphore, #tpu.memory_space<semaphore_mem>>)
      %slice3A_216 = vector.extract_strided_slice %get3A_91 {offsets = [9], sizes = [1], strides = [1]} : vector<16xi32> to vector<1xi32>
      %squeeze3A_217 = vector.extract %slice3A_216[0] : i32 from vector<1xi32>
      %mul3A_218 = arith.constant 16 : i32
      %mul3A_219 = arith.muli %scan3A_85, %mul3A_218 : i32
      %add3A_220 = arith.constant 9 : i32
      %add3A_221 = arith.addi %mul3A_219, %add3A_220 : i32
      %dma_start3A_222 = arith.constant 0 : i32
      %dma_start3A_223 = tpu.memref_slice %arg8[%add3A_221, %dma_start3A_222] : memref<128x32xf32, #tpu.memory_space<vmem>> -> memref<1x32xf32, #tpu.memory_space<vmem>>
      %dma_start3A_224 = arith.constant 0 : i32
      %dma_start3A_225 = tpu.memref_slice %arg5[%squeeze3A_217, %dma_start3A_224] : memref<100000x32xf32, #tpu.memory_space<hbm>> -> memref<1x32xf32, #tpu.memory_space<hbm>>
      %dma_start3A_226 = arith.constant 0 : i32
      %dma_start3A_227 = tpu.memref_slice %arg8[%add3A_221, %dma_start3A_226] : memref<128x32xf32, #tpu.memory_space<vmem>> -> memref<1x32xf32, #tpu.memory_space<vmem>>
      %dma_start3A_228 = arith.constant 0 : i32
      %dma_start3A_229 = tpu.memref_slice %arg5[%squeeze3A_217, %dma_start3A_228] : memref<100000x32xf32, #tpu.memory_space<hbm>> -> memref<1x32xf32, #tpu.memory_space<hbm>>
      tpu.enqueue_dma source(%dma_start3A_229 : memref<1x32xf32, #tpu.memory_space<hbm>>) target(%dma_start3A_227 : memref<1x32xf32, #tpu.memory_space<vmem>>) target_semaphore(%arg13 : memref<!tpu.dma_semaphore, #tpu.memory_space<semaphore_mem>>)
      %slice3A_230 = vector.extract_strided_slice %get3A_91 {offsets = [10], sizes = [1], strides = [1]} : vector<16xi32> to vector<1xi32>
      %squeeze3A_231 = vector.extract %slice3A_230[0] : i32 from vector<1xi32>
      %mul3A_232 = arith.constant 16 : i32
      %mul3A_233 = arith.muli %scan3A_85, %mul3A_232 : i32
      %add3A_234 = arith.constant 10 : i32
      %add3A_235 = arith.addi %mul3A_233, %add3A_234 : i32
      %dma_start3A_236 = arith.constant 0 : i32
      %dma_start3A_237 = tpu.memref_slice %arg8[%add3A_235, %dma_start3A_236] : memref<128x32xf32, #tpu.memory_space<vmem>> -> memref<1x32xf32, #tpu.memory_space<vmem>>
      %dma_start3A_238 = arith.constant 0 : i32
      %dma_start3A_239 = tpu.memref_slice %arg5[%squeeze3A_231, %dma_start3A_238] : memref<100000x32xf32, #tpu.memory_space<hbm>> -> memref<1x32xf32, #tpu.memory_space<hbm>>
      %dma_start3A_240 = arith.constant 0 : i32
      %dma_start3A_241 = tpu.memref_slice %arg8[%add3A_235, %dma_start3A_240] : memref<128x32xf32, #tpu.memory_space<vmem>> -> memref<1x32xf32, #tpu.memory_space<vmem>>
      %dma_start3A_242 = arith.constant 0 : i32
      %dma_start3A_243 = tpu.memref_slice %arg5[%squeeze3A_231, %dma_start3A_242] : memref<100000x32xf32, #tpu.memory_space<hbm>> -> memref<1x32xf32, #tpu.memory_space<hbm>>
      tpu.enqueue_dma source(%dma_start3A_243 : memref<1x32xf32, #tpu.memory_space<hbm>>) target(%dma_start3A_241 : memref<1x32xf32, #tpu.memory_space<vmem>>) target_semaphore(%arg13 : memref<!tpu.dma_semaphore, #tpu.memory_space<semaphore_mem>>)
      %slice3A_244 = vector.extract_strided_slice %get3A_91 {offsets = [11], sizes = [1], strides = [1]} : vector<16xi32> to vector<1xi32>
      %squeeze3A_245 = vector.extract %slice3A_244[0] : i32 from vector<1xi32>
      %mul3A_246 = arith.constant 16 : i32
      %mul3A_247 = arith.muli %scan3A_85, %mul3A_246 : i32
      %add3A_248 = arith.constant 11 : i32
      %add3A_249 = arith.addi %mul3A_247, %add3A_248 : i32
      %dma_start3A_250 = arith.constant 0 : i32
      %dma_start3A_251 = tpu.memref_slice %arg8[%add3A_249, %dma_start3A_250] : memref<128x32xf32, #tpu.memory_space<vmem>> -> memref<1x32xf32, #tpu.memory_space<vmem>>
      %dma_start3A_252 = arith.constant 0 : i32
      %dma_start3A_253 = tpu.memref_slice %arg5[%squeeze3A_245, %dma_start3A_252] : memref<100000x32xf32, #tpu.memory_space<hbm>> -> memref<1x32xf32, #tpu.memory_space<hbm>>
      %dma_start3A_254 = arith.constant 0 : i32
      %dma_start3A_255 = tpu.memref_slice %arg8[%add3A_249, %dma_start3A_254] : memref<128x32xf32, #tpu.memory_space<vmem>> -> memref<1x32xf32, #tpu.memory_space<vmem>>
      %dma_start3A_256 = arith.constant 0 : i32
      %dma_start3A_257 = tpu.memref_slice %arg5[%squeeze3A_245, %dma_start3A_256] : memref<100000x32xf32, #tpu.memory_space<hbm>> -> memref<1x32xf32, #tpu.memory_space<hbm>>
      tpu.enqueue_dma source(%dma_start3A_257 : memref<1x32xf32, #tpu.memory_space<hbm>>) target(%dma_start3A_255 : memref<1x32xf32, #tpu.memory_space<vmem>>) target_semaphore(%arg13 : memref<!tpu.dma_semaphore, #tpu.memory_space<semaphore_mem>>)
      %slice3A_258 = vector.extract_strided_slice %get3A_91 {offsets = [12], sizes = [1], strides = [1]} : vector<16xi32> to vector<1xi32>
      %squeeze3A_259 = vector.extract %slice3A_258[0] : i32 from vector<1xi32>
      %mul3A_260 = arith.constant 16 : i32
      %mul3A_261 = arith.muli %scan3A_85, %mul3A_260 : i32
      %add3A_262 = arith.constant 12 : i32
      %add3A_263 = arith.addi %mul3A_261, %add3A_262 : i32
      %dma_start3A_264 = arith.constant 0 : i32
      %dma_start3A_265 = tpu.memref_slice %arg8[%add3A_263, %dma_start3A_264] : memref<128x32xf32, #tpu.memory_space<vmem>> -> memref<1x32xf32, #tpu.memory_space<vmem>>
      %dma_start3A_266 = arith.constant 0 : i32
      %dma_start3A_267 = tpu.memref_slice %arg5[%squeeze3A_259, %dma_start3A_266] : memref<100000x32xf32, #tpu.memory_space<hbm>> -> memref<1x32xf32, #tpu.memory_space<hbm>>
      %dma_start3A_268 = arith.constant 0 : i32
      %dma_start3A_269 = tpu.memref_slice %arg8[%add3A_263, %dma_start3A_268] : memref<128x32xf32, #tpu.memory_space<vmem>> -> memref<1x32xf32, #tpu.memory_space<vmem>>
      %dma_start3A_270 = arith.constant 0 : i32
      %dma_start3A_271 = tpu.memref_slice %arg5[%squeeze3A_259, %dma_start3A_270] : memref<100000x32xf32, #tpu.memory_space<hbm>> -> memref<1x32xf32, #tpu.memory_space<hbm>>
      tpu.enqueue_dma source(%dma_start3A_271 : memref<1x32xf32, #tpu.memory_space<hbm>>) target(%dma_start3A_269 : memref<1x32xf32, #tpu.memory_space<vmem>>) target_semaphore(%arg13 : memref<!tpu.dma_semaphore, #tpu.memory_space<semaphore_mem>>)
      %slice3A_272 = vector.extract_strided_slice %get3A_91 {offsets = [13], sizes = [1], strides = [1]} : vector<16xi32> to vector<1xi32>
      %squeeze3A_273 = vector.extract %slice3A_272[0] : i32 from vector<1xi32>
      %mul3A_274 = arith.constant 16 : i32
      %mul3A_275 = arith.muli %scan3A_85, %mul3A_274 : i32
      %add3A_276 = arith.constant 13 : i32
      %add3A_277 = arith.addi %mul3A_275, %add3A_276 : i32
      %dma_start3A_278 = arith.constant 0 : i32
      %dma_start3A_279 = tpu.memref_slice %arg8[%add3A_277, %dma_start3A_278] : memref<128x32xf32, #tpu.memory_space<vmem>> -> memref<1x32xf32, #tpu.memory_space<vmem>>
      %dma_start3A_280 = arith.constant 0 : i32
      %dma_start3A_281 = tpu.memref_slice %arg5[%squeeze3A_273, %dma_start3A_280] : memref<100000x32xf32, #tpu.memory_space<hbm>> -> memref<1x32xf32, #tpu.memory_space<hbm>>
      %dma_start3A_282 = arith.constant 0 : i32
      %dma_start3A_283 = tpu.memref_slice %arg8[%add3A_277, %dma_start3A_282] : memref<128x32xf32, #tpu.memory_space<vmem>> -> memref<1x32xf32, #tpu.memory_space<vmem>>
      %dma_start3A_284 = arith.constant 0 : i32
      %dma_start3A_285 = tpu.memref_slice %arg5[%squeeze3A_273, %dma_start3A_284] : memref<100000x32xf32, #tpu.memory_space<hbm>> -> memref<1x32xf32, #tpu.memory_space<hbm>>
      tpu.enqueue_dma source(%dma_start3A_285 : memref<1x32xf32, #tpu.memory_space<hbm>>) target(%dma_start3A_283 : memref<1x32xf32, #tpu.memory_space<vmem>>) target_semaphore(%arg13 : memref<!tpu.dma_semaphore, #tpu.memory_space<semaphore_mem>>)
      %slice3A_286 = vector.extract_strided_slice %get3A_91 {offsets = [14], sizes = [1], strides = [1]} : vector<16xi32> to vector<1xi32>
      %squeeze3A_287 = vector.extract %slice3A_286[0] : i32 from vector<1xi32>
      %mul3A_288 = arith.constant 16 : i32
      %mul3A_289 = arith.muli %scan3A_85, %mul3A_288 : i32
      %add3A_290 = arith.constant 14 : i32
      %add3A_291 = arith.addi %mul3A_289, %add3A_290 : i32
      %dma_start3A_292 = arith.constant 0 : i32
      %dma_start3A_293 = tpu.memref_slice %arg8[%add3A_291, %dma_start3A_292] : memref<128x32xf32, #tpu.memory_space<vmem>> -> memref<1x32xf32, #tpu.memory_space<vmem>>
      %dma_start3A_294 = arith.constant 0 : i32
      %dma_start3A_295 = tpu.memref_slice %arg5[%squeeze3A_287, %dma_start3A_294] : memref<100000x32xf32, #tpu.memory_space<hbm>> -> memref<1x32xf32, #tpu.memory_space<hbm>>
      %dma_start3A_296 = arith.constant 0 : i32
      %dma_start3A_297 = tpu.memref_slice %arg8[%add3A_291, %dma_start3A_296] : memref<128x32xf32, #tpu.memory_space<vmem>> -> memref<1x32xf32, #tpu.memory_space<vmem>>
      %dma_start3A_298 = arith.constant 0 : i32
      %dma_start3A_299 = tpu.memref_slice %arg5[%squeeze3A_287, %dma_start3A_298] : memref<100000x32xf32, #tpu.memory_space<hbm>> -> memref<1x32xf32, #tpu.memory_space<hbm>>
      tpu.enqueue_dma source(%dma_start3A_299 : memref<1x32xf32, #tpu.memory_space<hbm>>) target(%dma_start3A_297 : memref<1x32xf32, #tpu.memory_space<vmem>>) target_semaphore(%arg13 : memref<!tpu.dma_semaphore, #tpu.memory_space<semaphore_mem>>)
      %slice3A_300 = vector.extract_strided_slice %get3A_91 {offsets = [15], sizes = [1], strides = [1]} : vector<16xi32> to vector<1xi32>
      %squeeze3A_301 = vector.extract %slice3A_300[0] : i32 from vector<1xi32>
      %mul3A_302 = arith.constant 16 : i32
      %mul3A_303 = arith.muli %scan3A_85, %mul3A_302 : i32
      %add3A_304 = arith.constant 15 : i32
      %add3A_305 = arith.addi %mul3A_303, %add3A_304 : i32
      %dma_start3A_306 = arith.constant 0 : i32
      %dma_start3A_307 = tpu.memref_slice %arg8[%add3A_305, %dma_start3A_306] : memref<128x32xf32, #tpu.memory_space<vmem>> -> memref<1x32xf32, #tpu.memory_space<vmem>>
      %dma_start3A_308 = arith.constant 0 : i32
      %dma_start3A_309 = tpu.memref_slice %arg5[%squeeze3A_301, %dma_start3A_308] : memref<100000x32xf32, #tpu.memory_space<hbm>> -> memref<1x32xf32, #tpu.memory_space<hbm>>
      %dma_start3A_310 = arith.constant 0 : i32
      %dma_start3A_311 = tpu.memref_slice %arg8[%add3A_305, %dma_start3A_310] : memref<128x32xf32, #tpu.memory_space<vmem>> -> memref<1x32xf32, #tpu.memory_space<vmem>>
      %dma_start3A_312 = arith.constant 0 : i32
      %dma_start3A_313 = tpu.memref_slice %arg5[%squeeze3A_301, %dma_start3A_312] : memref<100000x32xf32, #tpu.memory_space<hbm>> -> memref<1x32xf32, #tpu.memory_space<hbm>>
      tpu.enqueue_dma source(%dma_start3A_313 : memref<1x32xf32, #tpu.memory_space<hbm>>) target(%dma_start3A_311 : memref<1x32xf32, #tpu.memory_space<vmem>>) target_semaphore(%arg13 : memref<!tpu.dma_semaphore, #tpu.memory_space<semaphore_mem>>)
    }
    %scan3A_63 = arith.constant 8 : i32
    %dma_wait3A_64 = arith.constant 0 : i32
    %dma_wait3A_65 = arith.constant 0 : i32
    %dma_wait3A_66 = tpu.memref_slice %arg5[%dma_wait3A_64, %dma_wait3A_65] : memref<100000x32xf32, #tpu.memory_space<hbm>> -> memref<128x32xf32, #tpu.memory_space<hbm>>
    %dma_wait3A_67 = arith.constant 0 : i32
    %dma_wait3A_68 = arith.constant 0 : i32
    %dma_wait3A_69 = tpu.memref_slice %arg5[%dma_wait3A_67, %dma_wait3A_68] : memref<100000x32xf32, #tpu.memory_space<hbm>> -> memref<128x32xf32, #tpu.memory_space<hbm>>
    tpu.wait_dma2 semaphore(%arg13 : memref<!tpu.dma_semaphore, #tpu.memory_space<semaphore_mem>>) src(%dma_wait3A_69 : memref<128x32xf32, #tpu.memory_space<hbm>>) dst(%arg8 : memref<128x32xf32, #tpu.memory_space<vmem>>)
    %scan3A_70 = arith.constant 0 : i32
    %scan3A_71 = arith.constant 0 : i32
    %scan3A_72 = arith.constant 128 : i32
    %scan3A_73 = arith.addi %scan3A_71, %scan3A_72 : i32
    %scan3A_74 = arith.constant 1 : i32
    scf.for %scan3A_85 = %scan3A_71 to %scan3A_73 step %scan3A_74  : i32 {
      %add3A_86 = arith.constant 384 : i32
      %add3A_87 = arith.addi %add3A_86, %scan3A_85 : i32
      %mul3A_88 = arith.constant 32 : i32
      %mul3A_89 = arith.muli %add3A_87, %mul3A_88 : i32
      %get3A_90 = arith.index_cast %scan3A_85 : i32 to index
      %get3A_91 = arith.constant 0 : index
      %get3A_92 = tpu.vector_load %arg8[%get3A_90, %get3A_91] {strides = array<i32>} : memref<128x32xf32, #tpu.memory_space<vmem>>, vector<16xf32>,
      %add3A_93 = arith.constant 0 : i32
      %add3A_94 = arith.addi %mul3A_89, %add3A_93 : i32
      %swap3A = arith.index_cast %add3A_94 : i32 to index
      %swap3A_95 = tpu.vector_load %arg9[%swap3A] {strides = array<i32>} : memref<16384xf32, #tpu.memory_space<vmem>>, vector<16xf32>,
      tpu.vector_store %arg9[%swap3A], %get3A_92 {strides = array<i32>} : memref<16384xf32, #tpu.memory_space<vmem>>, vector<16xf32>,
      %get3A_96 = arith.index_cast %scan3A_85 : i32 to index
      %get3A_97 = arith.constant 16 : index
      %get3A_98 = tpu.vector_load %arg8[%get3A_96, %get3A_97] {strides = array<i32>} : memref<128x32xf32, #tpu.memory_space<vmem>>, vector<16xf32>,
      %add3A_99 = arith.constant 16 : i32
      %add3A_100 = arith.addi %mul3A_89, %add3A_99 : i32
      %swap3A_101 = arith.index_cast %add3A_100 : i32 to index
      %swap3A_102 = tpu.vector_load %arg9[%swap3A_101] {strides = array<i32>} : memref<16384xf32, #tpu.memory_space<vmem>>, vector<16xf32>,
      tpu.vector_store %arg9[%swap3A_101], %get3A_98 {strides = array<i32>} : memref<16384xf32, #tpu.memory_space<vmem>>, vector<16xf32>,
    }
    %scan3A_75 = arith.constant 128 : i32
    %dma_wait3A_76 = tpu.memref_slice %arg3[%mul3A_4] : memref<262144xf32, #tpu.memory_space<hbm>> -> memref<8192xf32, #tpu.memory_space<hbm>>
    %dma_wait3A_77 = tpu.memref_slice %arg3[%mul3A_4] : memref<262144xf32, #tpu.memory_space<hbm>> -> memref<8192xf32, #tpu.memory_space<hbm>>
    tpu.wait_dma2 semaphore(%arg14 : memref<!tpu.dma_semaphore, #tpu.memory_space<semaphore_mem>>) src(%dma_wait3A_77 : memref<8192xf32, #tpu.memory_space<hbm>>) dst(%arg10 : memref<8192xf32, #tpu.memory_space<vmem>>)
    %iota3A = tpu.iota {dimensions = array<i32: 0>} : vector<16xi32>
    %get3A = arith.constant 1280 : index
    %get3A_78 = tpu.vector_load %arg11[%get3A] {strides = array<i32>} : memref<1296xf32, #tpu.memory_space<vmem>>, vector<16xf32>,
    %scan3A_79 = arith.constant 0 : i32
    %scan3A_80 = arith.constant 0 : i32
    %scan3A_81 = arith.constant 32 : i32
    %scan3A_82 = arith.addi %scan3A_80, %scan3A_81 : i32
    %scan3A_83 = arith.constant 1 : i32
    scf.for %scan3A_85 = %scan3A_80 to %scan3A_82 step %scan3A_83  : i32 {
      %mul3A_86 = arith.constant 16 : i32
      %mul3A_87 = arith.muli %scan3A_85, %mul3A_86 : i32
      %add3A_88 = vector.broadcast %mul3A_87 : i32 to vector<16xi32>
      %add3A_89 = arith.addi %iota3A, %add3A_88 : vector<16xi32>
      %mul3A_90 = arith.constant 32 : i32
      %mul3A_91 = vector.broadcast %mul3A_90 : i32 to vector<16xi32>
      %mul3A_92 = arith.muli %add3A_89, %mul3A_91 : vector<16xi32>
      %add3A_93 = arith.constant 0 : i32
      %add3A_94 = vector.broadcast %add3A_93 : i32 to vector<16xi32>
      %add3A_95 = arith.addi %mul3A_92, %add3A_94 : vector<16xi32>
      %gather3A = tpu.vector_load_idx %arg9[%add3A_95] : memref<16384xf32, #tpu.memory_space<vmem>>[vector<16xi32>], vector<16xf32>,
      %get3A_96 = arith.constant 512 : index
      %get3A_97 = tpu.vector_load %arg11[%get3A_96] {strides = array<i32>} : memref<1296xf32, #tpu.memory_space<vmem>>, vector<16xf32>,
      %mul3A_98 = arith.mulf %gather3A, %get3A_97 : vector<16xf32>
      %add3A_99 = arith.addf %get3A_78, %mul3A_98 : vector<16xf32>
      %add3A_100 = arith.constant 1 : i32
      %add3A_101 = vector.broadcast %add3A_100 : i32 to vector<16xi32>
      %add3A_102 = arith.addi %mul3A_92, %add3A_101 : vector<16xi32>
      %gather3A_103 = tpu.vector_load_idx %arg9[%add3A_102] : memref<16384xf32, #tpu.memory_space<vmem>>[vector<16xi32>], vector<16xf32>,
      %get3A_104 = arith.constant 528 : index
      %get3A_105 = tpu.vector_load %arg11[%get3A_104] {strides = array<i32>} : memref<1296xf32, #tpu.memory_space<vmem>>, vector<16xf32>,
      %mul3A_106 = arith.mulf %gather3A_103, %get3A_105 : vector<16xf32>
      %add3A_107 = arith.addf %add3A_99, %mul3A_106 : vector<16xf32>
      %add3A_108 = arith.constant 2 : i32
      %add3A_109 = vector.broadcast %add3A_108 : i32 to vector<16xi32>
      %add3A_110 = arith.addi %mul3A_92, %add3A_109 : vector<16xi32>
      %gather3A_111 = tpu.vector_load_idx %arg9[%add3A_110] : memref<16384xf32, #tpu.memory_space<vmem>>[vector<16xi32>], vector<16xf32>,
      %get3A_112 = arith.constant 544 : index
      %get3A_113 = tpu.vector_load %arg11[%get3A_112] {strides = array<i32>} : memref<1296xf32, #tpu.memory_space<vmem>>, vector<16xf32>,
      %mul3A_114 = arith.mulf %gather3A_111, %get3A_113 : vector<16xf32>
      %add3A_115 = arith.addf %add3A_107, %mul3A_114 : vector<16xf32>
      %add3A_116 = arith.constant 3 : i32
      %add3A_117 = vector.broadcast %add3A_116 : i32 to vector<16xi32>
      %add3A_118 = arith.addi %mul3A_92, %add3A_117 : vector<16xi32>
      %gather3A_119 = tpu.vector_load_idx %arg9[%add3A_118] : memref<16384xf32, #tpu.memory_space<vmem>>[vector<16xi32>], vector<16xf32>,
      %get3A_120 = arith.constant 560 : index
      %get3A_121 = tpu.vector_load %arg11[%get3A_120] {strides = array<i32>} : memref<1296xf32, #tpu.memory_space<vmem>>, vector<16xf32>,
      %mul3A_122 = arith.mulf %gather3A_119, %get3A_121 : vector<16xf32>
      %add3A_123 = arith.addf %add3A_115, %mul3A_122 : vector<16xf32>
      %add3A_124 = arith.constant 4 : i32
      %add3A_125 = vector.broadcast %add3A_124 : i32 to vector<16xi32>
      %add3A_126 = arith.addi %mul3A_92, %add3A_125 : vector<16xi32>
      %gather3A_127 = tpu.vector_load_idx %arg9[%add3A_126] : memref<16384xf32, #tpu.memory_space<vmem>>[vector<16xi32>], vector<16xf32>,
      %get3A_128 = arith.constant 576 : index
      %get3A_129 = tpu.vector_load %arg11[%get3A_128] {strides = array<i32>} : memref<1296xf32, #tpu.memory_space<vmem>>, vector<16xf32>,
      %mul3A_130 = arith.mulf %gather3A_127, %get3A_129 : vector<16xf32>
      %add3A_131 = arith.addf %add3A_123, %mul3A_130 : vector<16xf32>
      %add3A_132 = arith.constant 5 : i32
      %add3A_133 = vector.broadcast %add3A_132 : i32 to vector<16xi32>
      %add3A_134 = arith.addi %mul3A_92, %add3A_133 : vector<16xi32>
      %gather3A_135 = tpu.vector_load_idx %arg9[%add3A_134] : memref<16384xf32, #tpu.memory_space<vmem>>[vector<16xi32>], vector<16xf32>,
      %get3A_136 = arith.constant 592 : index
      %get3A_137 = tpu.vector_load %arg11[%get3A_136] {strides = array<i32>} : memref<1296xf32, #tpu.memory_space<vmem>>, vector<16xf32>,
      %mul3A_138 = arith.mulf %gather3A_135, %get3A_137 : vector<16xf32>
      %add3A_139 = arith.addf %add3A_131, %mul3A_138 : vector<16xf32>
      %add3A_140 = arith.constant 6 : i32
      %add3A_141 = vector.broadcast %add3A_140 : i32 to vector<16xi32>
      %add3A_142 = arith.addi %mul3A_92, %add3A_141 : vector<16xi32>
      %gather3A_143 = tpu.vector_load_idx %arg9[%add3A_142] : memref<16384xf32, #tpu.memory_space<vmem>>[vector<16xi32>], vector<16xf32>,
      %get3A_144 = arith.constant 608 : index
      %get3A_145 = tpu.vector_load %arg11[%get3A_144] {strides = array<i32>} : memref<1296xf32, #tpu.memory_space<vmem>>, vector<16xf32>,
      %mul3A_146 = arith.mulf %gather3A_143, %get3A_145 : vector<16xf32>
      %add3A_147 = arith.addf %add3A_139, %mul3A_146 : vector<16xf32>
      %add3A_148 = arith.constant 7 : i32
      %add3A_149 = vector.broadcast %add3A_148 : i32 to vector<16xi32>
      %add3A_150 = arith.addi %mul3A_92, %add3A_149 : vector<16xi32>
      %gather3A_151 = tpu.vector_load_idx %arg9[%add3A_150] : memref<16384xf32, #tpu.memory_space<vmem>>[vector<16xi32>], vector<16xf32>,
      %get3A_152 = arith.constant 624 : index
      %get3A_153 = tpu.vector_load %arg11[%get3A_152] {strides = array<i32>} : memref<1296xf32, #tpu.memory_space<vmem>>, vector<16xf32>,
      %mul3A_154 = arith.mulf %gather3A_151, %get3A_153 : vector<16xf32>
      %add3A_155 = arith.addf %add3A_147, %mul3A_154 : vector<16xf32>
      %add3A_156 = arith.constant 8 : i32
      %add3A_157 = vector.broadcast %add3A_156 : i32 to vector<16xi32>
      %add3A_158 = arith.addi %mul3A_92, %add3A_157 : vector<16xi32>
      %gather3A_159 = tpu.vector_load_idx %arg9[%add3A_158] : memref<16384xf32, #tpu.memory_space<vmem>>[vector<16xi32>], vector<16xf32>,
      %get3A_160 = arith.constant 640 : index
      %get3A_161 = tpu.vector_load %arg11[%get3A_160] {strides = array<i32>} : memref<1296xf32, #tpu.memory_space<vmem>>, vector<16xf32>,
      %mul3A_162 = arith.mulf %gather3A_159, %get3A_161 : vector<16xf32>
      %add3A_163 = arith.addf %add3A_155, %mul3A_162 : vector<16xf32>
      %add3A_164 = arith.constant 9 : i32
      %add3A_165 = vector.broadcast %add3A_164 : i32 to vector<16xi32>
      %add3A_166 = arith.addi %mul3A_92, %add3A_165 : vector<16xi32>
      %gather3A_167 = tpu.vector_load_idx %arg9[%add3A_166] : memref<16384xf32, #tpu.memory_space<vmem>>[vector<16xi32>], vector<16xf32>,
      %get3A_168 = arith.constant 656 : index
      %get3A_169 = tpu.vector_load %arg11[%get3A_168] {strides = array<i32>} : memref<1296xf32, #tpu.memory_space<vmem>>, vector<16xf32>,
      %mul3A_170 = arith.mulf %gather3A_167, %get3A_169 : vector<16xf32>
      %add3A_171 = arith.addf %add3A_163, %mul3A_170 : vector<16xf32>
      %add3A_172 = arith.constant 10 : i32
      %add3A_173 = vector.broadcast %add3A_172 : i32 to vector<16xi32>
      %add3A_174 = arith.addi %mul3A_92, %add3A_173 : vector<16xi32>
      %gather3A_175 = tpu.vector_load_idx %arg9[%add3A_174] : memref<16384xf32, #tpu.memory_space<vmem>>[vector<16xi32>], vector<16xf32>,
      %get3A_176 = arith.constant 672 : index
      %get3A_177 = tpu.vector_load %arg11[%get3A_176] {strides = array<i32>} : memref<1296xf32, #tpu.memory_space<vmem>>, vector<16xf32>,
      %mul3A_178 = arith.mulf %gather3A_175, %get3A_177 : vector<16xf32>
      %add3A_179 = arith.addf %add3A_171, %mul3A_178 : vector<16xf32>
      %add3A_180 = arith.constant 11 : i32
      %add3A_181 = vector.broadcast %add3A_180 : i32 to vector<16xi32>
      %add3A_182 = arith.addi %mul3A_92, %add3A_181 : vector<16xi32>
      %gather3A_183 = tpu.vector_load_idx %arg9[%add3A_182] : memref<16384xf32, #tpu.memory_space<vmem>>[vector<16xi32>], vector<16xf32>,
      %get3A_184 = arith.constant 688 : index
      %get3A_185 = tpu.vector_load %arg11[%get3A_184] {strides = array<i32>} : memref<1296xf32, #tpu.memory_space<vmem>>, vector<16xf32>,
      %mul3A_186 = arith.mulf %gather3A_183, %get3A_185 : vector<16xf32>
      %add3A_187 = arith.addf %add3A_179, %mul3A_186 : vector<16xf32>
      %add3A_188 = arith.constant 12 : i32
      %add3A_189 = vector.broadcast %add3A_188 : i32 to vector<16xi32>
      %add3A_190 = arith.addi %mul3A_92, %add3A_189 : vector<16xi32>
      %gather3A_191 = tpu.vector_load_idx %arg9[%add3A_190] : memref<16384xf32, #tpu.memory_space<vmem>>[vector<16xi32>], vector<16xf32>,
      %get3A_192 = arith.constant 704 : index
      %get3A_193 = tpu.vector_load %arg11[%get3A_192] {strides = array<i32>} : memref<1296xf32, #tpu.memory_space<vmem>>, vector<16xf32>,
      %mul3A_194 = arith.mulf %gather3A_191, %get3A_193 : vector<16xf32>
      %add3A_195 = arith.addf %add3A_187, %mul3A_194 : vector<16xf32>
      %add3A_196 = arith.constant 13 : i32
      %add3A_197 = vector.broadcast %add3A_196 : i32 to vector<16xi32>
      %add3A_198 = arith.addi %mul3A_92, %add3A_197 : vector<16xi32>
      %gather3A_199 = tpu.vector_load_idx %arg9[%add3A_198] : memref<16384xf32, #tpu.memory_space<vmem>>[vector<16xi32>], vector<16xf32>,
      %get3A_200 = arith.constant 720 : index
      %get3A_201 = tpu.vector_load %arg11[%get3A_200] {strides = array<i32>} : memref<1296xf32, #tpu.memory_space<vmem>>, vector<16xf32>,
      %mul3A_202 = arith.mulf %gather3A_199, %get3A_201 : vector<16xf32>
      %add3A_203 = arith.addf %add3A_195, %mul3A_202 : vector<16xf32>
      %add3A_204 = arith.constant 14 : i32
      %add3A_205 = vector.broadcast %add3A_204 : i32 to vector<16xi32>
      %add3A_206 = arith.addi %mul3A_92, %add3A_205 : vector<16xi32>
      %gather3A_207 = tpu.vector_load_idx %arg9[%add3A_206] : memref<16384xf32, #tpu.memory_space<vmem>>[vector<16xi32>], vector<16xf32>,
      %get3A_208 = arith.constant 736 : index
      %get3A_209 = tpu.vector_load %arg11[%get3A_208] {strides = array<i32>} : memref<1296xf32, #tpu.memory_space<vmem>>, vector<16xf32>,
      %mul3A_210 = arith.mulf %gather3A_207, %get3A_209 : vector<16xf32>
      %add3A_211 = arith.addf %add3A_203, %mul3A_210 : vector<16xf32>
      %add3A_212 = arith.constant 15 : i32
      %add3A_213 = vector.broadcast %add3A_212 : i32 to vector<16xi32>
      %add3A_214 = arith.addi %mul3A_92, %add3A_213 : vector<16xi32>
      %gather3A_215 = tpu.vector_load_idx %arg9[%add3A_214] : memref<16384xf32, #tpu.memory_space<vmem>>[vector<16xi32>], vector<16xf32>,
      %get3A_216 = arith.constant 752 : index
      %get3A_217 = tpu.vector_load %arg11[%get3A_216] {strides = array<i32>} : memref<1296xf32, #tpu.memory_space<vmem>>, vector<16xf32>,
      %mul3A_218 = arith.mulf %gather3A_215, %get3A_217 : vector<16xf32>
      %add3A_219 = arith.addf %add3A_211, %mul3A_218 : vector<16xf32>
      %add3A_220 = arith.constant 16 : i32
      %add3A_221 = vector.broadcast %add3A_220 : i32 to vector<16xi32>
      %add3A_222 = arith.addi %mul3A_92, %add3A_221 : vector<16xi32>
      %gather3A_223 = tpu.vector_load_idx %arg9[%add3A_222] : memref<16384xf32, #tpu.memory_space<vmem>>[vector<16xi32>], vector<16xf32>,
      %get3A_224 = arith.constant 768 : index
      %get3A_225 = tpu.vector_load %arg11[%get3A_224] {strides = array<i32>} : memref<1296xf32, #tpu.memory_space<vmem>>, vector<16xf32>,
      %mul3A_226 = arith.mulf %gather3A_223, %get3A_225 : vector<16xf32>
      %add3A_227 = arith.addf %add3A_219, %mul3A_226 : vector<16xf32>
      %add3A_228 = arith.constant 17 : i32
      %add3A_229 = vector.broadcast %add3A_228 : i32 to vector<16xi32>
      %add3A_230 = arith.addi %mul3A_92, %add3A_229 : vector<16xi32>
      %gather3A_231 = tpu.vector_load_idx %arg9[%add3A_230] : memref<16384xf32, #tpu.memory_space<vmem>>[vector<16xi32>], vector<16xf32>,
      %get3A_232 = arith.constant 784 : index
      %get3A_233 = tpu.vector_load %arg11[%get3A_232] {strides = array<i32>} : memref<1296xf32, #tpu.memory_space<vmem>>, vector<16xf32>,
      %mul3A_234 = arith.mulf %gather3A_231, %get3A_233 : vector<16xf32>
      %add3A_235 = arith.addf %add3A_227, %mul3A_234 : vector<16xf32>
      %add3A_236 = arith.constant 18 : i32
      %add3A_237 = vector.broadcast %add3A_236 : i32 to vector<16xi32>
      %add3A_238 = arith.addi %mul3A_92, %add3A_237 : vector<16xi32>
      %gather3A_239 = tpu.vector_load_idx %arg9[%add3A_238] : memref<16384xf32, #tpu.memory_space<vmem>>[vector<16xi32>], vector<16xf32>,
      %get3A_240 = arith.constant 800 : index
      %get3A_241 = tpu.vector_load %arg11[%get3A_240] {strides = array<i32>} : memref<1296xf32, #tpu.memory_space<vmem>>, vector<16xf32>,
      %mul3A_242 = arith.mulf %gather3A_239, %get3A_241 : vector<16xf32>
      %add3A_243 = arith.addf %add3A_235, %mul3A_242 : vector<16xf32>
      %add3A_244 = arith.constant 19 : i32
      %add3A_245 = vector.broadcast %add3A_244 : i32 to vector<16xi32>
      %add3A_246 = arith.addi %mul3A_92, %add3A_245 : vector<16xi32>
      %gather3A_247 = tpu.vector_load_idx %arg9[%add3A_246] : memref<16384xf32, #tpu.memory_space<vmem>>[vector<16xi32>], vector<16xf32>,
      %get3A_248 = arith.constant 816 : index
      %get3A_249 = tpu.vector_load %arg11[%get3A_248] {strides = array<i32>} : memref<1296xf32, #tpu.memory_space<vmem>>, vector<16xf32>,
      %mul3A_250 = arith.mulf %gather3A_247, %get3A_249 : vector<16xf32>
      %add3A_251 = arith.addf %add3A_243, %mul3A_250 : vector<16xf32>
      %add3A_252 = arith.constant 20 : i32
      %add3A_253 = vector.broadcast %add3A_252 : i32 to vector<16xi32>
      %add3A_254 = arith.addi %mul3A_92, %add3A_253 : vector<16xi32>
      %gather3A_255 = tpu.vector_load_idx %arg9[%add3A_254] : memref<16384xf32, #tpu.memory_space<vmem>>[vector<16xi32>], vector<16xf32>,
      %get3A_256 = arith.constant 832 : index
      %get3A_257 = tpu.vector_load %arg11[%get3A_256] {strides = array<i32>} : memref<1296xf32, #tpu.memory_space<vmem>>, vector<16xf32>,
      %mul3A_258 = arith.mulf %gather3A_255, %get3A_257 : vector<16xf32>
      %add3A_259 = arith.addf %add3A_251, %mul3A_258 : vector<16xf32>
      %add3A_260 = arith.constant 21 : i32
      %add3A_261 = vector.broadcast %add3A_260 : i32 to vector<16xi32>
      %add3A_262 = arith.addi %mul3A_92, %add3A_261 : vector<16xi32>
      %gather3A_263 = tpu.vector_load_idx %arg9[%add3A_262] : memref<16384xf32, #tpu.memory_space<vmem>>[vector<16xi32>], vector<16xf32>,
      %get3A_264 = arith.constant 848 : index
      %get3A_265 = tpu.vector_load %arg11[%get3A_264] {strides = array<i32>} : memref<1296xf32, #tpu.memory_space<vmem>>, vector<16xf32>,
      %mul3A_266 = arith.mulf %gather3A_263, %get3A_265 : vector<16xf32>
      %add3A_267 = arith.addf %add3A_259, %mul3A_266 : vector<16xf32>
      %add3A_268 = arith.constant 22 : i32
      %add3A_269 = vector.broadcast %add3A_268 : i32 to vector<16xi32>
      %add3A_270 = arith.addi %mul3A_92, %add3A_269 : vector<16xi32>
      %gather3A_271 = tpu.vector_load_idx %arg9[%add3A_270] : memref<16384xf32, #tpu.memory_space<vmem>>[vector<16xi32>], vector<16xf32>,
      %get3A_272 = arith.constant 864 : index
      %get3A_273 = tpu.vector_load %arg11[%get3A_272] {strides = array<i32>} : memref<1296xf32, #tpu.memory_space<vmem>>, vector<16xf32>,
      %mul3A_274 = arith.mulf %gather3A_271, %get3A_273 : vector<16xf32>
      %add3A_275 = arith.addf %add3A_267, %mul3A_274 : vector<16xf32>
      %add3A_276 = arith.constant 23 : i32
      %add3A_277 = vector.broadcast %add3A_276 : i32 to vector<16xi32>
      %add3A_278 = arith.addi %mul3A_92, %add3A_277 : vector<16xi32>
      %gather3A_279 = tpu.vector_load_idx %arg9[%add3A_278] : memref<16384xf32, #tpu.memory_space<vmem>>[vector<16xi32>], vector<16xf32>,
      %get3A_280 = arith.constant 880 : index
      %get3A_281 = tpu.vector_load %arg11[%get3A_280] {strides = array<i32>} : memref<1296xf32, #tpu.memory_space<vmem>>, vector<16xf32>,
      %mul3A_282 = arith.mulf %gather3A_279, %get3A_281 : vector<16xf32>
      %add3A_283 = arith.addf %add3A_275, %mul3A_282 : vector<16xf32>
      %add3A_284 = arith.constant 24 : i32
      %add3A_285 = vector.broadcast %add3A_284 : i32 to vector<16xi32>
      %add3A_286 = arith.addi %mul3A_92, %add3A_285 : vector<16xi32>
      %gather3A_287 = tpu.vector_load_idx %arg9[%add3A_286] : memref<16384xf32, #tpu.memory_space<vmem>>[vector<16xi32>], vector<16xf32>,
      %get3A_288 = arith.constant 896 : index
      %get3A_289 = tpu.vector_load %arg11[%get3A_288] {strides = array<i32>} : memref<1296xf32, #tpu.memory_space<vmem>>, vector<16xf32>,
      %mul3A_290 = arith.mulf %gather3A_287, %get3A_289 : vector<16xf32>
      %add3A_291 = arith.addf %add3A_283, %mul3A_290 : vector<16xf32>
      %add3A_292 = arith.constant 25 : i32
      %add3A_293 = vector.broadcast %add3A_292 : i32 to vector<16xi32>
      %add3A_294 = arith.addi %mul3A_92, %add3A_293 : vector<16xi32>
      %gather3A_295 = tpu.vector_load_idx %arg9[%add3A_294] : memref<16384xf32, #tpu.memory_space<vmem>>[vector<16xi32>], vector<16xf32>,
      %get3A_296 = arith.constant 912 : index
      %get3A_297 = tpu.vector_load %arg11[%get3A_296] {strides = array<i32>} : memref<1296xf32, #tpu.memory_space<vmem>>, vector<16xf32>,
      %mul3A_298 = arith.mulf %gather3A_295, %get3A_297 : vector<16xf32>
      %add3A_299 = arith.addf %add3A_291, %mul3A_298 : vector<16xf32>
      %add3A_300 = arith.constant 26 : i32
      %add3A_301 = vector.broadcast %add3A_300 : i32 to vector<16xi32>
      %add3A_302 = arith.addi %mul3A_92, %add3A_301 : vector<16xi32>
      %gather3A_303 = tpu.vector_load_idx %arg9[%add3A_302] : memref<16384xf32, #tpu.memory_space<vmem>>[vector<16xi32>], vector<16xf32>,
      %get3A_304 = arith.constant 928 : index
      %get3A_305 = tpu.vector_load %arg11[%get3A_304] {strides = array<i32>} : memref<1296xf32, #tpu.memory_space<vmem>>, vector<16xf32>,
      %mul3A_306 = arith.mulf %gather3A_303, %get3A_305 : vector<16xf32>
      %add3A_307 = arith.addf %add3A_299, %mul3A_306 : vector<16xf32>
      %add3A_308 = arith.constant 27 : i32
      %add3A_309 = vector.broadcast %add3A_308 : i32 to vector<16xi32>
      %add3A_310 = arith.addi %mul3A_92, %add3A_309 : vector<16xi32>
      %gather3A_311 = tpu.vector_load_idx %arg9[%add3A_310] : memref<16384xf32, #tpu.memory_space<vmem>>[vector<16xi32>], vector<16xf32>,
      %get3A_312 = arith.constant 944 : index
      %get3A_313 = tpu.vector_load %arg11[%get3A_312] {strides = array<i32>} : memref<1296xf32, #tpu.memory_space<vmem>>, vector<16xf32>,
      %mul3A_314 = arith.mulf %gather3A_311, %get3A_313 : vector<16xf32>
      %add3A_315 = arith.addf %add3A_307, %mul3A_314 : vector<16xf32>
      %add3A_316 = arith.constant 28 : i32
      %add3A_317 = vector.broadcast %add3A_316 : i32 to vector<16xi32>
      %add3A_318 = arith.addi %mul3A_92, %add3A_317 : vector<16xi32>
      %gather3A_319 = tpu.vector_load_idx %arg9[%add3A_318] : memref<16384xf32, #tpu.memory_space<vmem>>[vector<16xi32>], vector<16xf32>,
      %get3A_320 = arith.constant 960 : index
      %get3A_321 = tpu.vector_load %arg11[%get3A_320] {strides = array<i32>} : memref<1296xf32, #tpu.memory_space<vmem>>, vector<16xf32>,
      %mul3A_322 = arith.mulf %gather3A_319, %get3A_321 : vector<16xf32>
      %add3A_323 = arith.addf %add3A_315, %mul3A_322 : vector<16xf32>
      %add3A_324 = arith.constant 29 : i32
      %add3A_325 = vector.broadcast %add3A_324 : i32 to vector<16xi32>
      %add3A_326 = arith.addi %mul3A_92, %add3A_325 : vector<16xi32>
      %gather3A_327 = tpu.vector_load_idx %arg9[%add3A_326] : memref<16384xf32, #tpu.memory_space<vmem>>[vector<16xi32>], vector<16xf32>,
      %get3A_328 = arith.constant 976 : index
      %get3A_329 = tpu.vector_load %arg11[%get3A_328] {strides = array<i32>} : memref<1296xf32, #tpu.memory_space<vmem>>, vector<16xf32>,
      %mul3A_330 = arith.mulf %gather3A_327, %get3A_329 : vector<16xf32>
      %add3A_331 = arith.addf %add3A_323, %mul3A_330 : vector<16xf32>
      %add3A_332 = arith.constant 30 : i32
      %add3A_333 = vector.broadcast %add3A_332 : i32 to vector<16xi32>
      %add3A_334 = arith.addi %mul3A_92, %add3A_333 : vector<16xi32>
      %gather3A_335 = tpu.vector_load_idx %arg9[%add3A_334] : memref<16384xf32, #tpu.memory_space<vmem>>[vector<16xi32>], vector<16xf32>,
      %get3A_336 = arith.constant 992 : index
      %get3A_337 = tpu.vector_load %arg11[%get3A_336] {strides = array<i32>} : memref<1296xf32, #tpu.memory_space<vmem>>, vector<16xf32>,
      %mul3A_338 = arith.mulf %gather3A_335, %get3A_337 : vector<16xf32>
      %add3A_339 = arith.addf %add3A_331, %mul3A_338 : vector<16xf32>
      %add3A_340 = arith.constant 31 : i32
      %add3A_341 = vector.broadcast %add3A_340 : i32 to vector<16xi32>
      %add3A_342 = arith.addi %mul3A_92, %add3A_341 : vector<16xi32>
      %gather3A_343 = tpu.vector_load_idx %arg9[%add3A_342] : memref<16384xf32, #tpu.memory_space<vmem>>[vector<16xi32>], vector<16xf32>,
      %get3A_344 = arith.constant 1008 : index
      %get3A_345 = tpu.vector_load %arg11[%get3A_344] {strides = array<i32>} : memref<1296xf32, #tpu.memory_space<vmem>>, vector<16xf32>,
      %mul3A_346 = arith.mulf %gather3A_343, %get3A_345 : vector<16xf32>
      %add3A_347 = arith.addf %add3A_339, %mul3A_346 : vector<16xf32>
      %mul3A_348 = arith.constant 16 : i32
      %mul3A_349 = vector.broadcast %mul3A_348 : i32 to vector<16xi32>
      %mul3A_350 = arith.muli %add3A_89, %mul3A_349 : vector<16xi32>
      %add3A_351 = arith.constant 0 : i32
      %add3A_352 = vector.broadcast %add3A_351 : i32 to vector<16xi32>
      %add3A_353 = arith.addi %mul3A_350, %add3A_352 : vector<16xi32>
      %gather3A_354 = tpu.vector_load_idx %arg10[%add3A_353] : memref<8192xf32, #tpu.memory_space<vmem>>[vector<16xi32>], vector<16xf32>,
      %get3A_355 = arith.constant 1024 : index
      %get3A_356 = tpu.vector_load %arg11[%get3A_355] {strides = array<i32>} : memref<1296xf32, #tpu.memory_space<vmem>>, vector<16xf32>,
      %mul3A_357 = arith.mulf %gather3A_354, %get3A_356 : vector<16xf32>
      %add3A_358 = arith.addf %add3A_347, %mul3A_357 : vector<16xf32>
      %add3A_359 = arith.constant 1 : i32
      %add3A_360 = vector.broadcast %add3A_359 : i32 to vector<16xi32>
      %add3A_361 = arith.addi %mul3A_350, %add3A_360 : vector<16xi32>
      %gather3A_362 = tpu.vector_load_idx %arg10[%add3A_361] : memref<8192xf32, #tpu.memory_space<vmem>>[vector<16xi32>], vector<16xf32>,
      %get3A_363 = arith.constant 1040 : index
      %get3A_364 = tpu.vector_load %arg11[%get3A_363] {strides = array<i32>} : memref<1296xf32, #tpu.memory_space<vmem>>, vector<16xf32>,
      %mul3A_365 = arith.mulf %gather3A_362, %get3A_364 : vector<16xf32>
      %add3A_366 = arith.addf %add3A_358, %mul3A_365 : vector<16xf32>
      %add3A_367 = arith.constant 2 : i32
      %add3A_368 = vector.broadcast %add3A_367 : i32 to vector<16xi32>
      %add3A_369 = arith.addi %mul3A_350, %add3A_368 : vector<16xi32>
      %gather3A_370 = tpu.vector_load_idx %arg10[%add3A_369] : memref<8192xf32, #tpu.memory_space<vmem>>[vector<16xi32>], vector<16xf32>,
      %get3A_371 = arith.constant 1056 : index
      %get3A_372 = tpu.vector_load %arg11[%get3A_371] {strides = array<i32>} : memref<1296xf32, #tpu.memory_space<vmem>>, vector<16xf32>,
      %mul3A_373 = arith.mulf %gather3A_370, %get3A_372 : vector<16xf32>
      %add3A_374 = arith.addf %add3A_366, %mul3A_373 : vector<16xf32>
      %add3A_375 = arith.constant 3 : i32
      %add3A_376 = vector.broadcast %add3A_375 : i32 to vector<16xi32>
      %add3A_377 = arith.addi %mul3A_350, %add3A_376 : vector<16xi32>
      %gather3A_378 = tpu.vector_load_idx %arg10[%add3A_377] : memref<8192xf32, #tpu.memory_space<vmem>>[vector<16xi32>], vector<16xf32>,
      %get3A_379 = arith.constant 1072 : index
      %get3A_380 = tpu.vector_load %arg11[%get3A_379] {strides = array<i32>} : memref<1296xf32, #tpu.memory_space<vmem>>, vector<16xf32>,
      %mul3A_381 = arith.mulf %gather3A_378, %get3A_380 : vector<16xf32>
      %add3A_382 = arith.addf %add3A_374, %mul3A_381 : vector<16xf32>
      %add3A_383 = arith.constant 4 : i32
      %add3A_384 = vector.broadcast %add3A_383 : i32 to vector<16xi32>
      %add3A_385 = arith.addi %mul3A_350, %add3A_384 : vector<16xi32>
      %gather3A_386 = tpu.vector_load_idx %arg10[%add3A_385] : memref<8192xf32, #tpu.memory_space<vmem>>[vector<16xi32>], vector<16xf32>,
      %get3A_387 = arith.constant 1088 : index
      %get3A_388 = tpu.vector_load %arg11[%get3A_387] {strides = array<i32>} : memref<1296xf32, #tpu.memory_space<vmem>>, vector<16xf32>,
      %mul3A_389 = arith.mulf %gather3A_386, %get3A_388 : vector<16xf32>
      %add3A_390 = arith.addf %add3A_382, %mul3A_389 : vector<16xf32>
      %add3A_391 = arith.constant 5 : i32
      %add3A_392 = vector.broadcast %add3A_391 : i32 to vector<16xi32>
      %add3A_393 = arith.addi %mul3A_350, %add3A_392 : vector<16xi32>
      %gather3A_394 = tpu.vector_load_idx %arg10[%add3A_393] : memref<8192xf32, #tpu.memory_space<vmem>>[vector<16xi32>], vector<16xf32>,
      %get3A_395 = arith.constant 1104 : index
      %get3A_396 = tpu.vector_load %arg11[%get3A_395] {strides = array<i32>} : memref<1296xf32, #tpu.memory_space<vmem>>, vector<16xf32>,
      %mul3A_397 = arith.mulf %gather3A_394, %get3A_396 : vector<16xf32>
      %add3A_398 = arith.addf %add3A_390, %mul3A_397 : vector<16xf32>
      %add3A_399 = arith.constant 6 : i32
      %add3A_400 = vector.broadcast %add3A_399 : i32 to vector<16xi32>
      %add3A_401 = arith.addi %mul3A_350, %add3A_400 : vector<16xi32>
      %gather3A_402 = tpu.vector_load_idx %arg10[%add3A_401] : memref<8192xf32, #tpu.memory_space<vmem>>[vector<16xi32>], vector<16xf32>,
      %get3A_403 = arith.constant 1120 : index
      %get3A_404 = tpu.vector_load %arg11[%get3A_403] {strides = array<i32>} : memref<1296xf32, #tpu.memory_space<vmem>>, vector<16xf32>,
      %mul3A_405 = arith.mulf %gather3A_402, %get3A_404 : vector<16xf32>
      %add3A_406 = arith.addf %add3A_398, %mul3A_405 : vector<16xf32>
      %add3A_407 = arith.constant 7 : i32
      %add3A_408 = vector.broadcast %add3A_407 : i32 to vector<16xi32>
      %add3A_409 = arith.addi %mul3A_350, %add3A_408 : vector<16xi32>
      %gather3A_410 = tpu.vector_load_idx %arg10[%add3A_409] : memref<8192xf32, #tpu.memory_space<vmem>>[vector<16xi32>], vector<16xf32>,
      %get3A_411 = arith.constant 1136 : index
      %get3A_412 = tpu.vector_load %arg11[%get3A_411] {strides = array<i32>} : memref<1296xf32, #tpu.memory_space<vmem>>, vector<16xf32>,
      %mul3A_413 = arith.mulf %gather3A_410, %get3A_412 : vector<16xf32>
      %add3A_414 = arith.addf %add3A_406, %mul3A_413 : vector<16xf32>
      %add3A_415 = arith.constant 8 : i32
      %add3A_416 = vector.broadcast %add3A_415 : i32 to vector<16xi32>
      %add3A_417 = arith.addi %mul3A_350, %add3A_416 : vector<16xi32>
      %gather3A_418 = tpu.vector_load_idx %arg10[%add3A_417] : memref<8192xf32, #tpu.memory_space<vmem>>[vector<16xi32>], vector<16xf32>,
      %get3A_419 = arith.constant 1152 : index
      %get3A_420 = tpu.vector_load %arg11[%get3A_419] {strides = array<i32>} : memref<1296xf32, #tpu.memory_space<vmem>>, vector<16xf32>,
      %mul3A_421 = arith.mulf %gather3A_418, %get3A_420 : vector<16xf32>
      %add3A_422 = arith.addf %add3A_414, %mul3A_421 : vector<16xf32>
      %add3A_423 = arith.constant 9 : i32
      %add3A_424 = vector.broadcast %add3A_423 : i32 to vector<16xi32>
      %add3A_425 = arith.addi %mul3A_350, %add3A_424 : vector<16xi32>
      %gather3A_426 = tpu.vector_load_idx %arg10[%add3A_425] : memref<8192xf32, #tpu.memory_space<vmem>>[vector<16xi32>], vector<16xf32>,
      %get3A_427 = arith.constant 1168 : index
      %get3A_428 = tpu.vector_load %arg11[%get3A_427] {strides = array<i32>} : memref<1296xf32, #tpu.memory_space<vmem>>, vector<16xf32>,
      %mul3A_429 = arith.mulf %gather3A_426, %get3A_428 : vector<16xf32>
      %add3A_430 = arith.addf %add3A_422, %mul3A_429 : vector<16xf32>
      %add3A_431 = arith.constant 10 : i32
      %add3A_432 = vector.broadcast %add3A_431 : i32 to vector<16xi32>
      %add3A_433 = arith.addi %mul3A_350, %add3A_432 : vector<16xi32>
      %gather3A_434 = tpu.vector_load_idx %arg10[%add3A_433] : memref<8192xf32, #tpu.memory_space<vmem>>[vector<16xi32>], vector<16xf32>,
      %get3A_435 = arith.constant 1184 : index
      %get3A_436 = tpu.vector_load %arg11[%get3A_435] {strides = array<i32>} : memref<1296xf32, #tpu.memory_space<vmem>>, vector<16xf32>,
      %mul3A_437 = arith.mulf %gather3A_434, %get3A_436 : vector<16xf32>
      %add3A_438 = arith.addf %add3A_430, %mul3A_437 : vector<16xf32>
      %add3A_439 = arith.constant 11 : i32
      %add3A_440 = vector.broadcast %add3A_439 : i32 to vector<16xi32>
      %add3A_441 = arith.addi %mul3A_350, %add3A_440 : vector<16xi32>
      %gather3A_442 = tpu.vector_load_idx %arg10[%add3A_441] : memref<8192xf32, #tpu.memory_space<vmem>>[vector<16xi32>], vector<16xf32>,
      %get3A_443 = arith.constant 1200 : index
      %get3A_444 = tpu.vector_load %arg11[%get3A_443] {strides = array<i32>} : memref<1296xf32, #tpu.memory_space<vmem>>, vector<16xf32>,
      %mul3A_445 = arith.mulf %gather3A_442, %get3A_444 : vector<16xf32>
      %add3A_446 = arith.addf %add3A_438, %mul3A_445 : vector<16xf32>
      %add3A_447 = arith.constant 12 : i32
      %add3A_448 = vector.broadcast %add3A_447 : i32 to vector<16xi32>
      %add3A_449 = arith.addi %mul3A_350, %add3A_448 : vector<16xi32>
      %gather3A_450 = tpu.vector_load_idx %arg10[%add3A_449] : memref<8192xf32, #tpu.memory_space<vmem>>[vector<16xi32>], vector<16xf32>,
      %get3A_451 = arith.constant 1216 : index
      %get3A_452 = tpu.vector_load %arg11[%get3A_451] {strides = array<i32>} : memref<1296xf32, #tpu.memory_space<vmem>>, vector<16xf32>,
      %mul3A_453 = arith.mulf %gather3A_450, %get3A_452 : vector<16xf32>
      %add3A_454 = arith.addf %add3A_446, %mul3A_453 : vector<16xf32>
      %add3A_455 = arith.constant 13 : i32
      %add3A_456 = vector.broadcast %add3A_455 : i32 to vector<16xi32>
      %add3A_457 = arith.addi %mul3A_350, %add3A_456 : vector<16xi32>
      %gather3A_458 = tpu.vector_load_idx %arg10[%add3A_457] : memref<8192xf32, #tpu.memory_space<vmem>>[vector<16xi32>], vector<16xf32>,
      %get3A_459 = arith.constant 1232 : index
      %get3A_460 = tpu.vector_load %arg11[%get3A_459] {strides = array<i32>} : memref<1296xf32, #tpu.memory_space<vmem>>, vector<16xf32>,
      %mul3A_461 = arith.mulf %gather3A_458, %get3A_460 : vector<16xf32>
      %add3A_462 = arith.addf %add3A_454, %mul3A_461 : vector<16xf32>
      %add3A_463 = arith.constant 14 : i32
      %add3A_464 = vector.broadcast %add3A_463 : i32 to vector<16xi32>
      %add3A_465 = arith.addi %mul3A_350, %add3A_464 : vector<16xi32>
      %gather3A_466 = tpu.vector_load_idx %arg10[%add3A_465] : memref<8192xf32, #tpu.memory_space<vmem>>[vector<16xi32>], vector<16xf32>,
      %get3A_467 = arith.constant 1248 : index
      %get3A_468 = tpu.vector_load %arg11[%get3A_467] {strides = array<i32>} : memref<1296xf32, #tpu.memory_space<vmem>>, vector<16xf32>,
      %mul3A_469 = arith.mulf %gather3A_466, %get3A_468 : vector<16xf32>
      %add3A_470 = arith.addf %add3A_462, %mul3A_469 : vector<16xf32>
      %add3A_471 = arith.constant 15 : i32
      %add3A_472 = vector.broadcast %add3A_471 : i32 to vector<16xi32>
      %add3A_473 = arith.addi %mul3A_350, %add3A_472 : vector<16xi32>
      %gather3A_474 = tpu.vector_load_idx %arg10[%add3A_473] : memref<8192xf32, #tpu.memory_space<vmem>>[vector<16xi32>], vector<16xf32>,
      %get3A_475 = arith.constant 1264 : index
      %get3A_476 = tpu.vector_load %arg11[%get3A_475] {strides = array<i32>} : memref<1296xf32, #tpu.memory_space<vmem>>, vector<16xf32>,
      %mul3A_477 = arith.mulf %gather3A_474, %get3A_476 : vector<16xf32>
      %add3A_478 = arith.addf %add3A_470, %mul3A_477 : vector<16xf32>
      %mul3A_479 = arith.constant 16 : i32
      %mul3A_480 = arith.muli %scan3A_85, %mul3A_479 : i32
      %swap3A = arith.index_cast %mul3A_480 : i32 to index
      %swap3A_481 = tpu.vector_load %arg12[%swap3A] {strides = array<i32>} : memref<512xf32, #tpu.memory_space<vmem>>, vector<16xf32>,
      tpu.vector_store %arg12[%swap3A], %add3A_478 {strides = array<i32>} : memref<512xf32, #tpu.memory_space<vmem>>, vector<16xf32>,
    }
    %scan3A_84 = arith.constant 32 : i32
    "tpu.region"() ({
      %run_scoped3A = tpu.sem_alloc : memref<!tpu.dma_semaphore, #tpu.memory_space<semaphore_mem>>
      %dma_start3A_85 = tpu.memref_slice %arg6[%mul3A_2] : memref<16384xf32, #tpu.memory_space<hbm>> -> memref<512xf32, #tpu.memory_space<hbm>>
      %dma_start3A_86 = tpu.memref_slice %arg6[%mul3A_2] : memref<16384xf32, #tpu.memory_space<hbm>> -> memref<512xf32, #tpu.memory_space<hbm>>
      tpu.enqueue_dma source(%arg12 : memref<512xf32, #tpu.memory_space<vmem>>) target(%dma_start3A_86 : memref<512xf32, #tpu.memory_space<hbm>>) target_semaphore(%run_scoped3A : memref<!tpu.dma_semaphore, #tpu.memory_space<semaphore_mem>>)
      %dma_wait3A_87 = tpu.memref_slice %arg6[%mul3A_2] : memref<16384xf32, #tpu.memory_space<hbm>> -> memref<512xf32, #tpu.memory_space<hbm>>
      %dma_wait3A_88 = tpu.memref_slice %arg6[%mul3A_2] : memref<16384xf32, #tpu.memory_space<hbm>> -> memref<512xf32, #tpu.memory_space<hbm>>
      tpu.wait_dma2 semaphore(%run_scoped3A : memref<!tpu.dma_semaphore, #tpu.memory_space<semaphore_mem>>) src(%arg12 : memref<512xf32, #tpu.memory_space<vmem>>) dst(%dma_wait3A_88 : memref<512xf32, #tpu.memory_space<hbm>>)
      tpu.yield
    }) : () -> ()
    return
  }
}

</mosaic_0001>

<sc_bundles>
// kernel: kernel.4.cloned.1.call-start
scs
__scs_entry_jumppad:
0x0: {  	(pc) =	sbr.rel $0x88, $3  }
0x1: {  	(tag) =	ssettag $0x0;
	lr =	simm.s32 $0x1  }
0x2: {  	[smem:$0x3F98] =	sst lr;
	_ =	strace $0xD0000000  }
0x3: {  	_ = 	snop  }
0x4: {  	_ = 	snop  }
0x5: {  	_ = 	snop  }
0x6: {  	_ = 	snop  }
0x7: {  	_ = 	snop  }
__scs_overlays_trampoline_lowered:
0x8: {  	[smem:$0x3FA7] =	sst s0  }
0x9: {  	[smem:$0x3FA8] =	sst s1  }
0xa: {  	[smem:$0x3FA9] =	sst s2  }
0xb: {  	[smem:$0x3FAA] =	sst s3  }
0xc: {  	[smem:$0x3FAB] =	sst s4  }
0xd: {  	[smem:$0x3FAC] =	sst s5  }
0xe: {  	[smem:$0x3FAD] =	sst s6  }
0xf: {  	[smem:$0x3FAE] =	sst s7  }
0x10: {  	[smem:$0x3FAF] =	sst s8  }
0x11: {  	[smem:$0x3FB0] =	sst s9;
	s0 =	simm.s32 @!p0 $0x0  }
0x12: {  	s1 =	sld [smem:$0x3F96];
	s0 =	simm.s32 @p0 $0x1  }
0x13: {  	[smem:$0x3FB1] =	sst s0;
	s0 =	simm.s32 @!p1 $0x0  }
0x14: {  	s2 =	sld [smem:$0x3F95];
	s0 =	simm.s32 @p1 $0x1  }
0x15: {  	[smem:$0x3FB2] =	sst s0;
	s0 =	simm.s32 @!p2 $0x0  }
0x16: {  	s3 =	sld [smem:$0x3FDB];
	s0 =	simm.s32 @p2 $0x1  }
0x17: {  	s4 =	simm.s32 $0x1BF5;
	[smem:$0x3FB4] =	sst s0  }
0x18: {  	s0 =	sld [smem:$0x3F97];
	_ =	swait.ge [sflag:s4], $0x0  }
0x19: {  	s7 =	sld [smem:$0x3F98]  }
0x1a: {  	s8 =	sadd.s32 $0xFFFFE003, lr  }
0x1b: {  	s9 =	sadd.s32 $0xFFFFFEF7, lr;
	s5 =	simm.s32 $0xFFFFFFFF;
	p2 =	slt.u32 s8, $0xFFFFF086  }
0x1c: {  	p1 =	slt.u32 s9, $0xF7A;
	s5 =	simm.s32 @!p2 $0x0  }
0x1d: {  	s5 =	simm.s32 @p1 $0x1;
	p0 =	seq.s32 s7, s2  }
0x1e: {  	s7 =	smul.u32 @!p0 $0xF7A, s2;
	p2 =	seq.s32 @!p0 s5, $0x0  }
0x1f: {  	s9 =	smul.u32 $0xF7A, s1;
	s8 =	simm.s32 @!p0 $0x1BF5;
	p2 =	por !p2, p0  }
0x20: {  	[sflag:s8] =	ssyncset.s32 @!p0 $0xFFFFF086;
	s6 =	sadd.s32 @!p0 s3, s7;
	s7 =	simm.s32 @!p0 $0x108  }
0x21: {  	s3 =	sadd.s32 s3, s9;
	s6 =	sadd.s32 @!p0 $0x88, s6;
	s7 =	simm.s32 @p2 $0x1082  }
0x22: {  	[simem:s7], [sflag:s8] =	dma.local @!p0 [hbm:s6], $0xF7A  }
0x23: {  	s9 =	sor.u32 $0xD0000000, s2;
	s6 =	simm.s32 $0x108;
	_ =	swait.ge @!p0 [sflag:s8], $0x0  }
0x24: {  	s3 =	sadd.s32 $0x88, s3;
	s6 =	simm.s32 @!p1 $0x1082;
	[sflag:s4] =	ssyncset.s32 $0xFFFFF086  }
0x25: {  	[simem:s6], [sflag:s4] =	dma.local [hbm:s3], $0xF7A  }
0x26: {  	[smem:$0x3F98] =	sst s1;
	(tag) =	ssettag s2;
	_ =	strace s9  }
0x27: {  	s1 =	sld [smem:$0x3FA8]  }
0x28: {  	s2 =	sld [smem:$0x3FA9]  }
0x29: {  	s4 =	sld [smem:$0x3FAB]  }
0x2a: {  	p0 =	seq.s32 s5, $0x0;
	s5 =	sld [smem:$0x3FAC]  }
0x2b: {  	s6 =	sld [smem:$0x3FAD]  }
0x2c: {  	s7 =	sld [smem:$0x3FAE]  }
0x2d: {  	s3 =	simm.s32 $0x108;
	s8 =	sld [smem:$0x3FAF]  }
0x2e: {  	s3 =	simm.s32 @!p0 $0x1082;
	s9 =	sld [smem:$0x3FB0]  }
0x2f: {  	lr =	sadd.s32 s0, s3;
	s0 =	sld [smem:$0x3FA7]  }
0x30: {  	s3 =	sld [smem:$0x3FAA]  }
0x31: {  	[smem:$0x3FB3] =	sst s10  }
0x32: {  	s10 =	sld [smem:$0x3FB1];
	_ =	sdelay $0x3  }
0x33: {  	p0 =	seq.s32 s10, $0x1;
	s10 =	sld [smem:$0x3FB3];
	_ =	sdelay $0x3  }
0x34: {  	[smem:$0x3FB3] =	sst s10  }
0x35: {  	s10 =	sld [smem:$0x3FB2];
	_ =	sdelay $0x3  }
0x36: {  	p1 =	seq.s32 s10, $0x1;
	s10 =	sld [smem:$0x3FB3];
	_ =	sdelay $0x3  }
0x37: {  	[smem:$0x3FB3] =	sst s10  }
0x38: {  	s10 =	sld [smem:$0x3FB4]  }
0x39: {  	_ = 	snop;
	(pc) =	sbr.ind lr, $3  }
0x3a: {  	_ = 	snop  }
0x3b: {  	_ = 	snop  }
0x3c: {  	p2 =	seq.s32 s10, $0x1;
	s10 =	sld [smem:$0x3FB3]  }
0x3d: {  	_ =	shalt  }
0x3e: {  	_ =	shalt  }
0x3f: {  	_ =	shalt  }
0x40: {  	_ =	shalt  }
0x41: {  	_ =	shalt  }
0x42: {  	_ =	shalt  }
0x43: {  	_ =	shalt  }
0x44: {  	_ =	shalt  }
0x45: {  	_ =	shalt  }
0x46: {  	_ =	shalt  }
0x47: {  	_ =	shalt  }
0x48: {  	_ =	shalt  }
0x49: {  	_ =	shalt  }
0x4a: {  	_ =	shalt  }
0x4b: {  	_ =	shalt  }
0x4c: {  	_ =	shalt  }
0x4d: {  	_ =	shalt  }
0x4e: {  	_ =	shalt  }
0x4f: {  	_ =	shalt  }
0x50: {  	_ =	shalt  }
0x51: {  	_ =	shalt  }
0x52: {  	_ =	shalt  }
0x53: {  	_ =	shalt  }
0x54: {  	_ =	shalt  }
0x55: {  	_ =	shalt  }
0x56: {  	_ =	shalt  }
0x57: {  	_ =	shalt  }
0x58: {  	_ =	shalt  }
0x59: {  	_ =	shalt  }
0x5a: {  	_ =	shalt  }
0x5b: {  	_ =	shalt  }
0x5c: {  	_ =	shalt  }
0x5d: {  	_ =	shalt  }
0x5e: {  	_ =	shalt  }
0x5f: {  	_ =	shalt  }
0x60: {  	_ =	shalt  }
0x61: {  	_ =	shalt  }
0x62: {  	_ =	shalt  }
0x63: {  	_ =	shalt  }
0x64: {  	_ =	shalt  }
0x65: {  	_ =	shalt  }
0x66: {  	_ =	shalt  }
0x67: {  	_ =	shalt  }
0x68: {  	_ =	shalt  }
0x69: {  	_ =	shalt  }
0x6a: {  	_ =	shalt  }
0x6b: {  	_ =	shalt  }
0x6c: {  	_ =	shalt  }
0x6d: {  	_ =	shalt  }
0x6e: {  	_ =	shalt  }
0x6f: {  	_ =	shalt  }
0x70: {  	_ =	shalt  }
0x71: {  	_ =	shalt  }
0x72: {  	_ =	shalt  }
0x73: {  	_ =	shalt  }
0x74: {  	_ =	shalt  }
0x75: {  	_ =	shalt  }
0x76: {  	_ =	shalt  }
0x77: {  	_ =	shalt  }
0x78: {  	_ =	shalt  }
0x79: {  	_ =	shalt  }
0x7a: {  	_ =	shalt  }
0x7b: {  	_ =	shalt  }
0x7c: {  	_ =	shalt  }
0x7d: {  	_ =	shalt  }
0x7e: {  	_ =	shalt  }
0x7f: {  	_ =	shalt  }
0x80: {  	_ =	shalt  }
0x81: {  	_ =	shalt  }
0x82: {  	_ =	shalt  }
0x83: {  	_ =	shalt  }
0x84: {  	_ =	shalt  }
0x85: {  	_ =	shalt  }
0x86: {  	_ =	shalt  }
0x87: {  	_ =	shalt  }
.Lfunc_end0:
.L_simem_size_0:
called_computation_lowered:
.L_overlay_start_0:
0x88: {  	s2 =	sld [smem:$0x3FD9]  }
0x89: {  	s3 =	sld [smem:$0x3FFE];
	_ =	sdelay $0x1  }
0x8a: {  	s1 =	srdreg.scid  }
0x8b: {  	s0 =	sand.u32 $0x1, s1  }
0x8c: {  	s17 =	sshll.u32 s0, $0xA;
	s2 =	sadd.s32 s3, s2  }
0x8d: {  	s2 =	sadd.s32 s2, s17  }
0x8e: {  	[smem:$0x3FBF] =	sst s2  }
0x8f: {  	_ = 	snop  }
0x90: {  	s2 =	sld [smem:$0x3FC8]  }
0x91: {  	s18 =	sld [smem:$0x3FD0];
	(tm) =	ssettm $0x1  }
0x92: {  	s4 =	sld [smem:$0x3FFB];
	_ =	sdelay $0x3  }
0x93: {  	_ =	strace s4  }
0x94: {  	s4 =	sld [smem:$0x3FFC];
	_ =	sdelay $0x3  }
0x95: {  	_ =	strace s4  }
0x96: {  	s4 =	sld [smem:$0x3FFD];
	_ =	sdelay $0x3  }
0x97: {  	_ =	strace s4  }
0x98: {  	_ =	strace $0x8FFFFFFF  }
0x99: {  	s19 =	sld [smem:$0x3FDB];
	_ =	sdelay $0x1  }
0x9a: {  	s5 =	simm.s32 $_scs_section_size  }
0x9b: {  	s6 =	simm.s32 $_size__tile_overlayer_lowered;
	s7 =	simm.s32 $_tile_overlayer_lowered  }
0x9c: {  	s22 =	simm.s32 $0x1BFF;
	s21 =	sshll.u32 s7, $0x1;
	s4 =	sadd.s32 s5, s19  }
0x9d: {  	s8 =	simm.s32 $0x0;
	s20 =	sshll.u32 s6, $0x1;
	s6 =	sadd.s32 s21, s4  }
0x9e: {  	[timem:s8], [sflag:s22] =	dma.local [hbm:s6], s20  }
0x9f: {  	_ =	swait.ge [sflag:s22], s20  }
0xa0: {  	s5 =	ssub.s32 $0x0, s20;
	[sflag:s22] =	ssyncset.done $0x0  }
0xa1: {  	[sflag:s22] =	ssyncadd.s32 s5;
	_ =	sdelay $0x1  }
0xa2: {  	s23 =	simm.s32 $0x1B8B  }
0xa3: {  	_ =	swait.ge [sflag:s23], $0x1  }
0xa4: {  	[sflag:s23] =	ssyncset.done $0x0  }
0xa5: {  	s25 =	simm.s32 $0x1B8E;
	s24 =	sld [smem:$0x3FFE];
	[sflag:s23] =	ssyncadd.s32 $0xFFFFFFFF  }
0xa6: {  	s26 =	simm.s32 $execute0_lowered;
	[smem:$0x3FD2] =	sst s25  }
0xa7: {  	s6 =	sshll.u32 s26, $0x1;
	_ =	strace $0x80000046;
	[dreg:$0x1] =	wrdreg $0xFFFFFFFF  }
0xa8: {  	s28 =	simm.s32 $_size_execute0_lowered;
	s4 =	sadd.s32 s4, s6;
	[dreg:$0x0] =	wrdreg $0x0  }
0xa9: {  	s6 =	sshll.u32 s28, $0x1;
	[dreg:$0x2] =	wrdreg s4  }
0xaa: {  	[dreg:$0x3] =	wrdreg s6  }
0xab: {  	[dreg:$0x4] =	wrdreg $0xC0  }
0xac: {  	_ =	task [dreg:s8], $0x5FFFF  }
0xad: {  	[dreg:$0x1] =	wrdreg $0xFFFFFFFF  }
0xae: {  	[dreg:$0x0] =	wrdreg $0x60  }
0xaf: {  	[dreg:$0x2] =	wrdreg s2  }
0xb0: {  	[dreg:$0x3] =	wrdreg s24  }
0xb1: {  	[dreg:$0x4] =	wrdreg s18  }
0xb2: {  	[dreg:$0x5] =	wrdreg $0x9  }
0xb3: {  	_ =	task.clear_ibuf [dreg:s8], $0x6FFFF;
	_ =	strace $0x90000046  }
0xb4: {  	s29 =	simm.s32 $0x9;
	_ =	strace $0x80000048  }
0xb5: {  	_ =	swait.ge [sflag:s29], $0x1  }
0xb6: {  	[sflag:s29] =	ssyncadd.s32 $0xFFFFFFFF  }
0xb7: {  	_ =	strace $0x90000048  }
0xb8: {  	_ =	sfence  }
0xb9: {  	s30 =	sld [smem:$0x0];
	_ =	sdelay $0x2  }
0xba: {  	s31 =	sshll.u32 s1, $0xD;
	s1 =	sshrl.u32 s1, $0x2  }
0xbb: {  	s3 =	sand.u32 $0x4000, s31;
	s1 =	sadd.s32 s1, s30  }
0xbc: {  	s0 =	sor.u32 s3, s0;
	s1 =	sshll.u32 s1, $0x11  }
0xbd: {  	s0 =	sor.u32 s1, s0  }
0xbe: {  	s0 =	sadd.s32 $0x8F2B, s0  }
0xbf: {  	[sflag:s0] =	ssyncadd.remote.s32 $0x1  }
0xc0: {  	_ =	sfence.sel $0xFFFF  }
0xc1: {  	[dreg:$0x0] =	wrdreg $0xFFFFFFFF;
	(pc) =	sbr.abs _section_cstart, $3  }
0xc2: {  	[dreg:$0x1] =	wrdreg $0xFFFFFFFF  }
0xc3: {  	_ =	task.clear_ibuf [dreg:s8], $0x2FFFF;
	_ =	strace $0x9FFFFFFF  }
0xc4: {  	(tm) =	ssettm $0x7FFFFFFF  }
0xc5: {  	_ =	shalt  }
tec
execute0_lowered:
.L_overlay_start_1:
0x0: {  	(tag) =	ssettag $0x1  }
0x1: {  	s5 =	rddreg [dreg:$0x0]  }
0x2: {  	s6 =	rddreg [dreg:$0x1]  }
0x3: {  	s4 =	srdreg.scid;
	s0 =	stileid.u32;
	s3 =	simm.s32 $0x0  }
0x4: {  	s12 =	simm.s32 $0x1;
	s13 =	simm.s32 $0x2;
	s14 =	simm.s32 $0x4200  }
0x5: {  	s4 =	sand.u32 $0x1, s4;
	s7 =	sshll.u32 s0, $0x1;
	[smem:$0x7FF] =	sst s3  }
0x6: {  	s16 =	simm.s32 $0x0;
	s7 =	sor.u32 s4, s7;
	_ =	strace $0x80000047  }
0x7: {  	s9 =	ssub.s32 $0x2, s4;
	s4 =	sadd.s32 $0x8C00, s6;
	s8 =	sshll.u32 s7, $0xA  }
0x8: {  	s7 =	sshll.u32 s7, $0x6;
	s10 =	sshrl.u32 s9, $0x1;
	s8 =	sadd.s32 s8, s6  }
0x9: {  	s11 =	sadd.s32 s7, s6;
	s9 =	ssub.s32 s9, s10;
	s31 =	sadd.s32 s5, s7  }
0xa: {  	s10 =	simm.s32 $0x8200;
	[dreg:$0x4] =	wrdreg s31;
	s6 =	sadd.s32 $0xC00, s8  }
0xb: {  	v0 =	vlaneseq.u32;
	s7 =	sadd.s32 $0x18F600, s11;
	s8 =	smax.u32 s9, $0x1;
	s9 =	simm.s32 $0x3  }
.LBB2_1:
0xc: {  	s0 =	rddreg [dreg:$0x4]  }
0xd: {  	[tilespmem:s3], [sflag:$0x3] =	stream.linear.gather [hbm4b:s0+s3], $0x200, $0x38;
	[tilespmem:$0xA980] =	vst v63  }
0xe: {  	_ =	swait.ge [sflag:s9], $0x200  }
0xf: {  	[sflag:s9] =	ssyncset.done $0x0  }
0x10: {  	[sflag:s9] =	ssyncadd.s32 $0xFFFFFE00  }
0x11: {  	[tilespmem:s10], [sflag:$0x2] =	stream.linear.gather [hbm4b:s6+s3], $0x2000, $0x38;
	[tilespmem:$0xA980] =	vst v63  }
0x12: {  	s1 =	simm.s32 $0xA200;
	s31 =	rddreg [dreg:$0x2]  }
0x13: {  	[tilespmem:s1], [sflag:$0x3] =	stream.linear.gather [hbm4b:s31+s3], $0x580, $0x38;
	[tilespmem:$0xA980] =	vst v63  }
0x14: {  	_ =	swait.ge [sflag:s9], $0x580  }
0x15: {  	[sflag:s9] =	ssyncset.done $0x0  }
0x16: {  	[sflag:s9] =	ssyncadd.s32 $0xFFFFFA80  }
0x17: {  	v1 =	vld [tilespmem:s3+$0x0];
	_ =	sdelay $0x4  }
0x18: {  	v1 =	vshll.u32 v1, $0x4  }
0x19: {  	(v2sf) =	vpush v1, $0x0  }
0x1a: {  	(v2sf) =	vpush v1, $0x1  }
0x1b: {  	(v2sf) =	vpush v1, $0x2;
	_ =	sdelay $0x1  }
0x1c: {  	(v2sf) =	vpush v1, $0x4;
	_ =	sdelay $0x1  }
0x1d: {  	(v2sf) =	vpush v1, $0x3  }
0x1e: {  	(v2sf) =	vpush v1, $0x5  }
0x1f: {  	s18 =	simm.s32 $0x2000;
	s17 =	simm.s32 $0x0;
	s19 =	simm.s32 $0x0;
	(v2sf) =	vpush v1, $0x6  }
.LBB2_2:
0x20: {  	p0 =	sne.s32 s18, $0xE000  }
0x21: {  	s30 =	sadd.s32 $0x280, s17;
	s23 =	sadd.s32 $0x780, s17;
	s20 =	smov.u32 s18  }
0x22: {  	s18 =	sadd.s32 $0x2000, s18;
	s26 =	sadd.s32 $0x580, s17;
	s21 =	sadd.s32 $0x800, s17;
	(v2sf) =	vpush v1, $0x7  }
0x23: {  	s29 =	sadd.s32 $0x480, s17;
	s25 =	sadd.s32 $0x600, s17;
	s22 =	sadd.s32 $0x880, s17  }
0x24: {  	s31 =	sadd.s32 $0x200, s17;
	s0 =	sadd.s32 $0x400, s17;
	(v2sf) =	vpush v1, $0x8  }
0x25: {  	s1 =	sadd.s32 $0x500, s17;
	s19 =	sadd.s32 $0x10, s19  }
0x26: {  	s2 =	sadd.s32 $0x300, s17;
	s24 =	sadd.s32 $0x700, s17;
	s28 =	spop (v2sf);
	(v2sf) =	vpush v1, $0x9  }
0x27: {  	s11 =	sand.u32 $0x1FFFFFF0, s28;
	s28 =	sadd.s32 $0x680, s17;
	s15 =	spop (v2sf)  }
0x28: {  	s11 =	sadd.s32 s4, s11;
	s15 =	sand.u32 $0x1FFFFFF0, s15;
	s5 =	spop (v2sf);
	(v2sf) =	vpush v1, $0xA  }
0x29: {  	[tilespmem:s31], [sflag:$0x1] =	stream.linear.gather [hbm4b:s11+s3], $0x80, $0x38;
	[tilespmem:$0xA980] =	vst v63  }
0x2a: {  	s11 =	sadd.s32 s4, s15;
	s15 =	sadd.s32 $0x380, s17;
	s31 =	spop (v2sf);
	(v2sf) =	vpush v1, $0xB  }
0x2b: {  	[tilespmem:s30], [sflag:$0x1] =	stream.linear.gather [hbm4b:s11+s3], $0x80, $0x38;
	[tilespmem:$0xA980] =	vst v63  }
0x2c: {  	s5 =	sand.u32 $0x1FFFFFF0, s5;
	s11 =	sand.u32 $0x1FFFFFF0, s31;
	s30 =	spop (v2sf);
	(v2sf) =	vpush v1, $0xC  }
0x2d: {  	s5 =	sadd.s32 s4, s5;
	s30 =	sand.u32 $0x1FFFFFF0, s30;
	s31 =	spop (v2sf)  }
0x2e: {  	[tilespmem:s2], [sflag:$0x1] =	stream.linear.gather [hbm4b:s5+s3], $0x80, $0x38;
	(v2sf) =	vpush v1, $0xD;
	[tilespmem:$0xA980] =	vst v63  }
0x2f: {  	s2 =	sadd.s32 s4, s30;
	s5 =	sand.u32 $0x1FFFFFF0, s31;
	s30 =	spop (v2sf)  }
0x30: {  	[tilespmem:s15], [sflag:$0x1] =	stream.linear.gather [hbm4b:s2+s3], $0x80, $0x38;
	(v2sf) =	vpush v1, $0xE;
	[tilespmem:$0xA980] =	vst v63  }
0x31: {  	s2 =	sadd.s32 s4, s11;
	s11 =	sand.u32 $0x1FFFFFF0, s30;
	s15 =	spop (v2sf)  }
0x32: {  	[tilespmem:s0], [sflag:$0x1] =	stream.linear.gather [hbm4b:s2+s3], $0x80, $0x38;
	(v2sf) =	vpush v1, $0xF;
	[tilespmem:$0xA980] =	vst v63  }
0x33: {  	s0 =	sadd.s32 s4, s5;
	s2 =	sand.u32 $0x1FFFFFF0, s15;
	s5 =	spop (v2sf)  }
0x34: {  	[tilespmem:s29], [sflag:$0x1] =	stream.linear.gather [hbm4b:s0+s3], $0x80, $0x38;
	[tilespmem:$0xA980] =	vst v63  }
0x35: {  	s0 =	sadd.s32 s4, s11;
	s5 =	sand.u32 $0x1FFFFFF0, s5;
	s11 =	spop (v2sf)  }
0x36: {  	[tilespmem:s1], [sflag:$0x1] =	stream.linear.gather [hbm4b:s0+s3], $0x80, $0x38;
	[tilespmem:$0xA980] =	vst v63  }
0x37: {  	s0 =	sadd.s32 s4, s2;
	s1 =	sand.u32 $0x1FFFFFF0, s11;
	s2 =	spop (v2sf)  }
0x38: {  	[tilespmem:s26], [sflag:$0x1] =	stream.linear.gather [hbm4b:s0+s3], $0x80, $0x38;
	[tilespmem:$0xA980] =	vst v63  }
0x39: {  	s0 =	sadd.s32 s4, s5;
	s2 =	sand.u32 $0x1FFFFFF0, s2;
	s5 =	spop (v2sf)  }
0x3a: {  	[tilespmem:s25], [sflag:$0x1] =	stream.linear.gather [hbm4b:s0+s3], $0x80, $0x38;
	[tilespmem:$0xA980] =	vst v63  }
0x3b: {  	s0 =	sadd.s32 s4, s1;
	s1 =	sand.u32 $0x1FFFFFF0, s5;
	s5 =	spop (v2sf)  }
0x3c: {  	[tilespmem:s28], [sflag:$0x1] =	stream.linear.gather [hbm4b:s0+s3], $0x80, $0x38;
	[tilespmem:$0xA980] =	vst v63  }
0x3d: {  	s0 =	sadd.s32 s4, s2;
	s2 =	sand.u32 $0x1FFFFFF0, s5;
	s5 =	spop (v2sf)  }
0x3e: {  	[tilespmem:s24], [sflag:$0x1] =	stream.linear.gather [hbm4b:s0+s3], $0x80, $0x38;
	[tilespmem:$0xA980] =	vst v63  }
0x3f: {  	s0 =	sadd.s32 s4, s1;
	s1 =	sand.u32 $0x1FFFFFF0, s5;
	s5 =	spop (v2sf)  }
0x40: {  	[tilespmem:s23], [sflag:$0x1] =	stream.linear.gather [hbm4b:s0+s3], $0x80, $0x38;
	[tilespmem:$0xA980] =	vst v63  }
0x41: {  	s0 =	sadd.s32 s4, s2;
	s2 =	sand.u32 $0x1FFFFFF0, s5;
	s5 =	spop (v2sf)  }
0x42: {  	[tilespmem:s21], [sflag:$0x1] =	stream.linear.gather [hbm4b:s0+s3], $0x80, $0x38;
	[tilespmem:$0xA980] =	vst v63  }
0x43: {  	s0 =	sadd.s32 s4, s1;
	s1 =	sand.u32 $0x1FFFFFF0, s5  }
0x44: {  	[tilespmem:s22], [sflag:$0x1] =	stream.linear.gather [hbm4b:s0+s3], $0x80, $0x38;
	[tilespmem:$0xA980] =	vst v63  }
0x45: {  	s2 =	sadd.s32 s4, s2;
	s0 =	sadd.s32 $0x900, s17  }
0x46: {  	[tilespmem:s0], [sflag:$0x1] =	stream.linear.gather [hbm4b:s2+s3], $0x80, $0x38;
	[tilespmem:$0xA980] =	vst v63  }
0x47: {  	s1 =	sadd.s32 s4, s1;
	s0 =	sadd.s32 $0x980, s17  }
0x48: {  	[tilespmem:s0], [sflag:$0x1] =	stream.linear.gather [hbm4b:s1+s3], $0x80, $0x38;
	[tilespmem:$0xA980] =	vst v63  }
0x49: {  	v1 =	vld [tilespmem:s19+$0x0];
	_ =	sdelay $0x4  }
0x4a: {  	v1 =	vshll.u32 v1, $0x4  }
0x4b: {  	(v2sf) =	vpush v1, $0x0  }
0x4c: {  	(v2sf) =	vpush v1, $0x1  }
0x4d: {  	(v2sf) =	vpush v1, $0x2;
	_ =	sdelay $0x1  }
0x4e: {  	(v2sf) =	vpush v1, $0x4  }
.Ltmp0:
0x4f: {  	(pc) =	sbr.rel @p0 .LBB2_2-.Ltmp0, $3  }
0x50: {  	(v2sf) =	vpush v1, $0x3  }
0x51: {  	(v2sf) =	vpush v1, $0x5;
	_ =	sdelay $0x1  }
0x52: {  	s17 =	sshra.s32 s20, $0x2;
	(v2sf) =	vpush v1, $0x6  }
0x53: {  	_ =	sdelay $0x1  }
0x54: {  	s0 =	sadd.s32 $0x280, s17;
	s20 =	sadd.s32 $0x780, s17  }
0x55: {  	s1 =	sadd.s32 $0x580, s17;
	s18 =	sadd.s32 $0x800, s17;
	(v2sf) =	vpush v1, $0x7;
	s2 =	sadd.s32 $0x480, s17  }
0x56: {  	s5 =	sadd.s32 $0x600, s17;
	s19 =	sadd.s32 $0x880, s17;
	s11 =	sadd.s32 $0x200, s17  }
0x57: {  	s15 =	sadd.s32 $0x400, s17;
	s21 =	sadd.s32 $0x500, s17;
	(v2sf) =	vpush v1, $0x8;
	s22 =	spop (v2sf)  }
0x58: {  	s23 =	sadd.s32 $0x300, s17;
	s22 =	sand.u32 $0x1FFFFFF0, s22;
	s24 =	spop (v2sf)  }
0x59: {  	(v2sf) =	vpush v1, $0x9;
	s22 =	sadd.s32 s4, s22;
	s24 =	sand.u32 $0x1FFFFFF0, s24;
	s25 =	spop (v2sf)  }
0x5a: {  	[tilespmem:s11], [sflag:$0x1] =	stream.linear.gather [hbm4b:s22+s3], $0x80, $0x38;
	[tilespmem:$0xA980] =	vst v63  }
0x5b: {  	(v2sf) =	vpush v1, $0xA;
	s26 =	sadd.s32 s4, s24;
	s29 =	sand.u32 $0x1FFFFFF0, s25;
	s28 =	spop (v2sf)  }
0x5c: {  	[tilespmem:s0], [sflag:$0x1] =	stream.linear.gather [hbm4b:s26+s3], $0x80, $0x38;
	[tilespmem:$0xA980] =	vst v63  }
0x5d: {  	s11 =	sadd.s32 $0x700, s17;
	(v2sf) =	vpush v1, $0xB;
	s22 =	sadd.s32 s4, s29;
	s30 =	spop (v2sf)  }
0x5e: {  	s0 =	sadd.s32 $0x680, s17;
	s26 =	sadd.s32 $0x380, s17;
	s25 =	sand.u32 $0x1FFFFFF0, s30  }
0x5f: {  	(v2sf) =	vpush v1, $0xC;
	[tilespmem:s23], [sflag:$0x1] =	stream.linear.gather [hbm4b:s22+s3], $0x80, $0x38;
	[tilespmem:$0xA980] =	vst v63  }
0x60: {  	s31 =	sand.u32 $0x1FFFFFF0, s28;
	s28 =	spop (v2sf);
	s29 =	sadd.s32 s4, s25  }
0x61: {  	(v2sf) =	vpush v1, $0xD;
	[tilespmem:s26], [sflag:$0x1] =	stream.linear.gather [hbm4b:s29+s3], $0x80, $0x38;
	[tilespmem:$0xA980] =	vst v63  }
0x62: {  	s22 =	sadd.s32 s4, s31;
	s23 =	sand.u32 $0x1FFFFFF0, s28;
	s30 =	spop (v2sf)  }
0x63: {  	(v2sf) =	vpush v1, $0xE;
	[tilespmem:s15], [sflag:$0x1] =	stream.linear.gather [hbm4b:s22+s3], $0x80, $0x38;
	[tilespmem:$0xA980] =	vst v63  }
0x64: {  	s23 =	sadd.s32 s4, s23;
	s31 =	sand.u32 $0x1FFFFFF0, s30;
	s24 =	spop (v2sf)  }
0x65: {  	(v2sf) =	vpush v1, $0xF;
	[tilespmem:s2], [sflag:$0x1] =	stream.linear.gather [hbm4b:s23+s3], $0x80, $0x38;
	[tilespmem:$0xA980] =	vst v63  }
0x66: {  	s25 =	sand.u32 $0x1FFFFFF0, s24;
	s26 =	spop (v2sf);
	s15 =	sadd.s32 s4, s31  }
0x67: {  	[tilespmem:s21], [sflag:$0x1] =	stream.linear.gather [hbm4b:s15+s3], $0x80, $0x38;
	[tilespmem:$0xA980] =	vst v63  }
0x68: {  	s28 =	sand.u32 $0x1FFFFFF0, s26;
	s2 =	sadd.s32 s4, s25;
	s29 =	spop (v2sf)  }
0x69: {  	[tilespmem:s1], [sflag:$0x1] =	stream.linear.gather [hbm4b:s2+s3], $0x80, $0x38;
	[tilespmem:$0xA980] =	vst v63  }
0x6a: {  	s15 =	sadd.s32 s4, s28;
	s30 =	sand.u32 $0x1FFFFFF0, s29;
	s31 =	spop (v2sf)  }
0x6b: {  	[tilespmem:s5], [sflag:$0x1] =	stream.linear.gather [hbm4b:s15+s3], $0x80, $0x38;
	[tilespmem:$0xA980] =	vst v63  }
0x6c: {  	s2 =	sand.u32 $0x1FFFFFF0, s31;
	s1 =	sadd.s32 s4, s30;
	s15 =	spop (v2sf)  }
0x6d: {  	[tilespmem:s0], [sflag:$0x1] =	stream.linear.gather [hbm4b:s1+s3], $0x80, $0x38;
	[tilespmem:$0xA980] =	vst v63  }
0x6e: {  	s2 =	sadd.s32 s4, s2;
	s21 =	sand.u32 $0x1FFFFFF0, s15;
	s22 =	spop (v2sf)  }
0x6f: {  	[tilespmem:s11], [sflag:$0x1] =	stream.linear.gather [hbm4b:s2+s3], $0x80, $0x38;
	[tilespmem:$0xA980] =	vst v63  }
0x70: {  	s0 =	sadd.s32 s4, s21;
	s1 =	sand.u32 $0x1FFFFFF0, s22;
	s23 =	spop (v2sf)  }
0x71: {  	[tilespmem:s20], [sflag:$0x1] =	stream.linear.gather [hbm4b:s0+s3], $0x80, $0x38;
	[tilespmem:$0xA980] =	vst v63  }
0x72: {  	s24 =	sand.u32 $0x1FFFFFF0, s23;
	s1 =	sadd.s32 s4, s1;
	s25 =	spop (v2sf)  }
0x73: {  	[tilespmem:s18], [sflag:$0x1] =	stream.linear.gather [hbm4b:s1+s3], $0x80, $0x38;
	[tilespmem:$0xA980] =	vst v63  }
0x74: {  	s26 =	sand.u32 $0x1FFFFFF0, s25;
	s28 =	spop (v2sf);
	s0 =	sadd.s32 s4, s24  }
0x75: {  	[tilespmem:s19], [sflag:$0x1] =	stream.linear.gather [hbm4b:s0+s3], $0x80, $0x38;
	[tilespmem:$0xA980] =	vst v63  }
0x76: {  	s30 =	sadd.s32 $0x900, s17;
	s29 =	sand.u32 $0x1FFFFFF0, s28;
	s1 =	sadd.s32 s4, s26  }
0x77: {  	[tilespmem:s30], [sflag:$0x1] =	stream.linear.gather [hbm4b:s1+s3], $0x80, $0x38;
	[tilespmem:$0xA980] =	vst v63  }
0x78: {  	s31 =	sadd.s32 $0x980, s17;
	s0 =	sadd.s32 s4, s29  }
0x79: {  	[tilespmem:s31], [sflag:$0x1] =	stream.linear.gather [hbm4b:s0+s3], $0x80, $0x38;
	[tilespmem:$0xA980] =	vst v63  }
0x7a: {  	_ =	swait.ge [sflag:s12], $0x4000  }
0x7b: {  	[sflag:s12] =	ssyncset.done $0x0  }
0x7c: {  	s17 =	simm.s32 $0x210;
	[sflag:s12] =	ssyncadd.s32 $0xFFFFC000  }
0x7d: {  	s18 =	simm.s32 $0x0;
	s19 =	simm.s32 $0x80;
	v1 =	vld [tilespmem:s17+$0xFFFFFFF0]  }
.LBB2_4:
0x7e: {  	p0 =	sne.s32 s19, $0x3F80;
	_ =	sdelay $0x2  }
0x7f: {  	s0 =	sshra.s32 s18, $0x2;
	s18 =	smov.u32 s19  }
0x80: {  	[tilespmem:s0+$0x4200] =	vst v1  }
0x81: {  	v1 =	vld [tilespmem:s17+$0x0];
	_ =	sdelay $0x1  }
.Ltmp1:
0x82: {  	(pc) =	sbr.rel @p0 .LBB2_4-.Ltmp1, $3  }
0x83: {  	_ =	sdelay $0x1  }
0x84: {  	s17 =	sadd.s32 $0x80, s17;
	[tilespmem:s0+$0x4210] =	vst v1  }
0x85: {  	s19 =	sadd.s32 $0x80, s19;
	v1 =	vld [tilespmem:s17+$0xFFFFFFF0]  }
0x86: {  	_ =	sdelay $0x2  }
0x87: {  	s0 =	sshra.s32 s18, $0x2  }
0x88: {  	[tilespmem:s0+$0x4200] =	vst v1  }
0x89: {  	v1 =	vld [tilespmem:s17+$0x0];
	_ =	sdelay $0x4  }
0x8a: {  	s18 =	simm.s32 $0x80;
	[tilespmem:s0+$0x4210] =	vst v1  }
0x8b: {  	v1 =	vld [tilespmem:s18+$0x0];
	_ =	sdelay $0x4  }
0x8c: {  	v1 =	vshll.u32 v1, $0x4  }
0x8d: {  	(v2sf) =	vpush v1, $0x0  }
0x8e: {  	(v2sf) =	vpush v1, $0x1  }
0x8f: {  	(v2sf) =	vpush v1, $0x2;
	_ =	sdelay $0x1  }
0x90: {  	(v2sf) =	vpush v1, $0x4;
	_ =	sdelay $0x1  }
0x91: {  	(v2sf) =	vpush v1, $0x3  }
0x92: {  	(v2sf) =	vpush v1, $0x5  }
0x93: {  	s19 =	simm.s32 $0x2000;
	s17 =	simm.s32 $0x0;
	(v2sf) =	vpush v1, $0x6  }
.LBB2_6:
0x94: {  	p0 =	sne.s32 s19, $0xE000  }
0x95: {  	s0 =	sadd.s32 $0x280, s17;
	s23 =	sadd.s32 $0x780, s17;
	s20 =	smov.u32 s19  }
0x96: {  	s19 =	sadd.s32 $0x2000, s19;
	s26 =	sadd.s32 $0x580, s17;
	s21 =	sadd.s32 $0x800, s17;
	(v2sf) =	vpush v1, $0x7  }
0x97: {  	s29 =	sadd.s32 $0x480, s17;
	s25 =	sadd.s32 $0x600, s17;
	s22 =	sadd.s32 $0x880, s17  }
0x98: {  	s1 =	sadd.s32 $0x200, s17;
	s2 =	sadd.s32 $0x400, s17;
	(v2sf) =	vpush v1, $0x8  }
0x99: {  	s5 =	sadd.s32 $0x500, s17;
	s18 =	sadd.s32 $0x10, s18  }
0x9a: {  	s11 =	sadd.s32 $0x300, s17;
	s24 =	sadd.s32 $0x700, s17;
	s15 =	spop (v2sf);
	(v2sf) =	vpush v1, $0x9  }
0x9b: {  	s28 =	sadd.s32 $0x680, s17;
	s15 =	sand.u32 $0x1FFFFFF0, s15;
	s30 =	spop (v2sf)  }
0x9c: {  	s15 =	sadd.s32 s4, s15;
	s30 =	sand.u32 $0x1FFFFFF0, s30;
	s31 =	spop (v2sf);
	(v2sf) =	vpush v1, $0xA  }
0x9d: {  	[tilespmem:s1], [sflag:$0x1] =	stream.linear.gather [hbm4b:s15+s3], $0x80, $0x38;
	[tilespmem:$0xA980] =	vst v63  }
0x9e: {  	s1 =	sadd.s32 s4, s30;
	s15 =	sadd.s32 $0x380, s17;
	s30 =	spop (v2sf);
	(v2sf) =	vpush v1, $0xB  }
0x9f: {  	[tilespmem:s0], [sflag:$0x1] =	stream.linear.gather [hbm4b:s1+s3], $0x80, $0x38;
	[tilespmem:$0xA980] =	vst v63  }
0xa0: {  	s0 =	sand.u32 $0x1FFFFFF0, s31;
	s1 =	sand.u32 $0x1FFFFFF0, s30;
	s30 =	spop (v2sf);
	(v2sf) =	vpush v1, $0xC  }
0xa1: {  	s0 =	sadd.s32 s4, s0;
	s30 =	sand.u32 $0x1FFFFFF0, s30;
	s31 =	spop (v2sf)  }
0xa2: {  	[tilespmem:s11], [sflag:$0x1] =	stream.linear.gather [hbm4b:s0+s3], $0x80, $0x38;
	(v2sf) =	vpush v1, $0xD;
	[tilespmem:$0xA980] =	vst v63  }
0xa3: {  	s0 =	sadd.s32 s4, s30;
	s11 =	sand.u32 $0x1FFFFFF0, s31;
	s30 =	spop (v2sf)  }
0xa4: {  	[tilespmem:s15], [sflag:$0x1] =	stream.linear.gather [hbm4b:s0+s3], $0x80, $0x38;
	(v2sf) =	vpush v1, $0xE;
	[tilespmem:$0xA980] =	vst v63  }
0xa5: {  	s0 =	sadd.s32 s4, s1;
	s1 =	sand.u32 $0x1FFFFFF0, s30;
	s15 =	spop (v2sf)  }
0xa6: {  	[tilespmem:s2], [sflag:$0x1] =	stream.linear.gather [hbm4b:s0+s3], $0x80, $0x38;
	(v2sf) =	vpush v1, $0xF;
	[tilespmem:$0xA980] =	vst v63  }
0xa7: {  	s0 =	sadd.s32 s4, s11;
	s2 =	sand.u32 $0x1FFFFFF0, s15;
	s11 =	spop (v2sf)  }
0xa8: {  	[tilespmem:s29], [sflag:$0x1] =	stream.linear.gather [hbm4b:s0+s3], $0x80, $0x38;
	[tilespmem:$0xA980] =	vst v63  }
0xa9: {  	s0 =	sadd.s32 s4, s1;
	s1 =	sand.u32 $0x1FFFFFF0, s11;
	s11 =	spop (v2sf)  }
0xaa: {  	[tilespmem:s5], [sflag:$0x1] =	stream.linear.gather [hbm4b:s0+s3], $0x80, $0x38;
	[tilespmem:$0xA980] =	vst v63  }
0xab: {  	s0 =	sadd.s32 s4, s2;
	s2 =	sand.u32 $0x1FFFFFF0, s11;
	s5 =	spop (v2sf)  }
0xac: {  	[tilespmem:s26], [sflag:$0x1] =	stream.linear.gather [hbm4b:s0+s3], $0x80, $0x38;
	[tilespmem:$0xA980] =	vst v63  }
0xad: {  	s0 =	sadd.s32 s4, s1;
	s1 =	sand.u32 $0x1FFFFFF0, s5;
	s5 =	spop (v2sf)  }
0xae: {  	[tilespmem:s25], [sflag:$0x1] =	stream.linear.gather [hbm4b:s0+s3], $0x80, $0x38;
	[tilespmem:$0xA980] =	vst v63  }
0xaf: {  	s0 =	sadd.s32 s4, s2;
	s2 =	sand.u32 $0x1FFFFFF0, s5;
	s5 =	spop (v2sf)  }
0xb0: {  	[tilespmem:s28], [sflag:$0x1] =	stream.linear.gather [hbm4b:s0+s3], $0x80, $0x38;
	[tilespmem:$0xA980] =	vst v63  }
0xb1: {  	s0 =	sadd.s32 s4, s1;
	s1 =	sand.u32 $0x1FFFFFF0, s5;
	s5 =	spop (v2sf)  }
0xb2: {  	[tilespmem:s24], [sflag:$0x1] =	stream.linear.gather [hbm4b:s0+s3], $0x80, $0x38;
	[tilespmem:$0xA980] =	vst v63  }
0xb3: {  	s0 =	sadd.s32 s4, s2;
	s2 =	sand.u32 $0x1FFFFFF0, s5;
	s5 =	spop (v2sf)  }
0xb4: {  	[tilespmem:s23], [sflag:$0x1] =	stream.linear.gather [hbm4b:s0+s3], $0x80, $0x38;
	[tilespmem:$0xA980] =	vst v63  }
0xb5: {  	s0 =	sadd.s32 s4, s1;
	s1 =	sand.u32 $0x1FFFFFF0, s5;
	s5 =	spop (v2sf)  }
0xb6: {  	[tilespmem:s21], [sflag:$0x1] =	stream.linear.gather [hbm4b:s0+s3], $0x80, $0x38;
	[tilespmem:$0xA980] =	vst v63  }
0xb7: {  	s0 =	sadd.s32 s4, s2;
	s2 =	sand.u32 $0x1FFFFFF0, s5  }
0xb8: {  	[tilespmem:s22], [sflag:$0x1] =	stream.linear.gather [hbm4b:s0+s3], $0x80, $0x38;
	[tilespmem:$0xA980] =	vst v63  }
0xb9: {  	s1 =	sadd.s32 s4, s1;
	s0 =	sadd.s32 $0x900, s17  }
0xba: {  	[tilespmem:s0], [sflag:$0x1] =	stream.linear.gather [hbm4b:s1+s3], $0x80, $0x38;
	[tilespmem:$0xA980] =	vst v63  }
0xbb: {  	s0 =	sadd.s32 $0x980, s17;
	s1 =	sadd.s32 s4, s2  }
0xbc: {  	[tilespmem:s0], [sflag:$0x1] =	stream.linear.gather [hbm4b:s1+s3], $0x80, $0x38;
	[tilespmem:$0xA980] =	vst v63  }
0xbd: {  	v1 =	vld [tilespmem:s18+$0x0];
	_ =	sdelay $0x4  }
0xbe: {  	v1 =	vshll.u32 v1, $0x4  }
0xbf: {  	(v2sf) =	vpush v1, $0x0  }
0xc0: {  	(v2sf) =	vpush v1, $0x1  }
0xc1: {  	(v2sf) =	vpush v1, $0x2;
	_ =	sdelay $0x1  }
0xc2: {  	(v2sf) =	vpush v1, $0x4  }
.Ltmp2:
0xc3: {  	(pc) =	sbr.rel @p0 .LBB2_6-.Ltmp2, $3  }
0xc4: {  	(v2sf) =	vpush v1, $0x3  }
0xc5: {  	(v2sf) =	vpush v1, $0x5;
	_ =	sdelay $0x1  }
0xc6: {  	s17 =	sshra.s32 s20, $0x2;
	(v2sf) =	vpush v1, $0x6  }
0xc7: {  	_ =	sdelay $0x1  }
0xc8: {  	s0 =	sadd.s32 $0x280, s17;
	s20 =	sadd.s32 $0x780, s17  }
0xc9: {  	s1 =	sadd.s32 $0x580, s17;
	s18 =	sadd.s32 $0x800, s17;
	(v2sf) =	vpush v1, $0x7;
	s2 =	sadd.s32 $0x480, s17  }
0xca: {  	s5 =	sadd.s32 $0x600, s17;
	s19 =	sadd.s32 $0x880, s17;
	s11 =	sadd.s32 $0x200, s17  }
0xcb: {  	s15 =	sadd.s32 $0x400, s17;
	s21 =	sadd.s32 $0x500, s17;
	(v2sf) =	vpush v1, $0x8;
	s22 =	spop (v2sf)  }
0xcc: {  	s23 =	sadd.s32 $0x300, s17;
	s22 =	sand.u32 $0x1FFFFFF0, s22;
	s24 =	spop (v2sf)  }
0xcd: {  	(v2sf) =	vpush v1, $0x9;
	s22 =	sadd.s32 s4, s22;
	s24 =	sand.u32 $0x1FFFFFF0, s24;
	s25 =	spop (v2sf)  }
0xce: {  	[tilespmem:s11], [sflag:$0x1] =	stream.linear.gather [hbm4b:s22+s3], $0x80, $0x38;
	[tilespmem:$0xA980] =	vst v63  }
0xcf: {  	s26 =	sadd.s32 $0x380, s17;
	(v2sf) =	vpush v1, $0xA;
	s30 =	sadd.s32 s4, s24;
	s31 =	spop (v2sf)  }
0xd0: {  	[tilespmem:s0], [sflag:$0x1] =	stream.linear.gather [hbm4b:s30+s3], $0x80, $0x38;
	[tilespmem:$0xA980] =	vst v63  }
0xd1: {  	s11 =	sadd.s32 $0x700, s17;
	s28 =	sand.u32 $0x1FFFFFF0, s25;
	(v2sf) =	vpush v1, $0xB;
	s29 =	spop (v2sf)  }
0xd2: {  	s22 =	sadd.s32 s4, s28;
	s0 =	sadd.s32 $0x680, s17;
	s25 =	sand.u32 $0x1FFFFFF0, s29  }
0xd3: {  	(v2sf) =	vpush v1, $0xC;
	[tilespmem:s23], [sflag:$0x1] =	stream.linear.gather [hbm4b:s22+s3], $0x80, $0x38;
	[tilespmem:$0xA980] =	vst v63  }
0xd4: {  	s30 =	sand.u32 $0x1FFFFFF0, s31;
	s31 =	spop (v2sf);
	s28 =	sadd.s32 s4, s25  }
0xd5: {  	(v2sf) =	vpush v1, $0xD;
	[tilespmem:s26], [sflag:$0x1] =	stream.linear.gather [hbm4b:s28+s3], $0x80, $0x38;
	[tilespmem:$0xA980] =	vst v63  }
0xd6: {  	s22 =	sadd.s32 s4, s30;
	s23 =	sand.u32 $0x1FFFFFF0, s31;
	s29 =	spop (v2sf)  }
0xd7: {  	(v2sf) =	vpush v1, $0xE;
	[tilespmem:s15], [sflag:$0x1] =	stream.linear.gather [hbm4b:s22+s3], $0x80, $0x38;
	[tilespmem:$0xA980] =	vst v63  }
0xd8: {  	s23 =	sadd.s32 s4, s23;
	s30 =	sand.u32 $0x1FFFFFF0, s29;
	s31 =	spop (v2sf)  }
0xd9: {  	(v2sf) =	vpush v1, $0xF;
	[tilespmem:s2], [sflag:$0x1] =	stream.linear.gather [hbm4b:s23+s3], $0x80, $0x38;
	[tilespmem:$0xA980] =	vst v63  }
0xda: {  	s24 =	sand.u32 $0x1FFFFFF0, s31;
	s25 =	spop (v2sf);
	s15 =	sadd.s32 s4, s30  }
0xdb: {  	[tilespmem:s21], [sflag:$0x1] =	stream.linear.gather [hbm4b:s15+s3], $0x80, $0x38;
	[tilespmem:$0xA980] =	vst v63  }
0xdc: {  	s26 =	sand.u32 $0x1FFFFFF0, s25;
	s2 =	sadd.s32 s4, s24;
	s28 =	spop (v2sf)  }
0xdd: {  	[tilespmem:s1], [sflag:$0x1] =	stream.linear.gather [hbm4b:s2+s3], $0x80, $0x38;
	[tilespmem:$0xA980] =	vst v63  }
0xde: {  	s15 =	sadd.s32 s4, s26;
	s29 =	sand.u32 $0x1FFFFFF0, s28;
	s30 =	spop (v2sf)  }
0xdf: {  	[tilespmem:s5], [sflag:$0x1] =	stream.linear.gather [hbm4b:s15+s3], $0x80, $0x38;
	[tilespmem:$0xA980] =	vst v63  }
0xe0: {  	s2 =	sand.u32 $0x1FFFFFF0, s30;
	s1 =	sadd.s32 s4, s29;
	s31 =	spop (v2sf)  }
0xe1: {  	[tilespmem:s0], [sflag:$0x1] =	stream.linear.gather [hbm4b:s1+s3], $0x80, $0x38;
	[tilespmem:$0xA980] =	vst v63  }
0xe2: {  	s2 =	sadd.s32 s4, s2;
	s5 =	sand.u32 $0x1FFFFFF0, s31;
	s15 =	spop (v2sf)  }
0xe3: {  	[tilespmem:s11], [sflag:$0x1] =	stream.linear.gather [hbm4b:s2+s3], $0x80, $0x38;
	[tilespmem:$0xA980] =	vst v63  }
0xe4: {  	s0 =	sadd.s32 s4, s5;
	s1 =	sand.u32 $0x1FFFFFF0, s15;
	s21 =	spop (v2sf)  }
0xe5: {  	[tilespmem:s20], [sflag:$0x1] =	stream.linear.gather [hbm4b:s0+s3], $0x80, $0x38;
	[tilespmem:$0xA980] =	vst v63  }
0xe6: {  	s22 =	sand.u32 $0x1FFFFFF0, s21;
	s1 =	sadd.s32 s4, s1;
	s23 =	spop (v2sf)  }
0xe7: {  	[tilespmem:s18], [sflag:$0x1] =	stream.linear.gather [hbm4b:s1+s3], $0x80, $0x38;
	[tilespmem:$0xA980] =	vst v63  }
0xe8: {  	s24 =	sand.u32 $0x1FFFFFF0, s23;
	s25 =	spop (v2sf);
	s0 =	sadd.s32 s4, s22  }
0xe9: {  	[tilespmem:s19], [sflag:$0x1] =	stream.linear.gather [hbm4b:s0+s3], $0x80, $0x38;
	[tilespmem:$0xA980] =	vst v63  }
0xea: {  	s28 =	sadd.s32 $0x900, s17;
	s26 =	sand.u32 $0x1FFFFFF0, s25;
	s1 =	sadd.s32 s4, s24  }
0xeb: {  	[tilespmem:s28], [sflag:$0x1] =	stream.linear.gather [hbm4b:s1+s3], $0x80, $0x38;
	[tilespmem:$0xA980] =	vst v63  }
0xec: {  	s29 =	sadd.s32 $0x980, s17;
	s0 =	sadd.s32 s4, s26  }
0xed: {  	[tilespmem:s29], [sflag:$0x1] =	stream.linear.gather [hbm4b:s0+s3], $0x80, $0x38;
	[tilespmem:$0xA980] =	vst v63  }
0xee: {  	_ =	swait.ge [sflag:s12], $0x4000  }
0xef: {  	[sflag:s12] =	ssyncset.done $0x0  }
0xf0: {  	s30 =	simm.s32 $0x210;
	[sflag:s12] =	ssyncadd.s32 $0xFFFFC000  }
0xf1: {  	v1 =	vld [tilespmem:s30+$0xFFFFFFF0];
	_ =	sdelay $0x2  }
0xf2: {  	s31 =	simm.s32 $0x0  }
0xf3: {  	s1 =	sand.u32 $0xFE0, s31  }
0xf4: {  	[tilespmem:s1+$0x5200] =	vst v1  }
0xf5: {  	v1 =	vld [tilespmem:s30+$0x0];
	_ =	sdelay $0x3  }
0xf6: {  	s17 =	simm.s32 $0x5210  }
0xf7: {  	s18 =	simm.s32 $0x290;
	[tilespmem:s17+$0x0] =	vst v1  }
0xf8: {  	s20 =	simm.s32 $0x40;
	s19 =	simm.s32 $0x20;
	v1 =	vld [tilespmem:s18+$0xFFFFFFF0]  }
.LBB2_8:
0xf9: {  	p0 =	sne.s32 s20, $0xFE0;
	_ =	sdelay $0x2  }
0xfa: {  	s0 =	sand.u32 $0xFE0, s19;
	s19 =	smov.u32 s20  }
0xfb: {  	[tilespmem:s0+$0x5200] =	vst v1  }
0xfc: {  	v1 =	vld [tilespmem:s18+$0x0];
	_ =	sdelay $0x1  }
.Ltmp3:
0xfd: {  	(pc) =	sbr.rel @p0 .LBB2_8-.Ltmp3, $4  }
0xfe: {  	_ = 	snop  }
0xff: {  	s17 =	sadd.s32 $0x20, s17  }
0x100: {  	s18 =	sadd.s32 $0x80, s18;
	[tilespmem:s17+$0x0] =	vst v1  }
0x101: {  	s20 =	sadd.s32 $0x20, s20;
	v1 =	vld [tilespmem:s18+$0xFFFFFFF0]  }
0x102: {  	_ =	sdelay $0x2  }
0x103: {  	s0 =	sand.u32 $0xFE0, s19  }
0x104: {  	[tilespmem:s0+$0x5200] =	vst v1  }
0x105: {  	v1 =	vld [tilespmem:s18+$0x0];
	_ =	sdelay $0x3  }
0x106: {  	s31 =	sadd.s32 $0x20, s17  }
0x107: {  	s18 =	simm.s32 $0x100;
	[tilespmem:s31+$0x0] =	vst v1  }
0x108: {  	v1 =	vld [tilespmem:s18+$0x0];
	_ =	sdelay $0x4  }
0x109: {  	v1 =	vshll.u32 v1, $0x4  }
0x10a: {  	(v2sf) =	vpush v1, $0x0  }
0x10b: {  	(v2sf) =	vpush v1, $0x1  }
0x10c: {  	(v2sf) =	vpush v1, $0x2;
	_ =	sdelay $0x1  }
0x10d: {  	(v2sf) =	vpush v1, $0x4;
	_ =	sdelay $0x1  }
0x10e: {  	(v2sf) =	vpush v1, $0x3  }
0x10f: {  	(v2sf) =	vpush v1, $0x5  }
0x110: {  	s19 =	simm.s32 $0x2000;
	s17 =	simm.s32 $0x0;
	(v2sf) =	vpush v1, $0x6  }
.LBB2_10:
0x111: {  	p0 =	sne.s32 s19, $0xE000  }
0x112: {  	s0 =	sadd.s32 $0x280, s17;
	s23 =	sadd.s32 $0x780, s17;
	s20 =	smov.u32 s19  }
0x113: {  	s19 =	sadd.s32 $0x2000, s19;
	s26 =	sadd.s32 $0x580, s17;
	s21 =	sadd.s32 $0x800, s17;
	(v2sf) =	vpush v1, $0x7  }
0x114: {  	s29 =	sadd.s32 $0x480, s17;
	s25 =	sadd.s32 $0x600, s17;
	s22 =	sadd.s32 $0x880, s17  }
0x115: {  	s1 =	sadd.s32 $0x200, s17;
	s2 =	sadd.s32 $0x400, s17;
	(v2sf) =	vpush v1, $0x8  }
0x116: {  	s5 =	sadd.s32 $0x500, s17;
	s18 =	sadd.s32 $0x10, s18  }
0x117: {  	s11 =	sadd.s32 $0x300, s17;
	s24 =	sadd.s32 $0x700, s17;
	s15 =	spop (v2sf);
	(v2sf) =	vpush v1, $0x9  }
0x118: {  	s28 =	sadd.s32 $0x680, s17;
	s15 =	sand.u32 $0x1FFFFFF0, s15;
	s30 =	spop (v2sf)  }
0x119: {  	s15 =	sadd.s32 s4, s15;
	s30 =	sand.u32 $0x1FFFFFF0, s30;
	s31 =	spop (v2sf);
	(v2sf) =	vpush v1, $0xA  }
0x11a: {  	[tilespmem:s1], [sflag:$0x1] =	stream.linear.gather [hbm4b:s15+s3], $0x80, $0x38;
	[tilespmem:$0xA980] =	vst v63  }
0x11b: {  	s1 =	sadd.s32 s4, s30;
	s15 =	sadd.s32 $0x380, s17;
	s30 =	spop (v2sf);
	(v2sf) =	vpush v1, $0xB  }
0x11c: {  	[tilespmem:s0], [sflag:$0x1] =	stream.linear.gather [hbm4b:s1+s3], $0x80, $0x38;
	[tilespmem:$0xA980] =	vst v63  }
0x11d: {  	s0 =	sand.u32 $0x1FFFFFF0, s31;
	s1 =	sand.u32 $0x1FFFFFF0, s30;
	s30 =	spop (v2sf);
	(v2sf) =	vpush v1, $0xC  }
0x11e: {  	s0 =	sadd.s32 s4, s0;
	s30 =	sand.u32 $0x1FFFFFF0, s30;
	s31 =	spop (v2sf)  }
0x11f: {  	[tilespmem:s11], [sflag:$0x1] =	stream.linear.gather [hbm4b:s0+s3], $0x80, $0x38;
	(v2sf) =	vpush v1, $0xD;
	[tilespmem:$0xA980] =	vst v63  }
0x120: {  	s0 =	sadd.s32 s4, s30;
	s11 =	sand.u32 $0x1FFFFFF0, s31;
	s30 =	spop (v2sf)  }
0x121: {  	[tilespmem:s15], [sflag:$0x1] =	stream.linear.gather [hbm4b:s0+s3], $0x80, $0x38;
	(v2sf) =	vpush v1, $0xE;
	[tilespmem:$0xA980] =	vst v63  }
0x122: {  	s0 =	sadd.s32 s4, s1;
	s1 =	sand.u32 $0x1FFFFFF0, s30;
	s15 =	spop (v2sf)  }
0x123: {  	[tilespmem:s2], [sflag:$0x1] =	stream.linear.gather [hbm4b:s0+s3], $0x80, $0x38;
	(v2sf) =	vpush v1, $0xF;
	[tilespmem:$0xA980] =	vst v63  }
0x124: {  	s0 =	sadd.s32 s4, s11;
	s2 =	sand.u32 $0x1FFFFFF0, s15;
	s11 =	spop (v2sf)  }
0x125: {  	[tilespmem:s29], [sflag:$0x1] =	stream.linear.gather [hbm4b:s0+s3], $0x80, $0x38;
	[tilespmem:$0xA980] =	vst v63  }
0x126: {  	s0 =	sadd.s32 s4, s1;
	s1 =	sand.u32 $0x1FFFFFF0, s11;
	s11 =	spop (v2sf)  }
0x127: {  	[tilespmem:s5], [sflag:$0x1] =	stream.linear.gather [hbm4b:s0+s3], $0x80, $0x38;
	[tilespmem:$0xA980] =	vst v63  }
0x128: {  	s0 =	sadd.s32 s4, s2;
	s2 =	sand.u32 $0x1FFFFFF0, s11;
	s5 =	spop (v2sf)  }
0x129: {  	[tilespmem:s26], [sflag:$0x1] =	stream.linear.gather [hbm4b:s0+s3], $0x80, $0x38;
	[tilespmem:$0xA980] =	vst v63  }
0x12a: {  	s0 =	sadd.s32 s4, s1;
	s1 =	sand.u32 $0x1FFFFFF0, s5;
	s5 =	spop (v2sf)  }
0x12b: {  	[tilespmem:s25], [sflag:$0x1] =	stream.linear.gather [hbm4b:s0+s3], $0x80, $0x38;
	[tilespmem:$0xA980] =	vst v63  }
0x12c: {  	s0 =	sadd.s32 s4, s2;
	s2 =	sand.u32 $0x1FFFFFF0, s5;
	s5 =	spop (v2sf)  }
0x12d: {  	[tilespmem:s28], [sflag:$0x1] =	stream.linear.gather [hbm4b:s0+s3], $0x80, $0x38;
	[tilespmem:$0xA980] =	vst v63  }
0x12e: {  	s0 =	sadd.s32 s4, s1;
	s1 =	sand.u32 $0x1FFFFFF0, s5;
	s5 =	spop (v2sf)  }
0x12f: {  	[tilespmem:s24], [sflag:$0x1] =	stream.linear.gather [hbm4b:s0+s3], $0x80, $0x38;
	[tilespmem:$0xA980] =	vst v63  }
0x130: {  	s0 =	sadd.s32 s4, s2;
	s2 =	sand.u32 $0x1FFFFFF0, s5;
	s5 =	spop (v2sf)  }
0x131: {  	[tilespmem:s23], [sflag:$0x1] =	stream.linear.gather [hbm4b:s0+s3], $0x80, $0x38;
	[tilespmem:$0xA980] =	vst v63  }
0x132: {  	s0 =	sadd.s32 s4, s1;
	s1 =	sand.u32 $0x1FFFFFF0, s5;
	s5 =	spop (v2sf)  }
0x133: {  	[tilespmem:s21], [sflag:$0x1] =	stream.linear.gather [hbm4b:s0+s3], $0x80, $0x38;
	[tilespmem:$0xA980] =	vst v63  }
0x134: {  	s0 =	sadd.s32 s4, s2;
	s2 =	sand.u32 $0x1FFFFFF0, s5  }
0x135: {  	[tilespmem:s22], [sflag:$0x1] =	stream.linear.gather [hbm4b:s0+s3], $0x80, $0x38;
	[tilespmem:$0xA980] =	vst v63  }
0x136: {  	s1 =	sadd.s32 s4, s1;
	s0 =	sadd.s32 $0x900, s17  }
0x137: {  	[tilespmem:s0], [sflag:$0x1] =	stream.linear.gather [hbm4b:s1+s3], $0x80, $0x38;
	[tilespmem:$0xA980] =	vst v63  }
0x138: {  	s0 =	sadd.s32 $0x980, s17;
	s1 =	sadd.s32 s4, s2  }
0x139: {  	[tilespmem:s0], [sflag:$0x1] =	stream.linear.gather [hbm4b:s1+s3], $0x80, $0x38;
	[tilespmem:$0xA980] =	vst v63  }
0x13a: {  	v1 =	vld [tilespmem:s18+$0x0];
	_ =	sdelay $0x4  }
0x13b: {  	v1 =	vshll.u32 v1, $0x4  }
0x13c: {  	(v2sf) =	vpush v1, $0x0  }
0x13d: {  	(v2sf) =	vpush v1, $0x1  }
0x13e: {  	(v2sf) =	vpush v1, $0x2;
	_ =	sdelay $0x1  }
0x13f: {  	(v2sf) =	vpush v1, $0x4  }
.Ltmp4:
0x140: {  	(pc) =	sbr.rel @p0 .LBB2_10-.Ltmp4, $3  }
0x141: {  	(v2sf) =	vpush v1, $0x3  }
0x142: {  	(v2sf) =	vpush v1, $0x5;
	_ =	sdelay $0x1  }
0x143: {  	s17 =	sshra.s32 s20, $0x2;
	(v2sf) =	vpush v1, $0x6  }
0x144: {  	_ =	sdelay $0x1  }
0x145: {  	s0 =	sadd.s32 $0x280, s17;
	s20 =	sadd.s32 $0x780, s17  }
0x146: {  	s1 =	sadd.s32 $0x580, s17;
	s18 =	sadd.s32 $0x800, s17;
	(v2sf) =	vpush v1, $0x7;
	s2 =	sadd.s32 $0x480, s17  }
0x147: {  	s5 =	sadd.s32 $0x600, s17;
	s19 =	sadd.s32 $0x880, s17;
	s11 =	sadd.s32 $0x200, s17  }
0x148: {  	s15 =	sadd.s32 $0x400, s17;
	s21 =	sadd.s32 $0x500, s17;
	(v2sf) =	vpush v1, $0x8;
	s22 =	spop (v2sf)  }
0x149: {  	s23 =	sadd.s32 $0x300, s17;
	s22 =	sand.u32 $0x1FFFFFF0, s22;
	s24 =	spop (v2sf)  }
0x14a: {  	(v2sf) =	vpush v1, $0x9;
	s22 =	sadd.s32 s4, s22;
	s24 =	sand.u32 $0x1FFFFFF0, s24;
	s25 =	spop (v2sf)  }
0x14b: {  	[tilespmem:s11], [sflag:$0x1] =	stream.linear.gather [hbm4b:s22+s3], $0x80, $0x38;
	[tilespmem:$0xA980] =	vst v63  }
0x14c: {  	s26 =	sadd.s32 $0x380, s17;
	(v2sf) =	vpush v1, $0xA;
	s30 =	sadd.s32 s4, s24;
	s31 =	spop (v2sf)  }
0x14d: {  	[tilespmem:s0], [sflag:$0x1] =	stream.linear.gather [hbm4b:s30+s3], $0x80, $0x38;
	[tilespmem:$0xA980] =	vst v63  }
0x14e: {  	s11 =	sadd.s32 $0x700, s17;
	s28 =	sand.u32 $0x1FFFFFF0, s25;
	(v2sf) =	vpush v1, $0xB;
	s29 =	spop (v2sf)  }
0x14f: {  	s22 =	sadd.s32 s4, s28;
	s0 =	sadd.s32 $0x680, s17;
	s25 =	sand.u32 $0x1FFFFFF0, s29  }
0x150: {  	(v2sf) =	vpush v1, $0xC;
	[tilespmem:s23], [sflag:$0x1] =	stream.linear.gather [hbm4b:s22+s3], $0x80, $0x38;
	[tilespmem:$0xA980] =	vst v63  }
0x151: {  	s30 =	sand.u32 $0x1FFFFFF0, s31;
	s31 =	spop (v2sf);
	s28 =	sadd.s32 s4, s25  }
0x152: {  	(v2sf) =	vpush v1, $0xD;
	[tilespmem:s26], [sflag:$0x1] =	stream.linear.gather [hbm4b:s28+s3], $0x80, $0x38;
	[tilespmem:$0xA980] =	vst v63  }
0x153: {  	s22 =	sadd.s32 s4, s30;
	s23 =	sand.u32 $0x1FFFFFF0, s31;
	s29 =	spop (v2sf)  }
0x154: {  	(v2sf) =	vpush v1, $0xE;
	[tilespmem:s15], [sflag:$0x1] =	stream.linear.gather [hbm4b:s22+s3], $0x80, $0x38;
	[tilespmem:$0xA980] =	vst v63  }
0x155: {  	s23 =	sadd.s32 s4, s23;
	s30 =	sand.u32 $0x1FFFFFF0, s29;
	s31 =	spop (v2sf)  }
0x156: {  	(v2sf) =	vpush v1, $0xF;
	[tilespmem:s2], [sflag:$0x1] =	stream.linear.gather [hbm4b:s23+s3], $0x80, $0x38;
	[tilespmem:$0xA980] =	vst v63  }
0x157: {  	s24 =	sand.u32 $0x1FFFFFF0, s31;
	s25 =	spop (v2sf);
	s15 =	sadd.s32 s4, s30  }
0x158: {  	[tilespmem:s21], [sflag:$0x1] =	stream.linear.gather [hbm4b:s15+s3], $0x80, $0x38;
	[tilespmem:$0xA980] =	vst v63  }
0x159: {  	s26 =	sand.u32 $0x1FFFFFF0, s25;
	s2 =	sadd.s32 s4, s24;
	s28 =	spop (v2sf)  }
0x15a: {  	[tilespmem:s1], [sflag:$0x1] =	stream.linear.gather [hbm4b:s2+s3], $0x80, $0x38;
	[tilespmem:$0xA980] =	vst v63  }
0x15b: {  	s15 =	sadd.s32 s4, s26;
	s29 =	sand.u32 $0x1FFFFFF0, s28;
	s30 =	spop (v2sf)  }
0x15c: {  	[tilespmem:s5], [sflag:$0x1] =	stream.linear.gather [hbm4b:s15+s3], $0x80, $0x38;
	[tilespmem:$0xA980] =	vst v63  }
0x15d: {  	s2 =	sand.u32 $0x1FFFFFF0, s30;
	s1 =	sadd.s32 s4, s29;
	s31 =	spop (v2sf)  }
0x15e: {  	[tilespmem:s0], [sflag:$0x1] =	stream.linear.gather [hbm4b:s1+s3], $0x80, $0x38;
	[tilespmem:$0xA980] =	vst v63  }
0x15f: {  	s2 =	sadd.s32 s4, s2;
	s5 =	sand.u32 $0x1FFFFFF0, s31;
	s15 =	spop (v2sf)  }
0x160: {  	[tilespmem:s11], [sflag:$0x1] =	stream.linear.gather [hbm4b:s2+s3], $0x80, $0x38;
	[tilespmem:$0xA980] =	vst v63  }
0x161: {  	s0 =	sadd.s32 s4, s5;
	s1 =	sand.u32 $0x1FFFFFF0, s15;
	s21 =	spop (v2sf)  }
0x162: {  	[tilespmem:s20], [sflag:$0x1] =	stream.linear.gather [hbm4b:s0+s3], $0x80, $0x38;
	[tilespmem:$0xA980] =	vst v63  }
0x163: {  	s22 =	sand.u32 $0x1FFFFFF0, s21;
	s1 =	sadd.s32 s4, s1;
	s23 =	spop (v2sf)  }
0x164: {  	[tilespmem:s18], [sflag:$0x1] =	stream.linear.gather [hbm4b:s1+s3], $0x80, $0x38;
	[tilespmem:$0xA980] =	vst v63  }
0x165: {  	s24 =	sand.u32 $0x1FFFFFF0, s23;
	s25 =	spop (v2sf);
	s0 =	sadd.s32 s4, s22  }
0x166: {  	[tilespmem:s19], [sflag:$0x1] =	stream.linear.gather [hbm4b:s0+s3], $0x80, $0x38;
	[tilespmem:$0xA980] =	vst v63  }
0x167: {  	s28 =	sadd.s32 $0x900, s17;
	s26 =	sand.u32 $0x1FFFFFF0, s25;
	s1 =	sadd.s32 s4, s24  }
0x168: {  	[tilespmem:s28], [sflag:$0x1] =	stream.linear.gather [hbm4b:s1+s3], $0x80, $0x38;
	[tilespmem:$0xA980] =	vst v63  }
0x169: {  	s29 =	sadd.s32 $0x980, s17;
	s0 =	sadd.s32 s4, s26  }
0x16a: {  	[tilespmem:s29], [sflag:$0x1] =	stream.linear.gather [hbm4b:s0+s3], $0x80, $0x38;
	[tilespmem:$0xA980] =	vst v63  }
0x16b: {  	_ =	swait.ge [sflag:s12], $0x4000  }
0x16c: {  	[sflag:s12] =	ssyncset.done $0x0  }
0x16d: {  	s30 =	simm.s32 $0x210;
	[sflag:s12] =	ssyncadd.s32 $0xFFFFC000  }
0x16e: {  	v1 =	vld [tilespmem:s30+$0xFFFFFFF0];
	_ =	sdelay $0x2  }
0x16f: {  	s31 =	simm.s32 $0x0  }
0x170: {  	s1 =	sand.u32 $0xFE0, s31  }
0x171: {  	[tilespmem:s1+$0x6200] =	vst v1  }
0x172: {  	v1 =	vld [tilespmem:s30+$0x0];
	_ =	sdelay $0x3  }
0x173: {  	s17 =	simm.s32 $0x6210  }
0x174: {  	s18 =	simm.s32 $0x290;
	[tilespmem:s17+$0x0] =	vst v1  }
0x175: {  	s20 =	simm.s32 $0x40;
	s19 =	simm.s32 $0x20;
	v1 =	vld [tilespmem:s18+$0xFFFFFFF0]  }
.LBB2_12:
0x176: {  	p0 =	sne.s32 s20, $0xFE0;
	_ =	sdelay $0x2  }
0x177: {  	s0 =	sand.u32 $0xFE0, s19;
	s19 =	smov.u32 s20  }
0x178: {  	[tilespmem:s0+$0x6200] =	vst v1  }
0x179: {  	v1 =	vld [tilespmem:s18+$0x0];
	_ =	sdelay $0x1  }
.Ltmp5:
0x17a: {  	(pc) =	sbr.rel @p0 .LBB2_12-.Ltmp5, $4  }
0x17b: {  	_ = 	snop  }
0x17c: {  	s17 =	sadd.s32 $0x20, s17  }
0x17d: {  	s18 =	sadd.s32 $0x80, s18;
	[tilespmem:s17+$0x0] =	vst v1  }
0x17e: {  	s20 =	sadd.s32 $0x20, s20;
	v1 =	vld [tilespmem:s18+$0xFFFFFFF0]  }
0x17f: {  	_ =	sdelay $0x2  }
0x180: {  	s0 =	sand.u32 $0xFE0, s19  }
0x181: {  	[tilespmem:s0+$0x6200] =	vst v1  }
0x182: {  	v1 =	vld [tilespmem:s18+$0x0];
	_ =	sdelay $0x3  }
0x183: {  	s31 =	sadd.s32 $0x20, s17  }
0x184: {  	s18 =	simm.s32 $0x180;
	[tilespmem:s31+$0x0] =	vst v1  }
0x185: {  	v1 =	vld [tilespmem:s18+$0x0];
	_ =	sdelay $0x4  }
0x186: {  	v1 =	vshll.u32 v1, $0x4  }
0x187: {  	(v2sf) =	vpush v1, $0x0  }
0x188: {  	(v2sf) =	vpush v1, $0x1  }
0x189: {  	(v2sf) =	vpush v1, $0x2;
	_ =	sdelay $0x1  }
0x18a: {  	(v2sf) =	vpush v1, $0x4;
	_ =	sdelay $0x1  }
0x18b: {  	(v2sf) =	vpush v1, $0x3  }
0x18c: {  	(v2sf) =	vpush v1, $0x5  }
0x18d: {  	s19 =	simm.s32 $0x2000;
	s17 =	simm.s32 $0x0;
	(v2sf) =	vpush v1, $0x6  }
.LBB2_14:
0x18e: {  	p0 =	sne.s32 s19, $0xE000  }
0x18f: {  	s0 =	sadd.s32 $0x280, s17;
	s23 =	sadd.s32 $0x780, s17;
	s20 =	smov.u32 s19  }
0x190: {  	s19 =	sadd.s32 $0x2000, s19;
	s26 =	sadd.s32 $0x580, s17;
	s21 =	sadd.s32 $0x800, s17;
	(v2sf) =	vpush v1, $0x7  }
0x191: {  	s29 =	sadd.s32 $0x480, s17;
	s25 =	sadd.s32 $0x600, s17;
	s22 =	sadd.s32 $0x880, s17  }
0x192: {  	s1 =	sadd.s32 $0x200, s17;
	s2 =	sadd.s32 $0x400, s17;
	(v2sf) =	vpush v1, $0x8  }
0x193: {  	s5 =	sadd.s32 $0x500, s17;
	s18 =	sadd.s32 $0x10, s18  }
0x194: {  	s11 =	sadd.s32 $0x300, s17;
	s24 =	sadd.s32 $0x700, s17;
	s15 =	spop (v2sf);
	(v2sf) =	vpush v1, $0x9  }
0x195: {  	s28 =	sadd.s32 $0x680, s17;
	s15 =	sand.u32 $0x1FFFFFF0, s15;
	s30 =	spop (v2sf)  }
0x196: {  	s15 =	sadd.s32 s4, s15;
	s30 =	sand.u32 $0x1FFFFFF0, s30;
	s31 =	spop (v2sf);
	(v2sf) =	vpush v1, $0xA  }
0x197: {  	[tilespmem:s1], [sflag:$0x1] =	stream.linear.gather [hbm4b:s15+s3], $0x80, $0x38;
	[tilespmem:$0xA980] =	vst v63  }
0x198: {  	s1 =	sadd.s32 s4, s30;
	s15 =	sadd.s32 $0x380, s17;
	s30 =	spop (v2sf);
	(v2sf) =	vpush v1, $0xB  }
0x199: {  	[tilespmem:s0], [sflag:$0x1] =	stream.linear.gather [hbm4b:s1+s3], $0x80, $0x38;
	[tilespmem:$0xA980] =	vst v63  }
0x19a: {  	s0 =	sand.u32 $0x1FFFFFF0, s31;
	s1 =	sand.u32 $0x1FFFFFF0, s30;
	s30 =	spop (v2sf);
	(v2sf) =	vpush v1, $0xC  }
0x19b: {  	s0 =	sadd.s32 s4, s0;
	s30 =	sand.u32 $0x1FFFFFF0, s30;
	s31 =	spop (v2sf)  }
0x19c: {  	[tilespmem:s11], [sflag:$0x1] =	stream.linear.gather [hbm4b:s0+s3], $0x80, $0x38;
	(v2sf) =	vpush v1, $0xD;
	[tilespmem:$0xA980] =	vst v63  }
0x19d: {  	s0 =	sadd.s32 s4, s30;
	s11 =	sand.u32 $0x1FFFFFF0, s31;
	s30 =	spop (v2sf)  }
0x19e: {  	[tilespmem:s15], [sflag:$0x1] =	stream.linear.gather [hbm4b:s0+s3], $0x80, $0x38;
	(v2sf) =	vpush v1, $0xE;
	[tilespmem:$0xA980] =	vst v63  }
0x19f: {  	s0 =	sadd.s32 s4, s1;
	s1 =	sand.u32 $0x1FFFFFF0, s30;
	s15 =	spop (v2sf)  }
0x1a0: {  	[tilespmem:s2], [sflag:$0x1] =	stream.linear.gather [hbm4b:s0+s3], $0x80, $0x38;
	(v2sf) =	vpush v1, $0xF;
	[tilespmem:$0xA980] =	vst v63  }
0x1a1: {  	s0 =	sadd.s32 s4, s11;
	s2 =	sand.u32 $0x1FFFFFF0, s15;
	s11 =	spop (v2sf)  }
0x1a2: {  	[tilespmem:s29], [sflag:$0x1] =	stream.linear.gather [hbm4b:s0+s3], $0x80, $0x38;
	[tilespmem:$0xA980] =	vst v63  }
0x1a3: {  	s0 =	sadd.s32 s4, s1;
	s1 =	sand.u32 $0x1FFFFFF0, s11;
	s11 =	spop (v2sf)  }
0x1a4: {  	[tilespmem:s5], [sflag:$0x1] =	stream.linear.gather [hbm4b:s0+s3], $0x80, $0x38;
	[tilespmem:$0xA980] =	vst v63  }
0x1a5: {  	s0 =	sadd.s32 s4, s2;
	s2 =	sand.u32 $0x1FFFFFF0, s11;
	s5 =	spop (v2sf)  }
0x1a6: {  	[tilespmem:s26], [sflag:$0x1] =	stream.linear.gather [hbm4b:s0+s3], $0x80, $0x38;
	[tilespmem:$0xA980] =	vst v63  }
0x1a7: {  	s0 =	sadd.s32 s4, s1;
	s1 =	sand.u32 $0x1FFFFFF0, s5;
	s5 =	spop (v2sf)  }
0x1a8: {  	[tilespmem:s25], [sflag:$0x1] =	stream.linear.gather [hbm4b:s0+s3], $0x80, $0x38;
	[tilespmem:$0xA980] =	vst v63  }
0x1a9: {  	s0 =	sadd.s32 s4, s2;
	s2 =	sand.u32 $0x1FFFFFF0, s5;
	s5 =	spop (v2sf)  }
0x1aa: {  	[tilespmem:s28], [sflag:$0x1] =	stream.linear.gather [hbm4b:s0+s3], $0x80, $0x38;
	[tilespmem:$0xA980] =	vst v63  }
0x1ab: {  	s0 =	sadd.s32 s4, s1;
	s1 =	sand.u32 $0x1FFFFFF0, s5;
	s5 =	spop (v2sf)  }
0x1ac: {  	[tilespmem:s24], [sflag:$0x1] =	stream.linear.gather [hbm4b:s0+s3], $0x80, $0x38;
	[tilespmem:$0xA980] =	vst v63  }
0x1ad: {  	s0 =	sadd.s32 s4, s2;
	s2 =	sand.u32 $0x1FFFFFF0, s5;
	s5 =	spop (v2sf)  }
0x1ae: {  	[tilespmem:s23], [sflag:$0x1] =	stream.linear.gather [hbm4b:s0+s3], $0x80, $0x38;
	[tilespmem:$0xA980] =	vst v63  }
0x1af: {  	s0 =	sadd.s32 s4, s1;
	s1 =	sand.u32 $0x1FFFFFF0, s5;
	s5 =	spop (v2sf)  }
0x1b0: {  	[tilespmem:s21], [sflag:$0x1] =	stream.linear.gather [hbm4b:s0+s3], $0x80, $0x38;
	[tilespmem:$0xA980] =	vst v63  }
0x1b1: {  	s0 =	sadd.s32 s4, s2;
	s2 =	sand.u32 $0x1FFFFFF0, s5  }
0x1b2: {  	[tilespmem:s22], [sflag:$0x1] =	stream.linear.gather [hbm4b:s0+s3], $0x80, $0x38;
	[tilespmem:$0xA980] =	vst v63  }
0x1b3: {  	s1 =	sadd.s32 s4, s1;
	s0 =	sadd.s32 $0x900, s17  }
0x1b4: {  	[tilespmem:s0], [sflag:$0x1] =	stream.linear.gather [hbm4b:s1+s3], $0x80, $0x38;
	[tilespmem:$0xA980] =	vst v63  }
0x1b5: {  	s0 =	sadd.s32 $0x980, s17;
	s1 =	sadd.s32 s4, s2  }
0x1b6: {  	[tilespmem:s0], [sflag:$0x1] =	stream.linear.gather [hbm4b:s1+s3], $0x80, $0x38;
	[tilespmem:$0xA980] =	vst v63  }
0x1b7: {  	v1 =	vld [tilespmem:s18+$0x0];
	_ =	sdelay $0x4  }
0x1b8: {  	v1 =	vshll.u32 v1, $0x4  }
0x1b9: {  	(v2sf) =	vpush v1, $0x0  }
0x1ba: {  	(v2sf) =	vpush v1, $0x1  }
0x1bb: {  	(v2sf) =	vpush v1, $0x2;
	_ =	sdelay $0x1  }
0x1bc: {  	(v2sf) =	vpush v1, $0x4  }
.Ltmp6:
0x1bd: {  	(pc) =	sbr.rel @p0 .LBB2_14-.Ltmp6, $3  }
0x1be: {  	(v2sf) =	vpush v1, $0x3  }
0x1bf: {  	(v2sf) =	vpush v1, $0x5;
	_ =	sdelay $0x1  }
0x1c0: {  	s17 =	sshra.s32 s20, $0x2;
	(v2sf) =	vpush v1, $0x6  }
0x1c1: {  	_ =	sdelay $0x1  }
0x1c2: {  	s0 =	sadd.s32 $0x280, s17;
	s20 =	sadd.s32 $0x780, s17  }
0x1c3: {  	s1 =	sadd.s32 $0x580, s17;
	s18 =	sadd.s32 $0x800, s17;
	(v2sf) =	vpush v1, $0x7;
	s2 =	sadd.s32 $0x480, s17  }
0x1c4: {  	s5 =	sadd.s32 $0x600, s17;
	s19 =	sadd.s32 $0x880, s17;
	s11 =	sadd.s32 $0x200, s17  }
0x1c5: {  	s15 =	sadd.s32 $0x400, s17;
	s21 =	sadd.s32 $0x500, s17;
	(v2sf) =	vpush v1, $0x8;
	s22 =	spop (v2sf)  }
0x1c6: {  	s23 =	sadd.s32 $0x300, s17;
	s22 =	sand.u32 $0x1FFFFFF0, s22;
	s24 =	spop (v2sf)  }
0x1c7: {  	(v2sf) =	vpush v1, $0x9;
	s22 =	sadd.s32 s4, s22;
	s24 =	sand.u32 $0x1FFFFFF0, s24;
	s25 =	spop (v2sf)  }
0x1c8: {  	[tilespmem:s11], [sflag:$0x1] =	stream.linear.gather [hbm4b:s22+s3], $0x80, $0x38;
	[tilespmem:$0xA980] =	vst v63  }
0x1c9: {  	s26 =	sadd.s32 $0x380, s17;
	(v2sf) =	vpush v1, $0xA;
	s30 =	sadd.s32 s4, s24;
	s31 =	spop (v2sf)  }
0x1ca: {  	[tilespmem:s0], [sflag:$0x1] =	stream.linear.gather [hbm4b:s30+s3], $0x80, $0x38;
	[tilespmem:$0xA980] =	vst v63  }
0x1cb: {  	s11 =	sadd.s32 $0x700, s17;
	s28 =	sand.u32 $0x1FFFFFF0, s25;
	(v2sf) =	vpush v1, $0xB;
	s29 =	spop (v2sf)  }
0x1cc: {  	s22 =	sadd.s32 s4, s28;
	s0 =	sadd.s32 $0x680, s17;
	s25 =	sand.u32 $0x1FFFFFF0, s29  }
0x1cd: {  	(v2sf) =	vpush v1, $0xC;
	[tilespmem:s23], [sflag:$0x1] =	stream.linear.gather [hbm4b:s22+s3], $0x80, $0x38;
	[tilespmem:$0xA980] =	vst v63  }
0x1ce: {  	s30 =	sand.u32 $0x1FFFFFF0, s31;
	s31 =	spop (v2sf);
	s28 =	sadd.s32 s4, s25  }
0x1cf: {  	(v2sf) =	vpush v1, $0xD;
	[tilespmem:s26], [sflag:$0x1] =	stream.linear.gather [hbm4b:s28+s3], $0x80, $0x38;
	[tilespmem:$0xA980] =	vst v63  }
0x1d0: {  	s22 =	sadd.s32 s4, s30;
	s23 =	sand.u32 $0x1FFFFFF0, s31;
	s29 =	spop (v2sf)  }
0x1d1: {  	(v2sf) =	vpush v1, $0xE;
	[tilespmem:s15], [sflag:$0x1] =	stream.linear.gather [hbm4b:s22+s3], $0x80, $0x38;
	[tilespmem:$0xA980] =	vst v63  }
0x1d2: {  	s23 =	sadd.s32 s4, s23;
	s30 =	sand.u32 $0x1FFFFFF0, s29;
	s31 =	spop (v2sf)  }
0x1d3: {  	(v2sf) =	vpush v1, $0xF;
	[tilespmem:s2], [sflag:$0x1] =	stream.linear.gather [hbm4b:s23+s3], $0x80, $0x38;
	[tilespmem:$0xA980] =	vst v63  }
0x1d4: {  	s24 =	sand.u32 $0x1FFFFFF0, s31;
	s25 =	spop (v2sf);
	s15 =	sadd.s32 s4, s30  }
0x1d5: {  	[tilespmem:s21], [sflag:$0x1] =	stream.linear.gather [hbm4b:s15+s3], $0x80, $0x38;
	[tilespmem:$0xA980] =	vst v63  }
0x1d6: {  	s26 =	sand.u32 $0x1FFFFFF0, s25;
	s2 =	sadd.s32 s4, s24;
	s28 =	spop (v2sf)  }
0x1d7: {  	[tilespmem:s1], [sflag:$0x1] =	stream.linear.gather [hbm4b:s2+s3], $0x80, $0x38;
	[tilespmem:$0xA980] =	vst v63  }
0x1d8: {  	s15 =	sadd.s32 s4, s26;
	s29 =	sand.u32 $0x1FFFFFF0, s28;
	s30 =	spop (v2sf)  }
0x1d9: {  	[tilespmem:s5], [sflag:$0x1] =	stream.linear.gather [hbm4b:s15+s3], $0x80, $0x38;
	[tilespmem:$0xA980] =	vst v63  }
0x1da: {  	s2 =	sand.u32 $0x1FFFFFF0, s30;
	s1 =	sadd.s32 s4, s29;
	s31 =	spop (v2sf)  }
0x1db: {  	[tilespmem:s0], [sflag:$0x1] =	stream.linear.gather [hbm4b:s1+s3], $0x80, $0x38;
	[tilespmem:$0xA980] =	vst v63  }
0x1dc: {  	s2 =	sadd.s32 s4, s2;
	s5 =	sand.u32 $0x1FFFFFF0, s31;
	s15 =	spop (v2sf)  }
0x1dd: {  	[tilespmem:s11], [sflag:$0x1] =	stream.linear.gather [hbm4b:s2+s3], $0x80, $0x38;
	[tilespmem:$0xA980] =	vst v63  }
0x1de: {  	s0 =	sadd.s32 s4, s5;
	s1 =	sand.u32 $0x1FFFFFF0, s15;
	s21 =	spop (v2sf)  }
0x1df: {  	[tilespmem:s20], [sflag:$0x1] =	stream.linear.gather [hbm4b:s0+s3], $0x80, $0x38;
	[tilespmem:$0xA980] =	vst v63  }
0x1e0: {  	s22 =	sand.u32 $0x1FFFFFF0, s21;
	s1 =	sadd.s32 s4, s1;
	s23 =	spop (v2sf)  }
0x1e1: {  	[tilespmem:s18], [sflag:$0x1] =	stream.linear.gather [hbm4b:s1+s3], $0x80, $0x38;
	[tilespmem:$0xA980] =	vst v63  }
0x1e2: {  	s24 =	sand.u32 $0x1FFFFFF0, s23;
	s25 =	spop (v2sf);
	s0 =	sadd.s32 s4, s22  }
0x1e3: {  	[tilespmem:s19], [sflag:$0x1] =	stream.linear.gather [hbm4b:s0+s3], $0x80, $0x38;
	[tilespmem:$0xA980] =	vst v63  }
0x1e4: {  	s28 =	sadd.s32 $0x900, s17;
	s26 =	sand.u32 $0x1FFFFFF0, s25;
	s1 =	sadd.s32 s4, s24  }
0x1e5: {  	[tilespmem:s28], [sflag:$0x1] =	stream.linear.gather [hbm4b:s1+s3], $0x80, $0x38;
	[tilespmem:$0xA980] =	vst v63  }
0x1e6: {  	s29 =	sadd.s32 $0x980, s17;
	s0 =	sadd.s32 s4, s26  }
0x1e7: {  	[tilespmem:s29], [sflag:$0x1] =	stream.linear.gather [hbm4b:s0+s3], $0x80, $0x38;
	[tilespmem:$0xA980] =	vst v63  }
0x1e8: {  	_ =	swait.ge [sflag:s12], $0x4000  }
0x1e9: {  	[sflag:s12] =	ssyncset.done $0x0  }
0x1ea: {  	s30 =	simm.s32 $0x210;
	[sflag:s12] =	ssyncadd.s32 $0xFFFFC000  }
0x1eb: {  	v1 =	vld [tilespmem:s30+$0xFFFFFFF0];
	_ =	sdelay $0x2  }
0x1ec: {  	s31 =	simm.s32 $0x0  }
0x1ed: {  	s1 =	sand.u32 $0xFE0, s31  }
0x1ee: {  	[tilespmem:s1+$0x7200] =	vst v1  }
0x1ef: {  	v1 =	vld [tilespmem:s30+$0x0];
	_ =	sdelay $0x3  }
0x1f0: {  	s17 =	simm.s32 $0x7210  }
0x1f1: {  	s18 =	simm.s32 $0x290;
	[tilespmem:s17+$0x0] =	vst v1  }
0x1f2: {  	s20 =	simm.s32 $0x40;
	s19 =	simm.s32 $0x20;
	v1 =	vld [tilespmem:s18+$0xFFFFFFF0]  }
.LBB2_16:
0x1f3: {  	p0 =	sne.s32 s20, $0xFE0;
	_ =	sdelay $0x2  }
0x1f4: {  	s0 =	sand.u32 $0xFE0, s19;
	s19 =	smov.u32 s20  }
0x1f5: {  	[tilespmem:s0+$0x7200] =	vst v1  }
0x1f6: {  	v1 =	vld [tilespmem:s18+$0x0];
	_ =	sdelay $0x1  }
.Ltmp7:
0x1f7: {  	(pc) =	sbr.rel @p0 .LBB2_16-.Ltmp7, $4  }
0x1f8: {  	_ = 	snop  }
0x1f9: {  	s17 =	sadd.s32 $0x20, s17  }
0x1fa: {  	s18 =	sadd.s32 $0x80, s18;
	[tilespmem:s17+$0x0] =	vst v1  }
0x1fb: {  	s20 =	sadd.s32 $0x20, s20;
	v1 =	vld [tilespmem:s18+$0xFFFFFFF0]  }
0x1fc: {  	_ =	sdelay $0x2  }
0x1fd: {  	s0 =	sand.u32 $0xFE0, s19  }
0x1fe: {  	[tilespmem:s0+$0x7200] =	vst v1  }
0x1ff: {  	v1 =	vld [tilespmem:s18+$0x0];
	_ =	sdelay $0x2  }
0x200: {  	s29 =	simm.s32 $0x0  }
0x201: {  	s1 =	sadd.s32 $0x20, s17;
	v2 =	vor.u32 s29, v0  }
0x202: {  	v3 =	vshll.u32 v2, $0x5;
	[tilespmem:s1+$0x0] =	vst v1  }
0x203: {  	_ =	swait.ge [sflag:s13], $0x2000  }
0x204: {  	v4 =	vor.u32 $0x1, v3;
	[sflag:s13] =	ssyncset.done $0x0  }
0x205: {  	[sflag:s13] =	ssyncadd.s32 $0xFFFFE000  }
0x206: {  	v5 =	vor.u32 $0x2, v3;
	v1 =	vld [tilespmem:$0xA700]  }
0x207: {  	v6 =	vld.idx.msk [tilespmem:v3+s14+$0x0], $0xffff  }
0x208: {  	v8 =	vor.u32 $0x3, v3;
	v7 =	vld [tilespmem:$0xA400]  }
0x209: {  	v4 =	vld.idx.msk [tilespmem:v4+s14+$0x0], $0xffff  }
0x20a: {  	v10 =	vor.u32 $0x4, v3;
	v9 =	vld [tilespmem:$0xA410]  }
0x20b: {  	v5 =	vld.idx.msk [tilespmem:v5+s14+$0x0], $0xffff  }
0x20c: {  	v11 =	vld [tilespmem:$0xA420]  }
0x20d: {  	v12 =	vor.u32 $0x5, v3;
	v6 =	vmul.f32 v7, v6;
	v7 =	vld.idx.msk [tilespmem:v8+s14+$0x0], $0xffff  }
0x20e: {  	v13 =	vor.u32 $0x6, v3;
	v8 =	vld [tilespmem:$0xA430]  }
0x20f: {  	v50 =	vld.idx.msk [tilespmem:v10+s14+$0x0], $0xffff;
	v4 =	vmul.f32 v9, v4;
	v6 =	vadd.f32 v6, v1  }
0x210: {  	v14 =	vor.u32 $0x7, v3;
	v51 =	vld [tilespmem:$0xA440]  }
0x211: {  	v52 =	vld [tilespmem:$0xA450];
	v5 =	vmul.f32 v11, v5;
	v4 =	vadd.f32 v4, v6  }
0x212: {  	v6 =	vld.idx.msk [tilespmem:v12+s14+$0x0], $0xffff  }
0x213: {  	v53 =	vor.u32 $0x8, v3;
	v4 =	vadd.f32 v5, v4;
	v5 =	vmul.f32 v8, v7;
	v7 =	vld.idx.msk [tilespmem:v13+s14+$0x0], $0xffff  }
0x214: {  	v54 =	vor.u32 $0x9, v3;
	v8 =	vld [tilespmem:$0xA460]  }
0x215: {  	v55 =	vld.idx.msk [tilespmem:v14+s14+$0x0], $0xffff;
	v4 =	vadd.f32 v5, v4;
	v5 =	vmul.f32 v51, v50  }
0x216: {  	v57 =	vor.u32 $0xA, v3;
	v56 =	vld [tilespmem:$0xA470]  }
0x217: {  	v58 =	vld [tilespmem:$0xA480];
	v4 =	vadd.f32 v5, v4;
	v5 =	vmul.f32 v52, v6  }
0x218: {  	v6 =	vld.idx.msk [tilespmem:v53+s14+$0x0], $0xffff  }
0x219: {  	v59 =	vor.u32 $0xB, v3;
	v4 =	vadd.f32 v5, v4;
	v5 =	vmul.f32 v8, v7;
	v7 =	vld.idx.msk [tilespmem:v54+s14+$0x0], $0xffff  }
0x21a: {  	v60 =	vor.u32 $0xC, v3;
	v8 =	vld [tilespmem:$0xA490]  }
0x21b: {  	v61 =	vld.idx.msk [tilespmem:v57+s14+$0x0], $0xffff;
	v4 =	vadd.f32 v5, v4;
	v5 =	vmul.f32 v56, v55  }
0x21c: {  	v63 =	vor.u32 $0xD, v3;
	v62 =	vld [tilespmem:$0xA4A0]  }
0x21d: {  	v16 =	vld [tilespmem:$0xA4B0];
	v4 =	vadd.f32 v5, v4;
	v5 =	vmul.f32 v58, v6  }
0x21e: {  	v6 =	vld.idx.msk [tilespmem:v59+s14+$0x0], $0xffff  }
0x21f: {  	v17 =	vor.u32 $0xE, v3;
	v4 =	vadd.f32 v5, v4;
	v5 =	vmul.f32 v8, v7;
	v7 =	vld.idx.msk [tilespmem:v60+s14+$0x0], $0xffff  }
0x220: {  	v18 =	vor.u32 $0xF, v3;
	v8 =	vld [tilespmem:$0xA4C0]  }
0x221: {  	v19 =	vld.idx.msk [tilespmem:v63+s14+$0x0], $0xffff;
	v4 =	vadd.f32 v5, v4;
	v5 =	vmul.f32 v62, v61  }
0x222: {  	v21 =	vor.u32 $0x10, v3;
	v20 =	vld [tilespmem:$0xA4D0]  }
0x223: {  	v22 =	vld [tilespmem:$0xA4E0];
	v4 =	vadd.f32 v5, v4;
	v5 =	vmul.f32 v16, v6  }
0x224: {  	v6 =	vld.idx.msk [tilespmem:v17+s14+$0x0], $0xffff  }
0x225: {  	v23 =	vor.u32 $0x11, v3;
	v4 =	vadd.f32 v5, v4;
	v5 =	vmul.f32 v8, v7;
	v7 =	vld.idx.msk [tilespmem:v18+s14+$0x0], $0xffff  }
0x226: {  	v24 =	vor.u32 $0x12, v3;
	v8 =	vld [tilespmem:$0xA4F0]  }
0x227: {  	v25 =	vld.idx.msk [tilespmem:v21+s14+$0x0], $0xffff;
	v4 =	vadd.f32 v5, v4;
	v5 =	vmul.f32 v20, v19  }
0x228: {  	v27 =	vor.u32 $0x13, v3;
	v26 =	vld [tilespmem:$0xA500]  }
0x229: {  	v28 =	vld [tilespmem:$0xA510];
	v4 =	vadd.f32 v5, v4;
	v5 =	vmul.f32 v22, v6  }
0x22a: {  	v6 =	vld.idx.msk [tilespmem:v23+s14+$0x0], $0xffff  }
0x22b: {  	v29 =	vor.u32 $0x14, v3;
	v4 =	vadd.f32 v5, v4;
	v5 =	vmul.f32 v8, v7;
	v7 =	vld.idx.msk [tilespmem:v24+s14+$0x0], $0xffff  }
0x22c: {  	v30 =	vor.u32 $0x15, v3;
	v8 =	vld [tilespmem:$0xA520]  }
0x22d: {  	v31 =	vld.idx.msk [tilespmem:v27+s14+$0x0], $0xffff;
	v4 =	vadd.f32 v5, v4;
	v5 =	vmul.f32 v26, v25  }
0x22e: {  	v33 =	vor.u32 $0x16, v3;
	v32 =	vld [tilespmem:$0xA530]  }
0x22f: {  	v34 =	vld [tilespmem:$0xA540];
	v4 =	vadd.f32 v5, v4;
	v5 =	vmul.f32 v28, v6  }
0x230: {  	v6 =	vld.idx.msk [tilespmem:v29+s14+$0x0], $0xffff  }
0x231: {  	v35 =	vor.u32 $0x17, v3;
	v4 =	vadd.f32 v5, v4;
	v5 =	vmul.f32 v8, v7;
	v7 =	vld.idx.msk [tilespmem:v30+s14+$0x0], $0xffff  }
0x232: {  	v36 =	vor.u32 $0x18, v3;
	v8 =	vld [tilespmem:$0xA550]  }
0x233: {  	v37 =	vld.idx.msk [tilespmem:v33+s14+$0x0], $0xffff;
	v4 =	vadd.f32 v5, v4;
	v5 =	vmul.f32 v32, v31  }
0x234: {  	v39 =	vor.u32 $0x19, v3;
	v38 =	vld [tilespmem:$0xA560]  }
0x235: {  	v40 =	vld [tilespmem:$0xA570];
	v4 =	vadd.f32 v5, v4;
	v5 =	vmul.f32 v34, v6  }
0x236: {  	v6 =	vld.idx.msk [tilespmem:v35+s14+$0x0], $0xffff  }
0x237: {  	v41 =	vor.u32 $0x1A, v3;
	v4 =	vadd.f32 v5, v4;
	v5 =	vmul.f32 v8, v7;
	v7 =	vld.idx.msk [tilespmem:v36+s14+$0x0], $0xffff  }
0x238: {  	v42 =	vor.u32 $0x1B, v3;
	v8 =	vld [tilespmem:$0xA580]  }
0x239: {  	v43 =	vld.idx.msk [tilespmem:v39+s14+$0x0], $0xffff;
	v4 =	vadd.f32 v5, v4;
	v5 =	vmul.f32 v38, v37  }
0x23a: {  	v45 =	vor.u32 $0x1C, v3;
	v44 =	vld [tilespmem:$0xA590]  }
0x23b: {  	v46 =	vld [tilespmem:$0xA5A0];
	v4 =	vadd.f32 v5, v4;
	v5 =	vmul.f32 v40, v6  }
0x23c: {  	v6 =	vld.idx.msk [tilespmem:v41+s14+$0x0], $0xffff  }
0x23d: {  	v47 =	vor.u32 $0x1D, v3;
	v4 =	vadd.f32 v5, v4;
	v5 =	vmul.f32 v8, v7;
	v7 =	vld.idx.msk [tilespmem:v42+s14+$0x0], $0xffff  }
0x23e: {  	v48 =	vor.u32 $0x1E, v3;
	v8 =	vld [tilespmem:$0xA5B0]  }
0x23f: {  	v49 =	vld.idx.msk [tilespmem:v45+s14+$0x0], $0xffff;
	v4 =	vadd.f32 v5, v4;
	v5 =	vmul.f32 v44, v43  }
0x240: {  	v3 =	vor.u32 $0x1F, v3;
	v50 =	vld [tilespmem:$0xA5C0]  }
0x241: {  	v51 =	vld [tilespmem:$0xA5D0];
	v4 =	vadd.f32 v5, v4;
	v5 =	vmul.f32 v46, v6  }
0x242: {  	v6 =	vld.idx.msk [tilespmem:v47+s14+$0x0], $0xffff  }
0x243: {  	v2 =	vshll.u32 v2, $0x4;
	v4 =	vadd.f32 v5, v4;
	v5 =	vmul.f32 v8, v7;
	v7 =	vld.idx.msk [tilespmem:v48+s14+$0x0], $0xffff  }
0x244: {  	v52 =	vor.u32 $0x1, v2;
	v8 =	vld [tilespmem:$0xA5E0]  }
0x245: {  	v3 =	vld.idx.msk [tilespmem:v3+s14+$0x0], $0xffff;
	v4 =	vadd.f32 v5, v4;
	v5 =	vmul.f32 v50, v49  }
0x246: {  	v53 =	vld [tilespmem:$0xA5F0]  }
0x247: {  	v54 =	vor.u32 $0x2, v2;
	v55 =	vld [tilespmem:$0xA600];
	v4 =	vadd.f32 v5, v4;
	v5 =	vmul.f32 v51, v6  }
0x248: {  	v6 =	vld.idx.msk [tilespmem:v2+s10+$0x0], $0xffff  }
0x249: {  	v56 =	vor.u32 $0x3, v2;
	v4 =	vadd.f32 v5, v4;
	v5 =	vmul.f32 v8, v7;
	v7 =	vld.idx.msk [tilespmem:v52+s10+$0x0], $0xffff  }
0x24a: {  	v57 =	vor.u32 $0x4, v2;
	v8 =	vld [tilespmem:$0xA610]  }
0x24b: {  	v3 =	vmul.f32 v53, v3;
	v58 =	vld [tilespmem:$0xA620];
	v4 =	vadd.f32 v5, v4  }
0x24c: {  	v5 =	vld.idx.msk [tilespmem:v54+s10+$0x0], $0xffff  }
0x24d: {  	v59 =	vor.u32 $0x5, v2;
	v60 =	vld [tilespmem:$0xA630];
	v3 =	vadd.f32 v3, v4;
	v4 =	vmul.f32 v55, v6  }
0x24e: {  	v6 =	vld.idx.msk [tilespmem:v56+s10+$0x0], $0xffff  }
0x24f: {  	v61 =	vor.u32 $0x6, v2;
	v3 =	vadd.f32 v4, v3;
	v4 =	vmul.f32 v8, v7;
	v7 =	vld.idx.msk [tilespmem:v57+s10+$0x0], $0xffff  }
0x250: {  	v62 =	vor.u32 $0x7, v2;
	v8 =	vld [tilespmem:$0xA640]  }
0x251: {  	v63 =	vld [tilespmem:$0xA650];
	v3 =	vadd.f32 v4, v3;
	v4 =	vmul.f32 v58, v5  }
0x252: {  	v5 =	vld.idx.msk [tilespmem:v59+s10+$0x0], $0xffff  }
0x253: {  	v16 =	vor.u32 $0x8, v2;
	v17 =	vld [tilespmem:$0xA660];
	v3 =	vadd.f32 v4, v3;
	v4 =	vmul.f32 v60, v6  }
0x254: {  	v6 =	vld.idx.msk [tilespmem:v61+s10+$0x0], $0xffff  }
0x255: {  	v18 =	vor.u32 $0x9, v2;
	v3 =	vadd.f32 v4, v3;
	v4 =	vmul.f32 v8, v7;
	v7 =	vld.idx.msk [tilespmem:v62+s10+$0x0], $0xffff  }
0x256: {  	v19 =	vor.u32 $0xA, v2;
	v8 =	vld [tilespmem:$0xA670]  }
0x257: {  	v20 =	vld [tilespmem:$0xA680];
	v3 =	vadd.f32 v4, v3;
	v4 =	vmul.f32 v63, v5  }
0x258: {  	v5 =	vld.idx.msk [tilespmem:v16+s10+$0x0], $0xffff  }
0x259: {  	v21 =	vor.u32 $0xB, v2;
	v22 =	vld [tilespmem:$0xA690];
	v3 =	vadd.f32 v4, v3;
	v4 =	vmul.f32 v17, v6  }
0x25a: {  	v6 =	vld.idx.msk [tilespmem:v18+s10+$0x0], $0xffff  }
0x25b: {  	v23 =	vor.u32 $0xC, v2;
	v3 =	vadd.f32 v4, v3;
	v4 =	vmul.f32 v8, v7;
	v7 =	vld.idx.msk [tilespmem:v19+s10+$0x0], $0xffff  }
0x25c: {  	v24 =	vor.u32 $0xD, v2;
	v8 =	vld [tilespmem:$0xA6A0]  }
0x25d: {  	v25 =	vld [tilespmem:$0xA6B0];
	v3 =	vadd.f32 v4, v3;
	v4 =	vmul.f32 v20, v5  }
0x25e: {  	v5 =	vld.idx.msk [tilespmem:v21+s10+$0x0], $0xffff  }
0x25f: {  	v27 =	vld [tilespmem:$0xA6C0];
	v26 =	vor.u32 $0xE, v2;
	v3 =	vadd.f32 v4, v3;
	v4 =	vmul.f32 v22, v6  }
0x260: {  	v6 =	vld.idx.msk [tilespmem:v23+s10+$0x0], $0xffff  }
0x261: {  	v2 =	vor.u32 $0xF, v2;
	v3 =	vadd.f32 v4, v3;
	v4 =	vmul.f32 v8, v7;
	v7 =	vld.idx.msk [tilespmem:v24+s10+$0x0], $0xffff  }
0x262: {  	v8 =	vld [tilespmem:$0xA6D0]  }
0x263: {  	v28 =	vld [tilespmem:$0xA6E0];
	v3 =	vadd.f32 v4, v3;
	v4 =	vmul.f32 v25, v5  }
0x264: {  	v5 =	vld.idx.msk [tilespmem:v26+s10+$0x0], $0xffff  }
0x265: {  	v29 =	vld [tilespmem:$0xA6F0];
	v3 =	vadd.f32 v4, v3;
	v4 =	vmul.f32 v27, v6  }
0x266: {  	v6 =	vld.idx.msk [tilespmem:v2+s10+$0x0], $0xffff  }
0x267: {  	v2 =	vadd.f32 v4, v3;
	v3 =	vmul.f32 v8, v7;
	_ =	sdelay $0x1  }
0x268: {  	s30 =	simm.s32 $0x10;
	v5 =	vmul.f32 v28, v5;
	v4 =	vadd.f32 v3, v2  }
0x269: {  	v2 =	vor.u32 s30, v0  }
0x26a: {  	v3 =	vshll.u32 v2, $0x5;
	v4 =	vadd.f32 v5, v4;
	v5 =	vmul.f32 v29, v6;
	_ =	sdelay $0x1  }
0x26b: {  	v6 =	vor.u32 $0x1, v3;
	v4 =	vadd.f32 v5, v4  }
0x26c: {  	s17 =	simm.s32 $0xA780  }
0x26d: {  	[tilespmem:s17+$0x0] =	vst v4  }
0x26e: {  	v5 =	vor.u32 $0x2, v3;
	v4 =	vld.idx.msk [tilespmem:v3+s14+$0x0], $0xffff  }
0x26f: {  	v8 =	vor.u32 $0x3, v3;
	v7 =	vld [tilespmem:$0xA400]  }
0x270: {  	v6 =	vld.idx.msk [tilespmem:v6+s14+$0x0], $0xffff  }
0x271: {  	v31 =	vor.u32 $0x4, v3;
	v30 =	vld [tilespmem:$0xA410]  }
0x272: {  	v32 =	vld [tilespmem:$0xA420]  }
0x273: {  	v5 =	vld.idx.msk [tilespmem:v5+s14+$0x0], $0xffff  }
0x274: {  	v33 =	vor.u32 $0x5, v3;
	v4 =	vmul.f32 v7, v4;
	v7 =	vld.idx.msk [tilespmem:v8+s14+$0x0], $0xffff  }
0x275: {  	v34 =	vor.u32 $0x6, v3;
	v8 =	vld [tilespmem:$0xA430]  }
0x276: {  	v35 =	vld.idx.msk [tilespmem:v31+s14+$0x0], $0xffff;
	v6 =	vmul.f32 v30, v6;
	v4 =	vadd.f32 v4, v1  }
0x277: {  	v37 =	vor.u32 $0x7, v3;
	v36 =	vld [tilespmem:$0xA440]  }
0x278: {  	v38 =	vld [tilespmem:$0xA450];
	v5 =	vmul.f32 v32, v5;
	v4 =	vadd.f32 v6, v4  }
0x279: {  	v6 =	vld.idx.msk [tilespmem:v33+s14+$0x0], $0xffff  }
0x27a: {  	v39 =	vor.u32 $0x8, v3;
	v4 =	vadd.f32 v5, v4;
	v5 =	vmul.f32 v8, v7;
	v7 =	vld.idx.msk [tilespmem:v34+s14+$0x0], $0xffff  }
0x27b: {  	v40 =	vor.u32 $0x9, v3;
	v8 =	vld [tilespmem:$0xA460]  }
0x27c: {  	v41 =	vld.idx.msk [tilespmem:v37+s14+$0x0], $0xffff;
	v4 =	vadd.f32 v5, v4;
	v5 =	vmul.f32 v36, v35  }
0x27d: {  	v43 =	vor.u32 $0xA, v3;
	v42 =	vld [tilespmem:$0xA470]  }
0x27e: {  	v44 =	vld [tilespmem:$0xA480];
	v4 =	vadd.f32 v5, v4;
	v5 =	vmul.f32 v38, v6  }
0x27f: {  	v6 =	vld.idx.msk [tilespmem:v39+s14+$0x0], $0xffff  }
0x280: {  	v45 =	vor.u32 $0xB, v3;
	v4 =	vadd.f32 v5, v4;
	v5 =	vmul.f32 v8, v7;
	v7 =	vld.idx.msk [tilespmem:v40+s14+$0x0], $0xffff  }
0x281: {  	v46 =	vor.u32 $0xC, v3;
	v8 =	vld [tilespmem:$0xA490]  }
0x282: {  	v47 =	vld.idx.msk [tilespmem:v43+s14+$0x0], $0xffff;
	v4 =	vadd.f32 v5, v4;
	v5 =	vmul.f32 v42, v41  }
0x283: {  	v49 =	vor.u32 $0xD, v3;
	v48 =	vld [tilespmem:$0xA4A0]  }
0x284: {  	v50 =	vld [tilespmem:$0xA4B0];
	v4 =	vadd.f32 v5, v4;
	v5 =	vmul.f32 v44, v6  }
0x285: {  	v6 =	vld.idx.msk [tilespmem:v45+s14+$0x0], $0xffff  }
0x286: {  	v51 =	vor.u32 $0xE, v3;
	v4 =	vadd.f32 v5, v4;
	v5 =	vmul.f32 v8, v7;
	v7 =	vld.idx.msk [tilespmem:v46+s14+$0x0], $0xffff  }
0x287: {  	v52 =	vor.u32 $0xF, v3;
	v8 =	vld [tilespmem:$0xA4C0]  }
0x288: {  	v53 =	vld.idx.msk [tilespmem:v49+s14+$0x0], $0xffff;
	v4 =	vadd.f32 v5, v4;
	v5 =	vmul.f32 v48, v47  }
0x289: {  	v55 =	vor.u32 $0x10, v3;
	v54 =	vld [tilespmem:$0xA4D0]  }
0x28a: {  	v56 =	vld [tilespmem:$0xA4E0];
	v4 =	vadd.f32 v5, v4;
	v5 =	vmul.f32 v50, v6  }
0x28b: {  	v6 =	vld.idx.msk [tilespmem:v51+s14+$0x0], $0xffff  }
0x28c: {  	v57 =	vor.u32 $0x11, v3;
	v4 =	vadd.f32 v5, v4;
	v5 =	vmul.f32 v8, v7;
	v7 =	vld.idx.msk [tilespmem:v52+s14+$0x0], $0xffff  }
0x28d: {  	v58 =	vor.u32 $0x12, v3;
	v8 =	vld [tilespmem:$0xA4F0]  }
0x28e: {  	v59 =	vld.idx.msk [tilespmem:v55+s14+$0x0], $0xffff;
	v4 =	vadd.f32 v5, v4;
	v5 =	vmul.f32 v54, v53  }
0x28f: {  	v61 =	vor.u32 $0x13, v3;
	v60 =	vld [tilespmem:$0xA500]  }
0x290: {  	v62 =	vld [tilespmem:$0xA510];
	v4 =	vadd.f32 v5, v4;
	v5 =	vmul.f32 v56, v6  }
0x291: {  	v6 =	vld.idx.msk [tilespmem:v57+s14+$0x0], $0xffff  }
0x292: {  	v63 =	vor.u32 $0x14, v3;
	v4 =	vadd.f32 v5, v4;
	v5 =	vmul.f32 v8, v7;
	v7 =	vld.idx.msk [tilespmem:v58+s14+$0x0], $0xffff  }
0x293: {  	v16 =	vor.u32 $0x15, v3;
	v8 =	vld [tilespmem:$0xA520]  }
0x294: {  	v17 =	vld.idx.msk [tilespmem:v61+s14+$0x0], $0xffff;
	v4 =	vadd.f32 v5, v4;
	v5 =	vmul.f32 v60, v59  }
0x295: {  	v19 =	vor.u32 $0x16, v3;
	v18 =	vld [tilespmem:$0xA530]  }
0x296: {  	v20 =	vld [tilespmem:$0xA540];
	v4 =	vadd.f32 v5, v4;
	v5 =	vmul.f32 v62, v6  }
0x297: {  	v6 =	vld.idx.msk [tilespmem:v63+s14+$0x0], $0xffff  }
0x298: {  	v21 =	vor.u32 $0x17, v3;
	v4 =	vadd.f32 v5, v4;
	v5 =	vmul.f32 v8, v7;
	v7 =	vld.idx.msk [tilespmem:v16+s14+$0x0], $0xffff  }
0x299: {  	v22 =	vor.u32 $0x18, v3;
	v8 =	vld [tilespmem:$0xA550]  }
0x29a: {  	v23 =	vld.idx.msk [tilespmem:v19+s14+$0x0], $0xffff;
	v4 =	vadd.f32 v5, v4;
	v5 =	vmul.f32 v18, v17  }
0x29b: {  	v25 =	vor.u32 $0x19, v3;
	v24 =	vld [tilespmem:$0xA560]  }
0x29c: {  	v26 =	vld [tilespmem:$0xA570];
	v4 =	vadd.f32 v5, v4;
	v5 =	vmul.f32 v20, v6  }
0x29d: {  	v6 =	vld.idx.msk [tilespmem:v21+s14+$0x0], $0xffff  }
0x29e: {  	v27 =	vor.u32 $0x1A, v3;
	v4 =	vadd.f32 v5, v4;
	v5 =	vmul.f32 v8, v7;
	v7 =	vld.idx.msk [tilespmem:v22+s14+$0x0], $0xffff  }
0x29f: {  	v28 =	vor.u32 $0x1B, v3;
	v8 =	vld [tilespmem:$0xA580]  }
0x2a0: {  	v29 =	vld.idx.msk [tilespmem:v25+s14+$0x0], $0xffff;
	v4 =	vadd.f32 v5, v4;
	v5 =	vmul.f32 v24, v23  }
0x2a1: {  	v31 =	vor.u32 $0x1C, v3;
	v30 =	vld [tilespmem:$0xA590]  }
0x2a2: {  	v32 =	vld [tilespmem:$0xA5A0];
	v4 =	vadd.f32 v5, v4;
	v5 =	vmul.f32 v26, v6  }
0x2a3: {  	v6 =	vld.idx.msk [tilespmem:v27+s14+$0x0], $0xffff  }
0x2a4: {  	v33 =	vor.u32 $0x1D, v3;
	v4 =	vadd.f32 v5, v4;
	v5 =	vmul.f32 v8, v7;
	v7 =	vld.idx.msk [tilespmem:v28+s14+$0x0], $0xffff  }
0x2a5: {  	v34 =	vor.u32 $0x1E, v3;
	v8 =	vld [tilespmem:$0xA5B0]  }
0x2a6: {  	v35 =	vld.idx.msk [tilespmem:v31+s14+$0x0], $0xffff;
	v4 =	vadd.f32 v5, v4;
	v5 =	vmul.f32 v30, v29  }
0x2a7: {  	v36 =	vld [tilespmem:$0xA5C0]  }
0x2a8: {  	v37 =	vld [tilespmem:$0xA5D0];
	v3 =	vor.u32 $0x1F, v3;
	v4 =	vadd.f32 v5, v4;
	v5 =	vmul.f32 v32, v6  }
0x2a9: {  	v6 =	vld.idx.msk [tilespmem:v33+s14+$0x0], $0xffff  }
0x2aa: {  	v2 =	vshll.u32 v2, $0x4;
	v4 =	vadd.f32 v5, v4;
	v5 =	vmul.f32 v8, v7;
	v7 =	vld.idx.msk [tilespmem:v34+s14+$0x0], $0xffff  }
0x2ab: {  	v38 =	vor.u32 $0x1, v2;
	v8 =	vld [tilespmem:$0xA5E0]  }
0x2ac: {  	v39 =	vld [tilespmem:$0xA5F0];
	v4 =	vadd.f32 v5, v4;
	v5 =	vmul.f32 v36, v35  }
0x2ad: {  	v3 =	vld.idx.msk [tilespmem:v3+s14+$0x0], $0xffff  }
0x2ae: {  	v40 =	vor.u32 $0x2, v2;
	v41 =	vld [tilespmem:$0xA600];
	v4 =	vadd.f32 v5, v4;
	v5 =	vmul.f32 v37, v6  }
0x2af: {  	v6 =	vld.idx.msk [tilespmem:v2+s10+$0x0], $0xffff  }
0x2b0: {  	v42 =	vor.u32 $0x3, v2;
	v4 =	vadd.f32 v5, v4;
	v5 =	vmul.f32 v8, v7;
	v7 =	vld.idx.msk [tilespmem:v38+s10+$0x0], $0xffff  }
0x2b1: {  	v43 =	vor.u32 $0x4, v2;
	v8 =	vld [tilespmem:$0xA610]  }
0x2b2: {  	v3 =	vmul.f32 v39, v3;
	v44 =	vld [tilespmem:$0xA620];
	v4 =	vadd.f32 v5, v4  }
0x2b3: {  	v5 =	vld.idx.msk [tilespmem:v40+s10+$0x0], $0xffff  }
0x2b4: {  	v45 =	vor.u32 $0x5, v2;
	v46 =	vld [tilespmem:$0xA630];
	v3 =	vadd.f32 v3, v4;
	v4 =	vmul.f32 v41, v6  }
0x2b5: {  	v6 =	vld.idx.msk [tilespmem:v42+s10+$0x0], $0xffff  }
0x2b6: {  	v47 =	vor.u32 $0x6, v2;
	v3 =	vadd.f32 v4, v3;
	v4 =	vmul.f32 v8, v7;
	v7 =	vld.idx.msk [tilespmem:v43+s10+$0x0], $0xffff  }
0x2b7: {  	v48 =	vor.u32 $0x7, v2;
	v8 =	vld [tilespmem:$0xA640]  }
0x2b8: {  	v49 =	vld [tilespmem:$0xA650];
	v3 =	vadd.f32 v4, v3;
	v4 =	vmul.f32 v44, v5  }
0x2b9: {  	v5 =	vld.idx.msk [tilespmem:v45+s10+$0x0], $0xffff  }
0x2ba: {  	v50 =	vor.u32 $0x8, v2;
	v51 =	vld [tilespmem:$0xA660];
	v3 =	vadd.f32 v4, v3;
	v4 =	vmul.f32 v46, v6  }
0x2bb: {  	v6 =	vld.idx.msk [tilespmem:v47+s10+$0x0], $0xffff  }
0x2bc: {  	v52 =	vor.u32 $0x9, v2;
	v3 =	vadd.f32 v4, v3;
	v4 =	vmul.f32 v8, v7;
	v7 =	vld.idx.msk [tilespmem:v48+s10+$0x0], $0xffff  }
0x2bd: {  	v53 =	vor.u32 $0xA, v2;
	v8 =	vld [tilespmem:$0xA670]  }
0x2be: {  	v54 =	vld [tilespmem:$0xA680];
	v3 =	vadd.f32 v4, v3;
	v4 =	vmul.f32 v49, v5  }
0x2bf: {  	v5 =	vld.idx.msk [tilespmem:v50+s10+$0x0], $0xffff  }
0x2c0: {  	v55 =	vor.u32 $0xB, v2;
	v56 =	vld [tilespmem:$0xA690];
	v3 =	vadd.f32 v4, v3;
	v4 =	vmul.f32 v51, v6  }
0x2c1: {  	v6 =	vld.idx.msk [tilespmem:v52+s10+$0x0], $0xffff  }
0x2c2: {  	v57 =	vor.u32 $0xC, v2;
	v3 =	vadd.f32 v4, v3;
	v4 =	vmul.f32 v8, v7;
	v7 =	vld.idx.msk [tilespmem:v53+s10+$0x0], $0xffff  }
0x2c3: {  	v8 =	vld [tilespmem:$0xA6A0]  }
0x2c4: {  	v58 =	vor.u32 $0xD, v2;
	v59 =	vld [tilespmem:$0xA6B0];
	v3 =	vadd.f32 v4, v3;
	v4 =	vmul.f32 v54, v5  }
0x2c5: {  	v5 =	vld.idx.msk [tilespmem:v55+s10+$0x0], $0xffff  }
0x2c6: {  	v61 =	vld [tilespmem:$0xA6C0];
	v3 =	vadd.f32 v4, v3;
	v4 =	vmul.f32 v56, v6  }
0x2c7: {  	v60 =	vor.u32 $0xE, v2;
	v6 =	vld.idx.msk [tilespmem:v57+s10+$0x0], $0xffff  }
0x2c8: {  	v3 =	vadd.f32 v4, v3;
	v4 =	vmul.f32 v8, v7  }
0x2c9: {  	v2 =	vor.u32 $0xF, v2;
	v7 =	vld.idx.msk [tilespmem:v58+s10+$0x0], $0xffff  }
0x2ca: {  	v8 =	vld [tilespmem:$0xA6D0];
	v3 =	vadd.f32 v4, v3;
	v4 =	vmul.f32 v59, v5  }
0x2cb: {  	v63 =	vld [tilespmem:$0xA6E0]  }
0x2cc: {  	v62 =	vld.idx.msk [tilespmem:v60+s10+$0x0], $0xffff;
	v3 =	vadd.f32 v4, v3;
	v4 =	vmul.f32 v61, v6  }
0x2cd: {  	v5 =	vld [tilespmem:$0xA6F0]  }
0x2ce: {  	v3 =	vadd.f32 v4, v3;
	v4 =	vld.idx.msk [tilespmem:v2+s10+$0x0], $0xffff  }
0x2cf: {  	v6 =	vmul.f32 v8, v7;
	_ =	sdelay $0x1  }
0x2d0: {  	s31 =	simm.s32 $0x20;
	v7 =	vmul.f32 v63, v62;
	v6 =	vadd.f32 v6, v3  }
0x2d1: {  	s18 =	simm.s32 $0x30;
	v2 =	vor.u32 s31, v0  }
.LBB2_18:
0x2d2: {  	p0 =	sne.s32 s18, $0x1F0;
	v3 =	vshll.u32 v2, $0x5;
	v6 =	vadd.f32 v7, v6;
	v4 =	vmul.f32 v5, v4;
	_ =	sdelay $0x1  }
0x2d3: {  	v5 =	vor.u32 $0x1, v3;
	v4 =	vadd.f32 v4, v6  }
0x2d4: {  	s17 =	sadd.s32 $0x10, s17  }
0x2d5: {  	v6 =	vor.u32 $0x2, v3;
	[tilespmem:s17+$0x0] =	vst v4  }
0x2d6: {  	v4 =	vld.idx.msk [tilespmem:v3+s14+$0x0], $0xffff  }
0x2d7: {  	v8 =	vor.u32 $0x3, v3;
	v7 =	vld [tilespmem:$0xA400]  }
0x2d8: {  	v5 =	vld.idx.msk [tilespmem:v5+s14+$0x0], $0xffff  }
0x2d9: {  	v10 =	vor.u32 $0x4, v3;
	v9 =	vld [tilespmem:$0xA410]  }
0x2da: {  	v6 =	vld.idx.msk [tilespmem:v6+s14+$0x0], $0xffff  }
0x2db: {  	v12 =	vor.u32 $0x5, v3;
	v11 =	vld [tilespmem:$0xA420]  }
0x2dc: {  	v4 =	vmul.f32 v7, v4;
	v7 =	vld.idx.msk [tilespmem:v8+s14+$0x0], $0xffff  }
0x2dd: {  	v13 =	vor.u32 $0x6, v3;
	v8 =	vld [tilespmem:$0xA430]  }
0x2de: {  	v4 =	vadd.f32 v4, v1;
	v5 =	vmul.f32 v9, v5;
	v9 =	vld.idx.msk [tilespmem:v10+s14+$0x0], $0xffff  }
0x2df: {  	v14 =	vor.u32 $0x7, v3;
	v10 =	vld [tilespmem:$0xA440]  }
0x2e0: {  	v4 =	vadd.f32 v5, v4;
	v5 =	vmul.f32 v11, v6;
	v6 =	vld.idx.msk [tilespmem:v12+s14+$0x0], $0xffff  }
0x2e1: {  	v12 =	vor.u32 $0x8, v3;
	v11 =	vld [tilespmem:$0xA450]  }
0x2e2: {  	v4 =	vadd.f32 v5, v4;
	v5 =	vmul.f32 v8, v7;
	v7 =	vld.idx.msk [tilespmem:v13+s14+$0x0], $0xffff  }
0x2e3: {  	v13 =	vor.u32 $0x9, v3;
	v8 =	vld [tilespmem:$0xA460]  }
0x2e4: {  	v4 =	vadd.f32 v5, v4;
	v5 =	vmul.f32 v10, v9;
	v9 =	vld.idx.msk [tilespmem:v14+s14+$0x0], $0xffff  }
0x2e5: {  	v14 =	vor.u32 $0xA, v3;
	v10 =	vld [tilespmem:$0xA470]  }
0x2e6: {  	v4 =	vadd.f32 v5, v4;
	v5 =	vmul.f32 v11, v6;
	v6 =	vld.idx.msk [tilespmem:v12+s14+$0x0], $0xffff  }
0x2e7: {  	v12 =	vor.u32 $0xB, v3;
	v11 =	vld [tilespmem:$0xA480]  }
0x2e8: {  	v4 =	vadd.f32 v5, v4;
	v5 =	vmul.f32 v8, v7;
	v7 =	vld.idx.msk [tilespmem:v13+s14+$0x0], $0xffff  }
0x2e9: {  	v13 =	vor.u32 $0xC, v3;
	v8 =	vld [tilespmem:$0xA490]  }
0x2ea: {  	v4 =	vadd.f32 v5, v4;
	v5 =	vmul.f32 v10, v9;
	v9 =	vld.idx.msk [tilespmem:v14+s14+$0x0], $0xffff  }
0x2eb: {  	v14 =	vor.u32 $0xD, v3;
	v10 =	vld [tilespmem:$0xA4A0]  }
0x2ec: {  	v4 =	vadd.f32 v5, v4;
	v5 =	vmul.f32 v11, v6;
	v6 =	vld.idx.msk [tilespmem:v12+s14+$0x0], $0xffff  }
0x2ed: {  	v12 =	vor.u32 $0xE, v3;
	v11 =	vld [tilespmem:$0xA4B0]  }
0x2ee: {  	v4 =	vadd.f32 v5, v4;
	v5 =	vmul.f32 v8, v7;
	v7 =	vld.idx.msk [tilespmem:v13+s14+$0x0], $0xffff  }
0x2ef: {  	v13 =	vor.u32 $0xF, v3;
	v8 =	vld [tilespmem:$0xA4C0]  }
0x2f0: {  	v4 =	vadd.f32 v5, v4;
	v5 =	vmul.f32 v10, v9;
	v9 =	vld.idx.msk [tilespmem:v14+s14+$0x0], $0xffff  }
0x2f1: {  	v14 =	vor.u32 $0x10, v3;
	v10 =	vld [tilespmem:$0xA4D0]  }
0x2f2: {  	v4 =	vadd.f32 v5, v4;
	v5 =	vmul.f32 v11, v6;
	v6 =	vld.idx.msk [tilespmem:v12+s14+$0x0], $0xffff  }
0x2f3: {  	v12 =	vor.u32 $0x11, v3;
	v11 =	vld [tilespmem:$0xA4E0]  }
0x2f4: {  	v4 =	vadd.f32 v5, v4;
	v5 =	vmul.f32 v8, v7;
	v7 =	vld.idx.msk [tilespmem:v13+s14+$0x0], $0xffff  }
0x2f5: {  	v13 =	vor.u32 $0x12, v3;
	v8 =	vld [tilespmem:$0xA4F0]  }
0x2f6: {  	v4 =	vadd.f32 v5, v4;
	v5 =	vmul.f32 v10, v9;
	v9 =	vld.idx.msk [tilespmem:v14+s14+$0x0], $0xffff  }
0x2f7: {  	v14 =	vor.u32 $0x13, v3;
	v10 =	vld [tilespmem:$0xA500]  }
0x2f8: {  	v4 =	vadd.f32 v5, v4;
	v5 =	vmul.f32 v11, v6;
	v6 =	vld.idx.msk [tilespmem:v12+s14+$0x0], $0xffff  }
0x2f9: {  	v12 =	vor.u32 $0x14, v3;
	v11 =	vld [tilespmem:$0xA510]  }
0x2fa: {  	v4 =	vadd.f32 v5, v4;
	v5 =	vmul.f32 v8, v7;
	v7 =	vld.idx.msk [tilespmem:v13+s14+$0x0], $0xffff  }
0x2fb: {  	v13 =	vor.u32 $0x15, v3;
	v8 =	vld [tilespmem:$0xA520]  }
0x2fc: {  	v4 =	vadd.f32 v5, v4;
	v5 =	vmul.f32 v10, v9;
	v9 =	vld.idx.msk [tilespmem:v14+s14+$0x0], $0xffff  }
0x2fd: {  	v14 =	vor.u32 $0x16, v3;
	v10 =	vld [tilespmem:$0xA530]  }
0x2fe: {  	v4 =	vadd.f32 v5, v4;
	v5 =	vmul.f32 v11, v6;
	v6 =	vld.idx.msk [tilespmem:v12+s14+$0x0], $0xffff  }
0x2ff: {  	v12 =	vor.u32 $0x17, v3;
	v11 =	vld [tilespmem:$0xA540]  }
0x300: {  	v4 =	vadd.f32 v5, v4;
	v5 =	vmul.f32 v8, v7;
	v7 =	vld.idx.msk [tilespmem:v13+s14+$0x0], $0xffff  }
0x301: {  	v13 =	vor.u32 $0x18, v3;
	v8 =	vld [tilespmem:$0xA550]  }
0x302: {  	v4 =	vadd.f32 v5, v4;
	v5 =	vmul.f32 v10, v9;
	v9 =	vld.idx.msk [tilespmem:v14+s14+$0x0], $0xffff  }
0x303: {  	v14 =	vor.u32 $0x19, v3;
	v10 =	vld [tilespmem:$0xA560]  }
0x304: {  	v4 =	vadd.f32 v5, v4;
	v5 =	vmul.f32 v11, v6;
	v6 =	vld.idx.msk [tilespmem:v12+s14+$0x0], $0xffff  }
0x305: {  	v12 =	vor.u32 $0x1A, v3;
	v11 =	vld [tilespmem:$0xA570]  }
0x306: {  	v4 =	vadd.f32 v5, v4;
	v5 =	vmul.f32 v8, v7;
	v7 =	vld.idx.msk [tilespmem:v13+s14+$0x0], $0xffff  }
0x307: {  	v13 =	vor.u32 $0x1B, v3;
	v8 =	vld [tilespmem:$0xA580]  }
0x308: {  	v4 =	vadd.f32 v5, v4;
	v5 =	vmul.f32 v10, v9;
	v9 =	vld.idx.msk [tilespmem:v14+s14+$0x0], $0xffff  }
0x309: {  	v14 =	vor.u32 $0x1C, v3;
	v10 =	vld [tilespmem:$0xA590]  }
0x30a: {  	v4 =	vadd.f32 v5, v4;
	v5 =	vmul.f32 v11, v6;
	v6 =	vld.idx.msk [tilespmem:v12+s14+$0x0], $0xffff  }
0x30b: {  	v12 =	vor.u32 $0x1D, v3;
	v11 =	vld [tilespmem:$0xA5A0]  }
0x30c: {  	v4 =	vadd.f32 v5, v4;
	v5 =	vmul.f32 v8, v7;
	v7 =	vld.idx.msk [tilespmem:v13+s14+$0x0], $0xffff  }
0x30d: {  	v13 =	vor.u32 $0x1E, v3;
	v8 =	vld [tilespmem:$0xA5B0]  }
0x30e: {  	v4 =	vadd.f32 v5, v4;
	v5 =	vmul.f32 v10, v9;
	v9 =	vld.idx.msk [tilespmem:v14+s14+$0x0], $0xffff  }
0x30f: {  	v3 =	vor.u32 $0x1F, v3;
	v10 =	vld [tilespmem:$0xA5C0]  }
0x310: {  	v4 =	vadd.f32 v5, v4;
	v5 =	vmul.f32 v11, v6;
	v6 =	vld.idx.msk [tilespmem:v12+s14+$0x0], $0xffff  }
0x311: {  	v2 =	vshll.u32 v2, $0x4;
	v11 =	vld [tilespmem:$0xA5D0]  }
0x312: {  	v4 =	vadd.f32 v5, v4;
	v5 =	vmul.f32 v8, v7;
	v7 =	vld.idx.msk [tilespmem:v13+s14+$0x0], $0xffff  }
0x313: {  	v12 =	vor.u32 $0x1, v2;
	v8 =	vld [tilespmem:$0xA5E0]  }
0x314: {  	v4 =	vadd.f32 v5, v4;
	v5 =	vmul.f32 v10, v9;
	v3 =	vld.idx.msk [tilespmem:v3+s14+$0x0], $0xffff  }
0x315: {  	v10 =	vor.u32 $0x2, v2;
	v9 =	vld [tilespmem:$0xA5F0]  }
0x316: {  	v4 =	vadd.f32 v5, v4;
	v5 =	vmul.f32 v11, v6;
	v6 =	vld.idx.msk [tilespmem:v2+s10+$0x0], $0xffff  }
0x317: {  	v13 =	vor.u32 $0x3, v2;
	v11 =	vld [tilespmem:$0xA600]  }
0x318: {  	v4 =	vadd.f32 v5, v4;
	v5 =	vmul.f32 v8, v7;
	v7 =	vld.idx.msk [tilespmem:v12+s10+$0x0], $0xffff  }
0x319: {  	v12 =	vor.u32 $0x4, v2;
	v8 =	vld [tilespmem:$0xA610]  }
0x31a: {  	v4 =	vadd.f32 v5, v4;
	v3 =	vmul.f32 v9, v3;
	v5 =	vld.idx.msk [tilespmem:v10+s10+$0x0], $0xffff  }
0x31b: {  	v10 =	vor.u32 $0x5, v2;
	v9 =	vld [tilespmem:$0xA620]  }
0x31c: {  	v3 =	vadd.f32 v3, v4;
	v4 =	vmul.f32 v11, v6;
	v6 =	vld.idx.msk [tilespmem:v13+s10+$0x0], $0xffff  }
0x31d: {  	v13 =	vor.u32 $0x6, v2;
	v11 =	vld [tilespmem:$0xA630]  }
0x31e: {  	v3 =	vadd.f32 v4, v3;
	v4 =	vmul.f32 v8, v7;
	v7 =	vld.idx.msk [tilespmem:v12+s10+$0x0], $0xffff  }
0x31f: {  	v12 =	vor.u32 $0x7, v2;
	v8 =	vld [tilespmem:$0xA640]  }
0x320: {  	v3 =	vadd.f32 v4, v3;
	v4 =	vmul.f32 v9, v5;
	v5 =	vld.idx.msk [tilespmem:v10+s10+$0x0], $0xffff  }
0x321: {  	v10 =	vor.u32 $0x8, v2;
	v9 =	vld [tilespmem:$0xA650]  }
0x322: {  	v3 =	vadd.f32 v4, v3;
	v4 =	vmul.f32 v11, v6;
	v6 =	vld.idx.msk [tilespmem:v13+s10+$0x0], $0xffff  }
0x323: {  	v13 =	vor.u32 $0x9, v2;
	v11 =	vld [tilespmem:$0xA660]  }
0x324: {  	v3 =	vadd.f32 v4, v3;
	v4 =	vmul.f32 v8, v7;
	v7 =	vld.idx.msk [tilespmem:v12+s10+$0x0], $0xffff  }
0x325: {  	v12 =	vor.u32 $0xA, v2;
	v8 =	vld [tilespmem:$0xA670]  }
0x326: {  	v3 =	vadd.f32 v4, v3;
	v4 =	vmul.f32 v9, v5;
	v5 =	vld.idx.msk [tilespmem:v10+s10+$0x0], $0xffff  }
0x327: {  	v10 =	vor.u32 $0xB, v2;
	v9 =	vld [tilespmem:$0xA680]  }
0x328: {  	v3 =	vadd.f32 v4, v3;
	v4 =	vmul.f32 v11, v6;
	v6 =	vld.idx.msk [tilespmem:v13+s10+$0x0], $0xffff  }
0x329: {  	v13 =	vor.u32 $0xC, v2;
	v11 =	vld [tilespmem:$0xA690]  }
0x32a: {  	v3 =	vadd.f32 v4, v3;
	v4 =	vmul.f32 v8, v7;
	v7 =	vld.idx.msk [tilespmem:v12+s10+$0x0], $0xffff  }
0x32b: {  	v12 =	vor.u32 $0xD, v2;
	v8 =	vld [tilespmem:$0xA6A0]  }
0x32c: {  	v3 =	vadd.f32 v4, v3;
	v4 =	vmul.f32 v9, v5;
	v5 =	vld.idx.msk [tilespmem:v10+s10+$0x0], $0xffff  }
0x32d: {  	v10 =	vor.u32 $0xE, v2;
	v9 =	vld [tilespmem:$0xA6B0]  }
0x32e: {  	v3 =	vadd.f32 v4, v3;
	v4 =	vmul.f32 v11, v6;
	v6 =	vld.idx.msk [tilespmem:v13+s10+$0x0], $0xffff  }
0x32f: {  	v2 =	vor.u32 $0xF, v2;
	v11 =	vld [tilespmem:$0xA6C0]  }
0x330: {  	v3 =	vadd.f32 v4, v3;
	v4 =	vmul.f32 v8, v7;
	v7 =	vld.idx.msk [tilespmem:v12+s10+$0x0], $0xffff  }
0x331: {  	v8 =	vld [tilespmem:$0xA6D0]  }
0x332: {  	v3 =	vadd.f32 v4, v3;
	v4 =	vmul.f32 v9, v5;
	v9 =	vld.idx.msk [tilespmem:v10+s10+$0x0], $0xffff  }
0x333: {  	v10 =	vld [tilespmem:$0xA6E0]  }
0x334: {  	v3 =	vadd.f32 v4, v3;
	v6 =	vmul.f32 v11, v6;
	v4 =	vld.idx.msk [tilespmem:v2+s10+$0x0], $0xffff  }
.Ltmp8:
0x335: {  	v5 =	vld [tilespmem:$0xA6F0];
	(pc) =	sbr.rel @p0 .LBB2_18-.Ltmp8, $3  }
0x336: {  	v2 =	vadd.f32 v6, v3;
	v3 =	vmul.f32 v8, v7;
	_ =	sdelay $0x1  }
0x337: {  	v6 =	vadd.f32 v3, v2;
	v7 =	vmul.f32 v10, v9  }
0x338: {  	v2 =	vor.u32 s18, v0;
	s18 =	sadd.s32 $0x10, s18  }
0x339: {  	v3 =	vshll.u32 v2, $0x5;
	v6 =	vadd.f32 v7, v6;
	v4 =	vmul.f32 v5, v4;
	_ =	sdelay $0x1  }
0x33a: {  	v4 =	vadd.f32 v4, v6  }
0x33b: {  	s17 =	sadd.s32 $0x10, s17;
	v49 =	vor.u32 $0x1, v3  }
0x33c: {  	[tilespmem:s17+$0x0] =	vst v4  }
0x33d: {  	v50 =	vor.u32 $0x2, v3;
	v4 =	vld.idx.msk [tilespmem:v3+s14+$0x0], $0xffff  }
0x33e: {  	v51 =	vld [tilespmem:$0xA400]  }
0x33f: {  	v8 =	vor.u32 $0x3, v3;
	v9 =	vld [tilespmem:$0xA410]  }
0x340: {  	v5 =	vld.idx.msk [tilespmem:v49+s14+$0x0], $0xffff  }
0x341: {  	v10 =	vor.u32 $0x4, v3;
	v11 =	vld [tilespmem:$0xA420]  }
0x342: {  	v6 =	vld.idx.msk [tilespmem:v50+s14+$0x0], $0xffff  }
0x343: {  	v12 =	vor.u32 $0x5, v3;
	v53 =	vld [tilespmem:$0xA430];
	v4 =	vmul.f32 v51, v4  }
0x344: {  	v52 =	vld.idx.msk [tilespmem:v8+s14+$0x0], $0xffff  }
0x345: {  	v13 =	vor.u32 $0x6, v3;
	v56 =	vld [tilespmem:$0xA440];
	v54 =	vmul.f32 v9, v5;
	v1 =	vadd.f32 v4, v1  }
0x346: {  	v55 =	vld.idx.msk [tilespmem:v10+s14+$0x0], $0xffff  }
0x347: {  	v57 =	vor.u32 $0x7, v3;
	v60 =	vld [tilespmem:$0xA450];
	v58 =	vmul.f32 v11, v6;
	v1 =	vadd.f32 v54, v1  }
0x348: {  	v59 =	vld.idx.msk [tilespmem:v12+s14+$0x0], $0xffff  }
0x349: {  	v61 =	vor.u32 $0x8, v3;
	v16 =	vld [tilespmem:$0xA460];
	v62 =	vmul.f32 v53, v52;
	v1 =	vadd.f32 v58, v1  }
0x34a: {  	v63 =	vld.idx.msk [tilespmem:v13+s14+$0x0], $0xffff  }
0x34b: {  	v17 =	vor.u32 $0x9, v3;
	v20 =	vld [tilespmem:$0xA470];
	v18 =	vmul.f32 v56, v55;
	v1 =	vadd.f32 v62, v1  }
0x34c: {  	v19 =	vld.idx.msk [tilespmem:v57+s14+$0x0], $0xffff  }
0x34d: {  	v21 =	vor.u32 $0xA, v3;
	v24 =	vld [tilespmem:$0xA480];
	v22 =	vmul.f32 v60, v59;
	v1 =	vadd.f32 v18, v1  }
0x34e: {  	v23 =	vld.idx.msk [tilespmem:v61+s14+$0x0], $0xffff  }
0x34f: {  	v25 =	vor.u32 $0xB, v3;
	v28 =	vld [tilespmem:$0xA490];
	v26 =	vmul.f32 v16, v63;
	v1 =	vadd.f32 v22, v1  }
0x350: {  	v27 =	vld.idx.msk [tilespmem:v17+s14+$0x0], $0xffff  }
0x351: {  	v29 =	vor.u32 $0xC, v3;
	v32 =	vld [tilespmem:$0xA4A0];
	v30 =	vmul.f32 v20, v19;
	v1 =	vadd.f32 v26, v1  }
0x352: {  	v31 =	vld.idx.msk [tilespmem:v21+s14+$0x0], $0xffff  }
0x353: {  	v33 =	vor.u32 $0xD, v3;
	v36 =	vld [tilespmem:$0xA4B0];
	v34 =	vmul.f32 v24, v23;
	v1 =	vadd.f32 v30, v1  }
0x354: {  	v35 =	vld.idx.msk [tilespmem:v25+s14+$0x0], $0xffff  }
0x355: {  	v37 =	vor.u32 $0xE, v3;
	v40 =	vld [tilespmem:$0xA4C0];
	v38 =	vmul.f32 v28, v27;
	v1 =	vadd.f32 v34, v1  }
0x356: {  	v41 =	vor.u32 $0xF, v3;
	v39 =	vld.idx.msk [tilespmem:v29+s14+$0x0], $0xffff  }
0x357: {  	v44 =	vld [tilespmem:$0xA4D0];
	v42 =	vmul.f32 v32, v31;
	v1 =	vadd.f32 v38, v1  }
0x358: {  	v45 =	vor.u32 $0x10, v3;
	v43 =	vld.idx.msk [tilespmem:v33+s14+$0x0], $0xffff  }
0x359: {  	v48 =	vld [tilespmem:$0xA4E0];
	v46 =	vmul.f32 v36, v35;
	v1 =	vadd.f32 v42, v1  }
0x35a: {  	v47 =	vld.idx.msk [tilespmem:v37+s14+$0x0], $0xffff;
	v49 =	vor.u32 $0x11, v3  }
0x35b: {  	v51 =	vld.idx.msk [tilespmem:v41+s14+$0x0], $0xffff;
	v50 =	vmul.f32 v40, v39;
	v1 =	vadd.f32 v46, v1  }
0x35c: {  	v52 =	vld [tilespmem:$0xA4F0]  }
0x35d: {  	v53 =	vor.u32 $0x12, v3;
	v55 =	vld.idx.msk [tilespmem:v45+s14+$0x0], $0xffff;
	v54 =	vmul.f32 v44, v43;
	v1 =	vadd.f32 v50, v1  }
0x35e: {  	v57 =	vor.u32 $0x13, v3;
	v56 =	vld [tilespmem:$0xA500]  }
0x35f: {  	v59 =	vld.idx.msk [tilespmem:v49+s14+$0x0], $0xffff;
	v58 =	vmul.f32 v48, v47;
	v1 =	vadd.f32 v54, v1  }
0x360: {  	v61 =	vor.u32 $0x14, v3;
	v60 =	vld [tilespmem:$0xA510]  }
0x361: {  	v16 =	vld [tilespmem:$0xA520];
	v62 =	vmul.f32 v52, v51;
	v1 =	vadd.f32 v58, v1  }
0x362: {  	v17 =	vor.u32 $0x15, v3;
	v63 =	vld.idx.msk [tilespmem:v53+s14+$0x0], $0xffff  }
0x363: {  	v19 =	vld.idx.msk [tilespmem:v57+s14+$0x0], $0xffff;
	v18 =	vmul.f32 v56, v55;
	v1 =	vadd.f32 v62, v1  }
0x364: {  	v21 =	vor.u32 $0x16, v3;
	v20 =	vld [tilespmem:$0xA530]  }
0x365: {  	v23 =	vld.idx.msk [tilespmem:v61+s14+$0x0], $0xffff;
	v22 =	vmul.f32 v60, v59;
	v1 =	vadd.f32 v18, v1  }
0x366: {  	v25 =	vor.u32 $0x17, v3;
	v24 =	vld [tilespmem:$0xA540]  }
0x367: {  	v27 =	vld.idx.msk [tilespmem:v17+s14+$0x0], $0xffff;
	v26 =	vmul.f32 v16, v63;
	v1 =	vadd.f32 v22, v1  }
0x368: {  	v29 =	vor.u32 $0x18, v3;
	v28 =	vld [tilespmem:$0xA550]  }
0x369: {  	v31 =	vld.idx.msk [tilespmem:v21+s14+$0x0], $0xffff;
	v30 =	vmul.f32 v20, v19;
	v1 =	vadd.f32 v26, v1  }
0x36a: {  	v33 =	vor.u32 $0x19, v3;
	v32 =	vld [tilespmem:$0xA560]  }
0x36b: {  	v35 =	vld.idx.msk [tilespmem:v25+s14+$0x0], $0xffff;
	v34 =	vmul.f32 v24, v23;
	v1 =	vadd.f32 v30, v1  }
0x36c: {  	v37 =	vor.u32 $0x1A, v3;
	v36 =	vld [tilespmem:$0xA570]  }
0x36d: {  	v39 =	vld.idx.msk [tilespmem:v29+s14+$0x0], $0xffff;
	v38 =	vmul.f32 v28, v27;
	v1 =	vadd.f32 v34, v1  }
0x36e: {  	v41 =	vor.u32 $0x1B, v3;
	v40 =	vld [tilespmem:$0xA580]  }
0x36f: {  	v43 =	vld.idx.msk [tilespmem:v33+s14+$0x0], $0xffff;
	v42 =	vmul.f32 v32, v31;
	v1 =	vadd.f32 v38, v1  }
0x370: {  	v45 =	vor.u32 $0x1C, v3;
	v44 =	vld [tilespmem:$0xA590]  }
0x371: {  	v47 =	vld.idx.msk [tilespmem:v37+s14+$0x0], $0xffff;
	v46 =	vmul.f32 v36, v35;
	v1 =	vadd.f32 v42, v1  }
0x372: {  	v48 =	vld [tilespmem:$0xA5A0]  }
0x373: {  	v49 =	vor.u32 $0x1D, v3;
	v51 =	vld.idx.msk [tilespmem:v41+s14+$0x0], $0xffff;
	v50 =	vmul.f32 v40, v39;
	v1 =	vadd.f32 v46, v1  }
0x374: {  	v53 =	vor.u32 $0x1E, v3;
	v52 =	vld [tilespmem:$0xA5B0]  }
0x375: {  	v55 =	vld.idx.msk [tilespmem:v45+s14+$0x0], $0xffff;
	v54 =	vmul.f32 v44, v43;
	v1 =	vadd.f32 v50, v1  }
0x376: {  	v56 =	vld [tilespmem:$0xA5C0]  }
0x377: {  	v3 =	vor.u32 $0x1F, v3;
	v57 =	vmul.f32 v48, v47;
	v59 =	vld [tilespmem:$0xA5D0];
	v1 =	vadd.f32 v54, v1  }
0x378: {  	v58 =	vld.idx.msk [tilespmem:v49+s14+$0x0], $0xffff  }
0x379: {  	v2 =	vshll.u32 v2, $0x4;
	v61 =	vld.idx.msk [tilespmem:v53+s14+$0x0], $0xffff;
	v60 =	vmul.f32 v52, v51;
	v1 =	vadd.f32 v57, v1  }
0x37a: {  	v62 =	vld [tilespmem:$0xA5E0]  }
0x37b: {  	v17 =	vld [tilespmem:$0xA5F0];
	v63 =	vor.u32 $0x1, v2;
	v16 =	vmul.f32 v56, v55;
	v1 =	vadd.f32 v60, v1  }
0x37c: {  	v3 =	vld.idx.msk [tilespmem:v3+s14+$0x0], $0xffff  }
0x37d: {  	v21 =	vld [tilespmem:$0xA600];
	v18 =	vor.u32 $0x2, v2;
	v19 =	vmul.f32 v59, v58;
	v1 =	vadd.f32 v16, v1  }
0x37e: {  	v20 =	vld.idx.msk [tilespmem:v2+s10+$0x0], $0xffff  }
0x37f: {  	v25 =	vld [tilespmem:$0xA610];
	v22 =	vor.u32 $0x3, v2;
	v23 =	vmul.f32 v62, v61;
	v1 =	vadd.f32 v19, v1  }
0x380: {  	v24 =	vld.idx.msk [tilespmem:v63+s10+$0x0], $0xffff  }
0x381: {  	v3 =	vmul.f32 v17, v3;
	v28 =	vld [tilespmem:$0xA620];
	v26 =	vor.u32 $0x4, v2;
	v1 =	vadd.f32 v23, v1  }
0x382: {  	v27 =	vld.idx.msk [tilespmem:v18+s10+$0x0], $0xffff  }
0x383: {  	v29 =	vor.u32 $0x5, v2;
	v31 =	vld [tilespmem:$0xA630];
	v1 =	vadd.f32 v3, v1;
	v3 =	vmul.f32 v21, v20  }
0x384: {  	v30 =	vld.idx.msk [tilespmem:v22+s10+$0x0], $0xffff  }
0x385: {  	v32 =	vor.u32 $0x6, v2;
	v34 =	vld [tilespmem:$0xA640];
	v1 =	vadd.f32 v3, v1;
	v3 =	vmul.f32 v25, v24  }
0x386: {  	v33 =	vld.idx.msk [tilespmem:v26+s10+$0x0], $0xffff  }
0x387: {  	v37 =	vld [tilespmem:$0xA650];
	v35 =	vor.u32 $0x7, v2;
	v1 =	vadd.f32 v3, v1;
	v3 =	vmul.f32 v28, v27  }
0x388: {  	v36 =	vld.idx.msk [tilespmem:v29+s10+$0x0], $0xffff  }
0x389: {  	v40 =	vld [tilespmem:$0xA660];
	v38 =	vor.u32 $0x8, v2;
	v1 =	vadd.f32 v3, v1;
	v3 =	vmul.f32 v31, v30  }
0x38a: {  	v41 =	vor.u32 $0x9, v2;
	v39 =	vld.idx.msk [tilespmem:v32+s10+$0x0], $0xffff  }
0x38b: {  	v43 =	vld [tilespmem:$0xA670];
	v1 =	vadd.f32 v3, v1;
	v3 =	vmul.f32 v34, v33  }
0x38c: {  	v42 =	vld.idx.msk [tilespmem:v35+s10+$0x0], $0xffff  }
0x38d: {  	v44 =	vor.u32 $0xA, v2;
	v46 =	vld [tilespmem:$0xA680];
	v1 =	vadd.f32 v3, v1;
	v3 =	vmul.f32 v37, v36  }
0x38e: {  	v45 =	vld.idx.msk [tilespmem:v38+s10+$0x0], $0xffff  }
0x38f: {  	v47 =	vor.u32 $0xB, v2;
	v48 =	vld.idx.msk [tilespmem:v41+s10+$0x0], $0xffff;
	v1 =	vadd.f32 v3, v1;
	v3 =	vmul.f32 v40, v39  }
0x390: {  	v49 =	vld [tilespmem:$0xA690]  }
0x391: {  	v52 =	vld [tilespmem:$0xA6A0];
	v50 =	vor.u32 $0xC, v2;
	v1 =	vadd.f32 v3, v1;
	v3 =	vmul.f32 v43, v42  }
0x392: {  	v53 =	vor.u32 $0xD, v2;
	v51 =	vld.idx.msk [tilespmem:v44+s10+$0x0], $0xffff  }
0x393: {  	v55 =	vld [tilespmem:$0xA6B0];
	v1 =	vadd.f32 v3, v1;
	v3 =	vmul.f32 v46, v45  }
0x394: {  	v56 =	vor.u32 $0xE, v2;
	v54 =	vld.idx.msk [tilespmem:v47+s10+$0x0], $0xffff  }
0x395: {  	v58 =	vld [tilespmem:$0xA6C0];
	v1 =	vadd.f32 v3, v1;
	v3 =	vmul.f32 v49, v48  }
0x396: {  	v57 =	vld.idx.msk [tilespmem:v50+s10+$0x0], $0xffff  }
0x397: {  	v59 =	vld.idx.msk [tilespmem:v53+s10+$0x0], $0xffff;
	v2 =	vor.u32 $0xF, v2;
	v1 =	vadd.f32 v3, v1;
	v3 =	vmul.f32 v52, v51  }
0x398: {  	v60 =	vld [tilespmem:$0xA6D0]  }
0x399: {  	v61 =	vld.idx.msk [tilespmem:v56+s10+$0x0], $0xffff;
	v1 =	vadd.f32 v3, v1;
	v3 =	vmul.f32 v55, v54  }
0x39a: {  	v62 =	vld [tilespmem:$0xA6E0]  }
0x39b: {  	v63 =	vld [tilespmem:$0xA6F0];
	v1 =	vadd.f32 v3, v1;
	v3 =	vmul.f32 v58, v57  }
0x39c: {  	v2 =	vld.idx.msk [tilespmem:v2+s10+$0x0], $0xffff  }
0x39d: {  	v1 =	vadd.f32 v3, v1;
	v3 =	vmul.f32 v60, v59;
	_ =	sdelay $0x1  }
0x39e: {  	v1 =	vadd.f32 v3, v1;
	v3 =	vmul.f32 v62, v61;
	_ =	sdelay $0x1  }
0x39f: {  	v2 =	vmul.f32 v63, v2;
	v1 =	vadd.f32 v3, v1;
	_ =	sdelay $0x1  }
0x3a0: {  	s16 =	sadd.s32 $0x1, s16;
	v1 =	vadd.f32 v2, v1  }
0x3a1: {  	s0 =	sadd.s32 $0x10, s17;
	p0 =	sne.s32 s16, s8  }
.Ltmp9:
0x3a2: {  	s31 =	simm.s32 $0xA780;
	[tilespmem:s0+$0x0] =	vst v1;
	(pc) =	sbr.rel @p0 .LBB2_1-.Ltmp9, $4  }
0x3a3: {  	[hbm4b:s7+s3] =	stream.linear.scatter [tilespmem:s31], [sflag:$0x3], $0x200, $0x38;
	[tilespmem:$0xA980] =	vst v63  }
0x3a4: {  	_ =	swait.ge [sflag:s9], $0x200  }
0x3a5: {  	[sflag:s9] =	ssyncset.done $0x0  }
0x3a6: {  	[sflag:s9] =	ssyncadd.s32 $0xFFFFFE00  }
0x3a7: {  	_ =	sfence.sel $0x180000  }
0x3a8: {  	[bflag:$0x0] =	sbarrier.arrive $0xFFFF  }
0x3a9: {  	_ =	strace $0x90000047  }
0x3aa: {  	s0 =	stileid.u32;
	[bflag:$0x2] =	sbarrier.arrive $0xFFFF  }
0x3ab: {  	p0 =	sne.s32 s0, $0x0;
	s0 =	rddreg [dreg:$0x3]  }
0x3ac: {  	s0 =	sadd.s32 @!p0 $0x100000, s0  }
0x3ad: {  	[sflag:s0] =	ssyncadd.tile.s32 @!p0 $0x1;
	_ =	shalt  }
.Lfunc_end2:
_tile_overlayer_lowered:
.L_overlay_start_2:
0x3ae: {  	(tag) =	ssettag $0x2  }
0x3af: {  	s0 =	rddreg [dreg:$0x0];
	s2 =	stileid.u32  }
0x3b0: {  	s1 =	rddreg [dreg:$0x1];
	p0 =	sne.s32 s2, $0x0  }
0x3b1: {  	s3 =	rddreg [dreg:$0x2];
	[bflag:$0x3] =	sbarrier.arrive $0xFFFF;
	s2 =	simm.s32 @!p0 $0x1C03  }
0x3b2: {  	[timem:s3], [sflag:s2] =	dma.local @!p0 [hbm:s0], s1  }
0x3b3: {  	s0 =	simm.s32 @!p0 $0x3  }
0x3b4: {  	_ =	swait.ge @!p0 [sflag:s0], s1  }
0x3b5: {  	s1 =	ssub.s32 @!p0 $0x0, s1;
	[sflag:s0] =	ssyncset.done @!p0 $0x0  }
0x3b6: {  	[sflag:s0] =	ssyncadd.s32 @!p0 s1  }
0x3b7: {  	[bflag:$0x3] =	sbarrier.arrive $0xFFFF  }
0x3b8: {  	_ =	shalt  }

// kernel: kernel.7.cloned.1.call-start
scs
__scs_entry_jumppad:
0x0: {  	(pc) =	sbr.rel $0x88, $3  }
0x1: {  	(tag) =	ssettag $0x0;
	lr =	simm.s32 $0x1  }
0x2: {  	[smem:$0x3F98] =	sst lr;
	_ =	strace $0xD0000000  }
0x3: {  	_ = 	snop  }
0x4: {  	_ = 	snop  }
0x5: {  	_ = 	snop  }
0x6: {  	_ = 	snop  }
0x7: {  	_ = 	snop  }
__scs_overlays_trampoline_lowered:
0x8: {  	[smem:$0x3FA7] =	sst s0  }
0x9: {  	[smem:$0x3FA8] =	sst s1  }
0xa: {  	[smem:$0x3FA9] =	sst s2  }
0xb: {  	[smem:$0x3FAA] =	sst s3  }
0xc: {  	[smem:$0x3FAB] =	sst s4  }
0xd: {  	[smem:$0x3FAC] =	sst s5  }
0xe: {  	[smem:$0x3FAD] =	sst s6  }
0xf: {  	[smem:$0x3FAE] =	sst s7  }
0x10: {  	[smem:$0x3FAF] =	sst s8  }
0x11: {  	[smem:$0x3FB0] =	sst s9;
	s0 =	simm.s32 @!p0 $0x0  }
0x12: {  	s1 =	sld [smem:$0x3F96];
	s0 =	simm.s32 @p0 $0x1  }
0x13: {  	[smem:$0x3FB1] =	sst s0;
	s0 =	simm.s32 @!p1 $0x0  }
0x14: {  	s2 =	sld [smem:$0x3F95];
	s0 =	simm.s32 @p1 $0x1  }
0x15: {  	[smem:$0x3FB2] =	sst s0;
	s0 =	simm.s32 @!p2 $0x0  }
0x16: {  	s3 =	sld [smem:$0x3FDB];
	s0 =	simm.s32 @p2 $0x1  }
0x17: {  	s4 =	simm.s32 $0x1BF5;
	[smem:$0x3FB4] =	sst s0  }
0x18: {  	s0 =	sld [smem:$0x3F97];
	_ =	swait.ge [sflag:s4], $0x0  }
0x19: {  	s7 =	sld [smem:$0x3F98]  }
0x1a: {  	s8 =	sadd.s32 $0xFFFFE003, lr  }
0x1b: {  	s9 =	sadd.s32 $0xFFFFFEF7, lr;
	s5 =	simm.s32 $0xFFFFFFFF;
	p2 =	slt.u32 s8, $0xFFFFF086  }
0x1c: {  	p1 =	slt.u32 s9, $0xF7A;
	s5 =	simm.s32 @!p2 $0x0  }
0x1d: {  	s5 =	simm.s32 @p1 $0x1;
	p0 =	seq.s32 s7, s2  }
0x1e: {  	s7 =	smul.u32 @!p0 $0xF7A, s2;
	p2 =	seq.s32 @!p0 s5, $0x0  }
0x1f: {  	s9 =	smul.u32 $0xF7A, s1;
	s8 =	simm.s32 @!p0 $0x1BF5;
	p2 =	por !p2, p0  }
0x20: {  	[sflag:s8] =	ssyncset.s32 @!p0 $0xFFFFF086;
	s6 =	sadd.s32 @!p0 s3, s7;
	s7 =	simm.s32 @!p0 $0x108  }
0x21: {  	s3 =	sadd.s32 s3, s9;
	s6 =	sadd.s32 @!p0 $0x88, s6;
	s7 =	simm.s32 @p2 $0x1082  }
0x22: {  	[simem:s7], [sflag:s8] =	dma.local @!p0 [hbm:s6], $0xF7A  }
0x23: {  	s9 =	sor.u32 $0xD0000000, s2;
	s6 =	simm.s32 $0x108;
	_ =	swait.ge @!p0 [sflag:s8], $0x0  }
0x24: {  	s3 =	sadd.s32 $0x88, s3;
	s6 =	simm.s32 @!p1 $0x1082;
	[sflag:s4] =	ssyncset.s32 $0xFFFFF086  }
0x25: {  	[simem:s6], [sflag:s4] =	dma.local [hbm:s3], $0xF7A  }
0x26: {  	[smem:$0x3F98] =	sst s1;
	(tag) =	ssettag s2;
	_ =	strace s9  }
0x27: {  	s1 =	sld [smem:$0x3FA8]  }
0x28: {  	s2 =	sld [smem:$0x3FA9]  }
0x29: {  	s4 =	sld [smem:$0x3FAB]  }
0x2a: {  	p0 =	seq.s32 s5, $0x0;
	s5 =	sld [smem:$0x3FAC]  }
0x2b: {  	s6 =	sld [smem:$0x3FAD]  }
0x2c: {  	s7 =	sld [smem:$0x3FAE]  }
0x2d: {  	s3 =	simm.s32 $0x108;
	s8 =	sld [smem:$0x3FAF]  }
0x2e: {  	s3 =	simm.s32 @!p0 $0x1082;
	s9 =	sld [smem:$0x3FB0]  }
0x2f: {  	lr =	sadd.s32 s0, s3;
	s0 =	sld [smem:$0x3FA7]  }
0x30: {  	s3 =	sld [smem:$0x3FAA]  }
0x31: {  	[smem:$0x3FB3] =	sst s10  }
0x32: {  	s10 =	sld [smem:$0x3FB1];
	_ =	sdelay $0x3  }
0x33: {  	p0 =	seq.s32 s10, $0x1;
	s10 =	sld [smem:$0x3FB3];
	_ =	sdelay $0x3  }
0x34: {  	[smem:$0x3FB3] =	sst s10  }
0x35: {  	s10 =	sld [smem:$0x3FB2];
	_ =	sdelay $0x3  }
0x36: {  	p1 =	seq.s32 s10, $0x1;
	s10 =	sld [smem:$0x3FB3];
	_ =	sdelay $0x3  }
0x37: {  	[smem:$0x3FB3] =	sst s10  }
0x38: {  	s10 =	sld [smem:$0x3FB4]  }
0x39: {  	_ = 	snop;
	(pc) =	sbr.ind lr, $3  }
0x3a: {  	_ = 	snop  }
0x3b: {  	_ = 	snop  }
0x3c: {  	p2 =	seq.s32 s10, $0x1;
	s10 =	sld [smem:$0x3FB3]  }
0x3d: {  	_ =	shalt  }
0x3e: {  	_ =	shalt  }
0x3f: {  	_ =	shalt  }
0x40: {  	_ =	shalt  }
0x41: {  	_ =	shalt  }
0x42: {  	_ =	shalt  }
0x43: {  	_ =	shalt  }
0x44: {  	_ =	shalt  }
0x45: {  	_ =	shalt  }
0x46: {  	_ =	shalt  }
0x47: {  	_ =	shalt  }
0x48: {  	_ =	shalt  }
0x49: {  	_ =	shalt  }
0x4a: {  	_ =	shalt  }
0x4b: {  	_ =	shalt  }
0x4c: {  	_ =	shalt  }
0x4d: {  	_ =	shalt  }
0x4e: {  	_ =	shalt  }
0x4f: {  	_ =	shalt  }
0x50: {  	_ =	shalt  }
0x51: {  	_ =	shalt  }
0x52: {  	_ =	shalt  }
0x53: {  	_ =	shalt  }
0x54: {  	_ =	shalt  }
0x55: {  	_ =	shalt  }
0x56: {  	_ =	shalt  }
0x57: {  	_ =	shalt  }
0x58: {  	_ =	shalt  }
0x59: {  	_ =	shalt  }
0x5a: {  	_ =	shalt  }
0x5b: {  	_ =	shalt  }
0x5c: {  	_ =	shalt  }
0x5d: {  	_ =	shalt  }
0x5e: {  	_ =	shalt  }
0x5f: {  	_ =	shalt  }
0x60: {  	_ =	shalt  }
0x61: {  	_ =	shalt  }
0x62: {  	_ =	shalt  }
0x63: {  	_ =	shalt  }
0x64: {  	_ =	shalt  }
0x65: {  	_ =	shalt  }
0x66: {  	_ =	shalt  }
0x67: {  	_ =	shalt  }
0x68: {  	_ =	shalt  }
0x69: {  	_ =	shalt  }
0x6a: {  	_ =	shalt  }
0x6b: {  	_ =	shalt  }
0x6c: {  	_ =	shalt  }
0x6d: {  	_ =	shalt  }
0x6e: {  	_ =	shalt  }
0x6f: {  	_ =	shalt  }
0x70: {  	_ =	shalt  }
0x71: {  	_ =	shalt  }
0x72: {  	_ =	shalt  }
0x73: {  	_ =	shalt  }
0x74: {  	_ =	shalt  }
0x75: {  	_ =	shalt  }
0x76: {  	_ =	shalt  }
0x77: {  	_ =	shalt  }
0x78: {  	_ =	shalt  }
0x79: {  	_ =	shalt  }
0x7a: {  	_ =	shalt  }
0x7b: {  	_ =	shalt  }
0x7c: {  	_ =	shalt  }
0x7d: {  	_ =	shalt  }
0x7e: {  	_ =	shalt  }
0x7f: {  	_ =	shalt  }
0x80: {  	_ =	shalt  }
0x81: {  	_ =	shalt  }
0x82: {  	_ =	shalt  }
0x83: {  	_ =	shalt  }
0x84: {  	_ =	shalt  }
0x85: {  	_ =	shalt  }
0x86: {  	_ =	shalt  }
0x87: {  	_ =	shalt  }
.Lfunc_end0:
.L_simem_size_0:
called_computation.1_lowered:
.L_overlay_start_0:
0x88: {  	s2 =	sld [smem:$0x3FD9]  }
0x89: {  	s3 =	sld [smem:$0x3FFE];
	_ =	sdelay $0x1  }
0x8a: {  	s1 =	srdreg.scid  }
0x8b: {  	s0 =	sand.u32 $0x1, s1  }
0x8c: {  	s17 =	sshll.u32 s0, $0xA;
	s2 =	sadd.s32 s3, s2  }
0x8d: {  	s2 =	sadd.s32 s2, s17  }
0x8e: {  	[smem:$0x3FBF] =	sst s2  }
0x8f: {  	_ = 	snop  }
0x90: {  	s2 =	sld [smem:$0x3FC9]  }
0x91: {  	s18 =	sld [smem:$0x3FD0];
	(tm) =	ssettm $0x1  }
0x92: {  	s4 =	sld [smem:$0x3FFB];
	_ =	sdelay $0x3  }
0x93: {  	_ =	strace s4  }
0x94: {  	s4 =	sld [smem:$0x3FFC];
	_ =	sdelay $0x3  }
0x95: {  	_ =	strace s4  }
0x96: {  	s4 =	sld [smem:$0x3FFD];
	_ =	sdelay $0x3  }
0x97: {  	_ =	strace s4  }
0x98: {  	_ =	strace $0x8FFFFFFF  }
0x99: {  	s19 =	sld [smem:$0x3FDB];
	_ =	sdelay $0x1  }
0x9a: {  	s5 =	simm.s32 $_scs_section_size  }
0x9b: {  	s6 =	simm.s32 $_size__tile_overlayer_lowered;
	s7 =	simm.s32 $_tile_overlayer_lowered  }
0x9c: {  	s22 =	simm.s32 $0x1BFF;
	s21 =	sshll.u32 s7, $0x1;
	s4 =	sadd.s32 s5, s19  }
0x9d: {  	s8 =	simm.s32 $0x0;
	s20 =	sshll.u32 s6, $0x1;
	s6 =	sadd.s32 s21, s4  }
0x9e: {  	[timem:s8], [sflag:s22] =	dma.local [hbm:s6], s20  }
0x9f: {  	_ =	swait.ge [sflag:s22], s20  }
0xa0: {  	s5 =	ssub.s32 $0x0, s20;
	[sflag:s22] =	ssyncset.done $0x0  }
0xa1: {  	[sflag:s22] =	ssyncadd.s32 s5;
	_ =	sdelay $0x1  }
0xa2: {  	s23 =	simm.s32 $0x1B8B  }
0xa3: {  	_ =	swait.ge [sflag:s23], $0x1  }
0xa4: {  	[sflag:s23] =	ssyncset.done $0x0  }
0xa5: {  	s25 =	simm.s32 $0x1B8E;
	s24 =	sld [smem:$0x3FFE];
	[sflag:s23] =	ssyncadd.s32 $0xFFFFFFFF  }
0xa6: {  	s26 =	simm.s32 $execute0_lowered;
	[smem:$0x3FD2] =	sst s25  }
0xa7: {  	s6 =	sshll.u32 s26, $0x1;
	_ =	strace $0x80000049;
	[dreg:$0x1] =	wrdreg $0xFFFFFFFF  }
0xa8: {  	s28 =	simm.s32 $_size_execute0_lowered;
	s4 =	sadd.s32 s4, s6;
	[dreg:$0x0] =	wrdreg $0x0  }
0xa9: {  	s6 =	sshll.u32 s28, $0x1;
	[dreg:$0x2] =	wrdreg s4  }
0xaa: {  	[dreg:$0x3] =	wrdreg s6  }
0xab: {  	[dreg:$0x4] =	wrdreg $0xC0  }
0xac: {  	_ =	task [dreg:s8], $0x5FFFF  }
0xad: {  	[dreg:$0x1] =	wrdreg $0xFFFFFFFF  }
0xae: {  	[dreg:$0x0] =	wrdreg $0x60  }
0xaf: {  	[dreg:$0x2] =	wrdreg s2  }
0xb0: {  	[dreg:$0x3] =	wrdreg s24  }
0xb1: {  	[dreg:$0x4] =	wrdreg s18  }
0xb2: {  	[dreg:$0x5] =	wrdreg $0x9  }
0xb3: {  	_ =	task.clear_ibuf [dreg:s8], $0x6FFFF;
	_ =	strace $0x90000049  }
0xb4: {  	s29 =	simm.s32 $0x9;
	_ =	strace $0x8000004B  }
0xb5: {  	_ =	swait.ge [sflag:s29], $0x1  }
0xb6: {  	[sflag:s29] =	ssyncadd.s32 $0xFFFFFFFF  }
0xb7: {  	_ =	strace $0x9000004B  }
0xb8: {  	_ =	sfence  }
0xb9: {  	s30 =	sld [smem:$0x0];
	_ =	sdelay $0x2  }
0xba: {  	s31 =	sshll.u32 s1, $0xD;
	s1 =	sshrl.u32 s1, $0x2  }
0xbb: {  	s3 =	sand.u32 $0x4000, s31;
	s1 =	sadd.s32 s1, s30  }
0xbc: {  	s0 =	sor.u32 s3, s0;
	s1 =	sshll.u32 s1, $0x11  }
0xbd: {  	s0 =	sor.u32 s1, s0  }
0xbe: {  	s0 =	sadd.s32 $0x8F2B, s0  }
0xbf: {  	[sflag:s0] =	ssyncadd.remote.s32 $0x1  }
0xc0: {  	_ =	sfence.sel $0xFFFF  }
0xc1: {  	[dreg:$0x0] =	wrdreg $0xFFFFFFFF;
	(pc) =	sbr.abs _section_cstart, $3  }
0xc2: {  	[dreg:$0x1] =	wrdreg $0xFFFFFFFF  }
0xc3: {  	_ =	task.clear_ibuf [dreg:s8], $0x2FFFF;
	_ =	strace $0x9FFFFFFF  }
0xc4: {  	(tm) =	ssettm $0x7FFFFFFF  }
0xc5: {  	_ =	shalt  }
tec
execute0_lowered:
.L_overlay_start_1:
0x0: {  	(tag) =	ssettag $0x1  }
0x1: {  	s5 =	rddreg [dreg:$0x0]  }
0x2: {  	s4 =	rddreg [dreg:$0x1]  }
0x3: {  	s7 =	rddreg [dreg:$0x2];
	s2 =	simm.s32 $0x0  }
0x4: {  	s3 =	srdreg.scid;
	s0 =	stileid.u32;
	s12 =	simm.s32 $0x1  }
0x5: {  	s13 =	simm.s32 $0x2;
	s14 =	simm.s32 $0x10200;
	s15 =	simm.s32 $0x0  }
0x6: {  	[smem:$0x7FF] =	sst s2;
	s6 =	sand.u32 $0x1, s3;
	s8 =	sshll.u32 s0, $0x7  }
0x7: {  	s31 =	sadd.s32 $0x18FE00, s4;
	_ =	strace $0x8000004A;
	s9 =	sshll.u32 s6, $0x6  }
0x8: {  	[dreg:$0x4] =	wrdreg s31;
	s6 =	ssub.s32 $0x2, s6;
	s8 =	sor.u32 s9, s8  }
0x9: {  	s10 =	sshrl.u32 s6, $0x1;
	s9 =	sadd.s32 s8, s4;
	s4 =	sadd.s32 $0x190000, s4  }
0xa: {  	v0 =	vlaneseq.u32;
	s10 =	ssub.s32 s6, s10;
	s5 =	sadd.s32 s5, s8;
	s7 =	sadd.s32 s7, s8  }
0xb: {  	v0 =	vmul.u32 $0x20, v0;
	s6 =	sadd.s32 $0x18F600, s9;
	s8 =	smax.u32 s10, $0x1;
	s9 =	simm.s32 $0x3  }
.LBB2_1:
0xc: {  	[tilespmem:s2], [sflag:$0x3] =	stream.linear.gather [hbm4b:s5+s2], $0x200, $0x38;
	[tilespmem:$0x14600] =	vst v63  }
0xd: {  	_ =	swait.ge [sflag:s9], $0x200  }
0xe: {  	[sflag:s9] =	ssyncset.done $0x0  }
0xf: {  	[sflag:s9] =	ssyncadd.s32 $0xFFFFFE00  }
0x10: {  	v1 =	vld [tilespmem:s2+$0x0];
	_ =	sdelay $0x4  }
0x11: {  	v1 =	vshll.u32 v1, $0x4  }
0x12: {  	(v2sf) =	vpush v1, $0x0  }
0x13: {  	(v2sf) =	vpush v1, $0x1  }
0x14: {  	(v2sf) =	vpush v1, $0x2;
	_ =	sdelay $0x1  }
0x15: {  	(v2sf) =	vpush v1, $0x4;
	_ =	sdelay $0x1  }
0x16: {  	(v2sf) =	vpush v1, $0x3  }
0x17: {  	(v2sf) =	vpush v1, $0x5  }
0x18: {  	s17 =	simm.s32 $0x2000;
	s16 =	simm.s32 $0x0;
	s18 =	simm.s32 $0x0;
	(v2sf) =	vpush v1, $0x6  }
.LBB2_2:
0x19: {  	p0 =	sne.s32 s17, $0x3E000  }
0x1a: {  	s29 =	sadd.s32 $0x280, s16;
	s22 =	sadd.s32 $0x780, s16;
	s19 =	smov.u32 s17  }
0x1b: {  	s17 =	sadd.s32 $0x2000, s17;
	s25 =	sadd.s32 $0x580, s16;
	s20 =	sadd.s32 $0x800, s16;
	(v2sf) =	vpush v1, $0x7  }
0x1c: {  	s28 =	sadd.s32 $0x480, s16;
	s24 =	sadd.s32 $0x600, s16;
	s21 =	sadd.s32 $0x880, s16  }
0x1d: {  	s30 =	sadd.s32 $0x200, s16;
	s31 =	sadd.s32 $0x400, s16;
	(v2sf) =	vpush v1, $0x8  }
0x1e: {  	s0 =	sadd.s32 $0x500, s16;
	s18 =	sadd.s32 $0x10, s18  }
0x1f: {  	s1 =	sadd.s32 $0x300, s16;
	s23 =	sadd.s32 $0x700, s16;
	s26 =	spop (v2sf);
	(v2sf) =	vpush v1, $0x9  }
0x20: {  	s11 =	sand.u32 $0x1FFFFFF0, s26;
	s26 =	sadd.s32 $0x680, s16;
	s10 =	spop (v2sf)  }
0x21: {  	s11 =	sadd.s32 s4, s11;
	s10 =	sand.u32 $0x1FFFFFF0, s10;
	s3 =	spop (v2sf);
	(v2sf) =	vpush v1, $0xA  }
0x22: {  	[tilespmem:s30], [sflag:$0x1] =	stream.linear.gather [hbm4b:s11+s2], $0x80, $0x38;
	[tilespmem:$0x14600] =	vst v63  }
0x23: {  	s10 =	sadd.s32 s4, s10;
	s11 =	sadd.s32 $0x380, s16;
	s30 =	spop (v2sf);
	(v2sf) =	vpush v1, $0xB  }
0x24: {  	[tilespmem:s29], [sflag:$0x1] =	stream.linear.gather [hbm4b:s10+s2], $0x80, $0x38;
	[tilespmem:$0x14600] =	vst v63  }
0x25: {  	s3 =	sand.u32 $0x1FFFFFF0, s3;
	s10 =	sand.u32 $0x1FFFFFF0, s30;
	s29 =	spop (v2sf);
	(v2sf) =	vpush v1, $0xC  }
0x26: {  	s3 =	sadd.s32 s4, s3;
	s29 =	sand.u32 $0x1FFFFFF0, s29;
	s30 =	spop (v2sf)  }
0x27: {  	[tilespmem:s1], [sflag:$0x1] =	stream.linear.gather [hbm4b:s3+s2], $0x80, $0x38;
	(v2sf) =	vpush v1, $0xD;
	[tilespmem:$0x14600] =	vst v63  }
0x28: {  	s1 =	sadd.s32 s4, s29;
	s3 =	sand.u32 $0x1FFFFFF0, s30;
	s29 =	spop (v2sf)  }
0x29: {  	[tilespmem:s11], [sflag:$0x1] =	stream.linear.gather [hbm4b:s1+s2], $0x80, $0x38;
	(v2sf) =	vpush v1, $0xE;
	[tilespmem:$0x14600] =	vst v63  }
0x2a: {  	s1 =	sadd.s32 s4, s10;
	s10 =	sand.u32 $0x1FFFFFF0, s29;
	s11 =	spop (v2sf)  }
0x2b: {  	[tilespmem:s31], [sflag:$0x1] =	stream.linear.gather [hbm4b:s1+s2], $0x80, $0x38;
	(v2sf) =	vpush v1, $0xF;
	[tilespmem:$0x14600] =	vst v63  }
0x2c: {  	s1 =	sadd.s32 s4, s3;
	s3 =	sand.u32 $0x1FFFFFF0, s11;
	s11 =	spop (v2sf)  }
0x2d: {  	[tilespmem:s28], [sflag:$0x1] =	stream.linear.gather [hbm4b:s1+s2], $0x80, $0x38;
	[tilespmem:$0x14600] =	vst v63  }
0x2e: {  	s1 =	sadd.s32 s4, s10;
	s10 =	sand.u32 $0x1FFFFFF0, s11;
	s11 =	spop (v2sf)  }
0x2f: {  	[tilespmem:s0], [sflag:$0x1] =	stream.linear.gather [hbm4b:s1+s2], $0x80, $0x38;
	[tilespmem:$0x14600] =	vst v63  }
0x30: {  	s0 =	sadd.s32 s4, s3;
	s1 =	sand.u32 $0x1FFFFFF0, s11;
	s3 =	spop (v2sf)  }
0x31: {  	[tilespmem:s25], [sflag:$0x1] =	stream.linear.gather [hbm4b:s0+s2], $0x80, $0x38;
	[tilespmem:$0x14600] =	vst v63  }
0x32: {  	s0 =	sadd.s32 s4, s10;
	s3 =	sand.u32 $0x1FFFFFF0, s3;
	s10 =	spop (v2sf)  }
0x33: {  	[tilespmem:s24], [sflag:$0x1] =	stream.linear.gather [hbm4b:s0+s2], $0x80, $0x38;
	[tilespmem:$0x14600] =	vst v63  }
0x34: {  	s0 =	sadd.s32 s4, s1;
	s1 =	sand.u32 $0x1FFFFFF0, s10;
	s10 =	spop (v2sf)  }
0x35: {  	[tilespmem:s26], [sflag:$0x1] =	stream.linear.gather [hbm4b:s0+s2], $0x80, $0x38;
	[tilespmem:$0x14600] =	vst v63  }
0x36: {  	s0 =	sadd.s32 s4, s3;
	s3 =	sand.u32 $0x1FFFFFF0, s10;
	s10 =	spop (v2sf)  }
0x37: {  	[tilespmem:s23], [sflag:$0x1] =	stream.linear.gather [hbm4b:s0+s2], $0x80, $0x38;
	[tilespmem:$0x14600] =	vst v63  }
0x38: {  	s0 =	sadd.s32 s4, s1;
	s1 =	sand.u32 $0x1FFFFFF0, s10;
	s10 =	spop (v2sf)  }
0x39: {  	[tilespmem:s22], [sflag:$0x1] =	stream.linear.gather [hbm4b:s0+s2], $0x80, $0x38;
	[tilespmem:$0x14600] =	vst v63  }
0x3a: {  	s0 =	sadd.s32 s4, s3;
	s3 =	sand.u32 $0x1FFFFFF0, s10;
	s10 =	spop (v2sf)  }
0x3b: {  	[tilespmem:s20], [sflag:$0x1] =	stream.linear.gather [hbm4b:s0+s2], $0x80, $0x38;
	[tilespmem:$0x14600] =	vst v63  }
0x3c: {  	s0 =	sadd.s32 s4, s1;
	s1 =	sand.u32 $0x1FFFFFF0, s10  }
0x3d: {  	[tilespmem:s21], [sflag:$0x1] =	stream.linear.gather [hbm4b:s0+s2], $0x80, $0x38;
	[tilespmem:$0x14600] =	vst v63  }
0x3e: {  	s3 =	sadd.s32 s4, s3;
	s0 =	sadd.s32 $0x900, s16  }
0x3f: {  	[tilespmem:s0], [sflag:$0x1] =	stream.linear.gather [hbm4b:s3+s2], $0x80, $0x38;
	[tilespmem:$0x14600] =	vst v63  }
0x40: {  	s1 =	sadd.s32 s4, s1;
	s0 =	sadd.s32 $0x980, s16  }
0x41: {  	[tilespmem:s0], [sflag:$0x1] =	stream.linear.gather [hbm4b:s1+s2], $0x80, $0x38;
	[tilespmem:$0x14600] =	vst v63  }
0x42: {  	v1 =	vld [tilespmem:s18+$0x0];
	_ =	sdelay $0x4  }
0x43: {  	v1 =	vshll.u32 v1, $0x4  }
0x44: {  	(v2sf) =	vpush v1, $0x0  }
0x45: {  	(v2sf) =	vpush v1, $0x1  }
0x46: {  	(v2sf) =	vpush v1, $0x2;
	_ =	sdelay $0x1  }
0x47: {  	(v2sf) =	vpush v1, $0x4  }
.Ltmp0:
0x48: {  	(pc) =	sbr.rel @p0 .LBB2_2-.Ltmp0, $3  }
0x49: {  	(v2sf) =	vpush v1, $0x3  }
0x4a: {  	(v2sf) =	vpush v1, $0x5;
	_ =	sdelay $0x1  }
0x4b: {  	s16 =	sshra.s32 s19, $0x2;
	(v2sf) =	vpush v1, $0x6  }
0x4c: {  	_ =	sdelay $0x1  }
0x4d: {  	s0 =	sadd.s32 $0x280, s16;
	s19 =	sadd.s32 $0x780, s16  }
0x4e: {  	s1 =	sadd.s32 $0x580, s16;
	s17 =	sadd.s32 $0x800, s16;
	(v2sf) =	vpush v1, $0x7;
	s3 =	sadd.s32 $0x480, s16  }
0x4f: {  	s10 =	sadd.s32 $0x600, s16;
	s18 =	sadd.s32 $0x880, s16;
	s11 =	sadd.s32 $0x200, s16  }
0x50: {  	s20 =	sadd.s32 $0x400, s16;
	s21 =	sadd.s32 $0x500, s16;
	(v2sf) =	vpush v1, $0x8;
	s22 =	spop (v2sf)  }
0x51: {  	s23 =	sadd.s32 $0x300, s16;
	s22 =	sand.u32 $0x1FFFFFF0, s22;
	s24 =	spop (v2sf)  }
0x52: {  	(v2sf) =	vpush v1, $0x9;
	s22 =	sadd.s32 s4, s22;
	s24 =	sand.u32 $0x1FFFFFF0, s24;
	s25 =	spop (v2sf)  }
0x53: {  	[tilespmem:s11], [sflag:$0x1] =	stream.linear.gather [hbm4b:s22+s2], $0x80, $0x38;
	[tilespmem:$0x14600] =	vst v63  }
0x54: {  	s26 =	sadd.s32 $0x380, s16;
	(v2sf) =	vpush v1, $0xA;
	s30 =	sadd.s32 s4, s24;
	s31 =	spop (v2sf)  }
0x55: {  	[tilespmem:s0], [sflag:$0x1] =	stream.linear.gather [hbm4b:s30+s2], $0x80, $0x38;
	[tilespmem:$0x14600] =	vst v63  }
0x56: {  	s11 =	sadd.s32 $0x700, s16;
	s28 =	sand.u32 $0x1FFFFFF0, s25;
	(v2sf) =	vpush v1, $0xB;
	s29 =	spop (v2sf)  }
0x57: {  	s22 =	sadd.s32 s4, s28;
	s0 =	sadd.s32 $0x680, s16;
	s25 =	sand.u32 $0x1FFFFFF0, s29  }
0x58: {  	(v2sf) =	vpush v1, $0xC;
	[tilespmem:s23], [sflag:$0x1] =	stream.linear.gather [hbm4b:s22+s2], $0x80, $0x38;
	[tilespmem:$0x14600] =	vst v63  }
0x59: {  	s30 =	sand.u32 $0x1FFFFFF0, s31;
	s31 =	spop (v2sf);
	s28 =	sadd.s32 s4, s25  }
0x5a: {  	(v2sf) =	vpush v1, $0xD;
	[tilespmem:s26], [sflag:$0x1] =	stream.linear.gather [hbm4b:s28+s2], $0x80, $0x38;
	[tilespmem:$0x14600] =	vst v63  }
0x5b: {  	s22 =	sadd.s32 s4, s30;
	s23 =	sand.u32 $0x1FFFFFF0, s31;
	s29 =	spop (v2sf)  }
0x5c: {  	(v2sf) =	vpush v1, $0xE;
	[tilespmem:s20], [sflag:$0x1] =	stream.linear.gather [hbm4b:s22+s2], $0x80, $0x38;
	[tilespmem:$0x14600] =	vst v63  }
0x5d: {  	s23 =	sadd.s32 s4, s23;
	s30 =	sand.u32 $0x1FFFFFF0, s29;
	s31 =	spop (v2sf)  }
0x5e: {  	(v2sf) =	vpush v1, $0xF;
	[tilespmem:s3], [sflag:$0x1] =	stream.linear.gather [hbm4b:s23+s2], $0x80, $0x38;
	[tilespmem:$0x14600] =	vst v63  }
0x5f: {  	s24 =	sand.u32 $0x1FFFFFF0, s31;
	s25 =	spop (v2sf);
	s20 =	sadd.s32 s4, s30  }
0x60: {  	[tilespmem:s21], [sflag:$0x1] =	stream.linear.gather [hbm4b:s20+s2], $0x80, $0x38;
	[tilespmem:$0x14600] =	vst v63  }
0x61: {  	s26 =	sand.u32 $0x1FFFFFF0, s25;
	s3 =	sadd.s32 s4, s24;
	s28 =	spop (v2sf)  }
0x62: {  	[tilespmem:s1], [sflag:$0x1] =	stream.linear.gather [hbm4b:s3+s2], $0x80, $0x38;
	[tilespmem:$0x14600] =	vst v63  }
0x63: {  	s20 =	sadd.s32 s4, s26;
	s29 =	sand.u32 $0x1FFFFFF0, s28;
	s30 =	spop (v2sf)  }
0x64: {  	[tilespmem:s10], [sflag:$0x1] =	stream.linear.gather [hbm4b:s20+s2], $0x80, $0x38;
	[tilespmem:$0x14600] =	vst v63  }
0x65: {  	s3 =	sand.u32 $0x1FFFFFF0, s30;
	s1 =	sadd.s32 s4, s29;
	s31 =	spop (v2sf)  }
0x66: {  	[tilespmem:s0], [sflag:$0x1] =	stream.linear.gather [hbm4b:s1+s2], $0x80, $0x38;
	[tilespmem:$0x14600] =	vst v63  }
0x67: {  	s3 =	sadd.s32 s4, s3;
	s10 =	sand.u32 $0x1FFFFFF0, s31;
	s20 =	spop (v2sf)  }
0x68: {  	[tilespmem:s11], [sflag:$0x1] =	stream.linear.gather [hbm4b:s3+s2], $0x80, $0x38;
	[tilespmem:$0x14600] =	vst v63  }
0x69: {  	s0 =	sadd.s32 s4, s10;
	s1 =	sand.u32 $0x1FFFFFF0, s20;
	s21 =	spop (v2sf)  }
0x6a: {  	[tilespmem:s19], [sflag:$0x1] =	stream.linear.gather [hbm4b:s0+s2], $0x80, $0x38;
	[tilespmem:$0x14600] =	vst v63  }
0x6b: {  	s22 =	sand.u32 $0x1FFFFFF0, s21;
	s1 =	sadd.s32 s4, s1;
	s23 =	spop (v2sf)  }
0x6c: {  	[tilespmem:s17], [sflag:$0x1] =	stream.linear.gather [hbm4b:s1+s2], $0x80, $0x38;
	[tilespmem:$0x14600] =	vst v63  }
0x6d: {  	s24 =	sand.u32 $0x1FFFFFF0, s23;
	s25 =	spop (v2sf);
	s0 =	sadd.s32 s4, s22  }
0x6e: {  	[tilespmem:s18], [sflag:$0x1] =	stream.linear.gather [hbm4b:s0+s2], $0x80, $0x38;
	[tilespmem:$0x14600] =	vst v63  }
0x6f: {  	s28 =	sadd.s32 $0x900, s16;
	s26 =	sand.u32 $0x1FFFFFF0, s25;
	s1 =	sadd.s32 s4, s24  }
0x70: {  	[tilespmem:s28], [sflag:$0x1] =	stream.linear.gather [hbm4b:s1+s2], $0x80, $0x38;
	[tilespmem:$0x14600] =	vst v63  }
0x71: {  	s29 =	sadd.s32 $0x980, s16;
	s0 =	sadd.s32 s4, s26  }
0x72: {  	[tilespmem:s29], [sflag:$0x1] =	stream.linear.gather [hbm4b:s0+s2], $0x80, $0x38;
	[tilespmem:$0x14600] =	vst v63  }
0x73: {  	s16 =	simm.s32 $0x0;
	s3 =	simm.s32 $0x14400  }
0x74: {  	[tilespmem:s3], [sflag:$0x2] =	stream.linear.gather [hbm4b:s6+s16], $0x200, $0x38;
	[tilespmem:$0x14600] =	vst v63  }
0x75: {  	s30 =	rddreg [dreg:$0x4];
	s31 =	simm.s32 $0x14200  }
0x76: {  	[tilespmem:s31], [sflag:$0x3] =	stream.linear.gather [hbm4b:s30+s16], $0x200, $0x38;
	[tilespmem:$0x14600] =	vst v63  }
0x77: {  	_ =	swait.ge [sflag:s9], $0x200  }
0x78: {  	[sflag:s9] =	ssyncset.done $0x0  }
0x79: {  	[sflag:s9] =	ssyncadd.s32 $0xFFFFFE00  }
0x7a: {  	_ =	swait.ge [sflag:s12], $0x10000  }
0x7b: {  	[sflag:s12] =	ssyncset.done $0x0  }
0x7c: {  	s17 =	simm.s32 $0x210;
	[sflag:s12] =	ssyncadd.s32 $0xFFFF0000  }
0x7d: {  	s18 =	simm.s32 $0x80;
	v1 =	vld [tilespmem:s17+$0xFFFFFFF0]  }
.LBB2_4:
0x7e: {  	p0 =	sne.s32 s18, $0xFF80;
	_ =	sdelay $0x2  }
0x7f: {  	s0 =	sshra.s32 s16, $0x2;
	s16 =	smov.u32 s18  }
0x80: {  	[tilespmem:s0+$0x10200] =	vst v1  }
0x81: {  	v1 =	vld [tilespmem:s17+$0x0];
	_ =	sdelay $0x1  }
.Ltmp1:
0x82: {  	(pc) =	sbr.rel @p0 .LBB2_4-.Ltmp1, $3  }
0x83: {  	_ =	sdelay $0x1  }
0x84: {  	s17 =	sadd.s32 $0x80, s17;
	[tilespmem:s0+$0x10210] =	vst v1  }
0x85: {  	s18 =	sadd.s32 $0x80, s18;
	v1 =	vld [tilespmem:s17+$0xFFFFFFF0]  }
0x86: {  	_ =	sdelay $0x2  }
0x87: {  	s0 =	sshra.s32 s16, $0x2  }
0x88: {  	[tilespmem:s0+$0x10200] =	vst v1  }
0x89: {  	v1 =	vld [tilespmem:s17+$0x0];
	_ =	sdelay $0x2  }
0x8a: {  	s1 =	simm.s32 $0x0  }
0x8b: {  	v2 =	vmov s1  }
0x8c: {  	v2 =	vshll.u32 v2, $0x5;
	[tilespmem:s0+$0x10210] =	vst v1  }
0x8d: {  	v1 =	vor.u32 v0, v2;
	_ =	swait.ge [sflag:s13], $0x200  }
0x8e: {  	[sflag:s13] =	ssyncset.done $0x0  }
0x8f: {  	s16 =	simm.s32 $0x14400;
	v2 =	vor.u32 $0x1, v1;
	[sflag:s13] =	ssyncadd.s32 $0xFFFFFE00  }
0x90: {  	v3 =	vld [tilespmem:s16+$0x0]  }
0x91: {  	v4 =	vor.u32 $0x2, v1;
	v6 =	vld [tilespmem:$0x14200]  }
0x92: {  	v7 =	vor.u32 $0x3, v1;
	v5 =	vld.idx.msk [tilespmem:v1+s14+$0x0], $0xffff  }
0x93: {  	v8 =	vld [tilespmem:$0x14210]  }
0x94: {  	v2 =	vld.idx.msk [tilespmem:v2+s14+$0x0], $0xffff  }
0x95: {  	v9 =	vor.u32 $0x4, v1;
	v10 =	vld [tilespmem:$0x14220]  }
0x96: {  	v4 =	vld.idx.msk [tilespmem:v4+s14+$0x0], $0xffff  }
0x97: {  	v11 =	vor.u32 $0x5, v1;
	v5 =	vmul.f32 v6, v5;
	v6 =	vld.idx.msk [tilespmem:v7+s14+$0x0], $0xffff  }
0x98: {  	v12 =	vor.u32 $0x6, v1;
	v7 =	vld [tilespmem:$0x14230]  }
0x99: {  	v22 =	vld [tilespmem:$0x14240];
	v2 =	vmul.f32 v8, v2;
	v3 =	vadd.f32 v5, v3  }
0x9a: {  	v5 =	vld.idx.msk [tilespmem:v9+s14+$0x0], $0xffff  }
0x9b: {  	v23 =	vor.u32 $0x7, v1;
	v24 =	vld [tilespmem:$0x14250];
	v2 =	vadd.f32 v2, v3;
	v3 =	vmul.f32 v10, v4  }
0x9c: {  	v4 =	vld.idx.msk [tilespmem:v11+s14+$0x0], $0xffff  }
0x9d: {  	v25 =	vor.u32 $0x8, v1;
	v2 =	vadd.f32 v3, v2;
	v3 =	vmul.f32 v7, v6;
	v6 =	vld.idx.msk [tilespmem:v12+s14+$0x0], $0xffff  }
0x9e: {  	v26 =	vor.u32 $0x9, v1;
	v7 =	vld [tilespmem:$0x14260]  }
0x9f: {  	v27 =	vld [tilespmem:$0x14270];
	v2 =	vadd.f32 v3, v2;
	v3 =	vmul.f32 v22, v5  }
0xa0: {  	v5 =	vld.idx.msk [tilespmem:v23+s14+$0x0], $0xffff  }
0xa1: {  	v28 =	vor.u32 $0xA, v1;
	v29 =	vld [tilespmem:$0x14280];
	v2 =	vadd.f32 v3, v2;
	v3 =	vmul.f32 v24, v4  }
0xa2: {  	v4 =	vld.idx.msk [tilespmem:v25+s14+$0x0], $0xffff  }
0xa3: {  	v30 =	vor.u32 $0xB, v1;
	v2 =	vadd.f32 v3, v2;
	v3 =	vmul.f32 v7, v6;
	v6 =	vld.idx.msk [tilespmem:v26+s14+$0x0], $0xffff  }
0xa4: {  	v31 =	vor.u32 $0xC, v1;
	v7 =	vld [tilespmem:$0x14290]  }
0xa5: {  	v32 =	vld [tilespmem:$0x142A0];
	v2 =	vadd.f32 v3, v2;
	v3 =	vmul.f32 v27, v5  }
0xa6: {  	v5 =	vld.idx.msk [tilespmem:v28+s14+$0x0], $0xffff  }
0xa7: {  	v33 =	vor.u32 $0xD, v1;
	v34 =	vld [tilespmem:$0x142B0];
	v2 =	vadd.f32 v3, v2;
	v3 =	vmul.f32 v29, v4  }
0xa8: {  	v4 =	vld.idx.msk [tilespmem:v30+s14+$0x0], $0xffff  }
0xa9: {  	v35 =	vor.u32 $0xE, v1;
	v2 =	vadd.f32 v3, v2;
	v3 =	vmul.f32 v7, v6;
	v6 =	vld.idx.msk [tilespmem:v31+s14+$0x0], $0xffff  }
0xaa: {  	v36 =	vor.u32 $0xF, v1;
	v7 =	vld [tilespmem:$0x142C0]  }
0xab: {  	v37 =	vld [tilespmem:$0x142D0];
	v2 =	vadd.f32 v3, v2;
	v3 =	vmul.f32 v32, v5  }
0xac: {  	v5 =	vld.idx.msk [tilespmem:v33+s14+$0x0], $0xffff  }
0xad: {  	v38 =	vor.u32 $0x10, v1;
	v39 =	vld [tilespmem:$0x142E0];
	v2 =	vadd.f32 v3, v2;
	v3 =	vmul.f32 v34, v4  }
0xae: {  	v4 =	vld.idx.msk [tilespmem:v35+s14+$0x0], $0xffff  }
0xaf: {  	v40 =	vor.u32 $0x11, v1;
	v2 =	vadd.f32 v3, v2;
	v3 =	vmul.f32 v7, v6;
	v6 =	vld.idx.msk [tilespmem:v36+s14+$0x0], $0xffff  }
0xb0: {  	v41 =	vor.u32 $0x12, v1;
	v7 =	vld [tilespmem:$0x142F0]  }
0xb1: {  	v42 =	vld [tilespmem:$0x14300];
	v2 =	vadd.f32 v3, v2;
	v3 =	vmul.f32 v37, v5  }
0xb2: {  	v5 =	vld.idx.msk [tilespmem:v38+s14+$0x0], $0xffff  }
0xb3: {  	v43 =	vor.u32 $0x13, v1;
	v44 =	vld [tilespmem:$0x14310];
	v2 =	vadd.f32 v3, v2;
	v3 =	vmul.f32 v39, v4  }
0xb4: {  	v4 =	vld.idx.msk [tilespmem:v40+s14+$0x0], $0xffff  }
0xb5: {  	v45 =	vor.u32 $0x14, v1;
	v2 =	vadd.f32 v3, v2;
	v3 =	vmul.f32 v7, v6;
	v6 =	vld.idx.msk [tilespmem:v41+s14+$0x0], $0xffff  }
0xb6: {  	v46 =	vor.u32 $0x15, v1;
	v7 =	vld [tilespmem:$0x14320]  }
0xb7: {  	v47 =	vld [tilespmem:$0x14330];
	v2 =	vadd.f32 v3, v2;
	v3 =	vmul.f32 v42, v5  }
0xb8: {  	v5 =	vld.idx.msk [tilespmem:v43+s14+$0x0], $0xffff  }
0xb9: {  	v48 =	vor.u32 $0x16, v1;
	v49 =	vld [tilespmem:$0x14340];
	v2 =	vadd.f32 v3, v2;
	v3 =	vmul.f32 v44, v4  }
0xba: {  	v4 =	vld.idx.msk [tilespmem:v45+s14+$0x0], $0xffff  }
0xbb: {  	v50 =	vor.u32 $0x17, v1;
	v2 =	vadd.f32 v3, v2;
	v3 =	vmul.f32 v7, v6;
	v6 =	vld.idx.msk [tilespmem:v46+s14+$0x0], $0xffff  }
0xbc: {  	v51 =	vor.u32 $0x18, v1;
	v7 =	vld [tilespmem:$0x14350]  }
0xbd: {  	v52 =	vld [tilespmem:$0x14360];
	v2 =	vadd.f32 v3, v2;
	v3 =	vmul.f32 v47, v5  }
0xbe: {  	v5 =	vld.idx.msk [tilespmem:v48+s14+$0x0], $0xffff  }
0xbf: {  	v53 =	vor.u32 $0x19, v1;
	v54 =	vld [tilespmem:$0x14370];
	v2 =	vadd.f32 v3, v2;
	v3 =	vmul.f32 v49, v4  }
0xc0: {  	v4 =	vld.idx.msk [tilespmem:v50+s14+$0x0], $0xffff  }
0xc1: {  	v55 =	vor.u32 $0x1A, v1;
	v2 =	vadd.f32 v3, v2;
	v3 =	vmul.f32 v7, v6;
	v6 =	vld.idx.msk [tilespmem:v51+s14+$0x0], $0xffff  }
0xc2: {  	v56 =	vor.u32 $0x1B, v1;
	v7 =	vld [tilespmem:$0x14380]  }
0xc3: {  	v57 =	vld [tilespmem:$0x14390];
	v2 =	vadd.f32 v3, v2;
	v3 =	vmul.f32 v52, v5  }
0xc4: {  	v5 =	vld.idx.msk [tilespmem:v53+s14+$0x0], $0xffff  }
0xc5: {  	v58 =	vor.u32 $0x1C, v1;
	v59 =	vld [tilespmem:$0x143A0];
	v2 =	vadd.f32 v3, v2;
	v3 =	vmul.f32 v54, v4  }
0xc6: {  	v4 =	vld.idx.msk [tilespmem:v55+s14+$0x0], $0xffff  }
0xc7: {  	v2 =	vadd.f32 v3, v2;
	v3 =	vmul.f32 v7, v6;
	v6 =	vld.idx.msk [tilespmem:v56+s14+$0x0], $0xffff  }
0xc8: {  	v60 =	vor.u32 $0x1D, v1;
	v7 =	vld [tilespmem:$0x143B0]  }
0xc9: {  	v61 =	vor.u32 $0x1E, v1;
	v62 =	vld [tilespmem:$0x143C0];
	v2 =	vadd.f32 v3, v2;
	v3 =	vmul.f32 v57, v5  }
0xca: {  	v5 =	vld.idx.msk [tilespmem:v58+s14+$0x0], $0xffff  }
0xcb: {  	v1 =	vor.u32 $0x1F, v1;
	v2 =	vadd.f32 v3, v2;
	v3 =	vmul.f32 v59, v4  }
0xcc: {  	v63 =	vld [tilespmem:$0x143D0]  }
0xcd: {  	v4 =	vld.idx.msk [tilespmem:v60+s14+$0x0], $0xffff;
	v2 =	vadd.f32 v3, v2;
	v3 =	vmul.f32 v7, v6  }
0xce: {  	v6 =	vld.idx.msk [tilespmem:v61+s14+$0x0], $0xffff  }
0xcf: {  	v7 =	vld [tilespmem:$0x143E0];
	v2 =	vadd.f32 v3, v2;
	v3 =	vmul.f32 v62, v5  }
0xd0: {  	v1 =	vld.idx.msk [tilespmem:v1+s14+$0x0], $0xffff  }
0xd1: {  	v3 =	vadd.f32 v3, v2;
	v2 =	vld [tilespmem:$0x143F0]  }
0xd2: {  	v4 =	vmul.f32 v63, v4;
	_ =	sdelay $0x1  }
0xd3: {  	s31 =	simm.s32 $0x10;
	v3 =	vadd.f32 v4, v3;
	v4 =	vmul.f32 v7, v6  }
0xd4: {  	s17 =	simm.s32 $0x20;
	v5 =	vmov s31  }
.LBB2_6:
0xd5: {  	p0 =	sne.s32 s17, $0x1F0;
	v5 =	vshll.u32 v5, $0x5;
	v3 =	vadd.f32 v4, v3;
	v2 =	vmul.f32 v2, v1  }
0xd6: {  	v1 =	vor.u32 v0, v5  }
0xd7: {  	v2 =	vadd.f32 v2, v3  }
0xd8: {  	v3 =	vor.u32 $0x1, v1  }
0xd9: {  	[tilespmem:s16+$0x0] =	vst v2;
	s16 =	sadd.s32 $0x10, s16  }
0xda: {  	v4 =	vor.u32 $0x2, v1;
	v2 =	vld [tilespmem:s16+$0x0]  }
0xdb: {  	v5 =	vld.idx.msk [tilespmem:v1+s14+$0x0], $0xffff  }
0xdc: {  	v7 =	vor.u32 $0x3, v1;
	v6 =	vld [tilespmem:$0x14200]  }
0xdd: {  	v3 =	vld.idx.msk [tilespmem:v3+s14+$0x0], $0xffff  }
0xde: {  	v9 =	vor.u32 $0x4, v1;
	v8 =	vld [tilespmem:$0x14210]  }
0xdf: {  	v4 =	vld.idx.msk [tilespmem:v4+s14+$0x0], $0xffff  }
0xe0: {  	v11 =	vor.u32 $0x5, v1;
	v10 =	vld [tilespmem:$0x14220]  }
0xe1: {  	v5 =	vmul.f32 v6, v5;
	v6 =	vld.idx.msk [tilespmem:v7+s14+$0x0], $0xffff  }
0xe2: {  	v12 =	vor.u32 $0x6, v1;
	v7 =	vld [tilespmem:$0x14230]  }
0xe3: {  	v2 =	vadd.f32 v5, v2;
	v3 =	vmul.f32 v8, v3;
	v5 =	vld.idx.msk [tilespmem:v9+s14+$0x0], $0xffff  }
0xe4: {  	v9 =	vor.u32 $0x7, v1;
	v8 =	vld [tilespmem:$0x14240]  }
0xe5: {  	v2 =	vadd.f32 v3, v2;
	v3 =	vmul.f32 v10, v4;
	v4 =	vld.idx.msk [tilespmem:v11+s14+$0x0], $0xffff  }
0xe6: {  	v11 =	vor.u32 $0x8, v1;
	v10 =	vld [tilespmem:$0x14250]  }
0xe7: {  	v2 =	vadd.f32 v3, v2;
	v3 =	vmul.f32 v7, v6;
	v6 =	vld.idx.msk [tilespmem:v12+s14+$0x0], $0xffff  }
0xe8: {  	v12 =	vor.u32 $0x9, v1;
	v7 =	vld [tilespmem:$0x14260]  }
0xe9: {  	v2 =	vadd.f32 v3, v2;
	v3 =	vmul.f32 v8, v5;
	v5 =	vld.idx.msk [tilespmem:v9+s14+$0x0], $0xffff  }
0xea: {  	v9 =	vor.u32 $0xA, v1;
	v8 =	vld [tilespmem:$0x14270]  }
0xeb: {  	v2 =	vadd.f32 v3, v2;
	v3 =	vmul.f32 v10, v4;
	v4 =	vld.idx.msk [tilespmem:v11+s14+$0x0], $0xffff  }
0xec: {  	v11 =	vor.u32 $0xB, v1;
	v10 =	vld [tilespmem:$0x14280]  }
0xed: {  	v2 =	vadd.f32 v3, v2;
	v3 =	vmul.f32 v7, v6;
	v6 =	vld.idx.msk [tilespmem:v12+s14+$0x0], $0xffff  }
0xee: {  	v12 =	vor.u32 $0xC, v1;
	v7 =	vld [tilespmem:$0x14290]  }
0xef: {  	v2 =	vadd.f32 v3, v2;
	v3 =	vmul.f32 v8, v5;
	v5 =	vld.idx.msk [tilespmem:v9+s14+$0x0], $0xffff  }
0xf0: {  	v9 =	vor.u32 $0xD, v1;
	v8 =	vld [tilespmem:$0x142A0]  }
0xf1: {  	v2 =	vadd.f32 v3, v2;
	v3 =	vmul.f32 v10, v4;
	v4 =	vld.idx.msk [tilespmem:v11+s14+$0x0], $0xffff  }
0xf2: {  	v11 =	vor.u32 $0xE, v1;
	v10 =	vld [tilespmem:$0x142B0]  }
0xf3: {  	v2 =	vadd.f32 v3, v2;
	v3 =	vmul.f32 v7, v6;
	v6 =	vld.idx.msk [tilespmem:v12+s14+$0x0], $0xffff  }
0xf4: {  	v12 =	vor.u32 $0xF, v1;
	v7 =	vld [tilespmem:$0x142C0]  }
0xf5: {  	v2 =	vadd.f32 v3, v2;
	v3 =	vmul.f32 v8, v5;
	v5 =	vld.idx.msk [tilespmem:v9+s14+$0x0], $0xffff  }
0xf6: {  	v9 =	vor.u32 $0x10, v1;
	v8 =	vld [tilespmem:$0x142D0]  }
0xf7: {  	v2 =	vadd.f32 v3, v2;
	v3 =	vmul.f32 v10, v4;
	v4 =	vld.idx.msk [tilespmem:v11+s14+$0x0], $0xffff  }
0xf8: {  	v11 =	vor.u32 $0x11, v1;
	v10 =	vld [tilespmem:$0x142E0]  }
0xf9: {  	v2 =	vadd.f32 v3, v2;
	v3 =	vmul.f32 v7, v6;
	v6 =	vld.idx.msk [tilespmem:v12+s14+$0x0], $0xffff  }
0xfa: {  	v12 =	vor.u32 $0x12, v1;
	v7 =	vld [tilespmem:$0x142F0]  }
0xfb: {  	v2 =	vadd.f32 v3, v2;
	v3 =	vmul.f32 v8, v5;
	v5 =	vld.idx.msk [tilespmem:v9+s14+$0x0], $0xffff  }
0xfc: {  	v9 =	vor.u32 $0x13, v1;
	v8 =	vld [tilespmem:$0x14300]  }
0xfd: {  	v2 =	vadd.f32 v3, v2;
	v3 =	vmul.f32 v10, v4;
	v4 =	vld.idx.msk [tilespmem:v11+s14+$0x0], $0xffff  }
0xfe: {  	v11 =	vor.u32 $0x14, v1;
	v10 =	vld [tilespmem:$0x14310]  }
0xff: {  	v2 =	vadd.f32 v3, v2;
	v3 =	vmul.f32 v7, v6;
	v6 =	vld.idx.msk [tilespmem:v12+s14+$0x0], $0xffff  }
0x100: {  	v12 =	vor.u32 $0x15, v1;
	v7 =	vld [tilespmem:$0x14320]  }
0x101: {  	v2 =	vadd.f32 v3, v2;
	v3 =	vmul.f32 v8, v5;
	v5 =	vld.idx.msk [tilespmem:v9+s14+$0x0], $0xffff  }
0x102: {  	v9 =	vor.u32 $0x16, v1;
	v8 =	vld [tilespmem:$0x14330]  }
0x103: {  	v2 =	vadd.f32 v3, v2;
	v3 =	vmul.f32 v10, v4;
	v4 =	vld.idx.msk [tilespmem:v11+s14+$0x0], $0xffff  }
0x104: {  	v11 =	vor.u32 $0x17, v1;
	v10 =	vld [tilespmem:$0x14340]  }
0x105: {  	v2 =	vadd.f32 v3, v2;
	v3 =	vmul.f32 v7, v6;
	v6 =	vld.idx.msk [tilespmem:v12+s14+$0x0], $0xffff  }
0x106: {  	v12 =	vor.u32 $0x18, v1;
	v7 =	vld [tilespmem:$0x14350]  }
0x107: {  	v2 =	vadd.f32 v3, v2;
	v3 =	vmul.f32 v8, v5;
	v5 =	vld.idx.msk [tilespmem:v9+s14+$0x0], $0xffff  }
0x108: {  	v9 =	vor.u32 $0x19, v1;
	v8 =	vld [tilespmem:$0x14360]  }
0x109: {  	v2 =	vadd.f32 v3, v2;
	v3 =	vmul.f32 v10, v4;
	v4 =	vld.idx.msk [tilespmem:v11+s14+$0x0], $0xffff  }
0x10a: {  	v11 =	vor.u32 $0x1A, v1;
	v10 =	vld [tilespmem:$0x14370]  }
0x10b: {  	v2 =	vadd.f32 v3, v2;
	v3 =	vmul.f32 v7, v6;
	v6 =	vld.idx.msk [tilespmem:v12+s14+$0x0], $0xffff  }
0x10c: {  	v12 =	vor.u32 $0x1B, v1;
	v7 =	vld [tilespmem:$0x14380]  }
0x10d: {  	v2 =	vadd.f32 v3, v2;
	v3 =	vmul.f32 v8, v5;
	v5 =	vld.idx.msk [tilespmem:v9+s14+$0x0], $0xffff  }
0x10e: {  	v9 =	vor.u32 $0x1C, v1;
	v8 =	vld [tilespmem:$0x14390]  }
0x10f: {  	v2 =	vadd.f32 v3, v2;
	v3 =	vmul.f32 v10, v4;
	v4 =	vld.idx.msk [tilespmem:v11+s14+$0x0], $0xffff  }
0x110: {  	v11 =	vor.u32 $0x1D, v1;
	v10 =	vld [tilespmem:$0x143A0]  }
0x111: {  	v2 =	vadd.f32 v3, v2;
	v3 =	vmul.f32 v7, v6;
	v6 =	vld.idx.msk [tilespmem:v12+s14+$0x0], $0xffff  }
0x112: {  	v12 =	vor.u32 $0x1E, v1;
	v7 =	vld [tilespmem:$0x143B0]  }
0x113: {  	v2 =	vadd.f32 v3, v2;
	v3 =	vmul.f32 v8, v5;
	v5 =	vld.idx.msk [tilespmem:v9+s14+$0x0], $0xffff  }
0x114: {  	v1 =	vor.u32 $0x1F, v1;
	v8 =	vld [tilespmem:$0x143C0]  }
0x115: {  	v2 =	vadd.f32 v3, v2;
	v3 =	vmul.f32 v10, v4;
	v4 =	vld.idx.msk [tilespmem:v11+s14+$0x0], $0xffff  }
0x116: {  	v9 =	vld [tilespmem:$0x143D0]  }
0x117: {  	v2 =	vadd.f32 v3, v2;
	v3 =	vmul.f32 v7, v6;
	v6 =	vld.idx.msk [tilespmem:v12+s14+$0x0], $0xffff  }
0x118: {  	v7 =	vld [tilespmem:$0x143E0]  }
0x119: {  	v3 =	vadd.f32 v3, v2;
	v5 =	vmul.f32 v8, v5;
	v1 =	vld.idx.msk [tilespmem:v1+s14+$0x0], $0xffff  }
.Ltmp2:
0x11a: {  	v2 =	vld [tilespmem:$0x143F0];
	(pc) =	sbr.rel @p0 .LBB2_6-.Ltmp2, $3  }
0x11b: {  	v3 =	vadd.f32 v5, v3;
	v4 =	vmul.f32 v9, v4;
	_ =	sdelay $0x1  }
0x11c: {  	v3 =	vadd.f32 v4, v3;
	v4 =	vmul.f32 v7, v6  }
0x11d: {  	v5 =	vmov s17;
	s17 =	sadd.s32 $0x10, s17  }
0x11e: {  	v3 =	vadd.f32 v4, v3;
	v2 =	vmul.f32 v2, v1  }
0x11f: {  	v5 =	vshll.u32 v5, $0x5  }
0x120: {  	v1 =	vor.u32 v0, v5;
	v2 =	vadd.f32 v2, v3;
	_ =	sdelay $0x1  }
0x121: {  	s31 =	sadd.s32 $0x10, s16;
	v3 =	vor.u32 $0x1, v1;
	[tilespmem:s16+$0x0] =	vst v2  }
0x122: {  	v2 =	vld [tilespmem:s31+$0x0]  }
0x123: {  	v30 =	vor.u32 $0x2, v1;
	v6 =	vld [tilespmem:$0x14200]  }
0x124: {  	v5 =	vld.idx.msk [tilespmem:v1+s14+$0x0], $0xffff  }
0x125: {  	v7 =	vor.u32 $0x3, v1;
	v8 =	vld [tilespmem:$0x14210]  }
0x126: {  	v3 =	vld.idx.msk [tilespmem:v3+s14+$0x0], $0xffff  }
0x127: {  	v9 =	vor.u32 $0x4, v1;
	v10 =	vld [tilespmem:$0x14220]  }
0x128: {  	v4 =	vld.idx.msk [tilespmem:v30+s14+$0x0], $0xffff  }
0x129: {  	v11 =	vor.u32 $0x5, v1;
	v32 =	vld [tilespmem:$0x14230];
	v5 =	vmul.f32 v6, v5  }
0x12a: {  	v31 =	vld.idx.msk [tilespmem:v7+s14+$0x0], $0xffff  }
0x12b: {  	v12 =	vor.u32 $0x6, v1;
	v34 =	vld [tilespmem:$0x14240];
	v3 =	vmul.f32 v8, v3;
	v2 =	vadd.f32 v5, v2  }
0x12c: {  	v33 =	vld.idx.msk [tilespmem:v9+s14+$0x0], $0xffff  }
0x12d: {  	v35 =	vor.u32 $0x7, v1;
	v37 =	vld [tilespmem:$0x14250];
	v2 =	vadd.f32 v3, v2;
	v3 =	vmul.f32 v10, v4  }
0x12e: {  	v36 =	vld.idx.msk [tilespmem:v11+s14+$0x0], $0xffff  }
0x12f: {  	v38 =	vor.u32 $0x8, v1;
	v40 =	vld [tilespmem:$0x14260];
	v2 =	vadd.f32 v3, v2;
	v3 =	vmul.f32 v32, v31  }
0x130: {  	v39 =	vld.idx.msk [tilespmem:v12+s14+$0x0], $0xffff  }
0x131: {  	v41 =	vor.u32 $0x9, v1;
	v43 =	vld [tilespmem:$0x14270];
	v2 =	vadd.f32 v3, v2;
	v3 =	vmul.f32 v34, v33  }
0x132: {  	v42 =	vld.idx.msk [tilespmem:v35+s14+$0x0], $0xffff  }
0x133: {  	v44 =	vor.u32 $0xA, v1;
	v46 =	vld [tilespmem:$0x14280];
	v2 =	vadd.f32 v3, v2;
	v3 =	vmul.f32 v37, v36  }
0x134: {  	v45 =	vld.idx.msk [tilespmem:v38+s14+$0x0], $0xffff  }
0x135: {  	v47 =	vor.u32 $0xB, v1;
	v49 =	vld [tilespmem:$0x14290];
	v2 =	vadd.f32 v3, v2;
	v3 =	vmul.f32 v40, v39  }
0x136: {  	v48 =	vld.idx.msk [tilespmem:v41+s14+$0x0], $0xffff  }
0x137: {  	v50 =	vor.u32 $0xC, v1;
	v52 =	vld [tilespmem:$0x142A0];
	v2 =	vadd.f32 v3, v2;
	v3 =	vmul.f32 v43, v42  }
0x138: {  	v51 =	vld.idx.msk [tilespmem:v44+s14+$0x0], $0xffff  }
0x139: {  	v53 =	vor.u32 $0xD, v1;
	v55 =	vld [tilespmem:$0x142B0];
	v2 =	vadd.f32 v3, v2;
	v3 =	vmul.f32 v46, v45  }
0x13a: {  	v54 =	vld.idx.msk [tilespmem:v47+s14+$0x0], $0xffff  }
0x13b: {  	v56 =	vor.u32 $0xE, v1;
	v58 =	vld [tilespmem:$0x142C0];
	v2 =	vadd.f32 v3, v2;
	v3 =	vmul.f32 v49, v48  }
0x13c: {  	v57 =	vld.idx.msk [tilespmem:v50+s14+$0x0], $0xffff  }
0x13d: {  	v59 =	vor.u32 $0xF, v1;
	v61 =	vld [tilespmem:$0x142D0];
	v2 =	vadd.f32 v3, v2;
	v3 =	vmul.f32 v52, v51  }
0x13e: {  	v60 =	vld.idx.msk [tilespmem:v53+s14+$0x0], $0xffff  }
0x13f: {  	v62 =	vor.u32 $0x10, v1;
	v16 =	vld [tilespmem:$0x142E0];
	v2 =	vadd.f32 v3, v2;
	v3 =	vmul.f32 v55, v54  }
0x140: {  	v63 =	vld.idx.msk [tilespmem:v56+s14+$0x0], $0xffff  }
0x141: {  	v17 =	vor.u32 $0x11, v1;
	v19 =	vld [tilespmem:$0x142F0];
	v2 =	vadd.f32 v3, v2;
	v3 =	vmul.f32 v58, v57  }
0x142: {  	v18 =	vld.idx.msk [tilespmem:v59+s14+$0x0], $0xffff  }
0x143: {  	v20 =	vor.u32 $0x12, v1;
	v22 =	vld [tilespmem:$0x14300];
	v2 =	vadd.f32 v3, v2;
	v3 =	vmul.f32 v61, v60  }
0x144: {  	v23 =	vor.u32 $0x13, v1;
	v21 =	vld.idx.msk [tilespmem:v62+s14+$0x0], $0xffff  }
0x145: {  	v25 =	vld [tilespmem:$0x14310];
	v2 =	vadd.f32 v3, v2;
	v3 =	vmul.f32 v16, v63  }
0x146: {  	v26 =	vor.u32 $0x14, v1;
	v24 =	vld.idx.msk [tilespmem:v17+s14+$0x0], $0xffff  }
0x147: {  	v28 =	vld [tilespmem:$0x14320];
	v2 =	vadd.f32 v3, v2;
	v3 =	vmul.f32 v19, v18  }
0x148: {  	v29 =	vor.u32 $0x15, v1;
	v27 =	vld.idx.msk [tilespmem:v20+s14+$0x0], $0xffff  }
0x149: {  	v30 =	vld.idx.msk [tilespmem:v23+s14+$0x0], $0xffff;
	v2 =	vadd.f32 v3, v2;
	v3 =	vmul.f32 v22, v21  }
0x14a: {  	v31 =	vld [tilespmem:$0x14330];
	v32 =	vor.u32 $0x16, v1  }
0x14b: {  	v33 =	vld.idx.msk [tilespmem:v26+s14+$0x0], $0xffff;
	v2 =	vadd.f32 v3, v2;
	v3 =	vmul.f32 v25, v24  }
0x14c: {  	v35 =	vor.u32 $0x17, v1;
	v34 =	vld [tilespmem:$0x14340]  }
0x14d: {  	v36 =	vld.idx.msk [tilespmem:v29+s14+$0x0], $0xffff;
	v2 =	vadd.f32 v3, v2;
	v3 =	vmul.f32 v28, v27  }
0x14e: {  	v38 =	vor.u32 $0x18, v1;
	v37 =	vld [tilespmem:$0x14350]  }
0x14f: {  	v39 =	vld.idx.msk [tilespmem:v32+s14+$0x0], $0xffff;
	v2 =	vadd.f32 v3, v2;
	v3 =	vmul.f32 v31, v30  }
0x150: {  	v41 =	vor.u32 $0x19, v1;
	v40 =	vld [tilespmem:$0x14360]  }
0x151: {  	v42 =	vld.idx.msk [tilespmem:v35+s14+$0x0], $0xffff;
	v2 =	vadd.f32 v3, v2;
	v3 =	vmul.f32 v34, v33  }
0x152: {  	v44 =	vor.u32 $0x1A, v1;
	v43 =	vld [tilespmem:$0x14370]  }
0x153: {  	v45 =	vld.idx.msk [tilespmem:v38+s14+$0x0], $0xffff;
	v2 =	vadd.f32 v3, v2;
	v3 =	vmul.f32 v37, v36  }
0x154: {  	v47 =	vor.u32 $0x1B, v1;
	v46 =	vld [tilespmem:$0x14380]  }
0x155: {  	v48 =	vld.idx.msk [tilespmem:v41+s14+$0x0], $0xffff;
	v2 =	vadd.f32 v3, v2;
	v3 =	vmul.f32 v40, v39  }
0x156: {  	v50 =	vor.u32 $0x1C, v1;
	v49 =	vld [tilespmem:$0x14390]  }
0x157: {  	v51 =	vld.idx.msk [tilespmem:v44+s14+$0x0], $0xffff;
	v2 =	vadd.f32 v3, v2;
	v3 =	vmul.f32 v43, v42  }
0x158: {  	v53 =	vor.u32 $0x1D, v1;
	v52 =	vld [tilespmem:$0x143A0]  }
0x159: {  	v54 =	vld.idx.msk [tilespmem:v47+s14+$0x0], $0xffff;
	v2 =	vadd.f32 v3, v2;
	v3 =	vmul.f32 v46, v45  }
0x15a: {  	v55 =	vld [tilespmem:$0x143B0]  }
0x15b: {  	v56 =	vor.u32 $0x1E, v1;
	v57 =	vld.idx.msk [tilespmem:v50+s14+$0x0], $0xffff;
	v2 =	vadd.f32 v3, v2;
	v3 =	vmul.f32 v49, v48  }
0x15c: {  	v1 =	vor.u32 $0x1F, v1;
	v58 =	vld [tilespmem:$0x143C0]  }
0x15d: {  	v59 =	vld.idx.msk [tilespmem:v53+s14+$0x0], $0xffff;
	v2 =	vadd.f32 v3, v2;
	v3 =	vmul.f32 v52, v51  }
0x15e: {  	v60 =	vld [tilespmem:$0x143D0]  }
0x15f: {  	v62 =	vld [tilespmem:$0x143E0];
	v2 =	vadd.f32 v3, v2;
	v3 =	vmul.f32 v55, v54  }
0x160: {  	v61 =	vld.idx.msk [tilespmem:v56+s14+$0x0], $0xffff  }
0x161: {  	v1 =	vld.idx.msk [tilespmem:v1+s14+$0x0], $0xffff;
	v2 =	vadd.f32 v3, v2;
	v3 =	vmul.f32 v58, v57  }
0x162: {  	v63 =	vld [tilespmem:$0x143F0]  }
0x163: {  	v2 =	vadd.f32 v3, v2;
	v3 =	vmul.f32 v60, v59;
	_ =	sdelay $0x1  }
0x164: {  	v2 =	vadd.f32 v3, v2;
	v3 =	vmul.f32 v62, v61;
	_ =	sdelay $0x1  }
0x165: {  	v1 =	vmul.f32 v63, v1;
	v2 =	vadd.f32 v3, v2;
	_ =	sdelay $0x1  }
0x166: {  	s15 =	sadd.s32 $0x1, s15;
	v1 =	vadd.f32 v1, v2  }
0x167: {  	p0 =	sne.s32 s15, s8  }
.Ltmp3:
0x168: {  	[tilespmem:s31+$0x0] =	vst v1;
	(pc) =	sbr.rel @p0 .LBB2_1-.Ltmp3, $4  }
0x169: {  	[hbm4b:s7+s2] =	stream.linear.scatter [tilespmem:s3], [sflag:$0x3], $0x200, $0x38;
	[tilespmem:$0x14600] =	vst v63  }
0x16a: {  	_ =	swait.ge [sflag:s9], $0x200  }
0x16b: {  	[sflag:s9] =	ssyncset.done $0x0  }
0x16c: {  	[sflag:s9] =	ssyncadd.s32 $0xFFFFFE00  }
0x16d: {  	_ =	sfence.sel $0x180000  }
0x16e: {  	[bflag:$0x0] =	sbarrier.arrive $0xFFFF  }
0x16f: {  	_ =	strace $0x9000004A  }
0x170: {  	s0 =	stileid.u32;
	[bflag:$0x2] =	sbarrier.arrive $0xFFFF  }
0x171: {  	p0 =	sne.s32 s0, $0x0;
	s0 =	rddreg [dreg:$0x3]  }
0x172: {  	s0 =	sadd.s32 @!p0 $0x100000, s0  }
0x173: {  	[sflag:s0] =	ssyncadd.tile.s32 @!p0 $0x1;
	_ =	shalt  }
.Lfunc_end2:
_tile_overlayer_lowered:
.L_overlay_start_2:
0x174: {  	(tag) =	ssettag $0x2  }
0x175: {  	s0 =	rddreg [dreg:$0x0];
	s2 =	stileid.u32  }
0x176: {  	s1 =	rddreg [dreg:$0x1];
	p0 =	sne.s32 s2, $0x0  }
0x177: {  	s3 =	rddreg [dreg:$0x2];
	[bflag:$0x3] =	sbarrier.arrive $0xFFFF;
	s2 =	simm.s32 @!p0 $0x1C03  }
0x178: {  	[timem:s3], [sflag:s2] =	dma.local @!p0 [hbm:s0], s1  }
0x179: {  	s0 =	simm.s32 @!p0 $0x3  }
0x17a: {  	_ =	swait.ge @!p0 [sflag:s0], s1  }
0x17b: {  	s1 =	ssub.s32 @!p0 $0x0, s1;
	[sflag:s0] =	ssyncset.done @!p0 $0x0  }
0x17c: {  	[sflag:s0] =	ssyncadd.s32 @!p0 s1  }
0x17d: {  	[bflag:$0x3] =	sbarrier.arrive $0xFFFF  }
0x17e: {  	_ =	shalt  }

</sc_bundles>
